<compile_context>
chip_gen: v7x
topology: tpu7x:2x2x1
jax: 0.10.2.dev20260603
libtpu: 0.0.44.dev20260713+nightly
codegen_flags: <defaults>
</compile_context>

<pallas_src>
import functools

import jax
import jax.numpy as jnp
from jax import lax
from jax.experimental import pallas as pl
from jax.experimental.pallas import tpu as pltpu
from jax.experimental.pallas import tpu_sc as plsc

N = 10000
N_PAD = 10240
E = 160000
E_PAD = 163840
BATCH = 128
NB = E_PAD // (16 * BATCH)
NBD = E_PAD // (2 * 16 * BATCH)
ROWS_PER_TILE = N_PAD // 16


DEGW = 128


def _sc_deg(dst_idx, ones_deg, zeros_deg):
    mesh = plsc.VectorSubcoreMesh(core_axis_name="c", subcore_axis_name="s")

    @functools.partial(
        pl.kernel,
        mesh=mesh,
        out_type=jax.ShapeDtypeStruct((2, N_PAD, DEGW), jnp.float32),
        scratch_types=[
            pltpu.VMEM((NBD, BATCH), jnp.int32),
            pltpu.VMEM((BATCH, DEGW), jnp.float32),
            pltpu.VMEM_SHARED((N_PAD, DEGW), jnp.float32),
            pltpu.SemaphoreType.DMA,
            pltpu.SemaphoreType.DMA,
            pltpu.SemaphoreType.DMA,
            pltpu.SemaphoreType.DMA,
        ],
    )
    def run(dst_hbm, ones_hbm, zeros_hbm, out_hbm, idx_v, ones_v, acc_sh,
            s0, s1, s2, s3):
        c = lax.axis_index("c")
        s = lax.axis_index("s")
        ss = (s0, s1, s2, s3)
        pltpu.sync_copy(dst_hbm.at[s].at[pl.ds(c * NBD, NBD)], idx_v)
        pltpu.sync_copy(ones_hbm, ones_v)
        r0 = s * ROWS_PER_TILE
        pltpu.sync_copy(zeros_hbm.at[pl.ds(r0, ROWS_PER_TILE)],
                        acc_sh.at[pl.ds(r0, ROWS_PER_TILE)])
        plsc.subcore_barrier()

        def body(r, carry):
            for i in range(4):
                b = 4 * r + i

                @pl.when(r > 0)
                def _():
                    pltpu.make_async_copy(ones_v, acc_sh.at[idx_v.at[b - 4]],
                                          ss[i]).wait()

                pltpu.async_copy(ones_v, acc_sh.at[idx_v.at[b]], ss[i], add=True)
            return carry

        lax.fori_loop(0, NBD // 4, body, 0)
        for i in range(4):
            pltpu.make_async_copy(ones_v, acc_sh.at[idx_v.at[NBD - 4 + i]],
                                  ss[i]).wait()
        plsc.subcore_barrier()
        pltpu.sync_copy(acc_sh.at[pl.ds(r0, ROWS_PER_TILE)],
                        out_hbm.at[c].at[pl.ds(r0, ROWS_PER_TILE)])

    return run(dst_idx, ones_deg, zeros_deg)


AB = 80
ANB = 126
ANR = ANB // 3
E_PAD_A = 16 * ANB * AB


def _sc_agg(hw, src_idx, dst_idx, zeros128):
    mesh = plsc.VectorSubcoreMesh(core_axis_name="c", subcore_axis_name="s")

    @functools.partial(
        pl.kernel,
        mesh=mesh,
        out_type=jax.ShapeDtypeStruct((2, N_PAD, 128), jnp.float32),
        scratch_types=[
            pltpu.VMEM((ANB, AB), jnp.int32),
            pltpu.VMEM((AB,), jnp.int32),
            pltpu.VMEM((AB,), jnp.int32),
            pltpu.VMEM((AB,), jnp.int32),
            pltpu.VMEM((AB, 128), jnp.float32),
            pltpu.VMEM((AB, 128), jnp.float32),
            pltpu.VMEM((AB, 128), jnp.float32),
            pltpu.VMEM_SHARED((N_PAD, 128), jnp.float32),
            pltpu.SemaphoreType.DMA,
            pltpu.SemaphoreType.DMA,
            pltpu.SemaphoreType.DMA,
            pltpu.SemaphoreType.DMA,
            pltpu.SemaphoreType.DMA,
            pltpu.SemaphoreType.DMA,
            pltpu.SemaphoreType.DMA,
            pltpu.SemaphoreType.DMA,
            pltpu.SemaphoreType.DMA,
        ],
    )
    def run(hw_hbm, src_hbm, dst_hbm, zeros_hbm, out_hbm,
            src_v, db0, db1, db2, buf0, buf1, buf2, acc_sh,
            g0, g1, g2, d0, d1, d2, s0, s1, s2):
        c = lax.axis_index("c")
        s = lax.axis_index("s")
        dbs = (db0, db1, db2)
        bufs = (buf0, buf1, buf2)
        gs = (g0, g1, g2)
        ds = (d0, d1, d2)
        ss = (s0, s1, s2)
        pltpu.sync_copy(src_hbm.at[s], src_v)
        r0 = s * ROWS_PER_TILE

        for i in range(3):
            pltpu.async_copy(dst_hbm.at[s].at[i], dbs[i], ds[i])
            pltpu.async_copy(hw_hbm.at[c].at[src_v.at[i]], bufs[i], gs[i])

        pltpu.sync_copy(zeros_hbm.at[pl.ds(r0, ROWS_PER_TILE)],
                        acc_sh.at[pl.ds(r0, ROWS_PER_TILE)])
        plsc.subcore_barrier()

        def body(r, carry):
            b = 3 * r
            for i in range(3):
                pltpu.make_async_copy(dst_hbm.at[s].at[b + i], dbs[i], ds[i]).wait()
                pltpu.make_async_copy(hw_hbm.at[c].at[src_v.at[b + i]],
                                      bufs[i], gs[i]).wait()
                pltpu.async_copy(bufs[i], acc_sh.at[dbs[i]], ss[i], add=True)

            @pl.when(r < ANR - 1)
            def _():
                for i in range(3):
                    pltpu.make_async_copy(bufs[i], acc_sh.at[dbs[i]], ss[i]).wait()
                    pltpu.async_copy(dst_hbm.at[s].at[b + 3 + i], dbs[i], ds[i])
                    pltpu.async_copy(hw_hbm.at[c].at[src_v.at[b + 3 + i]],
                                     bufs[i], gs[i])
            return carry

        lax.fori_loop(0, ANR, body, 0)
        for i in range(3):
            pltpu.make_async_copy(bufs[i], acc_sh.at[dbs[i]], ss[i]).wait()
        plsc.subcore_barrier()
        pltpu.sync_copy(acc_sh.at[pl.ds(r0, ROWS_PER_TILE)],
                        out_hbm.at[c].at[pl.ds(r0, ROWS_PER_TILE)])

    return run(hw, src_idx, dst_idx, zeros128)


def _tc_proj(text_item_p, img_item_p, linear1, linear2):
    def body(t_ref, im_ref, l1_ref, l2_ref, o_ref):
        o_ref[0] = jnp.dot(t_ref[...], l1_ref[...], preferred_element_type=jnp.float32)
        o_ref[1] = jnp.dot(im_ref[...], l2_ref[...], preferred_element_type=jnp.float32)

    return pl.pallas_call(
        body,
        grid=(8,),
        in_specs=[
            pl.BlockSpec((496, 128), lambda i: (i, 0)),
            pl.BlockSpec((496, 2048), lambda i: (i, 0)),
            pl.BlockSpec((128, 64), lambda i: (0, 0)),
            pl.BlockSpec((2048, 64), lambda i: (0, 0)),
        ],
        out_specs=pl.BlockSpec((2, 496, 64), lambda i: (0, i, 0)),
        out_shape=jax.ShapeDtypeStruct((2, 3968, 64), jnp.float32),
    )(text_item_p, img_item_p, linear1, linear2)


def _tc_norm(deg_part):
    def body(d_ref, o_ref):
        deg = d_ref[0, :, 0] + d_ref[1, :, 0]
        r = lax.rsqrt(jnp.maximum(deg, 1.0))
        nrm = jnp.where(deg > 0.0, r, 0.0)
        o_ref[...] = jnp.broadcast_to(nrm[:, None], (1024, 128))

    return pl.pallas_call(
        body,
        grid=(10,),
        in_specs=[pl.BlockSpec((2, 1024, DEGW), lambda i: (0, i, 0))],
        out_specs=pl.BlockSpec((1024, 128), lambda i: (i, 0)),
        out_shape=jax.ShapeDtypeStruct((N_PAD, 128), jnp.float32),
    )(deg_part)


def _tc_hw0(feat_h, W0, norm2):
    def body(f_ref, w_ref, n_ref, o_ref):
        hw = jnp.dot(f_ref[...], w_ref[...], preferred_element_type=jnp.float32)
        o_ref[0] = hw * n_ref[...]

    return pl.pallas_call(
        body,
        grid=(2, 10),
        in_specs=[
            pl.BlockSpec((1024, 64), lambda k, i: (i, 0)),
            pl.BlockSpec((64, 128), lambda k, i: (0, k)),
            pl.BlockSpec((1024, 128), lambda k, i: (i, 0)),
        ],
        out_specs=pl.BlockSpec((1, 1024, 128), lambda k, i: (k, i, 0)),
        out_shape=jax.ShapeDtypeStruct((2, N_PAD, 128), jnp.float32),
    )(feat_h, W0, norm2)


def _tc_mid(agg0_h, W1, norm2):
    def body(ae_ref, ao_ref, wa_ref, wb_ref, n_ref, t0_ref, hw1_ref):
        k = pl.program_id(0)
        n = n_ref[...]
        t0a = jnp.maximum(ae_ref[0] * n, 0.0)
        t0b = jnp.maximum(ao_ref[0] * n, 0.0)
        hw1 = (jnp.dot(t0a, wa_ref[...], preferred_element_type=jnp.float32)
               + jnp.dot(t0b, wb_ref[...], preferred_element_type=jnp.float32)) * n
        hw1_ref[0] = hw1
        t0_ref[0] = jnp.where(k == 0, t0a, t0b)

    return pl.pallas_call(
        body,
        grid=(2, 20),
        in_specs=[
            pl.BlockSpec((1, 512, 128), lambda k, i: (0, i, 0)),
            pl.BlockSpec((1, 512, 128), lambda k, i: (1, i, 0)),
            pl.BlockSpec((128, 128), lambda k, i: (0, k)),
            pl.BlockSpec((128, 128), lambda k, i: (1, k)),
            pl.BlockSpec((512, 128), lambda k, i: (i, 0)),
        ],
        out_specs=[
            pl.BlockSpec((1, 512, 128), lambda k, i: (k, i, 0)),
            pl.BlockSpec((1, 512, 128), lambda k, i: (k, i, 0)),
        ],
        out_shape=[
            jax.ShapeDtypeStruct((2, N_PAD, 128), jnp.float32),
            jax.ShapeDtypeStruct((2, N_PAD, 128), jnp.float32),
        ],
    )(agg0_h, agg0_h, W1, W1, norm2)


def _tc_final_a(agg1_h, t0_h, norm2):
    def body(a_ref, t_ref, n_ref, h_ref, st_ref):
        i = pl.program_id(1)
        h = 1.12 * t_ref[0] + jnp.maximum(a_ref[0] * n_ref[...], 0.0)
        h_ref[0] = h
        st = jnp.concatenate(
            [jnp.sum(h, axis=0)[None], jnp.sum(h * h, axis=0)[None],
             jnp.zeros((6, 128), jnp.float32)], axis=0)[None]

        @pl.when(i == 0)
        def _():
            st_ref[...] = st

        @pl.when(i != 0)
        def _():
            st_ref[...] += st

    return pl.pallas_call(
        body,
        grid=(2, 20),
        in_specs=[
            pl.BlockSpec((1, 512, 128), lambda k, i: (k, i, 0)),
            pl.BlockSpec((1, 512, 128), lambda k, i: (k, i, 0)),
            pl.BlockSpec((512, 128), lambda k, i: (i, 0)),
        ],
        out_specs=[
            pl.BlockSpec((1, 512, 128), lambda k, i: (k, i, 0)),
            pl.BlockSpec((1, 8, 128), lambda k, i: (k, 0, 0)),
        ],
        out_shape=[
            jax.ShapeDtypeStruct((2, N_PAD, 128), jnp.float32),
            jax.ShapeDtypeStruct((2, 8, 128), jnp.float32),
        ],
    )(agg1_h, t0_h, norm2)


def _tc_final_b(h4_t, h4_i, stats_t, stats_i, gamma4, beta4):
    def body(ht_ref, hi_ref, st_t, st_i, g_ref, b_ref, o_ref):
        for k in range(4):
            st_ref = st_t if k < 2 else st_i
            h_ref = ht_ref if k < 2 else hi_ref
            kk = k % 2
            mean = st_ref[kk, 0] * (1.0 / N)
            ex2 = st_ref[kk, 1] * (1.0 / N)
            var = ex2 - mean * mean
            inv = lax.rsqrt(var + 1e-5)
            g = g_ref[k, 0]
            b = b_ref[k, 0]
            o_ref[:, 128 * k:128 * (k + 1)] = (h_ref[kk] - mean) * (inv * g) + b

    return pl.pallas_call(
        body,
        grid=(25,),
        in_specs=[
            pl.BlockSpec((2, 400, 128), lambda i: (0, i, 0)),
            pl.BlockSpec((2, 400, 128), lambda i: (0, i, 0)),
            pl.BlockSpec((2, 8, 128), lambda i: (0, 0, 0)),
            pl.BlockSpec((2, 8, 128), lambda i: (0, 0, 0)),
            pl.BlockSpec((4, 1, 128), lambda i: (0, 0, 0)),
            pl.BlockSpec((4, 1, 128), lambda i: (0, 0, 0)),
        ],
        out_specs=pl.BlockSpec((400, 512), lambda i: (i, 0)),
        out_shape=jax.ShapeDtypeStruct((N, 512), jnp.float32),
    )(h4_t, h4_i, stats_t, stats_i, gamma4, beta4)


def kernel(edge_index, preference_t, preference_v, text_item, img_item,
           linear1, linear2, W0, W1, gamma, beta):
    f32 = jnp.float32
    src = edge_index[0]
    dst = edge_index[1]
    pad_idx = jnp.full((E_PAD - E,), N, jnp.int32)
    src_p = jnp.concatenate([src, pad_idx])
    dst_p = jnp.concatenate([dst, pad_idx])
    dst_t = dst_p.reshape(16, NB, BATCH)
    src_a = src_p[:E_PAD_A].reshape(16, ANB, AB)
    dst_a = dst_p[:E_PAD_A].reshape(16, ANB, AB)
    ones_deg = jnp.ones((BATCH, DEGW), f32)
    zeros_deg = jnp.zeros((N_PAD, DEGW), f32)
    zeros128 = jnp.zeros((N_PAD, 128), f32)

    deg_part = _sc_deg(dst_t, ones_deg, zeros_deg)
    norm2 = _tc_norm(deg_part)

    ti_p = jnp.concatenate([text_item, jnp.zeros((6, 128), f32)], axis=0)
    ii_p = jnp.concatenate([img_item, jnp.zeros((6, 2048), f32)], axis=0)
    proj = _tc_proj(ti_p, ii_p, linear1, linear2)
    zrows = jnp.zeros((N_PAD - N, 64), f32)
    feat = jnp.stack([
        jnp.concatenate([preference_t, proj[0, :3962], zrows], axis=0),
        jnp.concatenate([preference_v, proj[1, :3962], zrows], axis=0),
    ])

    hw0_t = _tc_hw0(feat[0], W0, norm2)
    hw0_i = _tc_hw0(feat[1], W0, norm2)
    agg0_t = _sc_agg(hw0_t, src_a, dst_a, zeros128)
    t0_t, hw1_t = _tc_mid(agg0_t, W1, norm2)
    agg0_i = _sc_agg(hw0_i, src_a, dst_a, zeros128)
    t0_i, hw1_i = _tc_mid(agg0_i, W1, norm2)
    agg1_t = _sc_agg(hw1_t, src_a, dst_a, zeros128)
    h4_t, stats_t = _tc_final_a(agg1_t, t0_t, norm2)
    agg1_i = _sc_agg(hw1_i, src_a, dst_a, zeros128)
    h4_i, stats_i = _tc_final_a(agg1_i, t0_i, norm2)
    return _tc_final_b(h4_t, h4_i, stats_t, stats_i,
                       gamma.reshape(4, 1, 128), beta.reshape(4, 1, 128))

# --- scband reference (transcript-rebuilt; emitter-appended) ---
"""Pipeline reference for scband-model-17008070492256 (READ-ONLY COPY).

The authoritative reference and input builder live on the scoring server;
editing this copy changes nothing except your own understanding.
"""

import jax, jax.numpy as jnp
import numpy as np

N_NODES = 10000
N_USERS = 6038
N_ITEMS = 3962
E = 160000
IN_DIM = 64
H_DIM = 256
RESIDUAL = 0.12


def setup_inputs(seed: int = 0) -> dict:
    key = jax.random.key(seed)
    ks = jax.random.split(key, 12)
    edge_index = jax.random.randint(ks[0], (2, E), 0, N_NODES, dtype=jnp.int32)
    preference_t = jax.random.normal(ks[1], (N_USERS, IN_DIM), dtype=jnp.float32) * 0.1
    preference_v = jax.random.normal(ks[2], (N_USERS, IN_DIM), dtype=jnp.float32) * 0.1
    text_item = jax.random.normal(ks[3], (N_ITEMS, 128), dtype=jnp.float32)
    img_item = jax.random.normal(ks[4], (N_ITEMS, 2048), dtype=jnp.float32)
    linear1 = jax.random.normal(ks[5], (128, IN_DIM), dtype=jnp.float32) * (1.0 / np.sqrt(128))
    linear2 = jax.random.normal(ks[6], (2048, IN_DIM), dtype=jnp.float32) * (1.0 / np.sqrt(2048))
    W0 = jax.random.normal(ks[7], (IN_DIM, H_DIM), dtype=jnp.float32) * (1.0 / np.sqrt(IN_DIM))
    W1 = jax.random.normal(ks[8], (H_DIM, H_DIM), dtype=jnp.float32) * (1.0 / np.sqrt(H_DIM))
    gamma = jnp.ones((2 * H_DIM,), dtype=jnp.float32)
    beta = jnp.zeros((2 * H_DIM,), dtype=jnp.float32)
    return {
        'edge_index': edge_index,
        'preference_t': preference_t,
        'preference_v': preference_v,
        'text_item': text_item,
        'img_item': img_item,
        'linear1': linear1,
        'linear2': linear2,
        'W0': W0,
        'W1': W1,
        'gamma': gamma,
        'beta': beta,
    }


def _gcn_layer(h, W, src, dst, norm, residual):
    # MMGATLayer approximation: GCN with norm='both', weight=True, relu activation,
    # scalar residual (applied when in/out dims match), dropout disabled (eval).
    hw = h @ W
    msg = hw[src] * norm[src][:, None]
    agg = jax.ops.segment_sum(msg, dst, num_segments=N_NODES)
    agg = agg * norm[:, None]
    out = jax.nn.relu(agg)
    if h.shape[1] == out.shape[1]:
        out = out + residual * h
    return out


def reference(edge_index, preference_t, preference_v, text_item, img_item,
              linear1, linear2, W0, W1, gamma, beta):
    src = edge_index[0]
    dst = edge_index[1]
    deg = jax.ops.segment_sum(jnp.ones((src.shape[0],), jnp.float32), dst, num_segments=N_NODES)
    norm = jnp.where(deg > 0, 1.0 / jnp.sqrt(jnp.maximum(deg, 1.0)), 0.0)

    # text branch: concat user preferences with projected item text features
    text = jnp.concatenate([preference_t, text_item @ linear1], axis=0)
    t0 = _gcn_layer(text, W0, src, dst, norm, RESIDUAL)
    t1 = _gcn_layer(t0, W1, src, dst, norm, RESIDUAL)
    h_text = t0 + t1  # accumulation over layer outputs

    # image branch: concat user preferences with projected item image features
    img = jnp.concatenate([preference_v, img_item @ linear2], axis=0)
    i0 = _gcn_layer(img, W0, src, dst, norm, RESIDUAL)
    i1 = _gcn_layer(i0, W1, src, dst, norm, RESIDUAL)
    h_img = i0 + i1

    h = jnp.concatenate([h_text, h_img], axis=1)
    # BatchNorm1d over the node (batch) dimension, training-mode statistics
    mean = jnp.mean(h, axis=0)
    var = jnp.var(h, axis=0)
    h = (h - mean) / jnp.sqrt(var + 1e-5) * gamma + beta
    return h


if False:  # reference __main__ guard neutralized (emitter)
    out = reference(**setup_inputs())
    print(out.shape)

if __name__ == "__main__":
    import jax
    _d = setup_inputs()
    print(jax.jit(kernel)(*tuple(_d.values())))

</pallas_src>

<mosaic_0001>
#map = affine_map<(d0, d1) -> (0, 0, 0)>
#map1 = affine_map<(d0, d1) -> (0, 0)>
module attributes {stable_mosaic.version = 14 : i64} {
  func.func @run(%arg0: i32, %arg1: i32, %arg2: memref<2x10240x128xf32, #tpu.memory_space<hbm>>, %arg3: memref<16x126x80xi32, #tpu.memory_space<hbm>>, %arg4: memref<16x126x80xi32, #tpu.memory_space<hbm>>, %arg5: memref<10240x128xf32, #tpu.memory_space<hbm>>, %arg6: memref<2x10240x128xf32, #tpu.memory_space<hbm>>, %arg7: memref<126x80xi32, #tpu.memory_space<vmem>>, %arg8: memref<80xi32, #tpu.memory_space<vmem>>, %arg9: memref<80xi32, #tpu.memory_space<vmem>>, %arg10: memref<80xi32, #tpu.memory_space<vmem>>, %arg11: memref<80x128xf32, #tpu.memory_space<vmem>>, %arg12: memref<80x128xf32, #tpu.memory_space<vmem>>, %arg13: memref<80x128xf32, #tpu.memory_space<vmem>>, %arg14: memref<10240x128xf32, #tpu.memory_space<vmem_shared>>, %arg15: memref<!tpu.dma_semaphore, #tpu.memory_space<semaphore_mem>>, %arg16: memref<!tpu.dma_semaphore, #tpu.memory_space<semaphore_mem>>, %arg17: memref<!tpu.dma_semaphore, #tpu.memory_space<semaphore_mem>>, %arg18: memref<!tpu.dma_semaphore, #tpu.memory_space<semaphore_mem>>, %arg19: memref<!tpu.dma_semaphore, #tpu.memory_space<semaphore_mem>>, %arg20: memref<!tpu.dma_semaphore, #tpu.memory_space<semaphore_mem>>, %arg21: memref<!tpu.dma_semaphore, #tpu.memory_space<semaphore_mem>>, %arg22: memref<!tpu.dma_semaphore, #tpu.memory_space<semaphore_mem>>, %arg23: memref<!tpu.dma_semaphore, #tpu.memory_space<semaphore_mem>>) attributes {dimension_semantics = [#tpu.dimension_semantics<core_parallel>, #tpu.dimension_semantics<subcore_parallel>], iteration_bounds = array<i64: 2, 16>, scalar_prefetch = 0 : i64, scratch_operands = 17 : i64, tpu.core_type = #tpu.core_type<sc_vector_subcore>, window_params = [{transform_indices = #map}, {transform_indices = #map}, {transform_indices = #map}, {transform_indices = #map1}, {transform_indices = #map}]} {
    "tpu.region"() ({
      %run_scoped3A = tpu.sem_alloc : memref<!tpu.dma_semaphore, #tpu.memory_space<semaphore_mem>>
      %dma_start3A_92 = arith.constant 0 : i32
      %dma_start3A_93 = arith.constant 0 : i32
      %dma_start3A_94 = tpu.memref_slice %arg3[%arg1, %dma_start3A_92, %dma_start3A_93] : memref<16x126x80xi32, #tpu.memory_space<hbm>> -> memref<1x126x80xi32, #tpu.memory_space<hbm>>
      %dma_start3A_95 = tpu.memref_squeeze %dma_start3A_94 : memref<1x126x80xi32, #tpu.memory_space<hbm>> -> memref<126x80xi32, #tpu.memory_space<hbm>>
      %dma_start3A_96 = arith.constant 0 : i32
      %dma_start3A_97 = arith.constant 0 : i32
      %dma_start3A_98 = tpu.memref_slice %arg3[%arg1, %dma_start3A_96, %dma_start3A_97] : memref<16x126x80xi32, #tpu.memory_space<hbm>> -> memref<1x126x80xi32, #tpu.memory_space<hbm>>
      %dma_start3A_99 = tpu.memref_squeeze %dma_start3A_98 : memref<1x126x80xi32, #tpu.memory_space<hbm>> -> memref<126x80xi32, #tpu.memory_space<hbm>>
      tpu.enqueue_dma source(%dma_start3A_99 : memref<126x80xi32, #tpu.memory_space<hbm>>) target(%arg7 : memref<126x80xi32, #tpu.memory_space<vmem>>) target_semaphore(%run_scoped3A : memref<!tpu.dma_semaphore, #tpu.memory_space<semaphore_mem>>)
      %dma_wait3A_100 = arith.constant 0 : i32
      %dma_wait3A_101 = arith.constant 0 : i32
      %dma_wait3A_102 = tpu.memref_slice %arg3[%arg1, %dma_wait3A_100, %dma_wait3A_101] : memref<16x126x80xi32, #tpu.memory_space<hbm>> -> memref<1x126x80xi32, #tpu.memory_space<hbm>>
      %dma_wait3A_103 = tpu.memref_squeeze %dma_wait3A_102 : memref<1x126x80xi32, #tpu.memory_space<hbm>> -> memref<126x80xi32, #tpu.memory_space<hbm>>
      %dma_wait3A_104 = arith.constant 0 : i32
      %dma_wait3A_105 = arith.constant 0 : i32
      %dma_wait3A_106 = tpu.memref_slice %arg3[%arg1, %dma_wait3A_104, %dma_wait3A_105] : memref<16x126x80xi32, #tpu.memory_space<hbm>> -> memref<1x126x80xi32, #tpu.memory_space<hbm>>
      %dma_wait3A_107 = tpu.memref_squeeze %dma_wait3A_106 : memref<1x126x80xi32, #tpu.memory_space<hbm>> -> memref<126x80xi32, #tpu.memory_space<hbm>>
      tpu.wait_dma2 semaphore(%run_scoped3A : memref<!tpu.dma_semaphore, #tpu.memory_space<semaphore_mem>>) src(%dma_wait3A_107 : memref<126x80xi32, #tpu.memory_space<hbm>>) dst(%arg7 : memref<126x80xi32, #tpu.memory_space<vmem>>)
      tpu.yield
    }) : () -> ()
    %mul3A = arith.constant 640 : i32
    %mul3A_0 = arith.muli %arg1, %mul3A : i32
    %dma_start3A = arith.constant 0 : i32
    %dma_start3A_1 = arith.constant 0 : i32
    %dma_start3A_2 = arith.constant 0 : i32
    %dma_start3A_3 = tpu.memref_slice %arg4[%arg1, %dma_start3A_1, %dma_start3A_2] : memref<16x126x80xi32, #tpu.memory_space<hbm>> -> memref<1x126x80xi32, #tpu.memory_space<hbm>>
    %dma_start3A_4 = tpu.memref_squeeze %dma_start3A_3 : memref<1x126x80xi32, #tpu.memory_space<hbm>> -> memref<126x80xi32, #tpu.memory_space<hbm>>
    %dma_start3A_5 = arith.constant 0 : i32
    %dma_start3A_6 = tpu.memref_slice %dma_start3A_4[%dma_start3A, %dma_start3A_5] : memref<126x80xi32, #tpu.memory_space<hbm>> -> memref<1x80xi32, #tpu.memory_space<hbm>>
    %dma_start3A_7 = tpu.memref_squeeze %dma_start3A_6 : memref<1x80xi32, #tpu.memory_space<hbm>> -> memref<80xi32, #tpu.memory_space<hbm>>
    %dma_start3A_8 = arith.constant 0 : i32
    %dma_start3A_9 = arith.constant 0 : i32
    %dma_start3A_10 = tpu.memref_slice %arg4[%arg1, %dma_start3A_8, %dma_start3A_9] : memref<16x126x80xi32, #tpu.memory_space<hbm>> -> memref<1x126x80xi32, #tpu.memory_space<hbm>>
    %dma_start3A_11 = tpu.memref_squeeze %dma_start3A_10 : memref<1x126x80xi32, #tpu.memory_space<hbm>> -> memref<126x80xi32, #tpu.memory_space<hbm>>
    %dma_start3A_12 = arith.constant 0 : i32
    %dma_start3A_13 = tpu.memref_slice %dma_start3A_11[%dma_start3A, %dma_start3A_12] : memref<126x80xi32, #tpu.memory_space<hbm>> -> memref<1x80xi32, #tpu.memory_space<hbm>>
    %dma_start3A_14 = tpu.memref_squeeze %dma_start3A_13 : memref<1x80xi32, #tpu.memory_space<hbm>> -> memref<80xi32, #tpu.memory_space<hbm>>
    tpu.enqueue_dma source(%dma_start3A_14 : memref<80xi32, #tpu.memory_space<hbm>>) target(%arg8 : memref<80xi32, #tpu.memory_space<vmem>>) target_semaphore(%arg18 : memref<!tpu.dma_semaphore, #tpu.memory_space<semaphore_mem>>)
    %dma_start3A_15 = arith.constant 0 : i32
    %dma_start3A_16 = arith.constant 0 : i32
    %dma_start3A_17 = tpu.memref_slice %arg7[%dma_start3A_15, %dma_start3A_16] : memref<126x80xi32, #tpu.memory_space<vmem>> -> memref<1x80xi32, #tpu.memory_space<vmem>>
    %dma_start3A_18 = tpu.memref_squeeze %dma_start3A_17 : memref<1x80xi32, #tpu.memory_space<vmem>> -> memref<80xi32, #tpu.memory_space<vmem>>
    %dma_start3A_19 = arith.constant 0 : i32
    %dma_start3A_20 = arith.constant 0 : i32
    %dma_start3A_21 = tpu.memref_slice %arg2[%arg0, %dma_start3A_19, %dma_start3A_20] : memref<2x10240x128xf32, #tpu.memory_space<hbm>> -> memref<1x10240x128xf32, #tpu.memory_space<hbm>>
    %dma_start3A_22 = tpu.memref_squeeze %dma_start3A_21 : memref<1x10240x128xf32, #tpu.memory_space<hbm>> -> memref<10240x128xf32, #tpu.memory_space<hbm>>
    %dma_start3A_23 = arith.constant 0 : i32
    %dma_start3A_24 = arith.constant 0 : i32
    %dma_start3A_25 = tpu.memref_slice %dma_start3A_22[%dma_start3A_23, %dma_start3A_24] : memref<10240x128xf32, #tpu.memory_space<hbm>> -> memref<10240x128xf32, #tpu.memory_space<hbm>>
    tpu.enqueue_indirect_dma source(%dma_start3A_25 : memref<10240x128xf32, #tpu.memory_space<hbm>>) target(%arg11 : memref<80x128xf32, #tpu.memory_space<vmem>>) offsets(%dma_start3A_18 : memref<80xi32, #tpu.memory_space<vmem>>) semaphore(%arg15 : memref<!tpu.dma_semaphore, #tpu.memory_space<semaphore_mem>>)
    %dma_start3A_26 = arith.constant 1 : i32
    %dma_start3A_27 = arith.constant 0 : i32
    %dma_start3A_28 = arith.constant 0 : i32
    %dma_start3A_29 = tpu.memref_slice %arg4[%arg1, %dma_start3A_27, %dma_start3A_28] : memref<16x126x80xi32, #tpu.memory_space<hbm>> -> memref<1x126x80xi32, #tpu.memory_space<hbm>>
    %dma_start3A_30 = tpu.memref_squeeze %dma_start3A_29 : memref<1x126x80xi32, #tpu.memory_space<hbm>> -> memref<126x80xi32, #tpu.memory_space<hbm>>
    %dma_start3A_31 = arith.constant 0 : i32
    %dma_start3A_32 = tpu.memref_slice %dma_start3A_30[%dma_start3A_26, %dma_start3A_31] : memref<126x80xi32, #tpu.memory_space<hbm>> -> memref<1x80xi32, #tpu.memory_space<hbm>>
    %dma_start3A_33 = tpu.memref_squeeze %dma_start3A_32 : memref<1x80xi32, #tpu.memory_space<hbm>> -> memref<80xi32, #tpu.memory_space<hbm>>
    %dma_start3A_34 = arith.constant 0 : i32
    %dma_start3A_35 = arith.constant 0 : i32
    %dma_start3A_36 = tpu.memref_slice %arg4[%arg1, %dma_start3A_34, %dma_start3A_35] : memref<16x126x80xi32, #tpu.memory_space<hbm>> -> memref<1x126x80xi32, #tpu.memory_space<hbm>>
    %dma_start3A_37 = tpu.memref_squeeze %dma_start3A_36 : memref<1x126x80xi32, #tpu.memory_space<hbm>> -> memref<126x80xi32, #tpu.memory_space<hbm>>
    %dma_start3A_38 = arith.constant 0 : i32
    %dma_start3A_39 = tpu.memref_slice %dma_start3A_37[%dma_start3A_26, %dma_start3A_38] : memref<126x80xi32, #tpu.memory_space<hbm>> -> memref<1x80xi32, #tpu.memory_space<hbm>>
    %dma_start3A_40 = tpu.memref_squeeze %dma_start3A_39 : memref<1x80xi32, #tpu.memory_space<hbm>> -> memref<80xi32, #tpu.memory_space<hbm>>
    tpu.enqueue_dma source(%dma_start3A_40 : memref<80xi32, #tpu.memory_space<hbm>>) target(%arg9 : memref<80xi32, #tpu.memory_space<vmem>>) target_semaphore(%arg19 : memref<!tpu.dma_semaphore, #tpu.memory_space<semaphore_mem>>)
    %dma_start3A_41 = arith.constant 1 : i32
    %dma_start3A_42 = arith.constant 0 : i32
    %dma_start3A_43 = tpu.memref_slice %arg7[%dma_start3A_41, %dma_start3A_42] : memref<126x80xi32, #tpu.memory_space<vmem>> -> memref<1x80xi32, #tpu.memory_space<vmem>>
    %dma_start3A_44 = tpu.memref_squeeze %dma_start3A_43 : memref<1x80xi32, #tpu.memory_space<vmem>> -> memref<80xi32, #tpu.memory_space<vmem>>
    %dma_start3A_45 = arith.constant 0 : i32
    %dma_start3A_46 = arith.constant 0 : i32
    %dma_start3A_47 = tpu.memref_slice %arg2[%arg0, %dma_start3A_45, %dma_start3A_46] : memref<2x10240x128xf32, #tpu.memory_space<hbm>> -> memref<1x10240x128xf32, #tpu.memory_space<hbm>>
    %dma_start3A_48 = tpu.memref_squeeze %dma_start3A_47 : memref<1x10240x128xf32, #tpu.memory_space<hbm>> -> memref<10240x128xf32, #tpu.memory_space<hbm>>
    %dma_start3A_49 = arith.constant 0 : i32
    %dma_start3A_50 = arith.constant 0 : i32
    %dma_start3A_51 = tpu.memref_slice %dma_start3A_48[%dma_start3A_49, %dma_start3A_50] : memref<10240x128xf32, #tpu.memory_space<hbm>> -> memref<10240x128xf32, #tpu.memory_space<hbm>>
    tpu.enqueue_indirect_dma source(%dma_start3A_51 : memref<10240x128xf32, #tpu.memory_space<hbm>>) target(%arg12 : memref<80x128xf32, #tpu.memory_space<vmem>>) offsets(%dma_start3A_44 : memref<80xi32, #tpu.memory_space<vmem>>) semaphore(%arg16 : memref<!tpu.dma_semaphore, #tpu.memory_space<semaphore_mem>>)
    %dma_start3A_52 = arith.constant 2 : i32
    %dma_start3A_53 = arith.constant 0 : i32
    %dma_start3A_54 = arith.constant 0 : i32
    %dma_start3A_55 = tpu.memref_slice %arg4[%arg1, %dma_start3A_53, %dma_start3A_54] : memref<16x126x80xi32, #tpu.memory_space<hbm>> -> memref<1x126x80xi32, #tpu.memory_space<hbm>>
    %dma_start3A_56 = tpu.memref_squeeze %dma_start3A_55 : memref<1x126x80xi32, #tpu.memory_space<hbm>> -> memref<126x80xi32, #tpu.memory_space<hbm>>
    %dma_start3A_57 = arith.constant 0 : i32
    %dma_start3A_58 = tpu.memref_slice %dma_start3A_56[%dma_start3A_52, %dma_start3A_57] : memref<126x80xi32, #tpu.memory_space<hbm>> -> memref<1x80xi32, #tpu.memory_space<hbm>>
    %dma_start3A_59 = tpu.memref_squeeze %dma_start3A_58 : memref<1x80xi32, #tpu.memory_space<hbm>> -> memref<80xi32, #tpu.memory_space<hbm>>
    %dma_start3A_60 = arith.constant 0 : i32
    %dma_start3A_61 = arith.constant 0 : i32
    %dma_start3A_62 = tpu.memref_slice %arg4[%arg1, %dma_start3A_60, %dma_start3A_61] : memref<16x126x80xi32, #tpu.memory_space<hbm>> -> memref<1x126x80xi32, #tpu.memory_space<hbm>>
    %dma_start3A_63 = tpu.memref_squeeze %dma_start3A_62 : memref<1x126x80xi32, #tpu.memory_space<hbm>> -> memref<126x80xi32, #tpu.memory_space<hbm>>
    %dma_start3A_64 = arith.constant 0 : i32
    %dma_start3A_65 = tpu.memref_slice %dma_start3A_63[%dma_start3A_52, %dma_start3A_64] : memref<126x80xi32, #tpu.memory_space<hbm>> -> memref<1x80xi32, #tpu.memory_space<hbm>>
    %dma_start3A_66 = tpu.memref_squeeze %dma_start3A_65 : memref<1x80xi32, #tpu.memory_space<hbm>> -> memref<80xi32, #tpu.memory_space<hbm>>
    tpu.enqueue_dma source(%dma_start3A_66 : memref<80xi32, #tpu.memory_space<hbm>>) target(%arg10 : memref<80xi32, #tpu.memory_space<vmem>>) target_semaphore(%arg20 : memref<!tpu.dma_semaphore, #tpu.memory_space<semaphore_mem>>)
    %dma_start3A_67 = arith.constant 2 : i32
    %dma_start3A_68 = arith.constant 0 : i32
    %dma_start3A_69 = tpu.memref_slice %arg7[%dma_start3A_67, %dma_start3A_68] : memref<126x80xi32, #tpu.memory_space<vmem>> -> memref<1x80xi32, #tpu.memory_space<vmem>>
    %dma_start3A_70 = tpu.memref_squeeze %dma_start3A_69 : memref<1x80xi32, #tpu.memory_space<vmem>> -> memref<80xi32, #tpu.memory_space<vmem>>
    %dma_start3A_71 = arith.constant 0 : i32
    %dma_start3A_72 = arith.constant 0 : i32
    %dma_start3A_73 = tpu.memref_slice %arg2[%arg0, %dma_start3A_71, %dma_start3A_72] : memref<2x10240x128xf32, #tpu.memory_space<hbm>> -> memref<1x10240x128xf32, #tpu.memory_space<hbm>>
    %dma_start3A_74 = tpu.memref_squeeze %dma_start3A_73 : memref<1x10240x128xf32, #tpu.memory_space<hbm>> -> memref<10240x128xf32, #tpu.memory_space<hbm>>
    %dma_start3A_75 = arith.constant 0 : i32
    %dma_start3A_76 = arith.constant 0 : i32
    %dma_start3A_77 = tpu.memref_slice %dma_start3A_74[%dma_start3A_75, %dma_start3A_76] : memref<10240x128xf32, #tpu.memory_space<hbm>> -> memref<10240x128xf32, #tpu.memory_space<hbm>>
    tpu.enqueue_indirect_dma source(%dma_start3A_77 : memref<10240x128xf32, #tpu.memory_space<hbm>>) target(%arg13 : memref<80x128xf32, #tpu.memory_space<vmem>>) offsets(%dma_start3A_70 : memref<80xi32, #tpu.memory_space<vmem>>) semaphore(%arg17 : memref<!tpu.dma_semaphore, #tpu.memory_space<semaphore_mem>>)
    "tpu.region"() ({
      %run_scoped3A = tpu.sem_alloc : memref<!tpu.dma_semaphore, #tpu.memory_space<semaphore_mem>>
      %dma_start3A_92 = arith.constant 0 : i32
      %dma_start3A_93 = tpu.memref_slice %arg14[%mul3A_0, %dma_start3A_92] : memref<10240x128xf32, #tpu.memory_space<vmem_shared>> -> memref<640x128xf32, #tpu.memory_space<vmem_shared>>
      %dma_start3A_94 = arith.constant 0 : i32
      %dma_start3A_95 = tpu.memref_slice %arg5[%mul3A_0, %dma_start3A_94] : memref<10240x128xf32, #tpu.memory_space<hbm>> -> memref<640x128xf32, #tpu.memory_space<hbm>>
      tpu.enqueue_dma source(%dma_start3A_95 : memref<640x128xf32, #tpu.memory_space<hbm>>) target(%dma_start3A_93 : memref<640x128xf32, #tpu.memory_space<vmem_shared>>) target_semaphore(%run_scoped3A : memref<!tpu.dma_semaphore, #tpu.memory_space<semaphore_mem>>)
      %dma_wait3A_96 = arith.constant 0 : i32
      %dma_wait3A_97 = tpu.memref_slice %arg14[%mul3A_0, %dma_wait3A_96] : memref<10240x128xf32, #tpu.memory_space<vmem_shared>> -> memref<640x128xf32, #tpu.memory_space<vmem_shared>>
      %dma_wait3A_98 = arith.constant 0 : i32
      %dma_wait3A_99 = tpu.memref_slice %arg5[%mul3A_0, %dma_wait3A_98] : memref<10240x128xf32, #tpu.memory_space<hbm>> -> memref<640x128xf32, #tpu.memory_space<hbm>>
      tpu.wait_dma2 semaphore(%run_scoped3A : memref<!tpu.dma_semaphore, #tpu.memory_space<semaphore_mem>>) src(%dma_wait3A_99 : memref<640x128xf32, #tpu.memory_space<hbm>>) dst(%dma_wait3A_97 : memref<640x128xf32, #tpu.memory_space<vmem_shared>>)
      tpu.yield
    }) : () -> ()
    %barrier3A = arith.constant 0 : index
    tpu.barrier barrier_id(%barrier3A)
    %scan3A = arith.constant 0 : i32
    %scan3A_78 = arith.constant 0 : i32
    %scan3A_79 = arith.constant 42 : i32
    %scan3A_80 = arith.addi %scan3A_78, %scan3A_79 : i32
    %scan3A_81 = arith.constant 1 : i32
    scf.for %scan3A_92 = %scan3A_78 to %scan3A_80 step %scan3A_81  : i32 {
      %mul3A_93 = arith.constant 3 : i32
      %mul3A_94 = arith.muli %mul3A_93, %scan3A_92 : i32
      %add3A = arith.constant 0 : i32
      %add3A_95 = arith.addi %mul3A_94, %add3A : i32
      %dma_wait3A_96 = arith.constant 0 : i32
      %dma_wait3A_97 = arith.constant 0 : i32
      %dma_wait3A_98 = tpu.memref_slice %arg4[%arg1, %dma_wait3A_96, %dma_wait3A_97] : memref<16x126x80xi32, #tpu.memory_space<hbm>> -> memref<1x126x80xi32, #tpu.memory_space<hbm>>
      %dma_wait3A_99 = tpu.memref_squeeze %dma_wait3A_98 : memref<1x126x80xi32, #tpu.memory_space<hbm>> -> memref<126x80xi32, #tpu.memory_space<hbm>>
      %dma_wait3A_100 = arith.constant 0 : i32
      %dma_wait3A_101 = tpu.memref_slice %dma_wait3A_99[%add3A_95, %dma_wait3A_100] : memref<126x80xi32, #tpu.memory_space<hbm>> -> memref<1x80xi32, #tpu.memory_space<hbm>>
      %dma_wait3A_102 = tpu.memref_squeeze %dma_wait3A_101 : memref<1x80xi32, #tpu.memory_space<hbm>> -> memref<80xi32, #tpu.memory_space<hbm>>
      %dma_wait3A_103 = arith.constant 0 : i32
      %dma_wait3A_104 = arith.constant 0 : i32
      %dma_wait3A_105 = tpu.memref_slice %arg4[%arg1, %dma_wait3A_103, %dma_wait3A_104] : memref<16x126x80xi32, #tpu.memory_space<hbm>> -> memref<1x126x80xi32, #tpu.memory_space<hbm>>
      %dma_wait3A_106 = tpu.memref_squeeze %dma_wait3A_105 : memref<1x126x80xi32, #tpu.memory_space<hbm>> -> memref<126x80xi32, #tpu.memory_space<hbm>>
      %dma_wait3A_107 = arith.constant 0 : i32
      %dma_wait3A_108 = tpu.memref_slice %dma_wait3A_106[%add3A_95, %dma_wait3A_107] : memref<126x80xi32, #tpu.memory_space<hbm>> -> memref<1x80xi32, #tpu.memory_space<hbm>>
      %dma_wait3A_109 = tpu.memref_squeeze %dma_wait3A_108 : memref<1x80xi32, #tpu.memory_space<hbm>> -> memref<80xi32, #tpu.memory_space<hbm>>
      tpu.wait_dma2 semaphore(%arg18 : memref<!tpu.dma_semaphore, #tpu.memory_space<semaphore_mem>>) src(%dma_wait3A_109 : memref<80xi32, #tpu.memory_space<hbm>>) dst(%arg8 : memref<80xi32, #tpu.memory_space<vmem>>)
      %add3A_110 = arith.constant 0 : i32
      %add3A_111 = arith.addi %mul3A_94, %add3A_110 : i32
      %dma_wait3A_112 = arith.constant 0 : i32
      %dma_wait3A_113 = tpu.memref_slice %arg7[%add3A_111, %dma_wait3A_112] : memref<126x80xi32, #tpu.memory_space<vmem>> -> memref<1x80xi32, #tpu.memory_space<vmem>>
      %dma_wait3A_114 = tpu.memref_squeeze %dma_wait3A_113 : memref<1x80xi32, #tpu.memory_space<vmem>> -> memref<80xi32, #tpu.memory_space<vmem>>
      %dma_wait3A_115 = arith.constant 0 : i32
      %dma_wait3A_116 = arith.constant 0 : i32
      %dma_wait3A_117 = tpu.memref_slice %arg2[%arg0, %dma_wait3A_115, %dma_wait3A_116] : memref<2x10240x128xf32, #tpu.memory_space<hbm>> -> memref<1x10240x128xf32, #tpu.memory_space<hbm>>
      %dma_wait3A_118 = tpu.memref_squeeze %dma_wait3A_117 : memref<1x10240x128xf32, #tpu.memory_space<hbm>> -> memref<10240x128xf32, #tpu.memory_space<hbm>>
      %dma_wait3A_119 = arith.constant 0 : i32
      %dma_wait3A_120 = arith.constant 0 : i32
      %dma_wait3A_121 = tpu.memref_slice %dma_wait3A_118[%dma_wait3A_119, %dma_wait3A_120] : memref<10240x128xf32, #tpu.memory_space<hbm>> -> memref<10240x128xf32, #tpu.memory_space<hbm>>
      tpu.wait_indirect_dma semaphore(%arg15 : memref<!tpu.dma_semaphore, #tpu.memory_space<semaphore_mem>>) src(%dma_wait3A_121 : memref<10240x128xf32, #tpu.memory_space<hbm>>) dst(%arg11 : memref<80x128xf32, #tpu.memory_space<vmem>>)
      %dma_start3A_122 = arith.constant 0 : i32
      %dma_start3A_123 = arith.constant 0 : i32
      %dma_start3A_124 = tpu.memref_slice %arg14[%dma_start3A_122, %dma_start3A_123] : memref<10240x128xf32, #tpu.memory_space<vmem_shared>> -> memref<10240x128xf32, #tpu.memory_space<vmem_shared>>
      tpu.enqueue_indirect_dma source(%arg11 : memref<80x128xf32, #tpu.memory_space<vmem>>) target(%dma_start3A_124 : memref<10240x128xf32, #tpu.memory_space<vmem_shared>>) offsets(%arg8 : memref<80xi32, #tpu.memory_space<vmem>>) semaphore(%arg21 : memref<!tpu.dma_semaphore, #tpu.memory_space<semaphore_mem>>) {add = true}
      %add3A_125 = arith.constant 1 : i32
      %add3A_126 = arith.addi %mul3A_94, %add3A_125 : i32
      %dma_wait3A_127 = arith.constant 0 : i32
      %dma_wait3A_128 = arith.constant 0 : i32
      %dma_wait3A_129 = tpu.memref_slice %arg4[%arg1, %dma_wait3A_127, %dma_wait3A_128] : memref<16x126x80xi32, #tpu.memory_space<hbm>> -> memref<1x126x80xi32, #tpu.memory_space<hbm>>
      %dma_wait3A_130 = tpu.memref_squeeze %dma_wait3A_129 : memref<1x126x80xi32, #tpu.memory_space<hbm>> -> memref<126x80xi32, #tpu.memory_space<hbm>>
      %dma_wait3A_131 = arith.constant 0 : i32
      %dma_wait3A_132 = tpu.memref_slice %dma_wait3A_130[%add3A_126, %dma_wait3A_131] : memref<126x80xi32, #tpu.memory_space<hbm>> -> memref<1x80xi32, #tpu.memory_space<hbm>>
      %dma_wait3A_133 = tpu.memref_squeeze %dma_wait3A_132 : memref<1x80xi32, #tpu.memory_space<hbm>> -> memref<80xi32, #tpu.memory_space<hbm>>
      %dma_wait3A_134 = arith.constant 0 : i32
      %dma_wait3A_135 = arith.constant 0 : i32
      %dma_wait3A_136 = tpu.memref_slice %arg4[%arg1, %dma_wait3A_134, %dma_wait3A_135] : memref<16x126x80xi32, #tpu.memory_space<hbm>> -> memref<1x126x80xi32, #tpu.memory_space<hbm>>
      %dma_wait3A_137 = tpu.memref_squeeze %dma_wait3A_136 : memref<1x126x80xi32, #tpu.memory_space<hbm>> -> memref<126x80xi32, #tpu.memory_space<hbm>>
      %dma_wait3A_138 = arith.constant 0 : i32
      %dma_wait3A_139 = tpu.memref_slice %dma_wait3A_137[%add3A_126, %dma_wait3A_138] : memref<126x80xi32, #tpu.memory_space<hbm>> -> memref<1x80xi32, #tpu.memory_space<hbm>>
      %dma_wait3A_140 = tpu.memref_squeeze %dma_wait3A_139 : memref<1x80xi32, #tpu.memory_space<hbm>> -> memref<80xi32, #tpu.memory_space<hbm>>
      tpu.wait_dma2 semaphore(%arg19 : memref<!tpu.dma_semaphore, #tpu.memory_space<semaphore_mem>>) src(%dma_wait3A_140 : memref<80xi32, #tpu.memory_space<hbm>>) dst(%arg9 : memref<80xi32, #tpu.memory_space<vmem>>)
      %add3A_141 = arith.constant 1 : i32
      %add3A_142 = arith.addi %mul3A_94, %add3A_141 : i32
      %dma_wait3A_143 = arith.constant 0 : i32
      %dma_wait3A_144 = tpu.memref_slice %arg7[%add3A_142, %dma_wait3A_143] : memref<126x80xi32, #tpu.memory_space<vmem>> -> memref<1x80xi32, #tpu.memory_space<vmem>>
      %dma_wait3A_145 = tpu.memref_squeeze %dma_wait3A_144 : memref<1x80xi32, #tpu.memory_space<vmem>> -> memref<80xi32, #tpu.memory_space<vmem>>
      %dma_wait3A_146 = arith.constant 0 : i32
      %dma_wait3A_147 = arith.constant 0 : i32
      %dma_wait3A_148 = tpu.memref_slice %arg2[%arg0, %dma_wait3A_146, %dma_wait3A_147] : memref<2x10240x128xf32, #tpu.memory_space<hbm>> -> memref<1x10240x128xf32, #tpu.memory_space<hbm>>
      %dma_wait3A_149 = tpu.memref_squeeze %dma_wait3A_148 : memref<1x10240x128xf32, #tpu.memory_space<hbm>> -> memref<10240x128xf32, #tpu.memory_space<hbm>>
      %dma_wait3A_150 = arith.constant 0 : i32
      %dma_wait3A_151 = arith.constant 0 : i32
      %dma_wait3A_152 = tpu.memref_slice %dma_wait3A_149[%dma_wait3A_150, %dma_wait3A_151] : memref<10240x128xf32, #tpu.memory_space<hbm>> -> memref<10240x128xf32, #tpu.memory_space<hbm>>
      tpu.wait_indirect_dma semaphore(%arg16 : memref<!tpu.dma_semaphore, #tpu.memory_space<semaphore_mem>>) src(%dma_wait3A_152 : memref<10240x128xf32, #tpu.memory_space<hbm>>) dst(%arg12 : memref<80x128xf32, #tpu.memory_space<vmem>>)
      %dma_start3A_153 = arith.constant 0 : i32
      %dma_start3A_154 = arith.constant 0 : i32
      %dma_start3A_155 = tpu.memref_slice %arg14[%dma_start3A_153, %dma_start3A_154] : memref<10240x128xf32, #tpu.memory_space<vmem_shared>> -> memref<10240x128xf32, #tpu.memory_space<vmem_shared>>
      tpu.enqueue_indirect_dma source(%arg12 : memref<80x128xf32, #tpu.memory_space<vmem>>) target(%dma_start3A_155 : memref<10240x128xf32, #tpu.memory_space<vmem_shared>>) offsets(%arg9 : memref<80xi32, #tpu.memory_space<vmem>>) semaphore(%arg22 : memref<!tpu.dma_semaphore, #tpu.memory_space<semaphore_mem>>) {add = true}
      %add3A_156 = arith.constant 2 : i32
      %add3A_157 = arith.addi %mul3A_94, %add3A_156 : i32
      %dma_wait3A_158 = arith.constant 0 : i32
      %dma_wait3A_159 = arith.constant 0 : i32
      %dma_wait3A_160 = tpu.memref_slice %arg4[%arg1, %dma_wait3A_158, %dma_wait3A_159] : memref<16x126x80xi32, #tpu.memory_space<hbm>> -> memref<1x126x80xi32, #tpu.memory_space<hbm>>
      %dma_wait3A_161 = tpu.memref_squeeze %dma_wait3A_160 : memref<1x126x80xi32, #tpu.memory_space<hbm>> -> memref<126x80xi32, #tpu.memory_space<hbm>>
      %dma_wait3A_162 = arith.constant 0 : i32
      %dma_wait3A_163 = tpu.memref_slice %dma_wait3A_161[%add3A_157, %dma_wait3A_162] : memref<126x80xi32, #tpu.memory_space<hbm>> -> memref<1x80xi32, #tpu.memory_space<hbm>>
      %dma_wait3A_164 = tpu.memref_squeeze %dma_wait3A_163 : memref<1x80xi32, #tpu.memory_space<hbm>> -> memref<80xi32, #tpu.memory_space<hbm>>
      %dma_wait3A_165 = arith.constant 0 : i32
      %dma_wait3A_166 = arith.constant 0 : i32
      %dma_wait3A_167 = tpu.memref_slice %arg4[%arg1, %dma_wait3A_165, %dma_wait3A_166] : memref<16x126x80xi32, #tpu.memory_space<hbm>> -> memref<1x126x80xi32, #tpu.memory_space<hbm>>
      %dma_wait3A_168 = tpu.memref_squeeze %dma_wait3A_167 : memref<1x126x80xi32, #tpu.memory_space<hbm>> -> memref<126x80xi32, #tpu.memory_space<hbm>>
      %dma_wait3A_169 = arith.constant 0 : i32
      %dma_wait3A_170 = tpu.memref_slice %dma_wait3A_168[%add3A_157, %dma_wait3A_169] : memref<126x80xi32, #tpu.memory_space<hbm>> -> memref<1x80xi32, #tpu.memory_space<hbm>>
      %dma_wait3A_171 = tpu.memref_squeeze %dma_wait3A_170 : memref<1x80xi32, #tpu.memory_space<hbm>> -> memref<80xi32, #tpu.memory_space<hbm>>
      tpu.wait_dma2 semaphore(%arg20 : memref<!tpu.dma_semaphore, #tpu.memory_space<semaphore_mem>>) src(%dma_wait3A_171 : memref<80xi32, #tpu.memory_space<hbm>>) dst(%arg10 : memref<80xi32, #tpu.memory_space<vmem>>)
      %add3A_172 = arith.constant 2 : i32
      %add3A_173 = arith.addi %mul3A_94, %add3A_172 : i32
      %dma_wait3A_174 = arith.constant 0 : i32
      %dma_wait3A_175 = tpu.memref_slice %arg7[%add3A_173, %dma_wait3A_174] : memref<126x80xi32, #tpu.memory_space<vmem>> -> memref<1x80xi32, #tpu.memory_space<vmem>>
      %dma_wait3A_176 = tpu.memref_squeeze %dma_wait3A_175 : memref<1x80xi32, #tpu.memory_space<vmem>> -> memref<80xi32, #tpu.memory_space<vmem>>
      %dma_wait3A_177 = arith.constant 0 : i32
      %dma_wait3A_178 = arith.constant 0 : i32
      %dma_wait3A_179 = tpu.memref_slice %arg2[%arg0, %dma_wait3A_177, %dma_wait3A_178] : memref<2x10240x128xf32, #tpu.memory_space<hbm>> -> memref<1x10240x128xf32, #tpu.memory_space<hbm>>
      %dma_wait3A_180 = tpu.memref_squeeze %dma_wait3A_179 : memref<1x10240x128xf32, #tpu.memory_space<hbm>> -> memref<10240x128xf32, #tpu.memory_space<hbm>>
      %dma_wait3A_181 = arith.constant 0 : i32
      %dma_wait3A_182 = arith.constant 0 : i32
      %dma_wait3A_183 = tpu.memref_slice %dma_wait3A_180[%dma_wait3A_181, %dma_wait3A_182] : memref<10240x128xf32, #tpu.memory_space<hbm>> -> memref<10240x128xf32, #tpu.memory_space<hbm>>
      tpu.wait_indirect_dma semaphore(%arg17 : memref<!tpu.dma_semaphore, #tpu.memory_space<semaphore_mem>>) src(%dma_wait3A_183 : memref<10240x128xf32, #tpu.memory_space<hbm>>) dst(%arg13 : memref<80x128xf32, #tpu.memory_space<vmem>>)
      %dma_start3A_184 = arith.constant 0 : i32
      %dma_start3A_185 = arith.constant 0 : i32
      %dma_start3A_186 = tpu.memref_slice %arg14[%dma_start3A_184, %dma_start3A_185] : memref<10240x128xf32, #tpu.memory_space<vmem_shared>> -> memref<10240x128xf32, #tpu.memory_space<vmem_shared>>
      tpu.enqueue_indirect_dma source(%arg13 : memref<80x128xf32, #tpu.memory_space<vmem>>) target(%dma_start3A_186 : memref<10240x128xf32, #tpu.memory_space<vmem_shared>>) offsets(%arg10 : memref<80xi32, #tpu.memory_space<vmem>>) semaphore(%arg23 : memref<!tpu.dma_semaphore, #tpu.memory_space<semaphore_mem>>) {add = true}
      %lt3A = arith.constant 41 : i32
      %lt3A_187 = arith.cmpi slt, %scan3A_92, %lt3A : i32
      %convert_element_type3A = arith.extui %lt3A_187 : i1 to i32
      %cond3A = arith.constant 0 : i32
      %cond3A_188 = arith.cmpi ne, %convert_element_type3A, %cond3A : i32
      scf.if %cond3A_188 {
        %dma_wait3A_189 = arith.constant 0 : i32
        %dma_wait3A_190 = arith.constant 0 : i32
        %dma_wait3A_191 = tpu.memref_slice %arg14[%dma_wait3A_189, %dma_wait3A_190] : memref<10240x128xf32, #tpu.memory_space<vmem_shared>> -> memref<10240x128xf32, #tpu.memory_space<vmem_shared>>
        tpu.wait_indirect_dma semaphore(%arg21 : memref<!tpu.dma_semaphore, #tpu.memory_space<semaphore_mem>>) src(%arg11 : memref<80x128xf32, #tpu.memory_space<vmem>>) dst(%dma_wait3A_191 : memref<10240x128xf32, #tpu.memory_space<vmem_shared>>)
        %add3A_192 = arith.constant 3 : i32
        %add3A_193 = arith.addi %mul3A_94, %add3A_192 : i32
        %add3A_194 = arith.constant 0 : i32
        %add3A_195 = arith.addi %add3A_193, %add3A_194 : i32
        %dma_start3A_196 = arith.constant 0 : i32
        %dma_start3A_197 = arith.constant 0 : i32
        %dma_start3A_198 = tpu.memref_slice %arg4[%arg1, %dma_start3A_196, %dma_start3A_197] : memref<16x126x80xi32, #tpu.memory_space<hbm>> -> memref<1x126x80xi32, #tpu.memory_space<hbm>>
        %dma_start3A_199 = tpu.memref_squeeze %dma_start3A_198 : memref<1x126x80xi32, #tpu.memory_space<hbm>> -> memref<126x80xi32, #tpu.memory_space<hbm>>
        %dma_start3A_200 = arith.constant 0 : i32
        %dma_start3A_201 = tpu.memref_slice %dma_start3A_199[%add3A_195, %dma_start3A_200] : memref<126x80xi32, #tpu.memory_space<hbm>> -> memref<1x80xi32, #tpu.memory_space<hbm>>
        %dma_start3A_202 = tpu.memref_squeeze %dma_start3A_201 : memref<1x80xi32, #tpu.memory_space<hbm>> -> memref<80xi32, #tpu.memory_space<hbm>>
        %dma_start3A_203 = arith.constant 0 : i32
        %dma_start3A_204 = arith.constant 0 : i32
        %dma_start3A_205 = tpu.memref_slice %arg4[%arg1, %dma_start3A_203, %dma_start3A_204] : memref<16x126x80xi32, #tpu.memory_space<hbm>> -> memref<1x126x80xi32, #tpu.memory_space<hbm>>
        %dma_start3A_206 = tpu.memref_squeeze %dma_start3A_205 : memref<1x126x80xi32, #tpu.memory_space<hbm>> -> memref<126x80xi32, #tpu.memory_space<hbm>>
        %dma_start3A_207 = arith.constant 0 : i32
        %dma_start3A_208 = tpu.memref_slice %dma_start3A_206[%add3A_195, %dma_start3A_207] : memref<126x80xi32, #tpu.memory_space<hbm>> -> memref<1x80xi32, #tpu.memory_space<hbm>>
        %dma_start3A_209 = tpu.memref_squeeze %dma_start3A_208 : memref<1x80xi32, #tpu.memory_space<hbm>> -> memref<80xi32, #tpu.memory_space<hbm>>
        tpu.enqueue_dma source(%dma_start3A_209 : memref<80xi32, #tpu.memory_space<hbm>>) target(%arg8 : memref<80xi32, #tpu.memory_space<vmem>>) target_semaphore(%arg18 : memref<!tpu.dma_semaphore, #tpu.memory_space<semaphore_mem>>)
        %add3A_210 = arith.constant 3 : i32
        %add3A_211 = arith.addi %mul3A_94, %add3A_210 : i32
        %add3A_212 = arith.constant 0 : i32
        %add3A_213 = arith.addi %add3A_211, %add3A_212 : i32
        %dma_start3A_214 = arith.constant 0 : i32
        %dma_start3A_215 = tpu.memref_slice %arg7[%add3A_213, %dma_start3A_214] : memref<126x80xi32, #tpu.memory_space<vmem>> -> memref<1x80xi32, #tpu.memory_space<vmem>>
        %dma_start3A_216 = tpu.memref_squeeze %dma_start3A_215 : memref<1x80xi32, #tpu.memory_space<vmem>> -> memref<80xi32, #tpu.memory_space<vmem>>
        %dma_start3A_217 = arith.constant 0 : i32
        %dma_start3A_218 = arith.constant 0 : i32
        %dma_start3A_219 = tpu.memref_slice %arg2[%arg0, %dma_start3A_217, %dma_start3A_218] : memref<2x10240x128xf32, #tpu.memory_space<hbm>> -> memref<1x10240x128xf32, #tpu.memory_space<hbm>>
        %dma_start3A_220 = tpu.memref_squeeze %dma_start3A_219 : memref<1x10240x128xf32, #tpu.memory_space<hbm>> -> memref<10240x128xf32, #tpu.memory_space<hbm>>
        %dma_start3A_221 = arith.constant 0 : i32
        %dma_start3A_222 = arith.constant 0 : i32
        %dma_start3A_223 = tpu.memref_slice %dma_start3A_220[%dma_start3A_221, %dma_start3A_222] : memref<10240x128xf32, #tpu.memory_space<hbm>> -> memref<10240x128xf32, #tpu.memory_space<hbm>>
        tpu.enqueue_indirect_dma source(%dma_start3A_223 : memref<10240x128xf32, #tpu.memory_space<hbm>>) target(%arg11 : memref<80x128xf32, #tpu.memory_space<vmem>>) offsets(%dma_start3A_216 : memref<80xi32, #tpu.memory_space<vmem>>) semaphore(%arg15 : memref<!tpu.dma_semaphore, #tpu.memory_space<semaphore_mem>>)
        %dma_wait3A_224 = arith.constant 0 : i32
        %dma_wait3A_225 = arith.constant 0 : i32
        %dma_wait3A_226 = tpu.memref_slice %arg14[%dma_wait3A_224, %dma_wait3A_225] : memref<10240x128xf32, #tpu.memory_space<vmem_shared>> -> memref<10240x128xf32, #tpu.memory_space<vmem_shared>>
        tpu.wait_indirect_dma semaphore(%arg22 : memref<!tpu.dma_semaphore, #tpu.memory_space<semaphore_mem>>) src(%arg12 : memref<80x128xf32, #tpu.memory_space<vmem>>) dst(%dma_wait3A_226 : memref<10240x128xf32, #tpu.memory_space<vmem_shared>>)
        %add3A_227 = arith.constant 3 : i32
        %add3A_228 = arith.addi %mul3A_94, %add3A_227 : i32
        %add3A_229 = arith.constant 1 : i32
        %add3A_230 = arith.addi %add3A_228, %add3A_229 : i32
        %dma_start3A_231 = arith.constant 0 : i32
        %dma_start3A_232 = arith.constant 0 : i32
        %dma_start3A_233 = tpu.memref_slice %arg4[%arg1, %dma_start3A_231, %dma_start3A_232] : memref<16x126x80xi32, #tpu.memory_space<hbm>> -> memref<1x126x80xi32, #tpu.memory_space<hbm>>
        %dma_start3A_234 = tpu.memref_squeeze %dma_start3A_233 : memref<1x126x80xi32, #tpu.memory_space<hbm>> -> memref<126x80xi32, #tpu.memory_space<hbm>>
        %dma_start3A_235 = arith.constant 0 : i32
        %dma_start3A_236 = tpu.memref_slice %dma_start3A_234[%add3A_230, %dma_start3A_235] : memref<126x80xi32, #tpu.memory_space<hbm>> -> memref<1x80xi32, #tpu.memory_space<hbm>>
        %dma_start3A_237 = tpu.memref_squeeze %dma_start3A_236 : memref<1x80xi32, #tpu.memory_space<hbm>> -> memref<80xi32, #tpu.memory_space<hbm>>
        %dma_start3A_238 = arith.constant 0 : i32
        %dma_start3A_239 = arith.constant 0 : i32
        %dma_start3A_240 = tpu.memref_slice %arg4[%arg1, %dma_start3A_238, %dma_start3A_239] : memref<16x126x80xi32, #tpu.memory_space<hbm>> -> memref<1x126x80xi32, #tpu.memory_space<hbm>>
        %dma_start3A_241 = tpu.memref_squeeze %dma_start3A_240 : memref<1x126x80xi32, #tpu.memory_space<hbm>> -> memref<126x80xi32, #tpu.memory_space<hbm>>
        %dma_start3A_242 = arith.constant 0 : i32
        %dma_start3A_243 = tpu.memref_slice %dma_start3A_241[%add3A_230, %dma_start3A_242] : memref<126x80xi32, #tpu.memory_space<hbm>> -> memref<1x80xi32, #tpu.memory_space<hbm>>
        %dma_start3A_244 = tpu.memref_squeeze %dma_start3A_243 : memref<1x80xi32, #tpu.memory_space<hbm>> -> memref<80xi32, #tpu.memory_space<hbm>>
        tpu.enqueue_dma source(%dma_start3A_244 : memref<80xi32, #tpu.memory_space<hbm>>) target(%arg9 : memref<80xi32, #tpu.memory_space<vmem>>) target_semaphore(%arg19 : memref<!tpu.dma_semaphore, #tpu.memory_space<semaphore_mem>>)
        %add3A_245 = arith.constant 3 : i32
        %add3A_246 = arith.addi %mul3A_94, %add3A_245 : i32
        %add3A_247 = arith.constant 1 : i32
        %add3A_248 = arith.addi %add3A_246, %add3A_247 : i32
        %dma_start3A_249 = arith.constant 0 : i32
        %dma_start3A_250 = tpu.memref_slice %arg7[%add3A_248, %dma_start3A_249] : memref<126x80xi32, #tpu.memory_space<vmem>> -> memref<1x80xi32, #tpu.memory_space<vmem>>
        %dma_start3A_251 = tpu.memref_squeeze %dma_start3A_250 : memref<1x80xi32, #tpu.memory_space<vmem>> -> memref<80xi32, #tpu.memory_space<vmem>>
        %dma_start3A_252 = arith.constant 0 : i32
        %dma_start3A_253 = arith.constant 0 : i32
        %dma_start3A_254 = tpu.memref_slice %arg2[%arg0, %dma_start3A_252, %dma_start3A_253] : memref<2x10240x128xf32, #tpu.memory_space<hbm>> -> memref<1x10240x128xf32, #tpu.memory_space<hbm>>
        %dma_start3A_255 = tpu.memref_squeeze %dma_start3A_254 : memref<1x10240x128xf32, #tpu.memory_space<hbm>> -> memref<10240x128xf32, #tpu.memory_space<hbm>>
        %dma_start3A_256 = arith.constant 0 : i32
        %dma_start3A_257 = arith.constant 0 : i32
        %dma_start3A_258 = tpu.memref_slice %dma_start3A_255[%dma_start3A_256, %dma_start3A_257] : memref<10240x128xf32, #tpu.memory_space<hbm>> -> memref<10240x128xf32, #tpu.memory_space<hbm>>
        tpu.enqueue_indirect_dma source(%dma_start3A_258 : memref<10240x128xf32, #tpu.memory_space<hbm>>) target(%arg12 : memref<80x128xf32, #tpu.memory_space<vmem>>) offsets(%dma_start3A_251 : memref<80xi32, #tpu.memory_space<vmem>>) semaphore(%arg16 : memref<!tpu.dma_semaphore, #tpu.memory_space<semaphore_mem>>)
        %dma_wait3A_259 = arith.constant 0 : i32
        %dma_wait3A_260 = arith.constant 0 : i32
        %dma_wait3A_261 = tpu.memref_slice %arg14[%dma_wait3A_259, %dma_wait3A_260] : memref<10240x128xf32, #tpu.memory_space<vmem_shared>> -> memref<10240x128xf32, #tpu.memory_space<vmem_shared>>
        tpu.wait_indirect_dma semaphore(%arg23 : memref<!tpu.dma_semaphore, #tpu.memory_space<semaphore_mem>>) src(%arg13 : memref<80x128xf32, #tpu.memory_space<vmem>>) dst(%dma_wait3A_261 : memref<10240x128xf32, #tpu.memory_space<vmem_shared>>)
        %add3A_262 = arith.constant 3 : i32
        %add3A_263 = arith.addi %mul3A_94, %add3A_262 : i32
        %add3A_264 = arith.constant 2 : i32
        %add3A_265 = arith.addi %add3A_263, %add3A_264 : i32
        %dma_start3A_266 = arith.constant 0 : i32
        %dma_start3A_267 = arith.constant 0 : i32
        %dma_start3A_268 = tpu.memref_slice %arg4[%arg1, %dma_start3A_266, %dma_start3A_267] : memref<16x126x80xi32, #tpu.memory_space<hbm>> -> memref<1x126x80xi32, #tpu.memory_space<hbm>>
        %dma_start3A_269 = tpu.memref_squeeze %dma_start3A_268 : memref<1x126x80xi32, #tpu.memory_space<hbm>> -> memref<126x80xi32, #tpu.memory_space<hbm>>
        %dma_start3A_270 = arith.constant 0 : i32
        %dma_start3A_271 = tpu.memref_slice %dma_start3A_269[%add3A_265, %dma_start3A_270] : memref<126x80xi32, #tpu.memory_space<hbm>> -> memref<1x80xi32, #tpu.memory_space<hbm>>
        %dma_start3A_272 = tpu.memref_squeeze %dma_start3A_271 : memref<1x80xi32, #tpu.memory_space<hbm>> -> memref<80xi32, #tpu.memory_space<hbm>>
        %dma_start3A_273 = arith.constant 0 : i32
        %dma_start3A_274 = arith.constant 0 : i32
        %dma_start3A_275 = tpu.memref_slice %arg4[%arg1, %dma_start3A_273, %dma_start3A_274] : memref<16x126x80xi32, #tpu.memory_space<hbm>> -> memref<1x126x80xi32, #tpu.memory_space<hbm>>
        %dma_start3A_276 = tpu.memref_squeeze %dma_start3A_275 : memref<1x126x80xi32, #tpu.memory_space<hbm>> -> memref<126x80xi32, #tpu.memory_space<hbm>>
        %dma_start3A_277 = arith.constant 0 : i32
        %dma_start3A_278 = tpu.memref_slice %dma_start3A_276[%add3A_265, %dma_start3A_277] : memref<126x80xi32, #tpu.memory_space<hbm>> -> memref<1x80xi32, #tpu.memory_space<hbm>>
        %dma_start3A_279 = tpu.memref_squeeze %dma_start3A_278 : memref<1x80xi32, #tpu.memory_space<hbm>> -> memref<80xi32, #tpu.memory_space<hbm>>
        tpu.enqueue_dma source(%dma_start3A_279 : memref<80xi32, #tpu.memory_space<hbm>>) target(%arg10 : memref<80xi32, #tpu.memory_space<vmem>>) target_semaphore(%arg20 : memref<!tpu.dma_semaphore, #tpu.memory_space<semaphore_mem>>)
        %add3A_280 = arith.constant 3 : i32
        %add3A_281 = arith.addi %mul3A_94, %add3A_280 : i32
        %add3A_282 = arith.constant 2 : i32
        %add3A_283 = arith.addi %add3A_281, %add3A_282 : i32
        %dma_start3A_284 = arith.constant 0 : i32
        %dma_start3A_285 = tpu.memref_slice %arg7[%add3A_283, %dma_start3A_284] : memref<126x80xi32, #tpu.memory_space<vmem>> -> memref<1x80xi32, #tpu.memory_space<vmem>>
        %dma_start3A_286 = tpu.memref_squeeze %dma_start3A_285 : memref<1x80xi32, #tpu.memory_space<vmem>> -> memref<80xi32, #tpu.memory_space<vmem>>
        %dma_start3A_287 = arith.constant 0 : i32
        %dma_start3A_288 = arith.constant 0 : i32
        %dma_start3A_289 = tpu.memref_slice %arg2[%arg0, %dma_start3A_287, %dma_start3A_288] : memref<2x10240x128xf32, #tpu.memory_space<hbm>> -> memref<1x10240x128xf32, #tpu.memory_space<hbm>>
        %dma_start3A_290 = tpu.memref_squeeze %dma_start3A_289 : memref<1x10240x128xf32, #tpu.memory_space<hbm>> -> memref<10240x128xf32, #tpu.memory_space<hbm>>
        %dma_start3A_291 = arith.constant 0 : i32
        %dma_start3A_292 = arith.constant 0 : i32
        %dma_start3A_293 = tpu.memref_slice %dma_start3A_290[%dma_start3A_291, %dma_start3A_292] : memref<10240x128xf32, #tpu.memory_space<hbm>> -> memref<10240x128xf32, #tpu.memory_space<hbm>>
        tpu.enqueue_indirect_dma source(%dma_start3A_293 : memref<10240x128xf32, #tpu.memory_space<hbm>>) target(%arg13 : memref<80x128xf32, #tpu.memory_space<vmem>>) offsets(%dma_start3A_286 : memref<80xi32, #tpu.memory_space<vmem>>) semaphore(%arg17 : memref<!tpu.dma_semaphore, #tpu.memory_space<semaphore_mem>>)
      } else {
      }
    }
    %scan3A_82 = arith.constant 42 : i32
    %dma_wait3A = arith.constant 0 : i32
    %dma_wait3A_83 = arith.constant 0 : i32
    %dma_wait3A_84 = tpu.memref_slice %arg14[%dma_wait3A, %dma_wait3A_83] : memref<10240x128xf32, #tpu.memory_space<vmem_shared>> -> memref<10240x128xf32, #tpu.memory_space<vmem_shared>>
    tpu.wait_indirect_dma semaphore(%arg21 : memref<!tpu.dma_semaphore, #tpu.memory_space<semaphore_mem>>) src(%arg11 : memref<80x128xf32, #tpu.memory_space<vmem>>) dst(%dma_wait3A_84 : memref<10240x128xf32, #tpu.memory_space<vmem_shared>>)
    %dma_wait3A_85 = arith.constant 0 : i32
    %dma_wait3A_86 = arith.constant 0 : i32
    %dma_wait3A_87 = tpu.memref_slice %arg14[%dma_wait3A_85, %dma_wait3A_86] : memref<10240x128xf32, #tpu.memory_space<vmem_shared>> -> memref<10240x128xf32, #tpu.memory_space<vmem_shared>>
    tpu.wait_indirect_dma semaphore(%arg22 : memref<!tpu.dma_semaphore, #tpu.memory_space<semaphore_mem>>) src(%arg12 : memref<80x128xf32, #tpu.memory_space<vmem>>) dst(%dma_wait3A_87 : memref<10240x128xf32, #tpu.memory_space<vmem_shared>>)
    %dma_wait3A_88 = arith.constant 0 : i32
    %dma_wait3A_89 = arith.constant 0 : i32
    %dma_wait3A_90 = tpu.memref_slice %arg14[%dma_wait3A_88, %dma_wait3A_89] : memref<10240x128xf32, #tpu.memory_space<vmem_shared>> -> memref<10240x128xf32, #tpu.memory_space<vmem_shared>>
    tpu.wait_indirect_dma semaphore(%arg23 : memref<!tpu.dma_semaphore, #tpu.memory_space<semaphore_mem>>) src(%arg13 : memref<80x128xf32, #tpu.memory_space<vmem>>) dst(%dma_wait3A_90 : memref<10240x128xf32, #tpu.memory_space<vmem_shared>>)
    %barrier3A_91 = arith.constant 0 : index
    tpu.barrier barrier_id(%barrier3A_91)
    "tpu.region"() ({
      %run_scoped3A = tpu.sem_alloc : memref<!tpu.dma_semaphore, #tpu.memory_space<semaphore_mem>>
      %dma_start3A_92 = arith.constant 0 : i32
      %dma_start3A_93 = arith.constant 0 : i32
      %dma_start3A_94 = tpu.memref_slice %arg6[%arg0, %dma_start3A_92, %dma_start3A_93] : memref<2x10240x128xf32, #tpu.memory_space<hbm>> -> memref<1x10240x128xf32, #tpu.memory_space<hbm>>
      %dma_start3A_95 = tpu.memref_squeeze %dma_start3A_94 : memref<1x10240x128xf32, #tpu.memory_space<hbm>> -> memref<10240x128xf32, #tpu.memory_space<hbm>>
      %dma_start3A_96 = arith.constant 0 : i32
      %dma_start3A_97 = tpu.memref_slice %dma_start3A_95[%mul3A_0, %dma_start3A_96] : memref<10240x128xf32, #tpu.memory_space<hbm>> -> memref<640x128xf32, #tpu.memory_space<hbm>>
      %dma_start3A_98 = arith.constant 0 : i32
      %dma_start3A_99 = tpu.memref_slice %arg14[%mul3A_0, %dma_start3A_98] : memref<10240x128xf32, #tpu.memory_space<vmem_shared>> -> memref<640x128xf32, #tpu.memory_space<vmem_shared>>
      tpu.enqueue_dma source(%dma_start3A_99 : memref<640x128xf32, #tpu.memory_space<vmem_shared>>) target(%dma_start3A_97 : memref<640x128xf32, #tpu.memory_space<hbm>>) target_semaphore(%run_scoped3A : memref<!tpu.dma_semaphore, #tpu.memory_space<semaphore_mem>>)
      %dma_wait3A_100 = arith.constant 0 : i32
      %dma_wait3A_101 = arith.constant 0 : i32
      %dma_wait3A_102 = tpu.memref_slice %arg6[%arg0, %dma_wait3A_100, %dma_wait3A_101] : memref<2x10240x128xf32, #tpu.memory_space<hbm>> -> memref<1x10240x128xf32, #tpu.memory_space<hbm>>
      %dma_wait3A_103 = tpu.memref_squeeze %dma_wait3A_102 : memref<1x10240x128xf32, #tpu.memory_space<hbm>> -> memref<10240x128xf32, #tpu.memory_space<hbm>>
      %dma_wait3A_104 = arith.constant 0 : i32
      %dma_wait3A_105 = tpu.memref_slice %dma_wait3A_103[%mul3A_0, %dma_wait3A_104] : memref<10240x128xf32, #tpu.memory_space<hbm>> -> memref<640x128xf32, #tpu.memory_space<hbm>>
      %dma_wait3A_106 = arith.constant 0 : i32
      %dma_wait3A_107 = tpu.memref_slice %arg14[%mul3A_0, %dma_wait3A_106] : memref<10240x128xf32, #tpu.memory_space<vmem_shared>> -> memref<640x128xf32, #tpu.memory_space<vmem_shared>>
      tpu.wait_dma2 semaphore(%run_scoped3A : memref<!tpu.dma_semaphore, #tpu.memory_space<semaphore_mem>>) src(%dma_wait3A_107 : memref<640x128xf32, #tpu.memory_space<vmem_shared>>) dst(%dma_wait3A_105 : memref<640x128xf32, #tpu.memory_space<hbm>>)
      tpu.yield
    }) : () -> ()
    return
  }
}

#map = affine_map<(d0, d1) -> (0, 0, 0)>
#map1 = affine_map<(d0, d1) -> (0, 0)>
module attributes {stable_mosaic.version = 14 : i64} {
  func.func @run(%arg0: i32, %arg1: i32, %arg2: memref<2x10240x128xf32, #tpu.memory_space<hbm>>, %arg3: memref<16x126x80xi32, #tpu.memory_space<hbm>>, %arg4: memref<16x126x80xi32, #tpu.memory_space<hbm>>, %arg5: memref<10240x128xf32, #tpu.memory_space<hbm>>, %arg6: memref<2x10240x128xf32, #tpu.memory_space<hbm>>, %arg7: memref<126x80xi32, #tpu.memory_space<vmem>>, %arg8: memref<80xi32, #tpu.memory_space<vmem>>, %arg9: memref<80xi32, #tpu.memory_space<vmem>>, %arg10: memref<80xi32, #tpu.memory_space<vmem>>, %arg11: memref<80x128xf32, #tpu.memory_space<vmem>>, %arg12: memref<80x128xf32, #tpu.memory_space<vmem>>, %arg13: memref<80x128xf32, #tpu.memory_space<vmem>>, %arg14: memref<10240x128xf32, #tpu.memory_space<vmem_shared>>, %arg15: memref<!tpu.dma_semaphore, #tpu.memory_space<semaphore_mem>>, %arg16: memref<!tpu.dma_semaphore, #tpu.memory_space<semaphore_mem>>, %arg17: memref<!tpu.dma_semaphore, #tpu.memory_space<semaphore_mem>>, %arg18: memref<!tpu.dma_semaphore, #tpu.memory_space<semaphore_mem>>, %arg19: memref<!tpu.dma_semaphore, #tpu.memory_space<semaphore_mem>>, %arg20: memref<!tpu.dma_semaphore, #tpu.memory_space<semaphore_mem>>, %arg21: memref<!tpu.dma_semaphore, #tpu.memory_space<semaphore_mem>>, %arg22: memref<!tpu.dma_semaphore, #tpu.memory_space<semaphore_mem>>, %arg23: memref<!tpu.dma_semaphore, #tpu.memory_space<semaphore_mem>>) attributes {dimension_semantics = [#tpu.dimension_semantics<core_parallel>, #tpu.dimension_semantics<subcore_parallel>], iteration_bounds = array<i64: 2, 16>, scalar_prefetch = 0 : i64, scratch_operands = 17 : i64, tpu.core_type = #tpu.core_type<sc_vector_subcore>, window_params = [{transform_indices = #map}, {transform_indices = #map}, {transform_indices = #map}, {transform_indices = #map1}, {transform_indices = #map}]} {
    "tpu.region"() ({
      %run_scoped3A = tpu.sem_alloc : memref<!tpu.dma_semaphore, #tpu.memory_space<semaphore_mem>>
      %dma_start3A_92 = arith.constant 0 : i32
      %dma_start3A_93 = arith.constant 0 : i32
      %dma_start3A_94 = tpu.memref_slice %arg3[%arg1, %dma_start3A_92, %dma_start3A_93] : memref<16x126x80xi32, #tpu.memory_space<hbm>> -> memref<1x126x80xi32, #tpu.memory_space<hbm>>
      %dma_start3A_95 = tpu.memref_squeeze %dma_start3A_94 : memref<1x126x80xi32, #tpu.memory_space<hbm>> -> memref<126x80xi32, #tpu.memory_space<hbm>>
      %dma_start3A_96 = arith.constant 0 : i32
      %dma_start3A_97 = arith.constant 0 : i32
      %dma_start3A_98 = tpu.memref_slice %arg3[%arg1, %dma_start3A_96, %dma_start3A_97] : memref<16x126x80xi32, #tpu.memory_space<hbm>> -> memref<1x126x80xi32, #tpu.memory_space<hbm>>
      %dma_start3A_99 = tpu.memref_squeeze %dma_start3A_98 : memref<1x126x80xi32, #tpu.memory_space<hbm>> -> memref<126x80xi32, #tpu.memory_space<hbm>>
      tpu.enqueue_dma source(%dma_start3A_99 : memref<126x80xi32, #tpu.memory_space<hbm>>) target(%arg7 : memref<126x80xi32, #tpu.memory_space<vmem>>) target_semaphore(%run_scoped3A : memref<!tpu.dma_semaphore, #tpu.memory_space<semaphore_mem>>)
      %dma_wait3A_100 = arith.constant 0 : i32
      %dma_wait3A_101 = arith.constant 0 : i32
      %dma_wait3A_102 = tpu.memref_slice %arg3[%arg1, %dma_wait3A_100, %dma_wait3A_101] : memref<16x126x80xi32, #tpu.memory_space<hbm>> -> memref<1x126x80xi32, #tpu.memory_space<hbm>>
      %dma_wait3A_103 = tpu.memref_squeeze %dma_wait3A_102 : memref<1x126x80xi32, #tpu.memory_space<hbm>> -> memref<126x80xi32, #tpu.memory_space<hbm>>
      %dma_wait3A_104 = arith.constant 0 : i32
      %dma_wait3A_105 = arith.constant 0 : i32
      %dma_wait3A_106 = tpu.memref_slice %arg3[%arg1, %dma_wait3A_104, %dma_wait3A_105] : memref<16x126x80xi32, #tpu.memory_space<hbm>> -> memref<1x126x80xi32, #tpu.memory_space<hbm>>
      %dma_wait3A_107 = tpu.memref_squeeze %dma_wait3A_106 : memref<1x126x80xi32, #tpu.memory_space<hbm>> -> memref<126x80xi32, #tpu.memory_space<hbm>>
      tpu.wait_dma2 semaphore(%run_scoped3A : memref<!tpu.dma_semaphore, #tpu.memory_space<semaphore_mem>>) src(%dma_wait3A_107 : memref<126x80xi32, #tpu.memory_space<hbm>>) dst(%arg7 : memref<126x80xi32, #tpu.memory_space<vmem>>)
      tpu.yield
    }) : () -> ()
    %mul3A = arith.constant 640 : i32
    %mul3A_0 = arith.muli %arg1, %mul3A : i32
    %dma_start3A = arith.constant 0 : i32
    %dma_start3A_1 = arith.constant 0 : i32
    %dma_start3A_2 = arith.constant 0 : i32
    %dma_start3A_3 = tpu.memref_slice %arg4[%arg1, %dma_start3A_1, %dma_start3A_2] : memref<16x126x80xi32, #tpu.memory_space<hbm>> -> memref<1x126x80xi32, #tpu.memory_space<hbm>>
    %dma_start3A_4 = tpu.memref_squeeze %dma_start3A_3 : memref<1x126x80xi32, #tpu.memory_space<hbm>> -> memref<126x80xi32, #tpu.memory_space<hbm>>
    %dma_start3A_5 = arith.constant 0 : i32
    %dma_start3A_6 = tpu.memref_slice %dma_start3A_4[%dma_start3A, %dma_start3A_5] : memref<126x80xi32, #tpu.memory_space<hbm>> -> memref<1x80xi32, #tpu.memory_space<hbm>>
    %dma_start3A_7 = tpu.memref_squeeze %dma_start3A_6 : memref<1x80xi32, #tpu.memory_space<hbm>> -> memref<80xi32, #tpu.memory_space<hbm>>
    %dma_start3A_8 = arith.constant 0 : i32
    %dma_start3A_9 = arith.constant 0 : i32
    %dma_start3A_10 = tpu.memref_slice %arg4[%arg1, %dma_start3A_8, %dma_start3A_9] : memref<16x126x80xi32, #tpu.memory_space<hbm>> -> memref<1x126x80xi32, #tpu.memory_space<hbm>>
    %dma_start3A_11 = tpu.memref_squeeze %dma_start3A_10 : memref<1x126x80xi32, #tpu.memory_space<hbm>> -> memref<126x80xi32, #tpu.memory_space<hbm>>
    %dma_start3A_12 = arith.constant 0 : i32
    %dma_start3A_13 = tpu.memref_slice %dma_start3A_11[%dma_start3A, %dma_start3A_12] : memref<126x80xi32, #tpu.memory_space<hbm>> -> memref<1x80xi32, #tpu.memory_space<hbm>>
    %dma_start3A_14 = tpu.memref_squeeze %dma_start3A_13 : memref<1x80xi32, #tpu.memory_space<hbm>> -> memref<80xi32, #tpu.memory_space<hbm>>
    tpu.enqueue_dma source(%dma_start3A_14 : memref<80xi32, #tpu.memory_space<hbm>>) target(%arg8 : memref<80xi32, #tpu.memory_space<vmem>>) target_semaphore(%arg18 : memref<!tpu.dma_semaphore, #tpu.memory_space<semaphore_mem>>)
    %dma_start3A_15 = arith.constant 0 : i32
    %dma_start3A_16 = arith.constant 0 : i32
    %dma_start3A_17 = tpu.memref_slice %arg7[%dma_start3A_15, %dma_start3A_16] : memref<126x80xi32, #tpu.memory_space<vmem>> -> memref<1x80xi32, #tpu.memory_space<vmem>>
    %dma_start3A_18 = tpu.memref_squeeze %dma_start3A_17 : memref<1x80xi32, #tpu.memory_space<vmem>> -> memref<80xi32, #tpu.memory_space<vmem>>
    %dma_start3A_19 = arith.constant 0 : i32
    %dma_start3A_20 = arith.constant 0 : i32
    %dma_start3A_21 = tpu.memref_slice %arg2[%arg0, %dma_start3A_19, %dma_start3A_20] : memref<2x10240x128xf32, #tpu.memory_space<hbm>> -> memref<1x10240x128xf32, #tpu.memory_space<hbm>>
    %dma_start3A_22 = tpu.memref_squeeze %dma_start3A_21 : memref<1x10240x128xf32, #tpu.memory_space<hbm>> -> memref<10240x128xf32, #tpu.memory_space<hbm>>
    %dma_start3A_23 = arith.constant 0 : i32
    %dma_start3A_24 = arith.constant 0 : i32
    %dma_start3A_25 = tpu.memref_slice %dma_start3A_22[%dma_start3A_23, %dma_start3A_24] : memref<10240x128xf32, #tpu.memory_space<hbm>> -> memref<10240x128xf32, #tpu.memory_space<hbm>>
    tpu.enqueue_indirect_dma source(%dma_start3A_25 : memref<10240x128xf32, #tpu.memory_space<hbm>>) target(%arg11 : memref<80x128xf32, #tpu.memory_space<vmem>>) offsets(%dma_start3A_18 : memref<80xi32, #tpu.memory_space<vmem>>) semaphore(%arg15 : memref<!tpu.dma_semaphore, #tpu.memory_space<semaphore_mem>>)
    %dma_start3A_26 = arith.constant 1 : i32
    %dma_start3A_27 = arith.constant 0 : i32
    %dma_start3A_28 = arith.constant 0 : i32
    %dma_start3A_29 = tpu.memref_slice %arg4[%arg1, %dma_start3A_27, %dma_start3A_28] : memref<16x126x80xi32, #tpu.memory_space<hbm>> -> memref<1x126x80xi32, #tpu.memory_space<hbm>>
    %dma_start3A_30 = tpu.memref_squeeze %dma_start3A_29 : memref<1x126x80xi32, #tpu.memory_space<hbm>> -> memref<126x80xi32, #tpu.memory_space<hbm>>
    %dma_start3A_31 = arith.constant 0 : i32
    %dma_start3A_32 = tpu.memref_slice %dma_start3A_30[%dma_start3A_26, %dma_start3A_31] : memref<126x80xi32, #tpu.memory_space<hbm>> -> memref<1x80xi32, #tpu.memory_space<hbm>>
    %dma_start3A_33 = tpu.memref_squeeze %dma_start3A_32 : memref<1x80xi32, #tpu.memory_space<hbm>> -> memref<80xi32, #tpu.memory_space<hbm>>
    %dma_start3A_34 = arith.constant 0 : i32
    %dma_start3A_35 = arith.constant 0 : i32
    %dma_start3A_36 = tpu.memref_slice %arg4[%arg1, %dma_start3A_34, %dma_start3A_35] : memref<16x126x80xi32, #tpu.memory_space<hbm>> -> memref<1x126x80xi32, #tpu.memory_space<hbm>>
    %dma_start3A_37 = tpu.memref_squeeze %dma_start3A_36 : memref<1x126x80xi32, #tpu.memory_space<hbm>> -> memref<126x80xi32, #tpu.memory_space<hbm>>
    %dma_start3A_38 = arith.constant 0 : i32
    %dma_start3A_39 = tpu.memref_slice %dma_start3A_37[%dma_start3A_26, %dma_start3A_38] : memref<126x80xi32, #tpu.memory_space<hbm>> -> memref<1x80xi32, #tpu.memory_space<hbm>>
    %dma_start3A_40 = tpu.memref_squeeze %dma_start3A_39 : memref<1x80xi32, #tpu.memory_space<hbm>> -> memref<80xi32, #tpu.memory_space<hbm>>
    tpu.enqueue_dma source(%dma_start3A_40 : memref<80xi32, #tpu.memory_space<hbm>>) target(%arg9 : memref<80xi32, #tpu.memory_space<vmem>>) target_semaphore(%arg19 : memref<!tpu.dma_semaphore, #tpu.memory_space<semaphore_mem>>)
    %dma_start3A_41 = arith.constant 1 : i32
    %dma_start3A_42 = arith.constant 0 : i32
    %dma_start3A_43 = tpu.memref_slice %arg7[%dma_start3A_41, %dma_start3A_42] : memref<126x80xi32, #tpu.memory_space<vmem>> -> memref<1x80xi32, #tpu.memory_space<vmem>>
    %dma_start3A_44 = tpu.memref_squeeze %dma_start3A_43 : memref<1x80xi32, #tpu.memory_space<vmem>> -> memref<80xi32, #tpu.memory_space<vmem>>
    %dma_start3A_45 = arith.constant 0 : i32
    %dma_start3A_46 = arith.constant 0 : i32
    %dma_start3A_47 = tpu.memref_slice %arg2[%arg0, %dma_start3A_45, %dma_start3A_46] : memref<2x10240x128xf32, #tpu.memory_space<hbm>> -> memref<1x10240x128xf32, #tpu.memory_space<hbm>>
    %dma_start3A_48 = tpu.memref_squeeze %dma_start3A_47 : memref<1x10240x128xf32, #tpu.memory_space<hbm>> -> memref<10240x128xf32, #tpu.memory_space<hbm>>
    %dma_start3A_49 = arith.constant 0 : i32
    %dma_start3A_50 = arith.constant 0 : i32
    %dma_start3A_51 = tpu.memref_slice %dma_start3A_48[%dma_start3A_49, %dma_start3A_50] : memref<10240x128xf32, #tpu.memory_space<hbm>> -> memref<10240x128xf32, #tpu.memory_space<hbm>>
    tpu.enqueue_indirect_dma source(%dma_start3A_51 : memref<10240x128xf32, #tpu.memory_space<hbm>>) target(%arg12 : memref<80x128xf32, #tpu.memory_space<vmem>>) offsets(%dma_start3A_44 : memref<80xi32, #tpu.memory_space<vmem>>) semaphore(%arg16 : memref<!tpu.dma_semaphore, #tpu.memory_space<semaphore_mem>>)
    %dma_start3A_52 = arith.constant 2 : i32
    %dma_start3A_53 = arith.constant 0 : i32
    %dma_start3A_54 = arith.constant 0 : i32
    %dma_start3A_55 = tpu.memref_slice %arg4[%arg1, %dma_start3A_53, %dma_start3A_54] : memref<16x126x80xi32, #tpu.memory_space<hbm>> -> memref<1x126x80xi32, #tpu.memory_space<hbm>>
    %dma_start3A_56 = tpu.memref_squeeze %dma_start3A_55 : memref<1x126x80xi32, #tpu.memory_space<hbm>> -> memref<126x80xi32, #tpu.memory_space<hbm>>
    %dma_start3A_57 = arith.constant 0 : i32
    %dma_start3A_58 = tpu.memref_slice %dma_start3A_56[%dma_start3A_52, %dma_start3A_57] : memref<126x80xi32, #tpu.memory_space<hbm>> -> memref<1x80xi32, #tpu.memory_space<hbm>>
    %dma_start3A_59 = tpu.memref_squeeze %dma_start3A_58 : memref<1x80xi32, #tpu.memory_space<hbm>> -> memref<80xi32, #tpu.memory_space<hbm>>
    %dma_start3A_60 = arith.constant 0 : i32
    %dma_start3A_61 = arith.constant 0 : i32
    %dma_start3A_62 = tpu.memref_slice %arg4[%arg1, %dma_start3A_60, %dma_start3A_61] : memref<16x126x80xi32, #tpu.memory_space<hbm>> -> memref<1x126x80xi32, #tpu.memory_space<hbm>>
    %dma_start3A_63 = tpu.memref_squeeze %dma_start3A_62 : memref<1x126x80xi32, #tpu.memory_space<hbm>> -> memref<126x80xi32, #tpu.memory_space<hbm>>
    %dma_start3A_64 = arith.constant 0 : i32
    %dma_start3A_65 = tpu.memref_slice %dma_start3A_63[%dma_start3A_52, %dma_start3A_64] : memref<126x80xi32, #tpu.memory_space<hbm>> -> memref<1x80xi32, #tpu.memory_space<hbm>>
    %dma_start3A_66 = tpu.memref_squeeze %dma_start3A_65 : memref<1x80xi32, #tpu.memory_space<hbm>> -> memref<80xi32, #tpu.memory_space<hbm>>
    tpu.enqueue_dma source(%dma_start3A_66 : memref<80xi32, #tpu.memory_space<hbm>>) target(%arg10 : memref<80xi32, #tpu.memory_space<vmem>>) target_semaphore(%arg20 : memref<!tpu.dma_semaphore, #tpu.memory_space<semaphore_mem>>)
    %dma_start3A_67 = arith.constant 2 : i32
    %dma_start3A_68 = arith.constant 0 : i32
    %dma_start3A_69 = tpu.memref_slice %arg7[%dma_start3A_67, %dma_start3A_68] : memref<126x80xi32, #tpu.memory_space<vmem>> -> memref<1x80xi32, #tpu.memory_space<vmem>>
    %dma_start3A_70 = tpu.memref_squeeze %dma_start3A_69 : memref<1x80xi32, #tpu.memory_space<vmem>> -> memref<80xi32, #tpu.memory_space<vmem>>
    %dma_start3A_71 = arith.constant 0 : i32
    %dma_start3A_72 = arith.constant 0 : i32
    %dma_start3A_73 = tpu.memref_slice %arg2[%arg0, %dma_start3A_71, %dma_start3A_72] : memref<2x10240x128xf32, #tpu.memory_space<hbm>> -> memref<1x10240x128xf32, #tpu.memory_space<hbm>>
    %dma_start3A_74 = tpu.memref_squeeze %dma_start3A_73 : memref<1x10240x128xf32, #tpu.memory_space<hbm>> -> memref<10240x128xf32, #tpu.memory_space<hbm>>
    %dma_start3A_75 = arith.constant 0 : i32
    %dma_start3A_76 = arith.constant 0 : i32
    %dma_start3A_77 = tpu.memref_slice %dma_start3A_74[%dma_start3A_75, %dma_start3A_76] : memref<10240x128xf32, #tpu.memory_space<hbm>> -> memref<10240x128xf32, #tpu.memory_space<hbm>>
    tpu.enqueue_indirect_dma source(%dma_start3A_77 : memref<10240x128xf32, #tpu.memory_space<hbm>>) target(%arg13 : memref<80x128xf32, #tpu.memory_space<vmem>>) offsets(%dma_start3A_70 : memref<80xi32, #tpu.memory_space<vmem>>) semaphore(%arg17 : memref<!tpu.dma_semaphore, #tpu.memory_space<semaphore_mem>>)
    "tpu.region"() ({
      %run_scoped3A = tpu.sem_alloc : memref<!tpu.dma_semaphore, #tpu.memory_space<semaphore_mem>>
      %dma_start3A_92 = arith.constant 0 : i32
      %dma_start3A_93 = tpu.memref_slice %arg14[%mul3A_0, %dma_start3A_92] : memref<10240x128xf32, #tpu.memory_space<vmem_shared>> -> memref<640x128xf32, #tpu.memory_space<vmem_shared>>
      %dma_start3A_94 = arith.constant 0 : i32
      %dma_start3A_95 = tpu.memref_slice %arg5[%mul3A_0, %dma_start3A_94] : memref<10240x128xf32, #tpu.memory_space<hbm>> -> memref<640x128xf32, #tpu.memory_space<hbm>>
      tpu.enqueue_dma source(%dma_start3A_95 : memref<640x128xf32, #tpu.memory_space<hbm>>) target(%dma_start3A_93 : memref<640x128xf32, #tpu.memory_space<vmem_shared>>) target_semaphore(%run_scoped3A : memref<!tpu.dma_semaphore, #tpu.memory_space<semaphore_mem>>)
      %dma_wait3A_96 = arith.constant 0 : i32
      %dma_wait3A_97 = tpu.memref_slice %arg14[%mul3A_0, %dma_wait3A_96] : memref<10240x128xf32, #tpu.memory_space<vmem_shared>> -> memref<640x128xf32, #tpu.memory_space<vmem_shared>>
      %dma_wait3A_98 = arith.constant 0 : i32
      %dma_wait3A_99 = tpu.memref_slice %arg5[%mul3A_0, %dma_wait3A_98] : memref<10240x128xf32, #tpu.memory_space<hbm>> -> memref<640x128xf32, #tpu.memory_space<hbm>>
      tpu.wait_dma2 semaphore(%run_scoped3A : memref<!tpu.dma_semaphore, #tpu.memory_space<semaphore_mem>>) src(%dma_wait3A_99 : memref<640x128xf32, #tpu.memory_space<hbm>>) dst(%dma_wait3A_97 : memref<640x128xf32, #tpu.memory_space<vmem_shared>>)
      tpu.yield
    }) : () -> ()
    %barrier3A = arith.constant 0 : index
    tpu.barrier barrier_id(%barrier3A)
    %scan3A = arith.constant 0 : i32
    %scan3A_78 = arith.constant 0 : i32
    %scan3A_79 = arith.constant 42 : i32
    %scan3A_80 = arith.addi %scan3A_78, %scan3A_79 : i32
    %scan3A_81 = arith.constant 1 : i32
    scf.for %scan3A_92 = %scan3A_78 to %scan3A_80 step %scan3A_81  : i32 {
      %mul3A_93 = arith.constant 3 : i32
      %mul3A_94 = arith.muli %mul3A_93, %scan3A_92 : i32
      %add3A = arith.constant 0 : i32
      %add3A_95 = arith.addi %mul3A_94, %add3A : i32
      %dma_wait3A_96 = arith.constant 0 : i32
      %dma_wait3A_97 = arith.constant 0 : i32
      %dma_wait3A_98 = tpu.memref_slice %arg4[%arg1, %dma_wait3A_96, %dma_wait3A_97] : memref<16x126x80xi32, #tpu.memory_space<hbm>> -> memref<1x126x80xi32, #tpu.memory_space<hbm>>
      %dma_wait3A_99 = tpu.memref_squeeze %dma_wait3A_98 : memref<1x126x80xi32, #tpu.memory_space<hbm>> -> memref<126x80xi32, #tpu.memory_space<hbm>>
      %dma_wait3A_100 = arith.constant 0 : i32
      %dma_wait3A_101 = tpu.memref_slice %dma_wait3A_99[%add3A_95, %dma_wait3A_100] : memref<126x80xi32, #tpu.memory_space<hbm>> -> memref<1x80xi32, #tpu.memory_space<hbm>>
      %dma_wait3A_102 = tpu.memref_squeeze %dma_wait3A_101 : memref<1x80xi32, #tpu.memory_space<hbm>> -> memref<80xi32, #tpu.memory_space<hbm>>
      %dma_wait3A_103 = arith.constant 0 : i32
      %dma_wait3A_104 = arith.constant 0 : i32
      %dma_wait3A_105 = tpu.memref_slice %arg4[%arg1, %dma_wait3A_103, %dma_wait3A_104] : memref<16x126x80xi32, #tpu.memory_space<hbm>> -> memref<1x126x80xi32, #tpu.memory_space<hbm>>
      %dma_wait3A_106 = tpu.memref_squeeze %dma_wait3A_105 : memref<1x126x80xi32, #tpu.memory_space<hbm>> -> memref<126x80xi32, #tpu.memory_space<hbm>>
      %dma_wait3A_107 = arith.constant 0 : i32
      %dma_wait3A_108 = tpu.memref_slice %dma_wait3A_106[%add3A_95, %dma_wait3A_107] : memref<126x80xi32, #tpu.memory_space<hbm>> -> memref<1x80xi32, #tpu.memory_space<hbm>>
      %dma_wait3A_109 = tpu.memref_squeeze %dma_wait3A_108 : memref<1x80xi32, #tpu.memory_space<hbm>> -> memref<80xi32, #tpu.memory_space<hbm>>
      tpu.wait_dma2 semaphore(%arg18 : memref<!tpu.dma_semaphore, #tpu.memory_space<semaphore_mem>>) src(%dma_wait3A_109 : memref<80xi32, #tpu.memory_space<hbm>>) dst(%arg8 : memref<80xi32, #tpu.memory_space<vmem>>)
      %add3A_110 = arith.constant 0 : i32
      %add3A_111 = arith.addi %mul3A_94, %add3A_110 : i32
      %dma_wait3A_112 = arith.constant 0 : i32
      %dma_wait3A_113 = tpu.memref_slice %arg7[%add3A_111, %dma_wait3A_112] : memref<126x80xi32, #tpu.memory_space<vmem>> -> memref<1x80xi32, #tpu.memory_space<vmem>>
      %dma_wait3A_114 = tpu.memref_squeeze %dma_wait3A_113 : memref<1x80xi32, #tpu.memory_space<vmem>> -> memref<80xi32, #tpu.memory_space<vmem>>
      %dma_wait3A_115 = arith.constant 0 : i32
      %dma_wait3A_116 = arith.constant 0 : i32
      %dma_wait3A_117 = tpu.memref_slice %arg2[%arg0, %dma_wait3A_115, %dma_wait3A_116] : memref<2x10240x128xf32, #tpu.memory_space<hbm>> -> memref<1x10240x128xf32, #tpu.memory_space<hbm>>
      %dma_wait3A_118 = tpu.memref_squeeze %dma_wait3A_117 : memref<1x10240x128xf32, #tpu.memory_space<hbm>> -> memref<10240x128xf32, #tpu.memory_space<hbm>>
      %dma_wait3A_119 = arith.constant 0 : i32
      %dma_wait3A_120 = arith.constant 0 : i32
      %dma_wait3A_121 = tpu.memref_slice %dma_wait3A_118[%dma_wait3A_119, %dma_wait3A_120] : memref<10240x128xf32, #tpu.memory_space<hbm>> -> memref<10240x128xf32, #tpu.memory_space<hbm>>
      tpu.wait_indirect_dma semaphore(%arg15 : memref<!tpu.dma_semaphore, #tpu.memory_space<semaphore_mem>>) src(%dma_wait3A_121 : memref<10240x128xf32, #tpu.memory_space<hbm>>) dst(%arg11 : memref<80x128xf32, #tpu.memory_space<vmem>>)
      %dma_start3A_122 = arith.constant 0 : i32
      %dma_start3A_123 = arith.constant 0 : i32
      %dma_start3A_124 = tpu.memref_slice %arg14[%dma_start3A_122, %dma_start3A_123] : memref<10240x128xf32, #tpu.memory_space<vmem_shared>> -> memref<10240x128xf32, #tpu.memory_space<vmem_shared>>
      tpu.enqueue_indirect_dma source(%arg11 : memref<80x128xf32, #tpu.memory_space<vmem>>) target(%dma_start3A_124 : memref<10240x128xf32, #tpu.memory_space<vmem_shared>>) offsets(%arg8 : memref<80xi32, #tpu.memory_space<vmem>>) semaphore(%arg21 : memref<!tpu.dma_semaphore, #tpu.memory_space<semaphore_mem>>) {add = true}
      %add3A_125 = arith.constant 1 : i32
      %add3A_126 = arith.addi %mul3A_94, %add3A_125 : i32
      %dma_wait3A_127 = arith.constant 0 : i32
      %dma_wait3A_128 = arith.constant 0 : i32
      %dma_wait3A_129 = tpu.memref_slice %arg4[%arg1, %dma_wait3A_127, %dma_wait3A_128] : memref<16x126x80xi32, #tpu.memory_space<hbm>> -> memref<1x126x80xi32, #tpu.memory_space<hbm>>
      %dma_wait3A_130 = tpu.memref_squeeze %dma_wait3A_129 : memref<1x126x80xi32, #tpu.memory_space<hbm>> -> memref<126x80xi32, #tpu.memory_space<hbm>>
      %dma_wait3A_131 = arith.constant 0 : i32
      %dma_wait3A_132 = tpu.memref_slice %dma_wait3A_130[%add3A_126, %dma_wait3A_131] : memref<126x80xi32, #tpu.memory_space<hbm>> -> memref<1x80xi32, #tpu.memory_space<hbm>>
      %dma_wait3A_133 = tpu.memref_squeeze %dma_wait3A_132 : memref<1x80xi32, #tpu.memory_space<hbm>> -> memref<80xi32, #tpu.memory_space<hbm>>
      %dma_wait3A_134 = arith.constant 0 : i32
      %dma_wait3A_135 = arith.constant 0 : i32
      %dma_wait3A_136 = tpu.memref_slice %arg4[%arg1, %dma_wait3A_134, %dma_wait3A_135] : memref<16x126x80xi32, #tpu.memory_space<hbm>> -> memref<1x126x80xi32, #tpu.memory_space<hbm>>
      %dma_wait3A_137 = tpu.memref_squeeze %dma_wait3A_136 : memref<1x126x80xi32, #tpu.memory_space<hbm>> -> memref<126x80xi32, #tpu.memory_space<hbm>>
      %dma_wait3A_138 = arith.constant 0 : i32
      %dma_wait3A_139 = tpu.memref_slice %dma_wait3A_137[%add3A_126, %dma_wait3A_138] : memref<126x80xi32, #tpu.memory_space<hbm>> -> memref<1x80xi32, #tpu.memory_space<hbm>>
      %dma_wait3A_140 = tpu.memref_squeeze %dma_wait3A_139 : memref<1x80xi32, #tpu.memory_space<hbm>> -> memref<80xi32, #tpu.memory_space<hbm>>
      tpu.wait_dma2 semaphore(%arg19 : memref<!tpu.dma_semaphore, #tpu.memory_space<semaphore_mem>>) src(%dma_wait3A_140 : memref<80xi32, #tpu.memory_space<hbm>>) dst(%arg9 : memref<80xi32, #tpu.memory_space<vmem>>)
      %add3A_141 = arith.constant 1 : i32
      %add3A_142 = arith.addi %mul3A_94, %add3A_141 : i32
      %dma_wait3A_143 = arith.constant 0 : i32
      %dma_wait3A_144 = tpu.memref_slice %arg7[%add3A_142, %dma_wait3A_143] : memref<126x80xi32, #tpu.memory_space<vmem>> -> memref<1x80xi32, #tpu.memory_space<vmem>>
      %dma_wait3A_145 = tpu.memref_squeeze %dma_wait3A_144 : memref<1x80xi32, #tpu.memory_space<vmem>> -> memref<80xi32, #tpu.memory_space<vmem>>
      %dma_wait3A_146 = arith.constant 0 : i32
      %dma_wait3A_147 = arith.constant 0 : i32
      %dma_wait3A_148 = tpu.memref_slice %arg2[%arg0, %dma_wait3A_146, %dma_wait3A_147] : memref<2x10240x128xf32, #tpu.memory_space<hbm>> -> memref<1x10240x128xf32, #tpu.memory_space<hbm>>
      %dma_wait3A_149 = tpu.memref_squeeze %dma_wait3A_148 : memref<1x10240x128xf32, #tpu.memory_space<hbm>> -> memref<10240x128xf32, #tpu.memory_space<hbm>>
      %dma_wait3A_150 = arith.constant 0 : i32
      %dma_wait3A_151 = arith.constant 0 : i32
      %dma_wait3A_152 = tpu.memref_slice %dma_wait3A_149[%dma_wait3A_150, %dma_wait3A_151] : memref<10240x128xf32, #tpu.memory_space<hbm>> -> memref<10240x128xf32, #tpu.memory_space<hbm>>
      tpu.wait_indirect_dma semaphore(%arg16 : memref<!tpu.dma_semaphore, #tpu.memory_space<semaphore_mem>>) src(%dma_wait3A_152 : memref<10240x128xf32, #tpu.memory_space<hbm>>) dst(%arg12 : memref<80x128xf32, #tpu.memory_space<vmem>>)
      %dma_start3A_153 = arith.constant 0 : i32
      %dma_start3A_154 = arith.constant 0 : i32
      %dma_start3A_155 = tpu.memref_slice %arg14[%dma_start3A_153, %dma_start3A_154] : memref<10240x128xf32, #tpu.memory_space<vmem_shared>> -> memref<10240x128xf32, #tpu.memory_space<vmem_shared>>
      tpu.enqueue_indirect_dma source(%arg12 : memref<80x128xf32, #tpu.memory_space<vmem>>) target(%dma_start3A_155 : memref<10240x128xf32, #tpu.memory_space<vmem_shared>>) offsets(%arg9 : memref<80xi32, #tpu.memory_space<vmem>>) semaphore(%arg22 : memref<!tpu.dma_semaphore, #tpu.memory_space<semaphore_mem>>) {add = true}
      %add3A_156 = arith.constant 2 : i32
      %add3A_157 = arith.addi %mul3A_94, %add3A_156 : i32
      %dma_wait3A_158 = arith.constant 0 : i32
      %dma_wait3A_159 = arith.constant 0 : i32
      %dma_wait3A_160 = tpu.memref_slice %arg4[%arg1, %dma_wait3A_158, %dma_wait3A_159] : memref<16x126x80xi32, #tpu.memory_space<hbm>> -> memref<1x126x80xi32, #tpu.memory_space<hbm>>
      %dma_wait3A_161 = tpu.memref_squeeze %dma_wait3A_160 : memref<1x126x80xi32, #tpu.memory_space<hbm>> -> memref<126x80xi32, #tpu.memory_space<hbm>>
      %dma_wait3A_162 = arith.constant 0 : i32
      %dma_wait3A_163 = tpu.memref_slice %dma_wait3A_161[%add3A_157, %dma_wait3A_162] : memref<126x80xi32, #tpu.memory_space<hbm>> -> memref<1x80xi32, #tpu.memory_space<hbm>>
      %dma_wait3A_164 = tpu.memref_squeeze %dma_wait3A_163 : memref<1x80xi32, #tpu.memory_space<hbm>> -> memref<80xi32, #tpu.memory_space<hbm>>
      %dma_wait3A_165 = arith.constant 0 : i32
      %dma_wait3A_166 = arith.constant 0 : i32
      %dma_wait3A_167 = tpu.memref_slice %arg4[%arg1, %dma_wait3A_165, %dma_wait3A_166] : memref<16x126x80xi32, #tpu.memory_space<hbm>> -> memref<1x126x80xi32, #tpu.memory_space<hbm>>
      %dma_wait3A_168 = tpu.memref_squeeze %dma_wait3A_167 : memref<1x126x80xi32, #tpu.memory_space<hbm>> -> memref<126x80xi32, #tpu.memory_space<hbm>>
      %dma_wait3A_169 = arith.constant 0 : i32
      %dma_wait3A_170 = tpu.memref_slice %dma_wait3A_168[%add3A_157, %dma_wait3A_169] : memref<126x80xi32, #tpu.memory_space<hbm>> -> memref<1x80xi32, #tpu.memory_space<hbm>>
      %dma_wait3A_171 = tpu.memref_squeeze %dma_wait3A_170 : memref<1x80xi32, #tpu.memory_space<hbm>> -> memref<80xi32, #tpu.memory_space<hbm>>
      tpu.wait_dma2 semaphore(%arg20 : memref<!tpu.dma_semaphore, #tpu.memory_space<semaphore_mem>>) src(%dma_wait3A_171 : memref<80xi32, #tpu.memory_space<hbm>>) dst(%arg10 : memref<80xi32, #tpu.memory_space<vmem>>)
      %add3A_172 = arith.constant 2 : i32
      %add3A_173 = arith.addi %mul3A_94, %add3A_172 : i32
      %dma_wait3A_174 = arith.constant 0 : i32
      %dma_wait3A_175 = tpu.memref_slice %arg7[%add3A_173, %dma_wait3A_174] : memref<126x80xi32, #tpu.memory_space<vmem>> -> memref<1x80xi32, #tpu.memory_space<vmem>>
      %dma_wait3A_176 = tpu.memref_squeeze %dma_wait3A_175 : memref<1x80xi32, #tpu.memory_space<vmem>> -> memref<80xi32, #tpu.memory_space<vmem>>
      %dma_wait3A_177 = arith.constant 0 : i32
      %dma_wait3A_178 = arith.constant 0 : i32
      %dma_wait3A_179 = tpu.memref_slice %arg2[%arg0, %dma_wait3A_177, %dma_wait3A_178] : memref<2x10240x128xf32, #tpu.memory_space<hbm>> -> memref<1x10240x128xf32, #tpu.memory_space<hbm>>
      %dma_wait3A_180 = tpu.memref_squeeze %dma_wait3A_179 : memref<1x10240x128xf32, #tpu.memory_space<hbm>> -> memref<10240x128xf32, #tpu.memory_space<hbm>>
      %dma_wait3A_181 = arith.constant 0 : i32
      %dma_wait3A_182 = arith.constant 0 : i32
      %dma_wait3A_183 = tpu.memref_slice %dma_wait3A_180[%dma_wait3A_181, %dma_wait3A_182] : memref<10240x128xf32, #tpu.memory_space<hbm>> -> memref<10240x128xf32, #tpu.memory_space<hbm>>
      tpu.wait_indirect_dma semaphore(%arg17 : memref<!tpu.dma_semaphore, #tpu.memory_space<semaphore_mem>>) src(%dma_wait3A_183 : memref<10240x128xf32, #tpu.memory_space<hbm>>) dst(%arg13 : memref<80x128xf32, #tpu.memory_space<vmem>>)
      %dma_start3A_184 = arith.constant 0 : i32
      %dma_start3A_185 = arith.constant 0 : i32
      %dma_start3A_186 = tpu.memref_slice %arg14[%dma_start3A_184, %dma_start3A_185] : memref<10240x128xf32, #tpu.memory_space<vmem_shared>> -> memref<10240x128xf32, #tpu.memory_space<vmem_shared>>
      tpu.enqueue_indirect_dma source(%arg13 : memref<80x128xf32, #tpu.memory_space<vmem>>) target(%dma_start3A_186 : memref<10240x128xf32, #tpu.memory_space<vmem_shared>>) offsets(%arg10 : memref<80xi32, #tpu.memory_space<vmem>>) semaphore(%arg23 : memref<!tpu.dma_semaphore, #tpu.memory_space<semaphore_mem>>) {add = true}
      %lt3A = arith.constant 41 : i32
      %lt3A_187 = arith.cmpi slt, %scan3A_92, %lt3A : i32
      %convert_element_type3A = arith.extui %lt3A_187 : i1 to i32
      %cond3A = arith.constant 0 : i32
      %cond3A_188 = arith.cmpi ne, %convert_element_type3A, %cond3A : i32
      scf.if %cond3A_188 {
        %dma_wait3A_189 = arith.constant 0 : i32
        %dma_wait3A_190 = arith.constant 0 : i32
        %dma_wait3A_191 = tpu.memref_slice %arg14[%dma_wait3A_189, %dma_wait3A_190] : memref<10240x128xf32, #tpu.memory_space<vmem_shared>> -> memref<10240x128xf32, #tpu.memory_space<vmem_shared>>
        tpu.wait_indirect_dma semaphore(%arg21 : memref<!tpu.dma_semaphore, #tpu.memory_space<semaphore_mem>>) src(%arg11 : memref<80x128xf32, #tpu.memory_space<vmem>>) dst(%dma_wait3A_191 : memref<10240x128xf32, #tpu.memory_space<vmem_shared>>)
        %add3A_192 = arith.constant 3 : i32
        %add3A_193 = arith.addi %mul3A_94, %add3A_192 : i32
        %add3A_194 = arith.constant 0 : i32
        %add3A_195 = arith.addi %add3A_193, %add3A_194 : i32
        %dma_start3A_196 = arith.constant 0 : i32
        %dma_start3A_197 = arith.constant 0 : i32
        %dma_start3A_198 = tpu.memref_slice %arg4[%arg1, %dma_start3A_196, %dma_start3A_197] : memref<16x126x80xi32, #tpu.memory_space<hbm>> -> memref<1x126x80xi32, #tpu.memory_space<hbm>>
        %dma_start3A_199 = tpu.memref_squeeze %dma_start3A_198 : memref<1x126x80xi32, #tpu.memory_space<hbm>> -> memref<126x80xi32, #tpu.memory_space<hbm>>
        %dma_start3A_200 = arith.constant 0 : i32
        %dma_start3A_201 = tpu.memref_slice %dma_start3A_199[%add3A_195, %dma_start3A_200] : memref<126x80xi32, #tpu.memory_space<hbm>> -> memref<1x80xi32, #tpu.memory_space<hbm>>
        %dma_start3A_202 = tpu.memref_squeeze %dma_start3A_201 : memref<1x80xi32, #tpu.memory_space<hbm>> -> memref<80xi32, #tpu.memory_space<hbm>>
        %dma_start3A_203 = arith.constant 0 : i32
        %dma_start3A_204 = arith.constant 0 : i32
        %dma_start3A_205 = tpu.memref_slice %arg4[%arg1, %dma_start3A_203, %dma_start3A_204] : memref<16x126x80xi32, #tpu.memory_space<hbm>> -> memref<1x126x80xi32, #tpu.memory_space<hbm>>
        %dma_start3A_206 = tpu.memref_squeeze %dma_start3A_205 : memref<1x126x80xi32, #tpu.memory_space<hbm>> -> memref<126x80xi32, #tpu.memory_space<hbm>>
        %dma_start3A_207 = arith.constant 0 : i32
        %dma_start3A_208 = tpu.memref_slice %dma_start3A_206[%add3A_195, %dma_start3A_207] : memref<126x80xi32, #tpu.memory_space<hbm>> -> memref<1x80xi32, #tpu.memory_space<hbm>>
        %dma_start3A_209 = tpu.memref_squeeze %dma_start3A_208 : memref<1x80xi32, #tpu.memory_space<hbm>> -> memref<80xi32, #tpu.memory_space<hbm>>
        tpu.enqueue_dma source(%dma_start3A_209 : memref<80xi32, #tpu.memory_space<hbm>>) target(%arg8 : memref<80xi32, #tpu.memory_space<vmem>>) target_semaphore(%arg18 : memref<!tpu.dma_semaphore, #tpu.memory_space<semaphore_mem>>)
        %add3A_210 = arith.constant 3 : i32
        %add3A_211 = arith.addi %mul3A_94, %add3A_210 : i32
        %add3A_212 = arith.constant 0 : i32
        %add3A_213 = arith.addi %add3A_211, %add3A_212 : i32
        %dma_start3A_214 = arith.constant 0 : i32
        %dma_start3A_215 = tpu.memref_slice %arg7[%add3A_213, %dma_start3A_214] : memref<126x80xi32, #tpu.memory_space<vmem>> -> memref<1x80xi32, #tpu.memory_space<vmem>>
        %dma_start3A_216 = tpu.memref_squeeze %dma_start3A_215 : memref<1x80xi32, #tpu.memory_space<vmem>> -> memref<80xi32, #tpu.memory_space<vmem>>
        %dma_start3A_217 = arith.constant 0 : i32
        %dma_start3A_218 = arith.constant 0 : i32
        %dma_start3A_219 = tpu.memref_slice %arg2[%arg0, %dma_start3A_217, %dma_start3A_218] : memref<2x10240x128xf32, #tpu.memory_space<hbm>> -> memref<1x10240x128xf32, #tpu.memory_space<hbm>>
        %dma_start3A_220 = tpu.memref_squeeze %dma_start3A_219 : memref<1x10240x128xf32, #tpu.memory_space<hbm>> -> memref<10240x128xf32, #tpu.memory_space<hbm>>
        %dma_start3A_221 = arith.constant 0 : i32
        %dma_start3A_222 = arith.constant 0 : i32
        %dma_start3A_223 = tpu.memref_slice %dma_start3A_220[%dma_start3A_221, %dma_start3A_222] : memref<10240x128xf32, #tpu.memory_space<hbm>> -> memref<10240x128xf32, #tpu.memory_space<hbm>>
        tpu.enqueue_indirect_dma source(%dma_start3A_223 : memref<10240x128xf32, #tpu.memory_space<hbm>>) target(%arg11 : memref<80x128xf32, #tpu.memory_space<vmem>>) offsets(%dma_start3A_216 : memref<80xi32, #tpu.memory_space<vmem>>) semaphore(%arg15 : memref<!tpu.dma_semaphore, #tpu.memory_space<semaphore_mem>>)
        %dma_wait3A_224 = arith.constant 0 : i32
        %dma_wait3A_225 = arith.constant 0 : i32
        %dma_wait3A_226 = tpu.memref_slice %arg14[%dma_wait3A_224, %dma_wait3A_225] : memref<10240x128xf32, #tpu.memory_space<vmem_shared>> -> memref<10240x128xf32, #tpu.memory_space<vmem_shared>>
        tpu.wait_indirect_dma semaphore(%arg22 : memref<!tpu.dma_semaphore, #tpu.memory_space<semaphore_mem>>) src(%arg12 : memref<80x128xf32, #tpu.memory_space<vmem>>) dst(%dma_wait3A_226 : memref<10240x128xf32, #tpu.memory_space<vmem_shared>>)
        %add3A_227 = arith.constant 3 : i32
        %add3A_228 = arith.addi %mul3A_94, %add3A_227 : i32
        %add3A_229 = arith.constant 1 : i32
        %add3A_230 = arith.addi %add3A_228, %add3A_229 : i32
        %dma_start3A_231 = arith.constant 0 : i32
        %dma_start3A_232 = arith.constant 0 : i32
        %dma_start3A_233 = tpu.memref_slice %arg4[%arg1, %dma_start3A_231, %dma_start3A_232] : memref<16x126x80xi32, #tpu.memory_space<hbm>> -> memref<1x126x80xi32, #tpu.memory_space<hbm>>
        %dma_start3A_234 = tpu.memref_squeeze %dma_start3A_233 : memref<1x126x80xi32, #tpu.memory_space<hbm>> -> memref<126x80xi32, #tpu.memory_space<hbm>>
        %dma_start3A_235 = arith.constant 0 : i32
        %dma_start3A_236 = tpu.memref_slice %dma_start3A_234[%add3A_230, %dma_start3A_235] : memref<126x80xi32, #tpu.memory_space<hbm>> -> memref<1x80xi32, #tpu.memory_space<hbm>>
        %dma_start3A_237 = tpu.memref_squeeze %dma_start3A_236 : memref<1x80xi32, #tpu.memory_space<hbm>> -> memref<80xi32, #tpu.memory_space<hbm>>
        %dma_start3A_238 = arith.constant 0 : i32
        %dma_start3A_239 = arith.constant 0 : i32
        %dma_start3A_240 = tpu.memref_slice %arg4[%arg1, %dma_start3A_238, %dma_start3A_239] : memref<16x126x80xi32, #tpu.memory_space<hbm>> -> memref<1x126x80xi32, #tpu.memory_space<hbm>>
        %dma_start3A_241 = tpu.memref_squeeze %dma_start3A_240 : memref<1x126x80xi32, #tpu.memory_space<hbm>> -> memref<126x80xi32, #tpu.memory_space<hbm>>
        %dma_start3A_242 = arith.constant 0 : i32
        %dma_start3A_243 = tpu.memref_slice %dma_start3A_241[%add3A_230, %dma_start3A_242] : memref<126x80xi32, #tpu.memory_space<hbm>> -> memref<1x80xi32, #tpu.memory_space<hbm>>
        %dma_start3A_244 = tpu.memref_squeeze %dma_start3A_243 : memref<1x80xi32, #tpu.memory_space<hbm>> -> memref<80xi32, #tpu.memory_space<hbm>>
        tpu.enqueue_dma source(%dma_start3A_244 : memref<80xi32, #tpu.memory_space<hbm>>) target(%arg9 : memref<80xi32, #tpu.memory_space<vmem>>) target_semaphore(%arg19 : memref<!tpu.dma_semaphore, #tpu.memory_space<semaphore_mem>>)
        %add3A_245 = arith.constant 3 : i32
        %add3A_246 = arith.addi %mul3A_94, %add3A_245 : i32
        %add3A_247 = arith.constant 1 : i32
        %add3A_248 = arith.addi %add3A_246, %add3A_247 : i32
        %dma_start3A_249 = arith.constant 0 : i32
        %dma_start3A_250 = tpu.memref_slice %arg7[%add3A_248, %dma_start3A_249] : memref<126x80xi32, #tpu.memory_space<vmem>> -> memref<1x80xi32, #tpu.memory_space<vmem>>
        %dma_start3A_251 = tpu.memref_squeeze %dma_start3A_250 : memref<1x80xi32, #tpu.memory_space<vmem>> -> memref<80xi32, #tpu.memory_space<vmem>>
        %dma_start3A_252 = arith.constant 0 : i32
        %dma_start3A_253 = arith.constant 0 : i32
        %dma_start3A_254 = tpu.memref_slice %arg2[%arg0, %dma_start3A_252, %dma_start3A_253] : memref<2x10240x128xf32, #tpu.memory_space<hbm>> -> memref<1x10240x128xf32, #tpu.memory_space<hbm>>
        %dma_start3A_255 = tpu.memref_squeeze %dma_start3A_254 : memref<1x10240x128xf32, #tpu.memory_space<hbm>> -> memref<10240x128xf32, #tpu.memory_space<hbm>>
        %dma_start3A_256 = arith.constant 0 : i32
        %dma_start3A_257 = arith.constant 0 : i32
        %dma_start3A_258 = tpu.memref_slice %dma_start3A_255[%dma_start3A_256, %dma_start3A_257] : memref<10240x128xf32, #tpu.memory_space<hbm>> -> memref<10240x128xf32, #tpu.memory_space<hbm>>
        tpu.enqueue_indirect_dma source(%dma_start3A_258 : memref<10240x128xf32, #tpu.memory_space<hbm>>) target(%arg12 : memref<80x128xf32, #tpu.memory_space<vmem>>) offsets(%dma_start3A_251 : memref<80xi32, #tpu.memory_space<vmem>>) semaphore(%arg16 : memref<!tpu.dma_semaphore, #tpu.memory_space<semaphore_mem>>)
        %dma_wait3A_259 = arith.constant 0 : i32
        %dma_wait3A_260 = arith.constant 0 : i32
        %dma_wait3A_261 = tpu.memref_slice %arg14[%dma_wait3A_259, %dma_wait3A_260] : memref<10240x128xf32, #tpu.memory_space<vmem_shared>> -> memref<10240x128xf32, #tpu.memory_space<vmem_shared>>
        tpu.wait_indirect_dma semaphore(%arg23 : memref<!tpu.dma_semaphore, #tpu.memory_space<semaphore_mem>>) src(%arg13 : memref<80x128xf32, #tpu.memory_space<vmem>>) dst(%dma_wait3A_261 : memref<10240x128xf32, #tpu.memory_space<vmem_shared>>)
        %add3A_262 = arith.constant 3 : i32
        %add3A_263 = arith.addi %mul3A_94, %add3A_262 : i32
        %add3A_264 = arith.constant 2 : i32
        %add3A_265 = arith.addi %add3A_263, %add3A_264 : i32
        %dma_start3A_266 = arith.constant 0 : i32
        %dma_start3A_267 = arith.constant 0 : i32
        %dma_start3A_268 = tpu.memref_slice %arg4[%arg1, %dma_start3A_266, %dma_start3A_267] : memref<16x126x80xi32, #tpu.memory_space<hbm>> -> memref<1x126x80xi32, #tpu.memory_space<hbm>>
        %dma_start3A_269 = tpu.memref_squeeze %dma_start3A_268 : memref<1x126x80xi32, #tpu.memory_space<hbm>> -> memref<126x80xi32, #tpu.memory_space<hbm>>
        %dma_start3A_270 = arith.constant 0 : i32
        %dma_start3A_271 = tpu.memref_slice %dma_start3A_269[%add3A_265, %dma_start3A_270] : memref<126x80xi32, #tpu.memory_space<hbm>> -> memref<1x80xi32, #tpu.memory_space<hbm>>
        %dma_start3A_272 = tpu.memref_squeeze %dma_start3A_271 : memref<1x80xi32, #tpu.memory_space<hbm>> -> memref<80xi32, #tpu.memory_space<hbm>>
        %dma_start3A_273 = arith.constant 0 : i32
        %dma_start3A_274 = arith.constant 0 : i32
        %dma_start3A_275 = tpu.memref_slice %arg4[%arg1, %dma_start3A_273, %dma_start3A_274] : memref<16x126x80xi32, #tpu.memory_space<hbm>> -> memref<1x126x80xi32, #tpu.memory_space<hbm>>
        %dma_start3A_276 = tpu.memref_squeeze %dma_start3A_275 : memref<1x126x80xi32, #tpu.memory_space<hbm>> -> memref<126x80xi32, #tpu.memory_space<hbm>>
        %dma_start3A_277 = arith.constant 0 : i32
        %dma_start3A_278 = tpu.memref_slice %dma_start3A_276[%add3A_265, %dma_start3A_277] : memref<126x80xi32, #tpu.memory_space<hbm>> -> memref<1x80xi32, #tpu.memory_space<hbm>>
        %dma_start3A_279 = tpu.memref_squeeze %dma_start3A_278 : memref<1x80xi32, #tpu.memory_space<hbm>> -> memref<80xi32, #tpu.memory_space<hbm>>
        tpu.enqueue_dma source(%dma_start3A_279 : memref<80xi32, #tpu.memory_space<hbm>>) target(%arg10 : memref<80xi32, #tpu.memory_space<vmem>>) target_semaphore(%arg20 : memref<!tpu.dma_semaphore, #tpu.memory_space<semaphore_mem>>)
        %add3A_280 = arith.constant 3 : i32
        %add3A_281 = arith.addi %mul3A_94, %add3A_280 : i32
        %add3A_282 = arith.constant 2 : i32
        %add3A_283 = arith.addi %add3A_281, %add3A_282 : i32
        %dma_start3A_284 = arith.constant 0 : i32
        %dma_start3A_285 = tpu.memref_slice %arg7[%add3A_283, %dma_start3A_284] : memref<126x80xi32, #tpu.memory_space<vmem>> -> memref<1x80xi32, #tpu.memory_space<vmem>>
        %dma_start3A_286 = tpu.memref_squeeze %dma_start3A_285 : memref<1x80xi32, #tpu.memory_space<vmem>> -> memref<80xi32, #tpu.memory_space<vmem>>
        %dma_start3A_287 = arith.constant 0 : i32
        %dma_start3A_288 = arith.constant 0 : i32
        %dma_start3A_289 = tpu.memref_slice %arg2[%arg0, %dma_start3A_287, %dma_start3A_288] : memref<2x10240x128xf32, #tpu.memory_space<hbm>> -> memref<1x10240x128xf32, #tpu.memory_space<hbm>>
        %dma_start3A_290 = tpu.memref_squeeze %dma_start3A_289 : memref<1x10240x128xf32, #tpu.memory_space<hbm>> -> memref<10240x128xf32, #tpu.memory_space<hbm>>
        %dma_start3A_291 = arith.constant 0 : i32
        %dma_start3A_292 = arith.constant 0 : i32
        %dma_start3A_293 = tpu.memref_slice %dma_start3A_290[%dma_start3A_291, %dma_start3A_292] : memref<10240x128xf32, #tpu.memory_space<hbm>> -> memref<10240x128xf32, #tpu.memory_space<hbm>>
        tpu.enqueue_indirect_dma source(%dma_start3A_293 : memref<10240x128xf32, #tpu.memory_space<hbm>>) target(%arg13 : memref<80x128xf32, #tpu.memory_space<vmem>>) offsets(%dma_start3A_286 : memref<80xi32, #tpu.memory_space<vmem>>) semaphore(%arg17 : memref<!tpu.dma_semaphore, #tpu.memory_space<semaphore_mem>>)
      } else {
      }
    }
    %scan3A_82 = arith.constant 42 : i32
    %dma_wait3A = arith.constant 0 : i32
    %dma_wait3A_83 = arith.constant 0 : i32
    %dma_wait3A_84 = tpu.memref_slice %arg14[%dma_wait3A, %dma_wait3A_83] : memref<10240x128xf32, #tpu.memory_space<vmem_shared>> -> memref<10240x128xf32, #tpu.memory_space<vmem_shared>>
    tpu.wait_indirect_dma semaphore(%arg21 : memref<!tpu.dma_semaphore, #tpu.memory_space<semaphore_mem>>) src(%arg11 : memref<80x128xf32, #tpu.memory_space<vmem>>) dst(%dma_wait3A_84 : memref<10240x128xf32, #tpu.memory_space<vmem_shared>>)
    %dma_wait3A_85 = arith.constant 0 : i32
    %dma_wait3A_86 = arith.constant 0 : i32
    %dma_wait3A_87 = tpu.memref_slice %arg14[%dma_wait3A_85, %dma_wait3A_86] : memref<10240x128xf32, #tpu.memory_space<vmem_shared>> -> memref<10240x128xf32, #tpu.memory_space<vmem_shared>>
    tpu.wait_indirect_dma semaphore(%arg22 : memref<!tpu.dma_semaphore, #tpu.memory_space<semaphore_mem>>) src(%arg12 : memref<80x128xf32, #tpu.memory_space<vmem>>) dst(%dma_wait3A_87 : memref<10240x128xf32, #tpu.memory_space<vmem_shared>>)
    %dma_wait3A_88 = arith.constant 0 : i32
    %dma_wait3A_89 = arith.constant 0 : i32
    %dma_wait3A_90 = tpu.memref_slice %arg14[%dma_wait3A_88, %dma_wait3A_89] : memref<10240x128xf32, #tpu.memory_space<vmem_shared>> -> memref<10240x128xf32, #tpu.memory_space<vmem_shared>>
    tpu.wait_indirect_dma semaphore(%arg23 : memref<!tpu.dma_semaphore, #tpu.memory_space<semaphore_mem>>) src(%arg13 : memref<80x128xf32, #tpu.memory_space<vmem>>) dst(%dma_wait3A_90 : memref<10240x128xf32, #tpu.memory_space<vmem_shared>>)
    %barrier3A_91 = arith.constant 0 : index
    tpu.barrier barrier_id(%barrier3A_91)
    "tpu.region"() ({
      %run_scoped3A = tpu.sem_alloc : memref<!tpu.dma_semaphore, #tpu.memory_space<semaphore_mem>>
      %dma_start3A_92 = arith.constant 0 : i32
      %dma_start3A_93 = arith.constant 0 : i32
      %dma_start3A_94 = tpu.memref_slice %arg6[%arg0, %dma_start3A_92, %dma_start3A_93] : memref<2x10240x128xf32, #tpu.memory_space<hbm>> -> memref<1x10240x128xf32, #tpu.memory_space<hbm>>
      %dma_start3A_95 = tpu.memref_squeeze %dma_start3A_94 : memref<1x10240x128xf32, #tpu.memory_space<hbm>> -> memref<10240x128xf32, #tpu.memory_space<hbm>>
      %dma_start3A_96 = arith.constant 0 : i32
      %dma_start3A_97 = tpu.memref_slice %dma_start3A_95[%mul3A_0, %dma_start3A_96] : memref<10240x128xf32, #tpu.memory_space<hbm>> -> memref<640x128xf32, #tpu.memory_space<hbm>>
      %dma_start3A_98 = arith.constant 0 : i32
      %dma_start3A_99 = tpu.memref_slice %arg14[%mul3A_0, %dma_start3A_98] : memref<10240x128xf32, #tpu.memory_space<vmem_shared>> -> memref<640x128xf32, #tpu.memory_space<vmem_shared>>
      tpu.enqueue_dma source(%dma_start3A_99 : memref<640x128xf32, #tpu.memory_space<vmem_shared>>) target(%dma_start3A_97 : memref<640x128xf32, #tpu.memory_space<hbm>>) target_semaphore(%run_scoped3A : memref<!tpu.dma_semaphore, #tpu.memory_space<semaphore_mem>>)
      %dma_wait3A_100 = arith.constant 0 : i32
      %dma_wait3A_101 = arith.constant 0 : i32
      %dma_wait3A_102 = tpu.memref_slice %arg6[%arg0, %dma_wait3A_100, %dma_wait3A_101] : memref<2x10240x128xf32, #tpu.memory_space<hbm>> -> memref<1x10240x128xf32, #tpu.memory_space<hbm>>
      %dma_wait3A_103 = tpu.memref_squeeze %dma_wait3A_102 : memref<1x10240x128xf32, #tpu.memory_space<hbm>> -> memref<10240x128xf32, #tpu.memory_space<hbm>>
      %dma_wait3A_104 = arith.constant 0 : i32
      %dma_wait3A_105 = tpu.memref_slice %dma_wait3A_103[%mul3A_0, %dma_wait3A_104] : memref<10240x128xf32, #tpu.memory_space<hbm>> -> memref<640x128xf32, #tpu.memory_space<hbm>>
      %dma_wait3A_106 = arith.constant 0 : i32
      %dma_wait3A_107 = tpu.memref_slice %arg14[%mul3A_0, %dma_wait3A_106] : memref<10240x128xf32, #tpu.memory_space<vmem_shared>> -> memref<640x128xf32, #tpu.memory_space<vmem_shared>>
      tpu.wait_dma2 semaphore(%run_scoped3A : memref<!tpu.dma_semaphore, #tpu.memory_space<semaphore_mem>>) src(%dma_wait3A_107 : memref<640x128xf32, #tpu.memory_space<vmem_shared>>) dst(%dma_wait3A_105 : memref<640x128xf32, #tpu.memory_space<hbm>>)
      tpu.yield
    }) : () -> ()
    return
  }
}

#map = affine_map<(d0, d1) -> (0, 0, 0)>
#map1 = affine_map<(d0, d1) -> (0, 0)>
module attributes {stable_mosaic.version = 14 : i64} {
  func.func @run(%arg0: i32, %arg1: i32, %arg2: memref<16x80x128xi32, #tpu.memory_space<hbm>>, %arg3: memref<128x128xf32, #tpu.memory_space<hbm>>, %arg4: memref<10240x128xf32, #tpu.memory_space<hbm>>, %arg5: memref<2x10240x128xf32, #tpu.memory_space<hbm>>, %arg6: memref<40x128xi32, #tpu.memory_space<vmem>>, %arg7: memref<128x128xf32, #tpu.memory_space<vmem>>, %arg8: memref<10240x128xf32, #tpu.memory_space<vmem_shared>>, %arg9: memref<!tpu.dma_semaphore, #tpu.memory_space<semaphore_mem>>, %arg10: memref<!tpu.dma_semaphore, #tpu.memory_space<semaphore_mem>>, %arg11: memref<!tpu.dma_semaphore, #tpu.memory_space<semaphore_mem>>, %arg12: memref<!tpu.dma_semaphore, #tpu.memory_space<semaphore_mem>>) attributes {dimension_semantics = [#tpu.dimension_semantics<core_parallel>, #tpu.dimension_semantics<subcore_parallel>], iteration_bounds = array<i64: 2, 16>, scalar_prefetch = 0 : i64, scratch_operands = 7 : i64, tpu.core_type = #tpu.core_type<sc_vector_subcore>, window_params = [{transform_indices = #map}, {transform_indices = #map1}, {transform_indices = #map1}, {transform_indices = #map}]} {
    %mul3A = arith.constant 40 : i32
    %mul3A_0 = arith.muli %arg0, %mul3A : i32
    "tpu.region"() ({
      %run_scoped3A = tpu.sem_alloc : memref<!tpu.dma_semaphore, #tpu.memory_space<semaphore_mem>>
      %dma_start3A = arith.constant 0 : i32
      %dma_start3A_36 = arith.constant 0 : i32
      %dma_start3A_37 = tpu.memref_slice %arg2[%arg1, %dma_start3A, %dma_start3A_36] : memref<16x80x128xi32, #tpu.memory_space<hbm>> -> memref<1x80x128xi32, #tpu.memory_space<hbm>>
      %dma_start3A_38 = tpu.memref_squeeze %dma_start3A_37 : memref<1x80x128xi32, #tpu.memory_space<hbm>> -> memref<80x128xi32, #tpu.memory_space<hbm>>
      %dma_start3A_39 = arith.constant 0 : i32
      %dma_start3A_40 = tpu.memref_slice %dma_start3A_38[%mul3A_0, %dma_start3A_39] : memref<80x128xi32, #tpu.memory_space<hbm>> -> memref<40x128xi32, #tpu.memory_space<hbm>>
      %dma_start3A_41 = arith.constant 0 : i32
      %dma_start3A_42 = arith.constant 0 : i32
      %dma_start3A_43 = tpu.memref_slice %arg2[%arg1, %dma_start3A_41, %dma_start3A_42] : memref<16x80x128xi32, #tpu.memory_space<hbm>> -> memref<1x80x128xi32, #tpu.memory_space<hbm>>
      %dma_start3A_44 = tpu.memref_squeeze %dma_start3A_43 : memref<1x80x128xi32, #tpu.memory_space<hbm>> -> memref<80x128xi32, #tpu.memory_space<hbm>>
      %dma_start3A_45 = arith.constant 0 : i32
      %dma_start3A_46 = tpu.memref_slice %dma_start3A_44[%mul3A_0, %dma_start3A_45] : memref<80x128xi32, #tpu.memory_space<hbm>> -> memref<40x128xi32, #tpu.memory_space<hbm>>
      tpu.enqueue_dma source(%dma_start3A_46 : memref<40x128xi32, #tpu.memory_space<hbm>>) target(%arg6 : memref<40x128xi32, #tpu.memory_space<vmem>>) target_semaphore(%run_scoped3A : memref<!tpu.dma_semaphore, #tpu.memory_space<semaphore_mem>>)
      %dma_wait3A_47 = arith.constant 0 : i32
      %dma_wait3A_48 = arith.constant 0 : i32
      %dma_wait3A_49 = tpu.memref_slice %arg2[%arg1, %dma_wait3A_47, %dma_wait3A_48] : memref<16x80x128xi32, #tpu.memory_space<hbm>> -> memref<1x80x128xi32, #tpu.memory_space<hbm>>
      %dma_wait3A_50 = tpu.memref_squeeze %dma_wait3A_49 : memref<1x80x128xi32, #tpu.memory_space<hbm>> -> memref<80x128xi32, #tpu.memory_space<hbm>>
      %dma_wait3A_51 = arith.constant 0 : i32
      %dma_wait3A_52 = tpu.memref_slice %dma_wait3A_50[%mul3A_0, %dma_wait3A_51] : memref<80x128xi32, #tpu.memory_space<hbm>> -> memref<40x128xi32, #tpu.memory_space<hbm>>
      %dma_wait3A_53 = arith.constant 0 : i32
      %dma_wait3A_54 = arith.constant 0 : i32
      %dma_wait3A_55 = tpu.memref_slice %arg2[%arg1, %dma_wait3A_53, %dma_wait3A_54] : memref<16x80x128xi32, #tpu.memory_space<hbm>> -> memref<1x80x128xi32, #tpu.memory_space<hbm>>
      %dma_wait3A_56 = tpu.memref_squeeze %dma_wait3A_55 : memref<1x80x128xi32, #tpu.memory_space<hbm>> -> memref<80x128xi32, #tpu.memory_space<hbm>>
      %dma_wait3A_57 = arith.constant 0 : i32
      %dma_wait3A_58 = tpu.memref_slice %dma_wait3A_56[%mul3A_0, %dma_wait3A_57] : memref<80x128xi32, #tpu.memory_space<hbm>> -> memref<40x128xi32, #tpu.memory_space<hbm>>
      tpu.wait_dma2 semaphore(%run_scoped3A : memref<!tpu.dma_semaphore, #tpu.memory_space<semaphore_mem>>) src(%dma_wait3A_58 : memref<40x128xi32, #tpu.memory_space<hbm>>) dst(%arg6 : memref<40x128xi32, #tpu.memory_space<vmem>>)
      tpu.yield
    }) : () -> ()
    "tpu.region"() ({
      %run_scoped3A = tpu.sem_alloc : memref<!tpu.dma_semaphore, #tpu.memory_space<semaphore_mem>>
      tpu.enqueue_dma source(%arg3 : memref<128x128xf32, #tpu.memory_space<hbm>>) target(%arg7 : memref<128x128xf32, #tpu.memory_space<vmem>>) target_semaphore(%run_scoped3A : memref<!tpu.dma_semaphore, #tpu.memory_space<semaphore_mem>>)
      tpu.wait_dma2 semaphore(%run_scoped3A : memref<!tpu.dma_semaphore, #tpu.memory_space<semaphore_mem>>) src(%arg3 : memref<128x128xf32, #tpu.memory_space<hbm>>) dst(%arg7 : memref<128x128xf32, #tpu.memory_space<vmem>>)
      tpu.yield
    }) : () -> ()
    %mul3A_1 = arith.constant 640 : i32
    %mul3A_2 = arith.muli %arg1, %mul3A_1 : i32
    "tpu.region"() ({
      %run_scoped3A = tpu.sem_alloc : memref<!tpu.dma_semaphore, #tpu.memory_space<semaphore_mem>>
      %dma_start3A = arith.constant 0 : i32
      %dma_start3A_36 = tpu.memref_slice %arg8[%mul3A_2, %dma_start3A] : memref<10240x128xf32, #tpu.memory_space<vmem_shared>> -> memref<640x128xf32, #tpu.memory_space<vmem_shared>>
      %dma_start3A_37 = arith.constant 0 : i32
      %dma_start3A_38 = tpu.memref_slice %arg4[%mul3A_2, %dma_start3A_37] : memref<10240x128xf32, #tpu.memory_space<hbm>> -> memref<640x128xf32, #tpu.memory_space<hbm>>
      tpu.enqueue_dma source(%dma_start3A_38 : memref<640x128xf32, #tpu.memory_space<hbm>>) target(%dma_start3A_36 : memref<640x128xf32, #tpu.memory_space<vmem_shared>>) target_semaphore(%run_scoped3A : memref<!tpu.dma_semaphore, #tpu.memory_space<semaphore_mem>>)
      %dma_wait3A_39 = arith.constant 0 : i32
      %dma_wait3A_40 = tpu.memref_slice %arg8[%mul3A_2, %dma_wait3A_39] : memref<10240x128xf32, #tpu.memory_space<vmem_shared>> -> memref<640x128xf32, #tpu.memory_space<vmem_shared>>
      %dma_wait3A_41 = arith.constant 0 : i32
      %dma_wait3A_42 = tpu.memref_slice %arg4[%mul3A_2, %dma_wait3A_41] : memref<10240x128xf32, #tpu.memory_space<hbm>> -> memref<640x128xf32, #tpu.memory_space<hbm>>
      tpu.wait_dma2 semaphore(%run_scoped3A : memref<!tpu.dma_semaphore, #tpu.memory_space<semaphore_mem>>) src(%dma_wait3A_42 : memref<640x128xf32, #tpu.memory_space<hbm>>) dst(%dma_wait3A_40 : memref<640x128xf32, #tpu.memory_space<vmem_shared>>)
      tpu.yield
    }) : () -> ()
    %barrier3A = arith.constant 0 : index
    tpu.barrier barrier_id(%barrier3A)
    %scan3A = arith.constant 0 : i32
    %scan3A_3 = arith.constant 0 : i32
    %scan3A_4 = arith.constant 10 : i32
    %scan3A_5 = arith.addi %scan3A_3, %scan3A_4 : i32
    %scan3A_6 = arith.constant 1 : i32
    scf.for %scan3A_36 = %scan3A_3 to %scan3A_5 step %scan3A_6  : i32 {
      %mul3A_37 = arith.constant 4 : i32
      %mul3A_38 = arith.muli %mul3A_37, %scan3A_36 : i32
      %add3A = arith.constant 0 : i32
      %add3A_39 = arith.addi %mul3A_38, %add3A : i32
      %gt3A = arith.constant 0 : i32
      %gt3A_40 = arith.cmpi sgt, %scan3A_36, %gt3A : i32
      %convert_element_type3A = arith.extui %gt3A_40 : i1 to i32
      %cond3A = arith.constant 0 : i32
      %cond3A_41 = arith.cmpi ne, %convert_element_type3A, %cond3A : i32
      scf.if %cond3A_41 {
        %sub3A = arith.constant 4 : i32
        %sub3A_92 = arith.subi %add3A_39, %sub3A : i32
        %dma_wait3A_93 = arith.constant 0 : i32
        %dma_wait3A_94 = tpu.memref_slice %arg6[%sub3A_92, %dma_wait3A_93] : memref<40x128xi32, #tpu.memory_space<vmem>> -> memref<1x128xi32, #tpu.memory_space<vmem>>
        %dma_wait3A_95 = tpu.memref_squeeze %dma_wait3A_94 : memref<1x128xi32, #tpu.memory_space<vmem>> -> memref<128xi32, #tpu.memory_space<vmem>>
        %dma_wait3A_96 = arith.constant 0 : i32
        %dma_wait3A_97 = arith.constant 0 : i32
        %dma_wait3A_98 = tpu.memref_slice %arg8[%dma_wait3A_96, %dma_wait3A_97] : memref<10240x128xf32, #tpu.memory_space<vmem_shared>> -> memref<10240x128xf32, #tpu.memory_space<vmem_shared>>
        tpu.wait_indirect_dma semaphore(%arg9 : memref<!tpu.dma_semaphore, #tpu.memory_space<semaphore_mem>>) src(%arg7 : memref<128x128xf32, #tpu.memory_space<vmem>>) dst(%dma_wait3A_98 : memref<10240x128xf32, #tpu.memory_space<vmem_shared>>)
      } else {
      }
      %dma_start3A = arith.constant 0 : i32
      %dma_start3A_42 = tpu.memref_slice %arg6[%add3A_39, %dma_start3A] : memref<40x128xi32, #tpu.memory_space<vmem>> -> memref<1x128xi32, #tpu.memory_space<vmem>>
      %dma_start3A_43 = tpu.memref_squeeze %dma_start3A_42 : memref<1x128xi32, #tpu.memory_space<vmem>> -> memref<128xi32, #tpu.memory_space<vmem>>
      %dma_start3A_44 = arith.constant 0 : i32
      %dma_start3A_45 = arith.constant 0 : i32
      %dma_start3A_46 = tpu.memref_slice %arg8[%dma_start3A_44, %dma_start3A_45] : memref<10240x128xf32, #tpu.memory_space<vmem_shared>> -> memref<10240x128xf32, #tpu.memory_space<vmem_shared>>
      tpu.enqueue_indirect_dma source(%arg7 : memref<128x128xf32, #tpu.memory_space<vmem>>) target(%dma_start3A_46 : memref<10240x128xf32, #tpu.memory_space<vmem_shared>>) offsets(%dma_start3A_43 : memref<128xi32, #tpu.memory_space<vmem>>) semaphore(%arg9 : memref<!tpu.dma_semaphore, #tpu.memory_space<semaphore_mem>>) {add = true}
      %mul3A_47 = arith.constant 4 : i32
      %mul3A_48 = arith.muli %mul3A_47, %scan3A_36 : i32
      %add3A_49 = arith.constant 1 : i32
      %add3A_50 = arith.addi %mul3A_48, %add3A_49 : i32
      %gt3A_51 = arith.constant 0 : i32
      %gt3A_52 = arith.cmpi sgt, %scan3A_36, %gt3A_51 : i32
      %convert_element_type3A_53 = arith.extui %gt3A_52 : i1 to i32
      %cond3A_54 = arith.constant 0 : i32
      %cond3A_55 = arith.cmpi ne, %convert_element_type3A_53, %cond3A_54 : i32
      scf.if %cond3A_55 {
        %sub3A = arith.constant 4 : i32
        %sub3A_92 = arith.subi %add3A_50, %sub3A : i32
        %dma_wait3A_93 = arith.constant 0 : i32
        %dma_wait3A_94 = tpu.memref_slice %arg6[%sub3A_92, %dma_wait3A_93] : memref<40x128xi32, #tpu.memory_space<vmem>> -> memref<1x128xi32, #tpu.memory_space<vmem>>
        %dma_wait3A_95 = tpu.memref_squeeze %dma_wait3A_94 : memref<1x128xi32, #tpu.memory_space<vmem>> -> memref<128xi32, #tpu.memory_space<vmem>>
        %dma_wait3A_96 = arith.constant 0 : i32
        %dma_wait3A_97 = arith.constant 0 : i32
        %dma_wait3A_98 = tpu.memref_slice %arg8[%dma_wait3A_96, %dma_wait3A_97] : memref<10240x128xf32, #tpu.memory_space<vmem_shared>> -> memref<10240x128xf32, #tpu.memory_space<vmem_shared>>
        tpu.wait_indirect_dma semaphore(%arg10 : memref<!tpu.dma_semaphore, #tpu.memory_space<semaphore_mem>>) src(%arg7 : memref<128x128xf32, #tpu.memory_space<vmem>>) dst(%dma_wait3A_98 : memref<10240x128xf32, #tpu.memory_space<vmem_shared>>)
      } else {
      }
      %dma_start3A_56 = arith.constant 0 : i32
      %dma_start3A_57 = tpu.memref_slice %arg6[%add3A_50, %dma_start3A_56] : memref<40x128xi32, #tpu.memory_space<vmem>> -> memref<1x128xi32, #tpu.memory_space<vmem>>
      %dma_start3A_58 = tpu.memref_squeeze %dma_start3A_57 : memref<1x128xi32, #tpu.memory_space<vmem>> -> memref<128xi32, #tpu.memory_space<vmem>>
      %dma_start3A_59 = arith.constant 0 : i32
      %dma_start3A_60 = arith.constant 0 : i32
      %dma_start3A_61 = tpu.memref_slice %arg8[%dma_start3A_59, %dma_start3A_60] : memref<10240x128xf32, #tpu.memory_space<vmem_shared>> -> memref<10240x128xf32, #tpu.memory_space<vmem_shared>>
      tpu.enqueue_indirect_dma source(%arg7 : memref<128x128xf32, #tpu.memory_space<vmem>>) target(%dma_start3A_61 : memref<10240x128xf32, #tpu.memory_space<vmem_shared>>) offsets(%dma_start3A_58 : memref<128xi32, #tpu.memory_space<vmem>>) semaphore(%arg10 : memref<!tpu.dma_semaphore, #tpu.memory_space<semaphore_mem>>) {add = true}
      %mul3A_62 = arith.constant 4 : i32
      %mul3A_63 = arith.muli %mul3A_62, %scan3A_36 : i32
      %add3A_64 = arith.constant 2 : i32
      %add3A_65 = arith.addi %mul3A_63, %add3A_64 : i32
      %gt3A_66 = arith.constant 0 : i32
      %gt3A_67 = arith.cmpi sgt, %scan3A_36, %gt3A_66 : i32
      %convert_element_type3A_68 = arith.extui %gt3A_67 : i1 to i32
      %cond3A_69 = arith.constant 0 : i32
      %cond3A_70 = arith.cmpi ne, %convert_element_type3A_68, %cond3A_69 : i32
      scf.if %cond3A_70 {
        %sub3A = arith.constant 4 : i32
        %sub3A_92 = arith.subi %add3A_65, %sub3A : i32
        %dma_wait3A_93 = arith.constant 0 : i32
        %dma_wait3A_94 = tpu.memref_slice %arg6[%sub3A_92, %dma_wait3A_93] : memref<40x128xi32, #tpu.memory_space<vmem>> -> memref<1x128xi32, #tpu.memory_space<vmem>>
        %dma_wait3A_95 = tpu.memref_squeeze %dma_wait3A_94 : memref<1x128xi32, #tpu.memory_space<vmem>> -> memref<128xi32, #tpu.memory_space<vmem>>
        %dma_wait3A_96 = arith.constant 0 : i32
        %dma_wait3A_97 = arith.constant 0 : i32
        %dma_wait3A_98 = tpu.memref_slice %arg8[%dma_wait3A_96, %dma_wait3A_97] : memref<10240x128xf32, #tpu.memory_space<vmem_shared>> -> memref<10240x128xf32, #tpu.memory_space<vmem_shared>>
        tpu.wait_indirect_dma semaphore(%arg11 : memref<!tpu.dma_semaphore, #tpu.memory_space<semaphore_mem>>) src(%arg7 : memref<128x128xf32, #tpu.memory_space<vmem>>) dst(%dma_wait3A_98 : memref<10240x128xf32, #tpu.memory_space<vmem_shared>>)
      } else {
      }
      %dma_start3A_71 = arith.constant 0 : i32
      %dma_start3A_72 = tpu.memref_slice %arg6[%add3A_65, %dma_start3A_71] : memref<40x128xi32, #tpu.memory_space<vmem>> -> memref<1x128xi32, #tpu.memory_space<vmem>>
      %dma_start3A_73 = tpu.memref_squeeze %dma_start3A_72 : memref<1x128xi32, #tpu.memory_space<vmem>> -> memref<128xi32, #tpu.memory_space<vmem>>
      %dma_start3A_74 = arith.constant 0 : i32
      %dma_start3A_75 = arith.constant 0 : i32
      %dma_start3A_76 = tpu.memref_slice %arg8[%dma_start3A_74, %dma_start3A_75] : memref<10240x128xf32, #tpu.memory_space<vmem_shared>> -> memref<10240x128xf32, #tpu.memory_space<vmem_shared>>
      tpu.enqueue_indirect_dma source(%arg7 : memref<128x128xf32, #tpu.memory_space<vmem>>) target(%dma_start3A_76 : memref<10240x128xf32, #tpu.memory_space<vmem_shared>>) offsets(%dma_start3A_73 : memref<128xi32, #tpu.memory_space<vmem>>) semaphore(%arg11 : memref<!tpu.dma_semaphore, #tpu.memory_space<semaphore_mem>>) {add = true}
      %mul3A_77 = arith.constant 4 : i32
      %mul3A_78 = arith.muli %mul3A_77, %scan3A_36 : i32
      %add3A_79 = arith.constant 3 : i32
      %add3A_80 = arith.addi %mul3A_78, %add3A_79 : i32
      %gt3A_81 = arith.constant 0 : i32
      %gt3A_82 = arith.cmpi sgt, %scan3A_36, %gt3A_81 : i32
      %convert_element_type3A_83 = arith.extui %gt3A_82 : i1 to i32
      %cond3A_84 = arith.constant 0 : i32
      %cond3A_85 = arith.cmpi ne, %convert_element_type3A_83, %cond3A_84 : i32
      scf.if %cond3A_85 {
        %sub3A = arith.constant 4 : i32
        %sub3A_92 = arith.subi %add3A_80, %sub3A : i32
        %dma_wait3A_93 = arith.constant 0 : i32
        %dma_wait3A_94 = tpu.memref_slice %arg6[%sub3A_92, %dma_wait3A_93] : memref<40x128xi32, #tpu.memory_space<vmem>> -> memref<1x128xi32, #tpu.memory_space<vmem>>
        %dma_wait3A_95 = tpu.memref_squeeze %dma_wait3A_94 : memref<1x128xi32, #tpu.memory_space<vmem>> -> memref<128xi32, #tpu.memory_space<vmem>>
        %dma_wait3A_96 = arith.constant 0 : i32
        %dma_wait3A_97 = arith.constant 0 : i32
        %dma_wait3A_98 = tpu.memref_slice %arg8[%dma_wait3A_96, %dma_wait3A_97] : memref<10240x128xf32, #tpu.memory_space<vmem_shared>> -> memref<10240x128xf32, #tpu.memory_space<vmem_shared>>
        tpu.wait_indirect_dma semaphore(%arg12 : memref<!tpu.dma_semaphore, #tpu.memory_space<semaphore_mem>>) src(%arg7 : memref<128x128xf32, #tpu.memory_space<vmem>>) dst(%dma_wait3A_98 : memref<10240x128xf32, #tpu.memory_space<vmem_shared>>)
      } else {
      }
      %dma_start3A_86 = arith.constant 0 : i32
      %dma_start3A_87 = tpu.memref_slice %arg6[%add3A_80, %dma_start3A_86] : memref<40x128xi32, #tpu.memory_space<vmem>> -> memref<1x128xi32, #tpu.memory_space<vmem>>
      %dma_start3A_88 = tpu.memref_squeeze %dma_start3A_87 : memref<1x128xi32, #tpu.memory_space<vmem>> -> memref<128xi32, #tpu.memory_space<vmem>>
      %dma_start3A_89 = arith.constant 0 : i32
      %dma_start3A_90 = arith.constant 0 : i32
      %dma_start3A_91 = tpu.memref_slice %arg8[%dma_start3A_89, %dma_start3A_90] : memref<10240x128xf32, #tpu.memory_space<vmem_shared>> -> memref<10240x128xf32, #tpu.memory_space<vmem_shared>>
      tpu.enqueue_indirect_dma source(%arg7 : memref<128x128xf32, #tpu.memory_space<vmem>>) target(%dma_start3A_91 : memref<10240x128xf32, #tpu.memory_space<vmem_shared>>) offsets(%dma_start3A_88 : memref<128xi32, #tpu.memory_space<vmem>>) semaphore(%arg12 : memref<!tpu.dma_semaphore, #tpu.memory_space<semaphore_mem>>) {add = true}
    }
    %scan3A_7 = arith.constant 10 : i32
    %dma_wait3A = arith.constant 36 : i32
    %dma_wait3A_8 = arith.constant 0 : i32
    %dma_wait3A_9 = tpu.memref_slice %arg6[%dma_wait3A, %dma_wait3A_8] : memref<40x128xi32, #tpu.memory_space<vmem>> -> memref<1x128xi32, #tpu.memory_space<vmem>>
    %dma_wait3A_10 = tpu.memref_squeeze %dma_wait3A_9 : memref<1x128xi32, #tpu.memory_space<vmem>> -> memref<128xi32, #tpu.memory_space<vmem>>
    %dma_wait3A_11 = arith.constant 0 : i32
    %dma_wait3A_12 = arith.constant 0 : i32
    %dma_wait3A_13 = tpu.memref_slice %arg8[%dma_wait3A_11, %dma_wait3A_12] : memref<10240x128xf32, #tpu.memory_space<vmem_shared>> -> memref<10240x128xf32, #tpu.memory_space<vmem_shared>>
    tpu.wait_indirect_dma semaphore(%arg9 : memref<!tpu.dma_semaphore, #tpu.memory_space<semaphore_mem>>) src(%arg7 : memref<128x128xf32, #tpu.memory_space<vmem>>) dst(%dma_wait3A_13 : memref<10240x128xf32, #tpu.memory_space<vmem_shared>>)
    %dma_wait3A_14 = arith.constant 37 : i32
    %dma_wait3A_15 = arith.constant 0 : i32
    %dma_wait3A_16 = tpu.memref_slice %arg6[%dma_wait3A_14, %dma_wait3A_15] : memref<40x128xi32, #tpu.memory_space<vmem>> -> memref<1x128xi32, #tpu.memory_space<vmem>>
    %dma_wait3A_17 = tpu.memref_squeeze %dma_wait3A_16 : memref<1x128xi32, #tpu.memory_space<vmem>> -> memref<128xi32, #tpu.memory_space<vmem>>
    %dma_wait3A_18 = arith.constant 0 : i32
    %dma_wait3A_19 = arith.constant 0 : i32
    %dma_wait3A_20 = tpu.memref_slice %arg8[%dma_wait3A_18, %dma_wait3A_19] : memref<10240x128xf32, #tpu.memory_space<vmem_shared>> -> memref<10240x128xf32, #tpu.memory_space<vmem_shared>>
    tpu.wait_indirect_dma semaphore(%arg10 : memref<!tpu.dma_semaphore, #tpu.memory_space<semaphore_mem>>) src(%arg7 : memref<128x128xf32, #tpu.memory_space<vmem>>) dst(%dma_wait3A_20 : memref<10240x128xf32, #tpu.memory_space<vmem_shared>>)
    %dma_wait3A_21 = arith.constant 38 : i32
    %dma_wait3A_22 = arith.constant 0 : i32
    %dma_wait3A_23 = tpu.memref_slice %arg6[%dma_wait3A_21, %dma_wait3A_22] : memref<40x128xi32, #tpu.memory_space<vmem>> -> memref<1x128xi32, #tpu.memory_space<vmem>>
    %dma_wait3A_24 = tpu.memref_squeeze %dma_wait3A_23 : memref<1x128xi32, #tpu.memory_space<vmem>> -> memref<128xi32, #tpu.memory_space<vmem>>
    %dma_wait3A_25 = arith.constant 0 : i32
    %dma_wait3A_26 = arith.constant 0 : i32
    %dma_wait3A_27 = tpu.memref_slice %arg8[%dma_wait3A_25, %dma_wait3A_26] : memref<10240x128xf32, #tpu.memory_space<vmem_shared>> -> memref<10240x128xf32, #tpu.memory_space<vmem_shared>>
    tpu.wait_indirect_dma semaphore(%arg11 : memref<!tpu.dma_semaphore, #tpu.memory_space<semaphore_mem>>) src(%arg7 : memref<128x128xf32, #tpu.memory_space<vmem>>) dst(%dma_wait3A_27 : memref<10240x128xf32, #tpu.memory_space<vmem_shared>>)
    %dma_wait3A_28 = arith.constant 39 : i32
    %dma_wait3A_29 = arith.constant 0 : i32
    %dma_wait3A_30 = tpu.memref_slice %arg6[%dma_wait3A_28, %dma_wait3A_29] : memref<40x128xi32, #tpu.memory_space<vmem>> -> memref<1x128xi32, #tpu.memory_space<vmem>>
    %dma_wait3A_31 = tpu.memref_squeeze %dma_wait3A_30 : memref<1x128xi32, #tpu.memory_space<vmem>> -> memref<128xi32, #tpu.memory_space<vmem>>
    %dma_wait3A_32 = arith.constant 0 : i32
    %dma_wait3A_33 = arith.constant 0 : i32
    %dma_wait3A_34 = tpu.memref_slice %arg8[%dma_wait3A_32, %dma_wait3A_33] : memref<10240x128xf32, #tpu.memory_space<vmem_shared>> -> memref<10240x128xf32, #tpu.memory_space<vmem_shared>>
    tpu.wait_indirect_dma semaphore(%arg12 : memref<!tpu.dma_semaphore, #tpu.memory_space<semaphore_mem>>) src(%arg7 : memref<128x128xf32, #tpu.memory_space<vmem>>) dst(%dma_wait3A_34 : memref<10240x128xf32, #tpu.memory_space<vmem_shared>>)
    %barrier3A_35 = arith.constant 0 : index
    tpu.barrier barrier_id(%barrier3A_35)
    "tpu.region"() ({
      %run_scoped3A = tpu.sem_alloc : memref<!tpu.dma_semaphore, #tpu.memory_space<semaphore_mem>>
      %dma_start3A = arith.constant 0 : i32
      %dma_start3A_36 = arith.constant 0 : i32
      %dma_start3A_37 = tpu.memref_slice %arg5[%arg0, %dma_start3A, %dma_start3A_36] : memref<2x10240x128xf32, #tpu.memory_space<hbm>> -> memref<1x10240x128xf32, #tpu.memory_space<hbm>>
      %dma_start3A_38 = tpu.memref_squeeze %dma_start3A_37 : memref<1x10240x128xf32, #tpu.memory_space<hbm>> -> memref<10240x128xf32, #tpu.memory_space<hbm>>
      %dma_start3A_39 = arith.constant 0 : i32
      %dma_start3A_40 = tpu.memref_slice %dma_start3A_38[%mul3A_2, %dma_start3A_39] : memref<10240x128xf32, #tpu.memory_space<hbm>> -> memref<640x128xf32, #tpu.memory_space<hbm>>
      %dma_start3A_41 = arith.constant 0 : i32
      %dma_start3A_42 = tpu.memref_slice %arg8[%mul3A_2, %dma_start3A_41] : memref<10240x128xf32, #tpu.memory_space<vmem_shared>> -> memref<640x128xf32, #tpu.memory_space<vmem_shared>>
      tpu.enqueue_dma source(%dma_start3A_42 : memref<640x128xf32, #tpu.memory_space<vmem_shared>>) target(%dma_start3A_40 : memref<640x128xf32, #tpu.memory_space<hbm>>) target_semaphore(%run_scoped3A : memref<!tpu.dma_semaphore, #tpu.memory_space<semaphore_mem>>)
      %dma_wait3A_43 = arith.constant 0 : i32
      %dma_wait3A_44 = arith.constant 0 : i32
      %dma_wait3A_45 = tpu.memref_slice %arg5[%arg0, %dma_wait3A_43, %dma_wait3A_44] : memref<2x10240x128xf32, #tpu.memory_space<hbm>> -> memref<1x10240x128xf32, #tpu.memory_space<hbm>>
      %dma_wait3A_46 = tpu.memref_squeeze %dma_wait3A_45 : memref<1x10240x128xf32, #tpu.memory_space<hbm>> -> memref<10240x128xf32, #tpu.memory_space<hbm>>
      %dma_wait3A_47 = arith.constant 0 : i32
      %dma_wait3A_48 = tpu.memref_slice %dma_wait3A_46[%mul3A_2, %dma_wait3A_47] : memref<10240x128xf32, #tpu.memory_space<hbm>> -> memref<640x128xf32, #tpu.memory_space<hbm>>
      %dma_wait3A_49 = arith.constant 0 : i32
      %dma_wait3A_50 = tpu.memref_slice %arg8[%mul3A_2, %dma_wait3A_49] : memref<10240x128xf32, #tpu.memory_space<vmem_shared>> -> memref<640x128xf32, #tpu.memory_space<vmem_shared>>
      tpu.wait_dma2 semaphore(%run_scoped3A : memref<!tpu.dma_semaphore, #tpu.memory_space<semaphore_mem>>) src(%dma_wait3A_50 : memref<640x128xf32, #tpu.memory_space<vmem_shared>>) dst(%dma_wait3A_48 : memref<640x128xf32, #tpu.memory_space<hbm>>)
      tpu.yield
    }) : () -> ()
    return
  }
}

#map = affine_map<(d0, d1) -> (0, 0, 0)>
#map1 = affine_map<(d0, d1) -> (0, 0)>
module attributes {stable_mosaic.version = 14 : i64} {
  func.func @run(%arg0: i32, %arg1: i32, %arg2: memref<2x10240x128xf32, #tpu.memory_space<hbm>>, %arg3: memref<16x126x80xi32, #tpu.memory_space<hbm>>, %arg4: memref<16x126x80xi32, #tpu.memory_space<hbm>>, %arg5: memref<10240x128xf32, #tpu.memory_space<hbm>>, %arg6: memref<2x10240x128xf32, #tpu.memory_space<hbm>>, %arg7: memref<126x80xi32, #tpu.memory_space<vmem>>, %arg8: memref<80xi32, #tpu.memory_space<vmem>>, %arg9: memref<80xi32, #tpu.memory_space<vmem>>, %arg10: memref<80xi32, #tpu.memory_space<vmem>>, %arg11: memref<80x128xf32, #tpu.memory_space<vmem>>, %arg12: memref<80x128xf32, #tpu.memory_space<vmem>>, %arg13: memref<80x128xf32, #tpu.memory_space<vmem>>, %arg14: memref<10240x128xf32, #tpu.memory_space<vmem_shared>>, %arg15: memref<!tpu.dma_semaphore, #tpu.memory_space<semaphore_mem>>, %arg16: memref<!tpu.dma_semaphore, #tpu.memory_space<semaphore_mem>>, %arg17: memref<!tpu.dma_semaphore, #tpu.memory_space<semaphore_mem>>, %arg18: memref<!tpu.dma_semaphore, #tpu.memory_space<semaphore_mem>>, %arg19: memref<!tpu.dma_semaphore, #tpu.memory_space<semaphore_mem>>, %arg20: memref<!tpu.dma_semaphore, #tpu.memory_space<semaphore_mem>>, %arg21: memref<!tpu.dma_semaphore, #tpu.memory_space<semaphore_mem>>, %arg22: memref<!tpu.dma_semaphore, #tpu.memory_space<semaphore_mem>>, %arg23: memref<!tpu.dma_semaphore, #tpu.memory_space<semaphore_mem>>) attributes {dimension_semantics = [#tpu.dimension_semantics<core_parallel>, #tpu.dimension_semantics<subcore_parallel>], iteration_bounds = array<i64: 2, 16>, scalar_prefetch = 0 : i64, scratch_operands = 17 : i64, tpu.core_type = #tpu.core_type<sc_vector_subcore>, window_params = [{transform_indices = #map}, {transform_indices = #map}, {transform_indices = #map}, {transform_indices = #map1}, {transform_indices = #map}]} {
    "tpu.region"() ({
      %run_scoped3A = tpu.sem_alloc : memref<!tpu.dma_semaphore, #tpu.memory_space<semaphore_mem>>
      %dma_start3A_92 = arith.constant 0 : i32
      %dma_start3A_93 = arith.constant 0 : i32
      %dma_start3A_94 = tpu.memref_slice %arg3[%arg1, %dma_start3A_92, %dma_start3A_93] : memref<16x126x80xi32, #tpu.memory_space<hbm>> -> memref<1x126x80xi32, #tpu.memory_space<hbm>>
      %dma_start3A_95 = tpu.memref_squeeze %dma_start3A_94 : memref<1x126x80xi32, #tpu.memory_space<hbm>> -> memref<126x80xi32, #tpu.memory_space<hbm>>
      %dma_start3A_96 = arith.constant 0 : i32
      %dma_start3A_97 = arith.constant 0 : i32
      %dma_start3A_98 = tpu.memref_slice %arg3[%arg1, %dma_start3A_96, %dma_start3A_97] : memref<16x126x80xi32, #tpu.memory_space<hbm>> -> memref<1x126x80xi32, #tpu.memory_space<hbm>>
      %dma_start3A_99 = tpu.memref_squeeze %dma_start3A_98 : memref<1x126x80xi32, #tpu.memory_space<hbm>> -> memref<126x80xi32, #tpu.memory_space<hbm>>
      tpu.enqueue_dma source(%dma_start3A_99 : memref<126x80xi32, #tpu.memory_space<hbm>>) target(%arg7 : memref<126x80xi32, #tpu.memory_space<vmem>>) target_semaphore(%run_scoped3A : memref<!tpu.dma_semaphore, #tpu.memory_space<semaphore_mem>>)
      %dma_wait3A_100 = arith.constant 0 : i32
      %dma_wait3A_101 = arith.constant 0 : i32
      %dma_wait3A_102 = tpu.memref_slice %arg3[%arg1, %dma_wait3A_100, %dma_wait3A_101] : memref<16x126x80xi32, #tpu.memory_space<hbm>> -> memref<1x126x80xi32, #tpu.memory_space<hbm>>
      %dma_wait3A_103 = tpu.memref_squeeze %dma_wait3A_102 : memref<1x126x80xi32, #tpu.memory_space<hbm>> -> memref<126x80xi32, #tpu.memory_space<hbm>>
      %dma_wait3A_104 = arith.constant 0 : i32
      %dma_wait3A_105 = arith.constant 0 : i32
      %dma_wait3A_106 = tpu.memref_slice %arg3[%arg1, %dma_wait3A_104, %dma_wait3A_105] : memref<16x126x80xi32, #tpu.memory_space<hbm>> -> memref<1x126x80xi32, #tpu.memory_space<hbm>>
      %dma_wait3A_107 = tpu.memref_squeeze %dma_wait3A_106 : memref<1x126x80xi32, #tpu.memory_space<hbm>> -> memref<126x80xi32, #tpu.memory_space<hbm>>
      tpu.wait_dma2 semaphore(%run_scoped3A : memref<!tpu.dma_semaphore, #tpu.memory_space<semaphore_mem>>) src(%dma_wait3A_107 : memref<126x80xi32, #tpu.memory_space<hbm>>) dst(%arg7 : memref<126x80xi32, #tpu.memory_space<vmem>>)
      tpu.yield
    }) : () -> ()
    %mul3A = arith.constant 640 : i32
    %mul3A_0 = arith.muli %arg1, %mul3A : i32
    %dma_start3A = arith.constant 0 : i32
    %dma_start3A_1 = arith.constant 0 : i32
    %dma_start3A_2 = arith.constant 0 : i32
    %dma_start3A_3 = tpu.memref_slice %arg4[%arg1, %dma_start3A_1, %dma_start3A_2] : memref<16x126x80xi32, #tpu.memory_space<hbm>> -> memref<1x126x80xi32, #tpu.memory_space<hbm>>
    %dma_start3A_4 = tpu.memref_squeeze %dma_start3A_3 : memref<1x126x80xi32, #tpu.memory_space<hbm>> -> memref<126x80xi32, #tpu.memory_space<hbm>>
    %dma_start3A_5 = arith.constant 0 : i32
    %dma_start3A_6 = tpu.memref_slice %dma_start3A_4[%dma_start3A, %dma_start3A_5] : memref<126x80xi32, #tpu.memory_space<hbm>> -> memref<1x80xi32, #tpu.memory_space<hbm>>
    %dma_start3A_7 = tpu.memref_squeeze %dma_start3A_6 : memref<1x80xi32, #tpu.memory_space<hbm>> -> memref<80xi32, #tpu.memory_space<hbm>>
    %dma_start3A_8 = arith.constant 0 : i32
    %dma_start3A_9 = arith.constant 0 : i32
    %dma_start3A_10 = tpu.memref_slice %arg4[%arg1, %dma_start3A_8, %dma_start3A_9] : memref<16x126x80xi32, #tpu.memory_space<hbm>> -> memref<1x126x80xi32, #tpu.memory_space<hbm>>
    %dma_start3A_11 = tpu.memref_squeeze %dma_start3A_10 : memref<1x126x80xi32, #tpu.memory_space<hbm>> -> memref<126x80xi32, #tpu.memory_space<hbm>>
    %dma_start3A_12 = arith.constant 0 : i32
    %dma_start3A_13 = tpu.memref_slice %dma_start3A_11[%dma_start3A, %dma_start3A_12] : memref<126x80xi32, #tpu.memory_space<hbm>> -> memref<1x80xi32, #tpu.memory_space<hbm>>
    %dma_start3A_14 = tpu.memref_squeeze %dma_start3A_13 : memref<1x80xi32, #tpu.memory_space<hbm>> -> memref<80xi32, #tpu.memory_space<hbm>>
    tpu.enqueue_dma source(%dma_start3A_14 : memref<80xi32, #tpu.memory_space<hbm>>) target(%arg8 : memref<80xi32, #tpu.memory_space<vmem>>) target_semaphore(%arg18 : memref<!tpu.dma_semaphore, #tpu.memory_space<semaphore_mem>>)
    %dma_start3A_15 = arith.constant 0 : i32
    %dma_start3A_16 = arith.constant 0 : i32
    %dma_start3A_17 = tpu.memref_slice %arg7[%dma_start3A_15, %dma_start3A_16] : memref<126x80xi32, #tpu.memory_space<vmem>> -> memref<1x80xi32, #tpu.memory_space<vmem>>
    %dma_start3A_18 = tpu.memref_squeeze %dma_start3A_17 : memref<1x80xi32, #tpu.memory_space<vmem>> -> memref<80xi32, #tpu.memory_space<vmem>>
    %dma_start3A_19 = arith.constant 0 : i32
    %dma_start3A_20 = arith.constant 0 : i32
    %dma_start3A_21 = tpu.memref_slice %arg2[%arg0, %dma_start3A_19, %dma_start3A_20] : memref<2x10240x128xf32, #tpu.memory_space<hbm>> -> memref<1x10240x128xf32, #tpu.memory_space<hbm>>
    %dma_start3A_22 = tpu.memref_squeeze %dma_start3A_21 : memref<1x10240x128xf32, #tpu.memory_space<hbm>> -> memref<10240x128xf32, #tpu.memory_space<hbm>>
    %dma_start3A_23 = arith.constant 0 : i32
    %dma_start3A_24 = arith.constant 0 : i32
    %dma_start3A_25 = tpu.memref_slice %dma_start3A_22[%dma_start3A_23, %dma_start3A_24] : memref<10240x128xf32, #tpu.memory_space<hbm>> -> memref<10240x128xf32, #tpu.memory_space<hbm>>
    tpu.enqueue_indirect_dma source(%dma_start3A_25 : memref<10240x128xf32, #tpu.memory_space<hbm>>) target(%arg11 : memref<80x128xf32, #tpu.memory_space<vmem>>) offsets(%dma_start3A_18 : memref<80xi32, #tpu.memory_space<vmem>>) semaphore(%arg15 : memref<!tpu.dma_semaphore, #tpu.memory_space<semaphore_mem>>)
    %dma_start3A_26 = arith.constant 1 : i32
    %dma_start3A_27 = arith.constant 0 : i32
    %dma_start3A_28 = arith.constant 0 : i32
    %dma_start3A_29 = tpu.memref_slice %arg4[%arg1, %dma_start3A_27, %dma_start3A_28] : memref<16x126x80xi32, #tpu.memory_space<hbm>> -> memref<1x126x80xi32, #tpu.memory_space<hbm>>
    %dma_start3A_30 = tpu.memref_squeeze %dma_start3A_29 : memref<1x126x80xi32, #tpu.memory_space<hbm>> -> memref<126x80xi32, #tpu.memory_space<hbm>>
    %dma_start3A_31 = arith.constant 0 : i32
    %dma_start3A_32 = tpu.memref_slice %dma_start3A_30[%dma_start3A_26, %dma_start3A_31] : memref<126x80xi32, #tpu.memory_space<hbm>> -> memref<1x80xi32, #tpu.memory_space<hbm>>
    %dma_start3A_33 = tpu.memref_squeeze %dma_start3A_32 : memref<1x80xi32, #tpu.memory_space<hbm>> -> memref<80xi32, #tpu.memory_space<hbm>>
    %dma_start3A_34 = arith.constant 0 : i32
    %dma_start3A_35 = arith.constant 0 : i32
    %dma_start3A_36 = tpu.memref_slice %arg4[%arg1, %dma_start3A_34, %dma_start3A_35] : memref<16x126x80xi32, #tpu.memory_space<hbm>> -> memref<1x126x80xi32, #tpu.memory_space<hbm>>
    %dma_start3A_37 = tpu.memref_squeeze %dma_start3A_36 : memref<1x126x80xi32, #tpu.memory_space<hbm>> -> memref<126x80xi32, #tpu.memory_space<hbm>>
    %dma_start3A_38 = arith.constant 0 : i32
    %dma_start3A_39 = tpu.memref_slice %dma_start3A_37[%dma_start3A_26, %dma_start3A_38] : memref<126x80xi32, #tpu.memory_space<hbm>> -> memref<1x80xi32, #tpu.memory_space<hbm>>
    %dma_start3A_40 = tpu.memref_squeeze %dma_start3A_39 : memref<1x80xi32, #tpu.memory_space<hbm>> -> memref<80xi32, #tpu.memory_space<hbm>>
    tpu.enqueue_dma source(%dma_start3A_40 : memref<80xi32, #tpu.memory_space<hbm>>) target(%arg9 : memref<80xi32, #tpu.memory_space<vmem>>) target_semaphore(%arg19 : memref<!tpu.dma_semaphore, #tpu.memory_space<semaphore_mem>>)
    %dma_start3A_41 = arith.constant 1 : i32
    %dma_start3A_42 = arith.constant 0 : i32
    %dma_start3A_43 = tpu.memref_slice %arg7[%dma_start3A_41, %dma_start3A_42] : memref<126x80xi32, #tpu.memory_space<vmem>> -> memref<1x80xi32, #tpu.memory_space<vmem>>
    %dma_start3A_44 = tpu.memref_squeeze %dma_start3A_43 : memref<1x80xi32, #tpu.memory_space<vmem>> -> memref<80xi32, #tpu.memory_space<vmem>>
    %dma_start3A_45 = arith.constant 0 : i32
    %dma_start3A_46 = arith.constant 0 : i32
    %dma_start3A_47 = tpu.memref_slice %arg2[%arg0, %dma_start3A_45, %dma_start3A_46] : memref<2x10240x128xf32, #tpu.memory_space<hbm>> -> memref<1x10240x128xf32, #tpu.memory_space<hbm>>
    %dma_start3A_48 = tpu.memref_squeeze %dma_start3A_47 : memref<1x10240x128xf32, #tpu.memory_space<hbm>> -> memref<10240x128xf32, #tpu.memory_space<hbm>>
    %dma_start3A_49 = arith.constant 0 : i32
    %dma_start3A_50 = arith.constant 0 : i32
    %dma_start3A_51 = tpu.memref_slice %dma_start3A_48[%dma_start3A_49, %dma_start3A_50] : memref<10240x128xf32, #tpu.memory_space<hbm>> -> memref<10240x128xf32, #tpu.memory_space<hbm>>
    tpu.enqueue_indirect_dma source(%dma_start3A_51 : memref<10240x128xf32, #tpu.memory_space<hbm>>) target(%arg12 : memref<80x128xf32, #tpu.memory_space<vmem>>) offsets(%dma_start3A_44 : memref<80xi32, #tpu.memory_space<vmem>>) semaphore(%arg16 : memref<!tpu.dma_semaphore, #tpu.memory_space<semaphore_mem>>)
    %dma_start3A_52 = arith.constant 2 : i32
    %dma_start3A_53 = arith.constant 0 : i32
    %dma_start3A_54 = arith.constant 0 : i32
    %dma_start3A_55 = tpu.memref_slice %arg4[%arg1, %dma_start3A_53, %dma_start3A_54] : memref<16x126x80xi32, #tpu.memory_space<hbm>> -> memref<1x126x80xi32, #tpu.memory_space<hbm>>
    %dma_start3A_56 = tpu.memref_squeeze %dma_start3A_55 : memref<1x126x80xi32, #tpu.memory_space<hbm>> -> memref<126x80xi32, #tpu.memory_space<hbm>>
    %dma_start3A_57 = arith.constant 0 : i32
    %dma_start3A_58 = tpu.memref_slice %dma_start3A_56[%dma_start3A_52, %dma_start3A_57] : memref<126x80xi32, #tpu.memory_space<hbm>> -> memref<1x80xi32, #tpu.memory_space<hbm>>
    %dma_start3A_59 = tpu.memref_squeeze %dma_start3A_58 : memref<1x80xi32, #tpu.memory_space<hbm>> -> memref<80xi32, #tpu.memory_space<hbm>>
    %dma_start3A_60 = arith.constant 0 : i32
    %dma_start3A_61 = arith.constant 0 : i32
    %dma_start3A_62 = tpu.memref_slice %arg4[%arg1, %dma_start3A_60, %dma_start3A_61] : memref<16x126x80xi32, #tpu.memory_space<hbm>> -> memref<1x126x80xi32, #tpu.memory_space<hbm>>
    %dma_start3A_63 = tpu.memref_squeeze %dma_start3A_62 : memref<1x126x80xi32, #tpu.memory_space<hbm>> -> memref<126x80xi32, #tpu.memory_space<hbm>>
    %dma_start3A_64 = arith.constant 0 : i32
    %dma_start3A_65 = tpu.memref_slice %dma_start3A_63[%dma_start3A_52, %dma_start3A_64] : memref<126x80xi32, #tpu.memory_space<hbm>> -> memref<1x80xi32, #tpu.memory_space<hbm>>
    %dma_start3A_66 = tpu.memref_squeeze %dma_start3A_65 : memref<1x80xi32, #tpu.memory_space<hbm>> -> memref<80xi32, #tpu.memory_space<hbm>>
    tpu.enqueue_dma source(%dma_start3A_66 : memref<80xi32, #tpu.memory_space<hbm>>) target(%arg10 : memref<80xi32, #tpu.memory_space<vmem>>) target_semaphore(%arg20 : memref<!tpu.dma_semaphore, #tpu.memory_space<semaphore_mem>>)
    %dma_start3A_67 = arith.constant 2 : i32
    %dma_start3A_68 = arith.constant 0 : i32
    %dma_start3A_69 = tpu.memref_slice %arg7[%dma_start3A_67, %dma_start3A_68] : memref<126x80xi32, #tpu.memory_space<vmem>> -> memref<1x80xi32, #tpu.memory_space<vmem>>
    %dma_start3A_70 = tpu.memref_squeeze %dma_start3A_69 : memref<1x80xi32, #tpu.memory_space<vmem>> -> memref<80xi32, #tpu.memory_space<vmem>>
    %dma_start3A_71 = arith.constant 0 : i32
    %dma_start3A_72 = arith.constant 0 : i32
    %dma_start3A_73 = tpu.memref_slice %arg2[%arg0, %dma_start3A_71, %dma_start3A_72] : memref<2x10240x128xf32, #tpu.memory_space<hbm>> -> memref<1x10240x128xf32, #tpu.memory_space<hbm>>
    %dma_start3A_74 = tpu.memref_squeeze %dma_start3A_73 : memref<1x10240x128xf32, #tpu.memory_space<hbm>> -> memref<10240x128xf32, #tpu.memory_space<hbm>>
    %dma_start3A_75 = arith.constant 0 : i32
    %dma_start3A_76 = arith.constant 0 : i32
    %dma_start3A_77 = tpu.memref_slice %dma_start3A_74[%dma_start3A_75, %dma_start3A_76] : memref<10240x128xf32, #tpu.memory_space<hbm>> -> memref<10240x128xf32, #tpu.memory_space<hbm>>
    tpu.enqueue_indirect_dma source(%dma_start3A_77 : memref<10240x128xf32, #tpu.memory_space<hbm>>) target(%arg13 : memref<80x128xf32, #tpu.memory_space<vmem>>) offsets(%dma_start3A_70 : memref<80xi32, #tpu.memory_space<vmem>>) semaphore(%arg17 : memref<!tpu.dma_semaphore, #tpu.memory_space<semaphore_mem>>)
    "tpu.region"() ({
      %run_scoped3A = tpu.sem_alloc : memref<!tpu.dma_semaphore, #tpu.memory_space<semaphore_mem>>
      %dma_start3A_92 = arith.constant 0 : i32
      %dma_start3A_93 = tpu.memref_slice %arg14[%mul3A_0, %dma_start3A_92] : memref<10240x128xf32, #tpu.memory_space<vmem_shared>> -> memref<640x128xf32, #tpu.memory_space<vmem_shared>>
      %dma_start3A_94 = arith.constant 0 : i32
      %dma_start3A_95 = tpu.memref_slice %arg5[%mul3A_0, %dma_start3A_94] : memref<10240x128xf32, #tpu.memory_space<hbm>> -> memref<640x128xf32, #tpu.memory_space<hbm>>
      tpu.enqueue_dma source(%dma_start3A_95 : memref<640x128xf32, #tpu.memory_space<hbm>>) target(%dma_start3A_93 : memref<640x128xf32, #tpu.memory_space<vmem_shared>>) target_semaphore(%run_scoped3A : memref<!tpu.dma_semaphore, #tpu.memory_space<semaphore_mem>>)
      %dma_wait3A_96 = arith.constant 0 : i32
      %dma_wait3A_97 = tpu.memref_slice %arg14[%mul3A_0, %dma_wait3A_96] : memref<10240x128xf32, #tpu.memory_space<vmem_shared>> -> memref<640x128xf32, #tpu.memory_space<vmem_shared>>
      %dma_wait3A_98 = arith.constant 0 : i32
      %dma_wait3A_99 = tpu.memref_slice %arg5[%mul3A_0, %dma_wait3A_98] : memref<10240x128xf32, #tpu.memory_space<hbm>> -> memref<640x128xf32, #tpu.memory_space<hbm>>
      tpu.wait_dma2 semaphore(%run_scoped3A : memref<!tpu.dma_semaphore, #tpu.memory_space<semaphore_mem>>) src(%dma_wait3A_99 : memref<640x128xf32, #tpu.memory_space<hbm>>) dst(%dma_wait3A_97 : memref<640x128xf32, #tpu.memory_space<vmem_shared>>)
      tpu.yield
    }) : () -> ()
    %barrier3A = arith.constant 0 : index
    tpu.barrier barrier_id(%barrier3A)
    %scan3A = arith.constant 0 : i32
    %scan3A_78 = arith.constant 0 : i32
    %scan3A_79 = arith.constant 42 : i32
    %scan3A_80 = arith.addi %scan3A_78, %scan3A_79 : i32
    %scan3A_81 = arith.constant 1 : i32
    scf.for %scan3A_92 = %scan3A_78 to %scan3A_80 step %scan3A_81  : i32 {
      %mul3A_93 = arith.constant 3 : i32
      %mul3A_94 = arith.muli %mul3A_93, %scan3A_92 : i32
      %add3A = arith.constant 0 : i32
      %add3A_95 = arith.addi %mul3A_94, %add3A : i32
      %dma_wait3A_96 = arith.constant 0 : i32
      %dma_wait3A_97 = arith.constant 0 : i32
      %dma_wait3A_98 = tpu.memref_slice %arg4[%arg1, %dma_wait3A_96, %dma_wait3A_97] : memref<16x126x80xi32, #tpu.memory_space<hbm>> -> memref<1x126x80xi32, #tpu.memory_space<hbm>>
      %dma_wait3A_99 = tpu.memref_squeeze %dma_wait3A_98 : memref<1x126x80xi32, #tpu.memory_space<hbm>> -> memref<126x80xi32, #tpu.memory_space<hbm>>
      %dma_wait3A_100 = arith.constant 0 : i32
      %dma_wait3A_101 = tpu.memref_slice %dma_wait3A_99[%add3A_95, %dma_wait3A_100] : memref<126x80xi32, #tpu.memory_space<hbm>> -> memref<1x80xi32, #tpu.memory_space<hbm>>
      %dma_wait3A_102 = tpu.memref_squeeze %dma_wait3A_101 : memref<1x80xi32, #tpu.memory_space<hbm>> -> memref<80xi32, #tpu.memory_space<hbm>>
      %dma_wait3A_103 = arith.constant 0 : i32
      %dma_wait3A_104 = arith.constant 0 : i32
      %dma_wait3A_105 = tpu.memref_slice %arg4[%arg1, %dma_wait3A_103, %dma_wait3A_104] : memref<16x126x80xi32, #tpu.memory_space<hbm>> -> memref<1x126x80xi32, #tpu.memory_space<hbm>>
      %dma_wait3A_106 = tpu.memref_squeeze %dma_wait3A_105 : memref<1x126x80xi32, #tpu.memory_space<hbm>> -> memref<126x80xi32, #tpu.memory_space<hbm>>
      %dma_wait3A_107 = arith.constant 0 : i32
      %dma_wait3A_108 = tpu.memref_slice %dma_wait3A_106[%add3A_95, %dma_wait3A_107] : memref<126x80xi32, #tpu.memory_space<hbm>> -> memref<1x80xi32, #tpu.memory_space<hbm>>
      %dma_wait3A_109 = tpu.memref_squeeze %dma_wait3A_108 : memref<1x80xi32, #tpu.memory_space<hbm>> -> memref<80xi32, #tpu.memory_space<hbm>>
      tpu.wait_dma2 semaphore(%arg18 : memref<!tpu.dma_semaphore, #tpu.memory_space<semaphore_mem>>) src(%dma_wait3A_109 : memref<80xi32, #tpu.memory_space<hbm>>) dst(%arg8 : memref<80xi32, #tpu.memory_space<vmem>>)
      %add3A_110 = arith.constant 0 : i32
      %add3A_111 = arith.addi %mul3A_94, %add3A_110 : i32
      %dma_wait3A_112 = arith.constant 0 : i32
      %dma_wait3A_113 = tpu.memref_slice %arg7[%add3A_111, %dma_wait3A_112] : memref<126x80xi32, #tpu.memory_space<vmem>> -> memref<1x80xi32, #tpu.memory_space<vmem>>
      %dma_wait3A_114 = tpu.memref_squeeze %dma_wait3A_113 : memref<1x80xi32, #tpu.memory_space<vmem>> -> memref<80xi32, #tpu.memory_space<vmem>>
      %dma_wait3A_115 = arith.constant 0 : i32
      %dma_wait3A_116 = arith.constant 0 : i32
      %dma_wait3A_117 = tpu.memref_slice %arg2[%arg0, %dma_wait3A_115, %dma_wait3A_116] : memref<2x10240x128xf32, #tpu.memory_space<hbm>> -> memref<1x10240x128xf32, #tpu.memory_space<hbm>>
      %dma_wait3A_118 = tpu.memref_squeeze %dma_wait3A_117 : memref<1x10240x128xf32, #tpu.memory_space<hbm>> -> memref<10240x128xf32, #tpu.memory_space<hbm>>
      %dma_wait3A_119 = arith.constant 0 : i32
      %dma_wait3A_120 = arith.constant 0 : i32
      %dma_wait3A_121 = tpu.memref_slice %dma_wait3A_118[%dma_wait3A_119, %dma_wait3A_120] : memref<10240x128xf32, #tpu.memory_space<hbm>> -> memref<10240x128xf32, #tpu.memory_space<hbm>>
      tpu.wait_indirect_dma semaphore(%arg15 : memref<!tpu.dma_semaphore, #tpu.memory_space<semaphore_mem>>) src(%dma_wait3A_121 : memref<10240x128xf32, #tpu.memory_space<hbm>>) dst(%arg11 : memref<80x128xf32, #tpu.memory_space<vmem>>)
      %dma_start3A_122 = arith.constant 0 : i32
      %dma_start3A_123 = arith.constant 0 : i32
      %dma_start3A_124 = tpu.memref_slice %arg14[%dma_start3A_122, %dma_start3A_123] : memref<10240x128xf32, #tpu.memory_space<vmem_shared>> -> memref<10240x128xf32, #tpu.memory_space<vmem_shared>>
      tpu.enqueue_indirect_dma source(%arg11 : memref<80x128xf32, #tpu.memory_space<vmem>>) target(%dma_start3A_124 : memref<10240x128xf32, #tpu.memory_space<vmem_shared>>) offsets(%arg8 : memref<80xi32, #tpu.memory_space<vmem>>) semaphore(%arg21 : memref<!tpu.dma_semaphore, #tpu.memory_space<semaphore_mem>>) {add = true}
      %add3A_125 = arith.constant 1 : i32
      %add3A_126 = arith.addi %mul3A_94, %add3A_125 : i32
      %dma_wait3A_127 = arith.constant 0 : i32
      %dma_wait3A_128 = arith.constant 0 : i32
      %dma_wait3A_129 = tpu.memref_slice %arg4[%arg1, %dma_wait3A_127, %dma_wait3A_128] : memref<16x126x80xi32, #tpu.memory_space<hbm>> -> memref<1x126x80xi32, #tpu.memory_space<hbm>>
      %dma_wait3A_130 = tpu.memref_squeeze %dma_wait3A_129 : memref<1x126x80xi32, #tpu.memory_space<hbm>> -> memref<126x80xi32, #tpu.memory_space<hbm>>
      %dma_wait3A_131 = arith.constant 0 : i32
      %dma_wait3A_132 = tpu.memref_slice %dma_wait3A_130[%add3A_126, %dma_wait3A_131] : memref<126x80xi32, #tpu.memory_space<hbm>> -> memref<1x80xi32, #tpu.memory_space<hbm>>
      %dma_wait3A_133 = tpu.memref_squeeze %dma_wait3A_132 : memref<1x80xi32, #tpu.memory_space<hbm>> -> memref<80xi32, #tpu.memory_space<hbm>>
      %dma_wait3A_134 = arith.constant 0 : i32
      %dma_wait3A_135 = arith.constant 0 : i32
      %dma_wait3A_136 = tpu.memref_slice %arg4[%arg1, %dma_wait3A_134, %dma_wait3A_135] : memref<16x126x80xi32, #tpu.memory_space<hbm>> -> memref<1x126x80xi32, #tpu.memory_space<hbm>>
      %dma_wait3A_137 = tpu.memref_squeeze %dma_wait3A_136 : memref<1x126x80xi32, #tpu.memory_space<hbm>> -> memref<126x80xi32, #tpu.memory_space<hbm>>
      %dma_wait3A_138 = arith.constant 0 : i32
      %dma_wait3A_139 = tpu.memref_slice %dma_wait3A_137[%add3A_126, %dma_wait3A_138] : memref<126x80xi32, #tpu.memory_space<hbm>> -> memref<1x80xi32, #tpu.memory_space<hbm>>
      %dma_wait3A_140 = tpu.memref_squeeze %dma_wait3A_139 : memref<1x80xi32, #tpu.memory_space<hbm>> -> memref<80xi32, #tpu.memory_space<hbm>>
      tpu.wait_dma2 semaphore(%arg19 : memref<!tpu.dma_semaphore, #tpu.memory_space<semaphore_mem>>) src(%dma_wait3A_140 : memref<80xi32, #tpu.memory_space<hbm>>) dst(%arg9 : memref<80xi32, #tpu.memory_space<vmem>>)
      %add3A_141 = arith.constant 1 : i32
      %add3A_142 = arith.addi %mul3A_94, %add3A_141 : i32
      %dma_wait3A_143 = arith.constant 0 : i32
      %dma_wait3A_144 = tpu.memref_slice %arg7[%add3A_142, %dma_wait3A_143] : memref<126x80xi32, #tpu.memory_space<vmem>> -> memref<1x80xi32, #tpu.memory_space<vmem>>
      %dma_wait3A_145 = tpu.memref_squeeze %dma_wait3A_144 : memref<1x80xi32, #tpu.memory_space<vmem>> -> memref<80xi32, #tpu.memory_space<vmem>>
      %dma_wait3A_146 = arith.constant 0 : i32
      %dma_wait3A_147 = arith.constant 0 : i32
      %dma_wait3A_148 = tpu.memref_slice %arg2[%arg0, %dma_wait3A_146, %dma_wait3A_147] : memref<2x10240x128xf32, #tpu.memory_space<hbm>> -> memref<1x10240x128xf32, #tpu.memory_space<hbm>>
      %dma_wait3A_149 = tpu.memref_squeeze %dma_wait3A_148 : memref<1x10240x128xf32, #tpu.memory_space<hbm>> -> memref<10240x128xf32, #tpu.memory_space<hbm>>
      %dma_wait3A_150 = arith.constant 0 : i32
      %dma_wait3A_151 = arith.constant 0 : i32
      %dma_wait3A_152 = tpu.memref_slice %dma_wait3A_149[%dma_wait3A_150, %dma_wait3A_151] : memref<10240x128xf32, #tpu.memory_space<hbm>> -> memref<10240x128xf32, #tpu.memory_space<hbm>>
      tpu.wait_indirect_dma semaphore(%arg16 : memref<!tpu.dma_semaphore, #tpu.memory_space<semaphore_mem>>) src(%dma_wait3A_152 : memref<10240x128xf32, #tpu.memory_space<hbm>>) dst(%arg12 : memref<80x128xf32, #tpu.memory_space<vmem>>)
      %dma_start3A_153 = arith.constant 0 : i32
      %dma_start3A_154 = arith.constant 0 : i32
      %dma_start3A_155 = tpu.memref_slice %arg14[%dma_start3A_153, %dma_start3A_154] : memref<10240x128xf32, #tpu.memory_space<vmem_shared>> -> memref<10240x128xf32, #tpu.memory_space<vmem_shared>>
      tpu.enqueue_indirect_dma source(%arg12 : memref<80x128xf32, #tpu.memory_space<vmem>>) target(%dma_start3A_155 : memref<10240x128xf32, #tpu.memory_space<vmem_shared>>) offsets(%arg9 : memref<80xi32, #tpu.memory_space<vmem>>) semaphore(%arg22 : memref<!tpu.dma_semaphore, #tpu.memory_space<semaphore_mem>>) {add = true}
      %add3A_156 = arith.constant 2 : i32
      %add3A_157 = arith.addi %mul3A_94, %add3A_156 : i32
      %dma_wait3A_158 = arith.constant 0 : i32
      %dma_wait3A_159 = arith.constant 0 : i32
      %dma_wait3A_160 = tpu.memref_slice %arg4[%arg1, %dma_wait3A_158, %dma_wait3A_159] : memref<16x126x80xi32, #tpu.memory_space<hbm>> -> memref<1x126x80xi32, #tpu.memory_space<hbm>>
      %dma_wait3A_161 = tpu.memref_squeeze %dma_wait3A_160 : memref<1x126x80xi32, #tpu.memory_space<hbm>> -> memref<126x80xi32, #tpu.memory_space<hbm>>
      %dma_wait3A_162 = arith.constant 0 : i32
      %dma_wait3A_163 = tpu.memref_slice %dma_wait3A_161[%add3A_157, %dma_wait3A_162] : memref<126x80xi32, #tpu.memory_space<hbm>> -> memref<1x80xi32, #tpu.memory_space<hbm>>
      %dma_wait3A_164 = tpu.memref_squeeze %dma_wait3A_163 : memref<1x80xi32, #tpu.memory_space<hbm>> -> memref<80xi32, #tpu.memory_space<hbm>>
      %dma_wait3A_165 = arith.constant 0 : i32
      %dma_wait3A_166 = arith.constant 0 : i32
      %dma_wait3A_167 = tpu.memref_slice %arg4[%arg1, %dma_wait3A_165, %dma_wait3A_166] : memref<16x126x80xi32, #tpu.memory_space<hbm>> -> memref<1x126x80xi32, #tpu.memory_space<hbm>>
      %dma_wait3A_168 = tpu.memref_squeeze %dma_wait3A_167 : memref<1x126x80xi32, #tpu.memory_space<hbm>> -> memref<126x80xi32, #tpu.memory_space<hbm>>
      %dma_wait3A_169 = arith.constant 0 : i32
      %dma_wait3A_170 = tpu.memref_slice %dma_wait3A_168[%add3A_157, %dma_wait3A_169] : memref<126x80xi32, #tpu.memory_space<hbm>> -> memref<1x80xi32, #tpu.memory_space<hbm>>
      %dma_wait3A_171 = tpu.memref_squeeze %dma_wait3A_170 : memref<1x80xi32, #tpu.memory_space<hbm>> -> memref<80xi32, #tpu.memory_space<hbm>>
      tpu.wait_dma2 semaphore(%arg20 : memref<!tpu.dma_semaphore, #tpu.memory_space<semaphore_mem>>) src(%dma_wait3A_171 : memref<80xi32, #tpu.memory_space<hbm>>) dst(%arg10 : memref<80xi32, #tpu.memory_space<vmem>>)
      %add3A_172 = arith.constant 2 : i32
      %add3A_173 = arith.addi %mul3A_94, %add3A_172 : i32
      %dma_wait3A_174 = arith.constant 0 : i32
      %dma_wait3A_175 = tpu.memref_slice %arg7[%add3A_173, %dma_wait3A_174] : memref<126x80xi32, #tpu.memory_space<vmem>> -> memref<1x80xi32, #tpu.memory_space<vmem>>
      %dma_wait3A_176 = tpu.memref_squeeze %dma_wait3A_175 : memref<1x80xi32, #tpu.memory_space<vmem>> -> memref<80xi32, #tpu.memory_space<vmem>>
      %dma_wait3A_177 = arith.constant 0 : i32
      %dma_wait3A_178 = arith.constant 0 : i32
      %dma_wait3A_179 = tpu.memref_slice %arg2[%arg0, %dma_wait3A_177, %dma_wait3A_178] : memref<2x10240x128xf32, #tpu.memory_space<hbm>> -> memref<1x10240x128xf32, #tpu.memory_space<hbm>>
      %dma_wait3A_180 = tpu.memref_squeeze %dma_wait3A_179 : memref<1x10240x128xf32, #tpu.memory_space<hbm>> -> memref<10240x128xf32, #tpu.memory_space<hbm>>
      %dma_wait3A_181 = arith.constant 0 : i32
      %dma_wait3A_182 = arith.constant 0 : i32
      %dma_wait3A_183 = tpu.memref_slice %dma_wait3A_180[%dma_wait3A_181, %dma_wait3A_182] : memref<10240x128xf32, #tpu.memory_space<hbm>> -> memref<10240x128xf32, #tpu.memory_space<hbm>>
      tpu.wait_indirect_dma semaphore(%arg17 : memref<!tpu.dma_semaphore, #tpu.memory_space<semaphore_mem>>) src(%dma_wait3A_183 : memref<10240x128xf32, #tpu.memory_space<hbm>>) dst(%arg13 : memref<80x128xf32, #tpu.memory_space<vmem>>)
      %dma_start3A_184 = arith.constant 0 : i32
      %dma_start3A_185 = arith.constant 0 : i32
      %dma_start3A_186 = tpu.memref_slice %arg14[%dma_start3A_184, %dma_start3A_185] : memref<10240x128xf32, #tpu.memory_space<vmem_shared>> -> memref<10240x128xf32, #tpu.memory_space<vmem_shared>>
      tpu.enqueue_indirect_dma source(%arg13 : memref<80x128xf32, #tpu.memory_space<vmem>>) target(%dma_start3A_186 : memref<10240x128xf32, #tpu.memory_space<vmem_shared>>) offsets(%arg10 : memref<80xi32, #tpu.memory_space<vmem>>) semaphore(%arg23 : memref<!tpu.dma_semaphore, #tpu.memory_space<semaphore_mem>>) {add = true}
      %lt3A = arith.constant 41 : i32
      %lt3A_187 = arith.cmpi slt, %scan3A_92, %lt3A : i32
      %convert_element_type3A = arith.extui %lt3A_187 : i1 to i32
      %cond3A = arith.constant 0 : i32
      %cond3A_188 = arith.cmpi ne, %convert_element_type3A, %cond3A : i32
      scf.if %cond3A_188 {
        %dma_wait3A_189 = arith.constant 0 : i32
        %dma_wait3A_190 = arith.constant 0 : i32
        %dma_wait3A_191 = tpu.memref_slice %arg14[%dma_wait3A_189, %dma_wait3A_190] : memref<10240x128xf32, #tpu.memory_space<vmem_shared>> -> memref<10240x128xf32, #tpu.memory_space<vmem_shared>>
        tpu.wait_indirect_dma semaphore(%arg21 : memref<!tpu.dma_semaphore, #tpu.memory_space<semaphore_mem>>) src(%arg11 : memref<80x128xf32, #tpu.memory_space<vmem>>) dst(%dma_wait3A_191 : memref<10240x128xf32, #tpu.memory_space<vmem_shared>>)
        %add3A_192 = arith.constant 3 : i32
        %add3A_193 = arith.addi %mul3A_94, %add3A_192 : i32
        %add3A_194 = arith.constant 0 : i32
        %add3A_195 = arith.addi %add3A_193, %add3A_194 : i32
        %dma_start3A_196 = arith.constant 0 : i32
        %dma_start3A_197 = arith.constant 0 : i32
        %dma_start3A_198 = tpu.memref_slice %arg4[%arg1, %dma_start3A_196, %dma_start3A_197] : memref<16x126x80xi32, #tpu.memory_space<hbm>> -> memref<1x126x80xi32, #tpu.memory_space<hbm>>
        %dma_start3A_199 = tpu.memref_squeeze %dma_start3A_198 : memref<1x126x80xi32, #tpu.memory_space<hbm>> -> memref<126x80xi32, #tpu.memory_space<hbm>>
        %dma_start3A_200 = arith.constant 0 : i32
        %dma_start3A_201 = tpu.memref_slice %dma_start3A_199[%add3A_195, %dma_start3A_200] : memref<126x80xi32, #tpu.memory_space<hbm>> -> memref<1x80xi32, #tpu.memory_space<hbm>>
        %dma_start3A_202 = tpu.memref_squeeze %dma_start3A_201 : memref<1x80xi32, #tpu.memory_space<hbm>> -> memref<80xi32, #tpu.memory_space<hbm>>
        %dma_start3A_203 = arith.constant 0 : i32
        %dma_start3A_204 = arith.constant 0 : i32
        %dma_start3A_205 = tpu.memref_slice %arg4[%arg1, %dma_start3A_203, %dma_start3A_204] : memref<16x126x80xi32, #tpu.memory_space<hbm>> -> memref<1x126x80xi32, #tpu.memory_space<hbm>>
        %dma_start3A_206 = tpu.memref_squeeze %dma_start3A_205 : memref<1x126x80xi32, #tpu.memory_space<hbm>> -> memref<126x80xi32, #tpu.memory_space<hbm>>
        %dma_start3A_207 = arith.constant 0 : i32
        %dma_start3A_208 = tpu.memref_slice %dma_start3A_206[%add3A_195, %dma_start3A_207] : memref<126x80xi32, #tpu.memory_space<hbm>> -> memref<1x80xi32, #tpu.memory_space<hbm>>
        %dma_start3A_209 = tpu.memref_squeeze %dma_start3A_208 : memref<1x80xi32, #tpu.memory_space<hbm>> -> memref<80xi32, #tpu.memory_space<hbm>>
        tpu.enqueue_dma source(%dma_start3A_209 : memref<80xi32, #tpu.memory_space<hbm>>) target(%arg8 : memref<80xi32, #tpu.memory_space<vmem>>) target_semaphore(%arg18 : memref<!tpu.dma_semaphore, #tpu.memory_space<semaphore_mem>>)
        %add3A_210 = arith.constant 3 : i32
        %add3A_211 = arith.addi %mul3A_94, %add3A_210 : i32
        %add3A_212 = arith.constant 0 : i32
        %add3A_213 = arith.addi %add3A_211, %add3A_212 : i32
        %dma_start3A_214 = arith.constant 0 : i32
        %dma_start3A_215 = tpu.memref_slice %arg7[%add3A_213, %dma_start3A_214] : memref<126x80xi32, #tpu.memory_space<vmem>> -> memref<1x80xi32, #tpu.memory_space<vmem>>
        %dma_start3A_216 = tpu.memref_squeeze %dma_start3A_215 : memref<1x80xi32, #tpu.memory_space<vmem>> -> memref<80xi32, #tpu.memory_space<vmem>>
        %dma_start3A_217 = arith.constant 0 : i32
        %dma_start3A_218 = arith.constant 0 : i32
        %dma_start3A_219 = tpu.memref_slice %arg2[%arg0, %dma_start3A_217, %dma_start3A_218] : memref<2x10240x128xf32, #tpu.memory_space<hbm>> -> memref<1x10240x128xf32, #tpu.memory_space<hbm>>
        %dma_start3A_220 = tpu.memref_squeeze %dma_start3A_219 : memref<1x10240x128xf32, #tpu.memory_space<hbm>> -> memref<10240x128xf32, #tpu.memory_space<hbm>>
        %dma_start3A_221 = arith.constant 0 : i32
        %dma_start3A_222 = arith.constant 0 : i32
        %dma_start3A_223 = tpu.memref_slice %dma_start3A_220[%dma_start3A_221, %dma_start3A_222] : memref<10240x128xf32, #tpu.memory_space<hbm>> -> memref<10240x128xf32, #tpu.memory_space<hbm>>
        tpu.enqueue_indirect_dma source(%dma_start3A_223 : memref<10240x128xf32, #tpu.memory_space<hbm>>) target(%arg11 : memref<80x128xf32, #tpu.memory_space<vmem>>) offsets(%dma_start3A_216 : memref<80xi32, #tpu.memory_space<vmem>>) semaphore(%arg15 : memref<!tpu.dma_semaphore, #tpu.memory_space<semaphore_mem>>)
        %dma_wait3A_224 = arith.constant 0 : i32
        %dma_wait3A_225 = arith.constant 0 : i32
        %dma_wait3A_226 = tpu.memref_slice %arg14[%dma_wait3A_224, %dma_wait3A_225] : memref<10240x128xf32, #tpu.memory_space<vmem_shared>> -> memref<10240x128xf32, #tpu.memory_space<vmem_shared>>
        tpu.wait_indirect_dma semaphore(%arg22 : memref<!tpu.dma_semaphore, #tpu.memory_space<semaphore_mem>>) src(%arg12 : memref<80x128xf32, #tpu.memory_space<vmem>>) dst(%dma_wait3A_226 : memref<10240x128xf32, #tpu.memory_space<vmem_shared>>)
        %add3A_227 = arith.constant 3 : i32
        %add3A_228 = arith.addi %mul3A_94, %add3A_227 : i32
        %add3A_229 = arith.constant 1 : i32
        %add3A_230 = arith.addi %add3A_228, %add3A_229 : i32
        %dma_start3A_231 = arith.constant 0 : i32
        %dma_start3A_232 = arith.constant 0 : i32
        %dma_start3A_233 = tpu.memref_slice %arg4[%arg1, %dma_start3A_231, %dma_start3A_232] : memref<16x126x80xi32, #tpu.memory_space<hbm>> -> memref<1x126x80xi32, #tpu.memory_space<hbm>>
        %dma_start3A_234 = tpu.memref_squeeze %dma_start3A_233 : memref<1x126x80xi32, #tpu.memory_space<hbm>> -> memref<126x80xi32, #tpu.memory_space<hbm>>
        %dma_start3A_235 = arith.constant 0 : i32
        %dma_start3A_236 = tpu.memref_slice %dma_start3A_234[%add3A_230, %dma_start3A_235] : memref<126x80xi32, #tpu.memory_space<hbm>> -> memref<1x80xi32, #tpu.memory_space<hbm>>
        %dma_start3A_237 = tpu.memref_squeeze %dma_start3A_236 : memref<1x80xi32, #tpu.memory_space<hbm>> -> memref<80xi32, #tpu.memory_space<hbm>>
        %dma_start3A_238 = arith.constant 0 : i32
        %dma_start3A_239 = arith.constant 0 : i32
        %dma_start3A_240 = tpu.memref_slice %arg4[%arg1, %dma_start3A_238, %dma_start3A_239] : memref<16x126x80xi32, #tpu.memory_space<hbm>> -> memref<1x126x80xi32, #tpu.memory_space<hbm>>
        %dma_start3A_241 = tpu.memref_squeeze %dma_start3A_240 : memref<1x126x80xi32, #tpu.memory_space<hbm>> -> memref<126x80xi32, #tpu.memory_space<hbm>>
        %dma_start3A_242 = arith.constant 0 : i32
        %dma_start3A_243 = tpu.memref_slice %dma_start3A_241[%add3A_230, %dma_start3A_242] : memref<126x80xi32, #tpu.memory_space<hbm>> -> memref<1x80xi32, #tpu.memory_space<hbm>>
        %dma_start3A_244 = tpu.memref_squeeze %dma_start3A_243 : memref<1x80xi32, #tpu.memory_space<hbm>> -> memref<80xi32, #tpu.memory_space<hbm>>
        tpu.enqueue_dma source(%dma_start3A_244 : memref<80xi32, #tpu.memory_space<hbm>>) target(%arg9 : memref<80xi32, #tpu.memory_space<vmem>>) target_semaphore(%arg19 : memref<!tpu.dma_semaphore, #tpu.memory_space<semaphore_mem>>)
        %add3A_245 = arith.constant 3 : i32
        %add3A_246 = arith.addi %mul3A_94, %add3A_245 : i32
        %add3A_247 = arith.constant 1 : i32
        %add3A_248 = arith.addi %add3A_246, %add3A_247 : i32
        %dma_start3A_249 = arith.constant 0 : i32
        %dma_start3A_250 = tpu.memref_slice %arg7[%add3A_248, %dma_start3A_249] : memref<126x80xi32, #tpu.memory_space<vmem>> -> memref<1x80xi32, #tpu.memory_space<vmem>>
        %dma_start3A_251 = tpu.memref_squeeze %dma_start3A_250 : memref<1x80xi32, #tpu.memory_space<vmem>> -> memref<80xi32, #tpu.memory_space<vmem>>
        %dma_start3A_252 = arith.constant 0 : i32
        %dma_start3A_253 = arith.constant 0 : i32
        %dma_start3A_254 = tpu.memref_slice %arg2[%arg0, %dma_start3A_252, %dma_start3A_253] : memref<2x10240x128xf32, #tpu.memory_space<hbm>> -> memref<1x10240x128xf32, #tpu.memory_space<hbm>>
        %dma_start3A_255 = tpu.memref_squeeze %dma_start3A_254 : memref<1x10240x128xf32, #tpu.memory_space<hbm>> -> memref<10240x128xf32, #tpu.memory_space<hbm>>
        %dma_start3A_256 = arith.constant 0 : i32
        %dma_start3A_257 = arith.constant 0 : i32
        %dma_start3A_258 = tpu.memref_slice %dma_start3A_255[%dma_start3A_256, %dma_start3A_257] : memref<10240x128xf32, #tpu.memory_space<hbm>> -> memref<10240x128xf32, #tpu.memory_space<hbm>>
        tpu.enqueue_indirect_dma source(%dma_start3A_258 : memref<10240x128xf32, #tpu.memory_space<hbm>>) target(%arg12 : memref<80x128xf32, #tpu.memory_space<vmem>>) offsets(%dma_start3A_251 : memref<80xi32, #tpu.memory_space<vmem>>) semaphore(%arg16 : memref<!tpu.dma_semaphore, #tpu.memory_space<semaphore_mem>>)
        %dma_wait3A_259 = arith.constant 0 : i32
        %dma_wait3A_260 = arith.constant 0 : i32
        %dma_wait3A_261 = tpu.memref_slice %arg14[%dma_wait3A_259, %dma_wait3A_260] : memref<10240x128xf32, #tpu.memory_space<vmem_shared>> -> memref<10240x128xf32, #tpu.memory_space<vmem_shared>>
        tpu.wait_indirect_dma semaphore(%arg23 : memref<!tpu.dma_semaphore, #tpu.memory_space<semaphore_mem>>) src(%arg13 : memref<80x128xf32, #tpu.memory_space<vmem>>) dst(%dma_wait3A_261 : memref<10240x128xf32, #tpu.memory_space<vmem_shared>>)
        %add3A_262 = arith.constant 3 : i32
        %add3A_263 = arith.addi %mul3A_94, %add3A_262 : i32
        %add3A_264 = arith.constant 2 : i32
        %add3A_265 = arith.addi %add3A_263, %add3A_264 : i32
        %dma_start3A_266 = arith.constant 0 : i32
        %dma_start3A_267 = arith.constant 0 : i32
        %dma_start3A_268 = tpu.memref_slice %arg4[%arg1, %dma_start3A_266, %dma_start3A_267] : memref<16x126x80xi32, #tpu.memory_space<hbm>> -> memref<1x126x80xi32, #tpu.memory_space<hbm>>
        %dma_start3A_269 = tpu.memref_squeeze %dma_start3A_268 : memref<1x126x80xi32, #tpu.memory_space<hbm>> -> memref<126x80xi32, #tpu.memory_space<hbm>>
        %dma_start3A_270 = arith.constant 0 : i32
        %dma_start3A_271 = tpu.memref_slice %dma_start3A_269[%add3A_265, %dma_start3A_270] : memref<126x80xi32, #tpu.memory_space<hbm>> -> memref<1x80xi32, #tpu.memory_space<hbm>>
        %dma_start3A_272 = tpu.memref_squeeze %dma_start3A_271 : memref<1x80xi32, #tpu.memory_space<hbm>> -> memref<80xi32, #tpu.memory_space<hbm>>
        %dma_start3A_273 = arith.constant 0 : i32
        %dma_start3A_274 = arith.constant 0 : i32
        %dma_start3A_275 = tpu.memref_slice %arg4[%arg1, %dma_start3A_273, %dma_start3A_274] : memref<16x126x80xi32, #tpu.memory_space<hbm>> -> memref<1x126x80xi32, #tpu.memory_space<hbm>>
        %dma_start3A_276 = tpu.memref_squeeze %dma_start3A_275 : memref<1x126x80xi32, #tpu.memory_space<hbm>> -> memref<126x80xi32, #tpu.memory_space<hbm>>
        %dma_start3A_277 = arith.constant 0 : i32
        %dma_start3A_278 = tpu.memref_slice %dma_start3A_276[%add3A_265, %dma_start3A_277] : memref<126x80xi32, #tpu.memory_space<hbm>> -> memref<1x80xi32, #tpu.memory_space<hbm>>
        %dma_start3A_279 = tpu.memref_squeeze %dma_start3A_278 : memref<1x80xi32, #tpu.memory_space<hbm>> -> memref<80xi32, #tpu.memory_space<hbm>>
        tpu.enqueue_dma source(%dma_start3A_279 : memref<80xi32, #tpu.memory_space<hbm>>) target(%arg10 : memref<80xi32, #tpu.memory_space<vmem>>) target_semaphore(%arg20 : memref<!tpu.dma_semaphore, #tpu.memory_space<semaphore_mem>>)
        %add3A_280 = arith.constant 3 : i32
        %add3A_281 = arith.addi %mul3A_94, %add3A_280 : i32
        %add3A_282 = arith.constant 2 : i32
        %add3A_283 = arith.addi %add3A_281, %add3A_282 : i32
        %dma_start3A_284 = arith.constant 0 : i32
        %dma_start3A_285 = tpu.memref_slice %arg7[%add3A_283, %dma_start3A_284] : memref<126x80xi32, #tpu.memory_space<vmem>> -> memref<1x80xi32, #tpu.memory_space<vmem>>
        %dma_start3A_286 = tpu.memref_squeeze %dma_start3A_285 : memref<1x80xi32, #tpu.memory_space<vmem>> -> memref<80xi32, #tpu.memory_space<vmem>>
        %dma_start3A_287 = arith.constant 0 : i32
        %dma_start3A_288 = arith.constant 0 : i32
        %dma_start3A_289 = tpu.memref_slice %arg2[%arg0, %dma_start3A_287, %dma_start3A_288] : memref<2x10240x128xf32, #tpu.memory_space<hbm>> -> memref<1x10240x128xf32, #tpu.memory_space<hbm>>
        %dma_start3A_290 = tpu.memref_squeeze %dma_start3A_289 : memref<1x10240x128xf32, #tpu.memory_space<hbm>> -> memref<10240x128xf32, #tpu.memory_space<hbm>>
        %dma_start3A_291 = arith.constant 0 : i32
        %dma_start3A_292 = arith.constant 0 : i32
        %dma_start3A_293 = tpu.memref_slice %dma_start3A_290[%dma_start3A_291, %dma_start3A_292] : memref<10240x128xf32, #tpu.memory_space<hbm>> -> memref<10240x128xf32, #tpu.memory_space<hbm>>
        tpu.enqueue_indirect_dma source(%dma_start3A_293 : memref<10240x128xf32, #tpu.memory_space<hbm>>) target(%arg13 : memref<80x128xf32, #tpu.memory_space<vmem>>) offsets(%dma_start3A_286 : memref<80xi32, #tpu.memory_space<vmem>>) semaphore(%arg17 : memref<!tpu.dma_semaphore, #tpu.memory_space<semaphore_mem>>)
      } else {
      }
    }
    %scan3A_82 = arith.constant 42 : i32
    %dma_wait3A = arith.constant 0 : i32
    %dma_wait3A_83 = arith.constant 0 : i32
    %dma_wait3A_84 = tpu.memref_slice %arg14[%dma_wait3A, %dma_wait3A_83] : memref<10240x128xf32, #tpu.memory_space<vmem_shared>> -> memref<10240x128xf32, #tpu.memory_space<vmem_shared>>
    tpu.wait_indirect_dma semaphore(%arg21 : memref<!tpu.dma_semaphore, #tpu.memory_space<semaphore_mem>>) src(%arg11 : memref<80x128xf32, #tpu.memory_space<vmem>>) dst(%dma_wait3A_84 : memref<10240x128xf32, #tpu.memory_space<vmem_shared>>)
    %dma_wait3A_85 = arith.constant 0 : i32
    %dma_wait3A_86 = arith.constant 0 : i32
    %dma_wait3A_87 = tpu.memref_slice %arg14[%dma_wait3A_85, %dma_wait3A_86] : memref<10240x128xf32, #tpu.memory_space<vmem_shared>> -> memref<10240x128xf32, #tpu.memory_space<vmem_shared>>
    tpu.wait_indirect_dma semaphore(%arg22 : memref<!tpu.dma_semaphore, #tpu.memory_space<semaphore_mem>>) src(%arg12 : memref<80x128xf32, #tpu.memory_space<vmem>>) dst(%dma_wait3A_87 : memref<10240x128xf32, #tpu.memory_space<vmem_shared>>)
    %dma_wait3A_88 = arith.constant 0 : i32
    %dma_wait3A_89 = arith.constant 0 : i32
    %dma_wait3A_90 = tpu.memref_slice %arg14[%dma_wait3A_88, %dma_wait3A_89] : memref<10240x128xf32, #tpu.memory_space<vmem_shared>> -> memref<10240x128xf32, #tpu.memory_space<vmem_shared>>
    tpu.wait_indirect_dma semaphore(%arg23 : memref<!tpu.dma_semaphore, #tpu.memory_space<semaphore_mem>>) src(%arg13 : memref<80x128xf32, #tpu.memory_space<vmem>>) dst(%dma_wait3A_90 : memref<10240x128xf32, #tpu.memory_space<vmem_shared>>)
    %barrier3A_91 = arith.constant 0 : index
    tpu.barrier barrier_id(%barrier3A_91)
    "tpu.region"() ({
      %run_scoped3A = tpu.sem_alloc : memref<!tpu.dma_semaphore, #tpu.memory_space<semaphore_mem>>
      %dma_start3A_92 = arith.constant 0 : i32
      %dma_start3A_93 = arith.constant 0 : i32
      %dma_start3A_94 = tpu.memref_slice %arg6[%arg0, %dma_start3A_92, %dma_start3A_93] : memref<2x10240x128xf32, #tpu.memory_space<hbm>> -> memref<1x10240x128xf32, #tpu.memory_space<hbm>>
      %dma_start3A_95 = tpu.memref_squeeze %dma_start3A_94 : memref<1x10240x128xf32, #tpu.memory_space<hbm>> -> memref<10240x128xf32, #tpu.memory_space<hbm>>
      %dma_start3A_96 = arith.constant 0 : i32
      %dma_start3A_97 = tpu.memref_slice %dma_start3A_95[%mul3A_0, %dma_start3A_96] : memref<10240x128xf32, #tpu.memory_space<hbm>> -> memref<640x128xf32, #tpu.memory_space<hbm>>
      %dma_start3A_98 = arith.constant 0 : i32
      %dma_start3A_99 = tpu.memref_slice %arg14[%mul3A_0, %dma_start3A_98] : memref<10240x128xf32, #tpu.memory_space<vmem_shared>> -> memref<640x128xf32, #tpu.memory_space<vmem_shared>>
      tpu.enqueue_dma source(%dma_start3A_99 : memref<640x128xf32, #tpu.memory_space<vmem_shared>>) target(%dma_start3A_97 : memref<640x128xf32, #tpu.memory_space<hbm>>) target_semaphore(%run_scoped3A : memref<!tpu.dma_semaphore, #tpu.memory_space<semaphore_mem>>)
      %dma_wait3A_100 = arith.constant 0 : i32
      %dma_wait3A_101 = arith.constant 0 : i32
      %dma_wait3A_102 = tpu.memref_slice %arg6[%arg0, %dma_wait3A_100, %dma_wait3A_101] : memref<2x10240x128xf32, #tpu.memory_space<hbm>> -> memref<1x10240x128xf32, #tpu.memory_space<hbm>>
      %dma_wait3A_103 = tpu.memref_squeeze %dma_wait3A_102 : memref<1x10240x128xf32, #tpu.memory_space<hbm>> -> memref<10240x128xf32, #tpu.memory_space<hbm>>
      %dma_wait3A_104 = arith.constant 0 : i32
      %dma_wait3A_105 = tpu.memref_slice %dma_wait3A_103[%mul3A_0, %dma_wait3A_104] : memref<10240x128xf32, #tpu.memory_space<hbm>> -> memref<640x128xf32, #tpu.memory_space<hbm>>
      %dma_wait3A_106 = arith.constant 0 : i32
      %dma_wait3A_107 = tpu.memref_slice %arg14[%mul3A_0, %dma_wait3A_106] : memref<10240x128xf32, #tpu.memory_space<vmem_shared>> -> memref<640x128xf32, #tpu.memory_space<vmem_shared>>
      tpu.wait_dma2 semaphore(%run_scoped3A : memref<!tpu.dma_semaphore, #tpu.memory_space<semaphore_mem>>) src(%dma_wait3A_107 : memref<640x128xf32, #tpu.memory_space<vmem_shared>>) dst(%dma_wait3A_105 : memref<640x128xf32, #tpu.memory_space<hbm>>)
      tpu.yield
    }) : () -> ()
    return
  }
}

#map = affine_map<(d0, d1) -> (0, 0, 0)>
#map1 = affine_map<(d0, d1) -> (0, 0)>
module attributes {stable_mosaic.version = 14 : i64} {
  func.func @run(%arg0: i32, %arg1: i32, %arg2: memref<2x10240x128xf32, #tpu.memory_space<hbm>>, %arg3: memref<16x126x80xi32, #tpu.memory_space<hbm>>, %arg4: memref<16x126x80xi32, #tpu.memory_space<hbm>>, %arg5: memref<10240x128xf32, #tpu.memory_space<hbm>>, %arg6: memref<2x10240x128xf32, #tpu.memory_space<hbm>>, %arg7: memref<126x80xi32, #tpu.memory_space<vmem>>, %arg8: memref<80xi32, #tpu.memory_space<vmem>>, %arg9: memref<80xi32, #tpu.memory_space<vmem>>, %arg10: memref<80xi32, #tpu.memory_space<vmem>>, %arg11: memref<80x128xf32, #tpu.memory_space<vmem>>, %arg12: memref<80x128xf32, #tpu.memory_space<vmem>>, %arg13: memref<80x128xf32, #tpu.memory_space<vmem>>, %arg14: memref<10240x128xf32, #tpu.memory_space<vmem_shared>>, %arg15: memref<!tpu.dma_semaphore, #tpu.memory_space<semaphore_mem>>, %arg16: memref<!tpu.dma_semaphore, #tpu.memory_space<semaphore_mem>>, %arg17: memref<!tpu.dma_semaphore, #tpu.memory_space<semaphore_mem>>, %arg18: memref<!tpu.dma_semaphore, #tpu.memory_space<semaphore_mem>>, %arg19: memref<!tpu.dma_semaphore, #tpu.memory_space<semaphore_mem>>, %arg20: memref<!tpu.dma_semaphore, #tpu.memory_space<semaphore_mem>>, %arg21: memref<!tpu.dma_semaphore, #tpu.memory_space<semaphore_mem>>, %arg22: memref<!tpu.dma_semaphore, #tpu.memory_space<semaphore_mem>>, %arg23: memref<!tpu.dma_semaphore, #tpu.memory_space<semaphore_mem>>) attributes {dimension_semantics = [#tpu.dimension_semantics<core_parallel>, #tpu.dimension_semantics<subcore_parallel>], iteration_bounds = array<i64: 2, 16>, scalar_prefetch = 0 : i64, scratch_operands = 17 : i64, tpu.core_type = #tpu.core_type<sc_vector_subcore>, window_params = [{transform_indices = #map}, {transform_indices = #map}, {transform_indices = #map}, {transform_indices = #map1}, {transform_indices = #map}]} {
    "tpu.region"() ({
      %run_scoped3A = tpu.sem_alloc : memref<!tpu.dma_semaphore, #tpu.memory_space<semaphore_mem>>
      %dma_start3A_92 = arith.constant 0 : i32
      %dma_start3A_93 = arith.constant 0 : i32
      %dma_start3A_94 = tpu.memref_slice %arg3[%arg1, %dma_start3A_92, %dma_start3A_93] : memref<16x126x80xi32, #tpu.memory_space<hbm>> -> memref<1x126x80xi32, #tpu.memory_space<hbm>>
      %dma_start3A_95 = tpu.memref_squeeze %dma_start3A_94 : memref<1x126x80xi32, #tpu.memory_space<hbm>> -> memref<126x80xi32, #tpu.memory_space<hbm>>
      %dma_start3A_96 = arith.constant 0 : i32
      %dma_start3A_97 = arith.constant 0 : i32
      %dma_start3A_98 = tpu.memref_slice %arg3[%arg1, %dma_start3A_96, %dma_start3A_97] : memref<16x126x80xi32, #tpu.memory_space<hbm>> -> memref<1x126x80xi32, #tpu.memory_space<hbm>>
      %dma_start3A_99 = tpu.memref_squeeze %dma_start3A_98 : memref<1x126x80xi32, #tpu.memory_space<hbm>> -> memref<126x80xi32, #tpu.memory_space<hbm>>
      tpu.enqueue_dma source(%dma_start3A_99 : memref<126x80xi32, #tpu.memory_space<hbm>>) target(%arg7 : memref<126x80xi32, #tpu.memory_space<vmem>>) target_semaphore(%run_scoped3A : memref<!tpu.dma_semaphore, #tpu.memory_space<semaphore_mem>>)
      %dma_wait3A_100 = arith.constant 0 : i32
      %dma_wait3A_101 = arith.constant 0 : i32
      %dma_wait3A_102 = tpu.memref_slice %arg3[%arg1, %dma_wait3A_100, %dma_wait3A_101] : memref<16x126x80xi32, #tpu.memory_space<hbm>> -> memref<1x126x80xi32, #tpu.memory_space<hbm>>
      %dma_wait3A_103 = tpu.memref_squeeze %dma_wait3A_102 : memref<1x126x80xi32, #tpu.memory_space<hbm>> -> memref<126x80xi32, #tpu.memory_space<hbm>>
      %dma_wait3A_104 = arith.constant 0 : i32
      %dma_wait3A_105 = arith.constant 0 : i32
      %dma_wait3A_106 = tpu.memref_slice %arg3[%arg1, %dma_wait3A_104, %dma_wait3A_105] : memref<16x126x80xi32, #tpu.memory_space<hbm>> -> memref<1x126x80xi32, #tpu.memory_space<hbm>>
      %dma_wait3A_107 = tpu.memref_squeeze %dma_wait3A_106 : memref<1x126x80xi32, #tpu.memory_space<hbm>> -> memref<126x80xi32, #tpu.memory_space<hbm>>
      tpu.wait_dma2 semaphore(%run_scoped3A : memref<!tpu.dma_semaphore, #tpu.memory_space<semaphore_mem>>) src(%dma_wait3A_107 : memref<126x80xi32, #tpu.memory_space<hbm>>) dst(%arg7 : memref<126x80xi32, #tpu.memory_space<vmem>>)
      tpu.yield
    }) : () -> ()
    %mul3A = arith.constant 640 : i32
    %mul3A_0 = arith.muli %arg1, %mul3A : i32
    %dma_start3A = arith.constant 0 : i32
    %dma_start3A_1 = arith.constant 0 : i32
    %dma_start3A_2 = arith.constant 0 : i32
    %dma_start3A_3 = tpu.memref_slice %arg4[%arg1, %dma_start3A_1, %dma_start3A_2] : memref<16x126x80xi32, #tpu.memory_space<hbm>> -> memref<1x126x80xi32, #tpu.memory_space<hbm>>
    %dma_start3A_4 = tpu.memref_squeeze %dma_start3A_3 : memref<1x126x80xi32, #tpu.memory_space<hbm>> -> memref<126x80xi32, #tpu.memory_space<hbm>>
    %dma_start3A_5 = arith.constant 0 : i32
    %dma_start3A_6 = tpu.memref_slice %dma_start3A_4[%dma_start3A, %dma_start3A_5] : memref<126x80xi32, #tpu.memory_space<hbm>> -> memref<1x80xi32, #tpu.memory_space<hbm>>
    %dma_start3A_7 = tpu.memref_squeeze %dma_start3A_6 : memref<1x80xi32, #tpu.memory_space<hbm>> -> memref<80xi32, #tpu.memory_space<hbm>>
    %dma_start3A_8 = arith.constant 0 : i32
    %dma_start3A_9 = arith.constant 0 : i32
    %dma_start3A_10 = tpu.memref_slice %arg4[%arg1, %dma_start3A_8, %dma_start3A_9] : memref<16x126x80xi32, #tpu.memory_space<hbm>> -> memref<1x126x80xi32, #tpu.memory_space<hbm>>
    %dma_start3A_11 = tpu.memref_squeeze %dma_start3A_10 : memref<1x126x80xi32, #tpu.memory_space<hbm>> -> memref<126x80xi32, #tpu.memory_space<hbm>>
    %dma_start3A_12 = arith.constant 0 : i32
    %dma_start3A_13 = tpu.memref_slice %dma_start3A_11[%dma_start3A, %dma_start3A_12] : memref<126x80xi32, #tpu.memory_space<hbm>> -> memref<1x80xi32, #tpu.memory_space<hbm>>
    %dma_start3A_14 = tpu.memref_squeeze %dma_start3A_13 : memref<1x80xi32, #tpu.memory_space<hbm>> -> memref<80xi32, #tpu.memory_space<hbm>>
    tpu.enqueue_dma source(%dma_start3A_14 : memref<80xi32, #tpu.memory_space<hbm>>) target(%arg8 : memref<80xi32, #tpu.memory_space<vmem>>) target_semaphore(%arg18 : memref<!tpu.dma_semaphore, #tpu.memory_space<semaphore_mem>>)
    %dma_start3A_15 = arith.constant 0 : i32
    %dma_start3A_16 = arith.constant 0 : i32
    %dma_start3A_17 = tpu.memref_slice %arg7[%dma_start3A_15, %dma_start3A_16] : memref<126x80xi32, #tpu.memory_space<vmem>> -> memref<1x80xi32, #tpu.memory_space<vmem>>
    %dma_start3A_18 = tpu.memref_squeeze %dma_start3A_17 : memref<1x80xi32, #tpu.memory_space<vmem>> -> memref<80xi32, #tpu.memory_space<vmem>>
    %dma_start3A_19 = arith.constant 0 : i32
    %dma_start3A_20 = arith.constant 0 : i32
    %dma_start3A_21 = tpu.memref_slice %arg2[%arg0, %dma_start3A_19, %dma_start3A_20] : memref<2x10240x128xf32, #tpu.memory_space<hbm>> -> memref<1x10240x128xf32, #tpu.memory_space<hbm>>
    %dma_start3A_22 = tpu.memref_squeeze %dma_start3A_21 : memref<1x10240x128xf32, #tpu.memory_space<hbm>> -> memref<10240x128xf32, #tpu.memory_space<hbm>>
    %dma_start3A_23 = arith.constant 0 : i32
    %dma_start3A_24 = arith.constant 0 : i32
    %dma_start3A_25 = tpu.memref_slice %dma_start3A_22[%dma_start3A_23, %dma_start3A_24] : memref<10240x128xf32, #tpu.memory_space<hbm>> -> memref<10240x128xf32, #tpu.memory_space<hbm>>
    tpu.enqueue_indirect_dma source(%dma_start3A_25 : memref<10240x128xf32, #tpu.memory_space<hbm>>) target(%arg11 : memref<80x128xf32, #tpu.memory_space<vmem>>) offsets(%dma_start3A_18 : memref<80xi32, #tpu.memory_space<vmem>>) semaphore(%arg15 : memref<!tpu.dma_semaphore, #tpu.memory_space<semaphore_mem>>)
    %dma_start3A_26 = arith.constant 1 : i32
    %dma_start3A_27 = arith.constant 0 : i32
    %dma_start3A_28 = arith.constant 0 : i32
    %dma_start3A_29 = tpu.memref_slice %arg4[%arg1, %dma_start3A_27, %dma_start3A_28] : memref<16x126x80xi32, #tpu.memory_space<hbm>> -> memref<1x126x80xi32, #tpu.memory_space<hbm>>
    %dma_start3A_30 = tpu.memref_squeeze %dma_start3A_29 : memref<1x126x80xi32, #tpu.memory_space<hbm>> -> memref<126x80xi32, #tpu.memory_space<hbm>>
    %dma_start3A_31 = arith.constant 0 : i32
    %dma_start3A_32 = tpu.memref_slice %dma_start3A_30[%dma_start3A_26, %dma_start3A_31] : memref<126x80xi32, #tpu.memory_space<hbm>> -> memref<1x80xi32, #tpu.memory_space<hbm>>
    %dma_start3A_33 = tpu.memref_squeeze %dma_start3A_32 : memref<1x80xi32, #tpu.memory_space<hbm>> -> memref<80xi32, #tpu.memory_space<hbm>>
    %dma_start3A_34 = arith.constant 0 : i32
    %dma_start3A_35 = arith.constant 0 : i32
    %dma_start3A_36 = tpu.memref_slice %arg4[%arg1, %dma_start3A_34, %dma_start3A_35] : memref<16x126x80xi32, #tpu.memory_space<hbm>> -> memref<1x126x80xi32, #tpu.memory_space<hbm>>
    %dma_start3A_37 = tpu.memref_squeeze %dma_start3A_36 : memref<1x126x80xi32, #tpu.memory_space<hbm>> -> memref<126x80xi32, #tpu.memory_space<hbm>>
    %dma_start3A_38 = arith.constant 0 : i32
    %dma_start3A_39 = tpu.memref_slice %dma_start3A_37[%dma_start3A_26, %dma_start3A_38] : memref<126x80xi32, #tpu.memory_space<hbm>> -> memref<1x80xi32, #tpu.memory_space<hbm>>
    %dma_start3A_40 = tpu.memref_squeeze %dma_start3A_39 : memref<1x80xi32, #tpu.memory_space<hbm>> -> memref<80xi32, #tpu.memory_space<hbm>>
    tpu.enqueue_dma source(%dma_start3A_40 : memref<80xi32, #tpu.memory_space<hbm>>) target(%arg9 : memref<80xi32, #tpu.memory_space<vmem>>) target_semaphore(%arg19 : memref<!tpu.dma_semaphore, #tpu.memory_space<semaphore_mem>>)
    %dma_start3A_41 = arith.constant 1 : i32
    %dma_start3A_42 = arith.constant 0 : i32
    %dma_start3A_43 = tpu.memref_slice %arg7[%dma_start3A_41, %dma_start3A_42] : memref<126x80xi32, #tpu.memory_space<vmem>> -> memref<1x80xi32, #tpu.memory_space<vmem>>
    %dma_start3A_44 = tpu.memref_squeeze %dma_start3A_43 : memref<1x80xi32, #tpu.memory_space<vmem>> -> memref<80xi32, #tpu.memory_space<vmem>>
    %dma_start3A_45 = arith.constant 0 : i32
    %dma_start3A_46 = arith.constant 0 : i32
    %dma_start3A_47 = tpu.memref_slice %arg2[%arg0, %dma_start3A_45, %dma_start3A_46] : memref<2x10240x128xf32, #tpu.memory_space<hbm>> -> memref<1x10240x128xf32, #tpu.memory_space<hbm>>
    %dma_start3A_48 = tpu.memref_squeeze %dma_start3A_47 : memref<1x10240x128xf32, #tpu.memory_space<hbm>> -> memref<10240x128xf32, #tpu.memory_space<hbm>>
    %dma_start3A_49 = arith.constant 0 : i32
    %dma_start3A_50 = arith.constant 0 : i32
    %dma_start3A_51 = tpu.memref_slice %dma_start3A_48[%dma_start3A_49, %dma_start3A_50] : memref<10240x128xf32, #tpu.memory_space<hbm>> -> memref<10240x128xf32, #tpu.memory_space<hbm>>
    tpu.enqueue_indirect_dma source(%dma_start3A_51 : memref<10240x128xf32, #tpu.memory_space<hbm>>) target(%arg12 : memref<80x128xf32, #tpu.memory_space<vmem>>) offsets(%dma_start3A_44 : memref<80xi32, #tpu.memory_space<vmem>>) semaphore(%arg16 : memref<!tpu.dma_semaphore, #tpu.memory_space<semaphore_mem>>)
    %dma_start3A_52 = arith.constant 2 : i32
    %dma_start3A_53 = arith.constant 0 : i32
    %dma_start3A_54 = arith.constant 0 : i32
    %dma_start3A_55 = tpu.memref_slice %arg4[%arg1, %dma_start3A_53, %dma_start3A_54] : memref<16x126x80xi32, #tpu.memory_space<hbm>> -> memref<1x126x80xi32, #tpu.memory_space<hbm>>
    %dma_start3A_56 = tpu.memref_squeeze %dma_start3A_55 : memref<1x126x80xi32, #tpu.memory_space<hbm>> -> memref<126x80xi32, #tpu.memory_space<hbm>>
    %dma_start3A_57 = arith.constant 0 : i32
    %dma_start3A_58 = tpu.memref_slice %dma_start3A_56[%dma_start3A_52, %dma_start3A_57] : memref<126x80xi32, #tpu.memory_space<hbm>> -> memref<1x80xi32, #tpu.memory_space<hbm>>
    %dma_start3A_59 = tpu.memref_squeeze %dma_start3A_58 : memref<1x80xi32, #tpu.memory_space<hbm>> -> memref<80xi32, #tpu.memory_space<hbm>>
    %dma_start3A_60 = arith.constant 0 : i32
    %dma_start3A_61 = arith.constant 0 : i32
    %dma_start3A_62 = tpu.memref_slice %arg4[%arg1, %dma_start3A_60, %dma_start3A_61] : memref<16x126x80xi32, #tpu.memory_space<hbm>> -> memref<1x126x80xi32, #tpu.memory_space<hbm>>
    %dma_start3A_63 = tpu.memref_squeeze %dma_start3A_62 : memref<1x126x80xi32, #tpu.memory_space<hbm>> -> memref<126x80xi32, #tpu.memory_space<hbm>>
    %dma_start3A_64 = arith.constant 0 : i32
    %dma_start3A_65 = tpu.memref_slice %dma_start3A_63[%dma_start3A_52, %dma_start3A_64] : memref<126x80xi32, #tpu.memory_space<hbm>> -> memref<1x80xi32, #tpu.memory_space<hbm>>
    %dma_start3A_66 = tpu.memref_squeeze %dma_start3A_65 : memref<1x80xi32, #tpu.memory_space<hbm>> -> memref<80xi32, #tpu.memory_space<hbm>>
    tpu.enqueue_dma source(%dma_start3A_66 : memref<80xi32, #tpu.memory_space<hbm>>) target(%arg10 : memref<80xi32, #tpu.memory_space<vmem>>) target_semaphore(%arg20 : memref<!tpu.dma_semaphore, #tpu.memory_space<semaphore_mem>>)
    %dma_start3A_67 = arith.constant 2 : i32
    %dma_start3A_68 = arith.constant 0 : i32
    %dma_start3A_69 = tpu.memref_slice %arg7[%dma_start3A_67, %dma_start3A_68] : memref<126x80xi32, #tpu.memory_space<vmem>> -> memref<1x80xi32, #tpu.memory_space<vmem>>
    %dma_start3A_70 = tpu.memref_squeeze %dma_start3A_69 : memref<1x80xi32, #tpu.memory_space<vmem>> -> memref<80xi32, #tpu.memory_space<vmem>>
    %dma_start3A_71 = arith.constant 0 : i32
    %dma_start3A_72 = arith.constant 0 : i32
    %dma_start3A_73 = tpu.memref_slice %arg2[%arg0, %dma_start3A_71, %dma_start3A_72] : memref<2x10240x128xf32, #tpu.memory_space<hbm>> -> memref<1x10240x128xf32, #tpu.memory_space<hbm>>
    %dma_start3A_74 = tpu.memref_squeeze %dma_start3A_73 : memref<1x10240x128xf32, #tpu.memory_space<hbm>> -> memref<10240x128xf32, #tpu.memory_space<hbm>>
    %dma_start3A_75 = arith.constant 0 : i32
    %dma_start3A_76 = arith.constant 0 : i32
    %dma_start3A_77 = tpu.memref_slice %dma_start3A_74[%dma_start3A_75, %dma_start3A_76] : memref<10240x128xf32, #tpu.memory_space<hbm>> -> memref<10240x128xf32, #tpu.memory_space<hbm>>
    tpu.enqueue_indirect_dma source(%dma_start3A_77 : memref<10240x128xf32, #tpu.memory_space<hbm>>) target(%arg13 : memref<80x128xf32, #tpu.memory_space<vmem>>) offsets(%dma_start3A_70 : memref<80xi32, #tpu.memory_space<vmem>>) semaphore(%arg17 : memref<!tpu.dma_semaphore, #tpu.memory_space<semaphore_mem>>)
    "tpu.region"() ({
      %run_scoped3A = tpu.sem_alloc : memref<!tpu.dma_semaphore, #tpu.memory_space<semaphore_mem>>
      %dma_start3A_92 = arith.constant 0 : i32
      %dma_start3A_93 = tpu.memref_slice %arg14[%mul3A_0, %dma_start3A_92] : memref<10240x128xf32, #tpu.memory_space<vmem_shared>> -> memref<640x128xf32, #tpu.memory_space<vmem_shared>>
      %dma_start3A_94 = arith.constant 0 : i32
      %dma_start3A_95 = tpu.memref_slice %arg5[%mul3A_0, %dma_start3A_94] : memref<10240x128xf32, #tpu.memory_space<hbm>> -> memref<640x128xf32, #tpu.memory_space<hbm>>
      tpu.enqueue_dma source(%dma_start3A_95 : memref<640x128xf32, #tpu.memory_space<hbm>>) target(%dma_start3A_93 : memref<640x128xf32, #tpu.memory_space<vmem_shared>>) target_semaphore(%run_scoped3A : memref<!tpu.dma_semaphore, #tpu.memory_space<semaphore_mem>>)
      %dma_wait3A_96 = arith.constant 0 : i32
      %dma_wait3A_97 = tpu.memref_slice %arg14[%mul3A_0, %dma_wait3A_96] : memref<10240x128xf32, #tpu.memory_space<vmem_shared>> -> memref<640x128xf32, #tpu.memory_space<vmem_shared>>
      %dma_wait3A_98 = arith.constant 0 : i32
      %dma_wait3A_99 = tpu.memref_slice %arg5[%mul3A_0, %dma_wait3A_98] : memref<10240x128xf32, #tpu.memory_space<hbm>> -> memref<640x128xf32, #tpu.memory_space<hbm>>
      tpu.wait_dma2 semaphore(%run_scoped3A : memref<!tpu.dma_semaphore, #tpu.memory_space<semaphore_mem>>) src(%dma_wait3A_99 : memref<640x128xf32, #tpu.memory_space<hbm>>) dst(%dma_wait3A_97 : memref<640x128xf32, #tpu.memory_space<vmem_shared>>)
      tpu.yield
    }) : () -> ()
    %barrier3A = arith.constant 0 : index
    tpu.barrier barrier_id(%barrier3A)
    %scan3A = arith.constant 0 : i32
    %scan3A_78 = arith.constant 0 : i32
    %scan3A_79 = arith.constant 42 : i32
    %scan3A_80 = arith.addi %scan3A_78, %scan3A_79 : i32
    %scan3A_81 = arith.constant 1 : i32
    scf.for %scan3A_92 = %scan3A_78 to %scan3A_80 step %scan3A_81  : i32 {
      %mul3A_93 = arith.constant 3 : i32
      %mul3A_94 = arith.muli %mul3A_93, %scan3A_92 : i32
      %add3A = arith.constant 0 : i32
      %add3A_95 = arith.addi %mul3A_94, %add3A : i32
      %dma_wait3A_96 = arith.constant 0 : i32
      %dma_wait3A_97 = arith.constant 0 : i32
      %dma_wait3A_98 = tpu.memref_slice %arg4[%arg1, %dma_wait3A_96, %dma_wait3A_97] : memref<16x126x80xi32, #tpu.memory_space<hbm>> -> memref<1x126x80xi32, #tpu.memory_space<hbm>>
      %dma_wait3A_99 = tpu.memref_squeeze %dma_wait3A_98 : memref<1x126x80xi32, #tpu.memory_space<hbm>> -> memref<126x80xi32, #tpu.memory_space<hbm>>
      %dma_wait3A_100 = arith.constant 0 : i32
      %dma_wait3A_101 = tpu.memref_slice %dma_wait3A_99[%add3A_95, %dma_wait3A_100] : memref<126x80xi32, #tpu.memory_space<hbm>> -> memref<1x80xi32, #tpu.memory_space<hbm>>
      %dma_wait3A_102 = tpu.memref_squeeze %dma_wait3A_101 : memref<1x80xi32, #tpu.memory_space<hbm>> -> memref<80xi32, #tpu.memory_space<hbm>>
      %dma_wait3A_103 = arith.constant 0 : i32
      %dma_wait3A_104 = arith.constant 0 : i32
      %dma_wait3A_105 = tpu.memref_slice %arg4[%arg1, %dma_wait3A_103, %dma_wait3A_104] : memref<16x126x80xi32, #tpu.memory_space<hbm>> -> memref<1x126x80xi32, #tpu.memory_space<hbm>>
      %dma_wait3A_106 = tpu.memref_squeeze %dma_wait3A_105 : memref<1x126x80xi32, #tpu.memory_space<hbm>> -> memref<126x80xi32, #tpu.memory_space<hbm>>
      %dma_wait3A_107 = arith.constant 0 : i32
      %dma_wait3A_108 = tpu.memref_slice %dma_wait3A_106[%add3A_95, %dma_wait3A_107] : memref<126x80xi32, #tpu.memory_space<hbm>> -> memref<1x80xi32, #tpu.memory_space<hbm>>
      %dma_wait3A_109 = tpu.memref_squeeze %dma_wait3A_108 : memref<1x80xi32, #tpu.memory_space<hbm>> -> memref<80xi32, #tpu.memory_space<hbm>>
      tpu.wait_dma2 semaphore(%arg18 : memref<!tpu.dma_semaphore, #tpu.memory_space<semaphore_mem>>) src(%dma_wait3A_109 : memref<80xi32, #tpu.memory_space<hbm>>) dst(%arg8 : memref<80xi32, #tpu.memory_space<vmem>>)
      %add3A_110 = arith.constant 0 : i32
      %add3A_111 = arith.addi %mul3A_94, %add3A_110 : i32
      %dma_wait3A_112 = arith.constant 0 : i32
      %dma_wait3A_113 = tpu.memref_slice %arg7[%add3A_111, %dma_wait3A_112] : memref<126x80xi32, #tpu.memory_space<vmem>> -> memref<1x80xi32, #tpu.memory_space<vmem>>
      %dma_wait3A_114 = tpu.memref_squeeze %dma_wait3A_113 : memref<1x80xi32, #tpu.memory_space<vmem>> -> memref<80xi32, #tpu.memory_space<vmem>>
      %dma_wait3A_115 = arith.constant 0 : i32
      %dma_wait3A_116 = arith.constant 0 : i32
      %dma_wait3A_117 = tpu.memref_slice %arg2[%arg0, %dma_wait3A_115, %dma_wait3A_116] : memref<2x10240x128xf32, #tpu.memory_space<hbm>> -> memref<1x10240x128xf32, #tpu.memory_space<hbm>>
      %dma_wait3A_118 = tpu.memref_squeeze %dma_wait3A_117 : memref<1x10240x128xf32, #tpu.memory_space<hbm>> -> memref<10240x128xf32, #tpu.memory_space<hbm>>
      %dma_wait3A_119 = arith.constant 0 : i32
      %dma_wait3A_120 = arith.constant 0 : i32
      %dma_wait3A_121 = tpu.memref_slice %dma_wait3A_118[%dma_wait3A_119, %dma_wait3A_120] : memref<10240x128xf32, #tpu.memory_space<hbm>> -> memref<10240x128xf32, #tpu.memory_space<hbm>>
      tpu.wait_indirect_dma semaphore(%arg15 : memref<!tpu.dma_semaphore, #tpu.memory_space<semaphore_mem>>) src(%dma_wait3A_121 : memref<10240x128xf32, #tpu.memory_space<hbm>>) dst(%arg11 : memref<80x128xf32, #tpu.memory_space<vmem>>)
      %dma_start3A_122 = arith.constant 0 : i32
      %dma_start3A_123 = arith.constant 0 : i32
      %dma_start3A_124 = tpu.memref_slice %arg14[%dma_start3A_122, %dma_start3A_123] : memref<10240x128xf32, #tpu.memory_space<vmem_shared>> -> memref<10240x128xf32, #tpu.memory_space<vmem_shared>>
      tpu.enqueue_indirect_dma source(%arg11 : memref<80x128xf32, #tpu.memory_space<vmem>>) target(%dma_start3A_124 : memref<10240x128xf32, #tpu.memory_space<vmem_shared>>) offsets(%arg8 : memref<80xi32, #tpu.memory_space<vmem>>) semaphore(%arg21 : memref<!tpu.dma_semaphore, #tpu.memory_space<semaphore_mem>>) {add = true}
      %add3A_125 = arith.constant 1 : i32
      %add3A_126 = arith.addi %mul3A_94, %add3A_125 : i32
      %dma_wait3A_127 = arith.constant 0 : i32
      %dma_wait3A_128 = arith.constant 0 : i32
      %dma_wait3A_129 = tpu.memref_slice %arg4[%arg1, %dma_wait3A_127, %dma_wait3A_128] : memref<16x126x80xi32, #tpu.memory_space<hbm>> -> memref<1x126x80xi32, #tpu.memory_space<hbm>>
      %dma_wait3A_130 = tpu.memref_squeeze %dma_wait3A_129 : memref<1x126x80xi32, #tpu.memory_space<hbm>> -> memref<126x80xi32, #tpu.memory_space<hbm>>
      %dma_wait3A_131 = arith.constant 0 : i32
      %dma_wait3A_132 = tpu.memref_slice %dma_wait3A_130[%add3A_126, %dma_wait3A_131] : memref<126x80xi32, #tpu.memory_space<hbm>> -> memref<1x80xi32, #tpu.memory_space<hbm>>
      %dma_wait3A_133 = tpu.memref_squeeze %dma_wait3A_132 : memref<1x80xi32, #tpu.memory_space<hbm>> -> memref<80xi32, #tpu.memory_space<hbm>>
      %dma_wait3A_134 = arith.constant 0 : i32
      %dma_wait3A_135 = arith.constant 0 : i32
      %dma_wait3A_136 = tpu.memref_slice %arg4[%arg1, %dma_wait3A_134, %dma_wait3A_135] : memref<16x126x80xi32, #tpu.memory_space<hbm>> -> memref<1x126x80xi32, #tpu.memory_space<hbm>>
      %dma_wait3A_137 = tpu.memref_squeeze %dma_wait3A_136 : memref<1x126x80xi32, #tpu.memory_space<hbm>> -> memref<126x80xi32, #tpu.memory_space<hbm>>
      %dma_wait3A_138 = arith.constant 0 : i32
      %dma_wait3A_139 = tpu.memref_slice %dma_wait3A_137[%add3A_126, %dma_wait3A_138] : memref<126x80xi32, #tpu.memory_space<hbm>> -> memref<1x80xi32, #tpu.memory_space<hbm>>
      %dma_wait3A_140 = tpu.memref_squeeze %dma_wait3A_139 : memref<1x80xi32, #tpu.memory_space<hbm>> -> memref<80xi32, #tpu.memory_space<hbm>>
      tpu.wait_dma2 semaphore(%arg19 : memref<!tpu.dma_semaphore, #tpu.memory_space<semaphore_mem>>) src(%dma_wait3A_140 : memref<80xi32, #tpu.memory_space<hbm>>) dst(%arg9 : memref<80xi32, #tpu.memory_space<vmem>>)
      %add3A_141 = arith.constant 1 : i32
      %add3A_142 = arith.addi %mul3A_94, %add3A_141 : i32
      %dma_wait3A_143 = arith.constant 0 : i32
      %dma_wait3A_144 = tpu.memref_slice %arg7[%add3A_142, %dma_wait3A_143] : memref<126x80xi32, #tpu.memory_space<vmem>> -> memref<1x80xi32, #tpu.memory_space<vmem>>
      %dma_wait3A_145 = tpu.memref_squeeze %dma_wait3A_144 : memref<1x80xi32, #tpu.memory_space<vmem>> -> memref<80xi32, #tpu.memory_space<vmem>>
      %dma_wait3A_146 = arith.constant 0 : i32
      %dma_wait3A_147 = arith.constant 0 : i32
      %dma_wait3A_148 = tpu.memref_slice %arg2[%arg0, %dma_wait3A_146, %dma_wait3A_147] : memref<2x10240x128xf32, #tpu.memory_space<hbm>> -> memref<1x10240x128xf32, #tpu.memory_space<hbm>>
      %dma_wait3A_149 = tpu.memref_squeeze %dma_wait3A_148 : memref<1x10240x128xf32, #tpu.memory_space<hbm>> -> memref<10240x128xf32, #tpu.memory_space<hbm>>
      %dma_wait3A_150 = arith.constant 0 : i32
      %dma_wait3A_151 = arith.constant 0 : i32
      %dma_wait3A_152 = tpu.memref_slice %dma_wait3A_149[%dma_wait3A_150, %dma_wait3A_151] : memref<10240x128xf32, #tpu.memory_space<hbm>> -> memref<10240x128xf32, #tpu.memory_space<hbm>>
      tpu.wait_indirect_dma semaphore(%arg16 : memref<!tpu.dma_semaphore, #tpu.memory_space<semaphore_mem>>) src(%dma_wait3A_152 : memref<10240x128xf32, #tpu.memory_space<hbm>>) dst(%arg12 : memref<80x128xf32, #tpu.memory_space<vmem>>)
      %dma_start3A_153 = arith.constant 0 : i32
      %dma_start3A_154 = arith.constant 0 : i32
      %dma_start3A_155 = tpu.memref_slice %arg14[%dma_start3A_153, %dma_start3A_154] : memref<10240x128xf32, #tpu.memory_space<vmem_shared>> -> memref<10240x128xf32, #tpu.memory_space<vmem_shared>>
      tpu.enqueue_indirect_dma source(%arg12 : memref<80x128xf32, #tpu.memory_space<vmem>>) target(%dma_start3A_155 : memref<10240x128xf32, #tpu.memory_space<vmem_shared>>) offsets(%arg9 : memref<80xi32, #tpu.memory_space<vmem>>) semaphore(%arg22 : memref<!tpu.dma_semaphore, #tpu.memory_space<semaphore_mem>>) {add = true}
      %add3A_156 = arith.constant 2 : i32
      %add3A_157 = arith.addi %mul3A_94, %add3A_156 : i32
      %dma_wait3A_158 = arith.constant 0 : i32
      %dma_wait3A_159 = arith.constant 0 : i32
      %dma_wait3A_160 = tpu.memref_slice %arg4[%arg1, %dma_wait3A_158, %dma_wait3A_159] : memref<16x126x80xi32, #tpu.memory_space<hbm>> -> memref<1x126x80xi32, #tpu.memory_space<hbm>>
      %dma_wait3A_161 = tpu.memref_squeeze %dma_wait3A_160 : memref<1x126x80xi32, #tpu.memory_space<hbm>> -> memref<126x80xi32, #tpu.memory_space<hbm>>
      %dma_wait3A_162 = arith.constant 0 : i32
      %dma_wait3A_163 = tpu.memref_slice %dma_wait3A_161[%add3A_157, %dma_wait3A_162] : memref<126x80xi32, #tpu.memory_space<hbm>> -> memref<1x80xi32, #tpu.memory_space<hbm>>
      %dma_wait3A_164 = tpu.memref_squeeze %dma_wait3A_163 : memref<1x80xi32, #tpu.memory_space<hbm>> -> memref<80xi32, #tpu.memory_space<hbm>>
      %dma_wait3A_165 = arith.constant 0 : i32
      %dma_wait3A_166 = arith.constant 0 : i32
      %dma_wait3A_167 = tpu.memref_slice %arg4[%arg1, %dma_wait3A_165, %dma_wait3A_166] : memref<16x126x80xi32, #tpu.memory_space<hbm>> -> memref<1x126x80xi32, #tpu.memory_space<hbm>>
      %dma_wait3A_168 = tpu.memref_squeeze %dma_wait3A_167 : memref<1x126x80xi32, #tpu.memory_space<hbm>> -> memref<126x80xi32, #tpu.memory_space<hbm>>
      %dma_wait3A_169 = arith.constant 0 : i32
      %dma_wait3A_170 = tpu.memref_slice %dma_wait3A_168[%add3A_157, %dma_wait3A_169] : memref<126x80xi32, #tpu.memory_space<hbm>> -> memref<1x80xi32, #tpu.memory_space<hbm>>
      %dma_wait3A_171 = tpu.memref_squeeze %dma_wait3A_170 : memref<1x80xi32, #tpu.memory_space<hbm>> -> memref<80xi32, #tpu.memory_space<hbm>>
      tpu.wait_dma2 semaphore(%arg20 : memref<!tpu.dma_semaphore, #tpu.memory_space<semaphore_mem>>) src(%dma_wait3A_171 : memref<80xi32, #tpu.memory_space<hbm>>) dst(%arg10 : memref<80xi32, #tpu.memory_space<vmem>>)
      %add3A_172 = arith.constant 2 : i32
      %add3A_173 = arith.addi %mul3A_94, %add3A_172 : i32
      %dma_wait3A_174 = arith.constant 0 : i32
      %dma_wait3A_175 = tpu.memref_slice %arg7[%add3A_173, %dma_wait3A_174] : memref<126x80xi32, #tpu.memory_space<vmem>> -> memref<1x80xi32, #tpu.memory_space<vmem>>
      %dma_wait3A_176 = tpu.memref_squeeze %dma_wait3A_175 : memref<1x80xi32, #tpu.memory_space<vmem>> -> memref<80xi32, #tpu.memory_space<vmem>>
      %dma_wait3A_177 = arith.constant 0 : i32
      %dma_wait3A_178 = arith.constant 0 : i32
      %dma_wait3A_179 = tpu.memref_slice %arg2[%arg0, %dma_wait3A_177, %dma_wait3A_178] : memref<2x10240x128xf32, #tpu.memory_space<hbm>> -> memref<1x10240x128xf32, #tpu.memory_space<hbm>>
      %dma_wait3A_180 = tpu.memref_squeeze %dma_wait3A_179 : memref<1x10240x128xf32, #tpu.memory_space<hbm>> -> memref<10240x128xf32, #tpu.memory_space<hbm>>
      %dma_wait3A_181 = arith.constant 0 : i32
      %dma_wait3A_182 = arith.constant 0 : i32
      %dma_wait3A_183 = tpu.memref_slice %dma_wait3A_180[%dma_wait3A_181, %dma_wait3A_182] : memref<10240x128xf32, #tpu.memory_space<hbm>> -> memref<10240x128xf32, #tpu.memory_space<hbm>>
      tpu.wait_indirect_dma semaphore(%arg17 : memref<!tpu.dma_semaphore, #tpu.memory_space<semaphore_mem>>) src(%dma_wait3A_183 : memref<10240x128xf32, #tpu.memory_space<hbm>>) dst(%arg13 : memref<80x128xf32, #tpu.memory_space<vmem>>)
      %dma_start3A_184 = arith.constant 0 : i32
      %dma_start3A_185 = arith.constant 0 : i32
      %dma_start3A_186 = tpu.memref_slice %arg14[%dma_start3A_184, %dma_start3A_185] : memref<10240x128xf32, #tpu.memory_space<vmem_shared>> -> memref<10240x128xf32, #tpu.memory_space<vmem_shared>>
      tpu.enqueue_indirect_dma source(%arg13 : memref<80x128xf32, #tpu.memory_space<vmem>>) target(%dma_start3A_186 : memref<10240x128xf32, #tpu.memory_space<vmem_shared>>) offsets(%arg10 : memref<80xi32, #tpu.memory_space<vmem>>) semaphore(%arg23 : memref<!tpu.dma_semaphore, #tpu.memory_space<semaphore_mem>>) {add = true}
      %lt3A = arith.constant 41 : i32
      %lt3A_187 = arith.cmpi slt, %scan3A_92, %lt3A : i32
      %convert_element_type3A = arith.extui %lt3A_187 : i1 to i32
      %cond3A = arith.constant 0 : i32
      %cond3A_188 = arith.cmpi ne, %convert_element_type3A, %cond3A : i32
      scf.if %cond3A_188 {
        %dma_wait3A_189 = arith.constant 0 : i32
        %dma_wait3A_190 = arith.constant 0 : i32
        %dma_wait3A_191 = tpu.memref_slice %arg14[%dma_wait3A_189, %dma_wait3A_190] : memref<10240x128xf32, #tpu.memory_space<vmem_shared>> -> memref<10240x128xf32, #tpu.memory_space<vmem_shared>>
        tpu.wait_indirect_dma semaphore(%arg21 : memref<!tpu.dma_semaphore, #tpu.memory_space<semaphore_mem>>) src(%arg11 : memref<80x128xf32, #tpu.memory_space<vmem>>) dst(%dma_wait3A_191 : memref<10240x128xf32, #tpu.memory_space<vmem_shared>>)
        %add3A_192 = arith.constant 3 : i32
        %add3A_193 = arith.addi %mul3A_94, %add3A_192 : i32
        %add3A_194 = arith.constant 0 : i32
        %add3A_195 = arith.addi %add3A_193, %add3A_194 : i32
        %dma_start3A_196 = arith.constant 0 : i32
        %dma_start3A_197 = arith.constant 0 : i32
        %dma_start3A_198 = tpu.memref_slice %arg4[%arg1, %dma_start3A_196, %dma_start3A_197] : memref<16x126x80xi32, #tpu.memory_space<hbm>> -> memref<1x126x80xi32, #tpu.memory_space<hbm>>
        %dma_start3A_199 = tpu.memref_squeeze %dma_start3A_198 : memref<1x126x80xi32, #tpu.memory_space<hbm>> -> memref<126x80xi32, #tpu.memory_space<hbm>>
        %dma_start3A_200 = arith.constant 0 : i32
        %dma_start3A_201 = tpu.memref_slice %dma_start3A_199[%add3A_195, %dma_start3A_200] : memref<126x80xi32, #tpu.memory_space<hbm>> -> memref<1x80xi32, #tpu.memory_space<hbm>>
        %dma_start3A_202 = tpu.memref_squeeze %dma_start3A_201 : memref<1x80xi32, #tpu.memory_space<hbm>> -> memref<80xi32, #tpu.memory_space<hbm>>
        %dma_start3A_203 = arith.constant 0 : i32
        %dma_start3A_204 = arith.constant 0 : i32
        %dma_start3A_205 = tpu.memref_slice %arg4[%arg1, %dma_start3A_203, %dma_start3A_204] : memref<16x126x80xi32, #tpu.memory_space<hbm>> -> memref<1x126x80xi32, #tpu.memory_space<hbm>>
        %dma_start3A_206 = tpu.memref_squeeze %dma_start3A_205 : memref<1x126x80xi32, #tpu.memory_space<hbm>> -> memref<126x80xi32, #tpu.memory_space<hbm>>
        %dma_start3A_207 = arith.constant 0 : i32
        %dma_start3A_208 = tpu.memref_slice %dma_start3A_206[%add3A_195, %dma_start3A_207] : memref<126x80xi32, #tpu.memory_space<hbm>> -> memref<1x80xi32, #tpu.memory_space<hbm>>
        %dma_start3A_209 = tpu.memref_squeeze %dma_start3A_208 : memref<1x80xi32, #tpu.memory_space<hbm>> -> memref<80xi32, #tpu.memory_space<hbm>>
        tpu.enqueue_dma source(%dma_start3A_209 : memref<80xi32, #tpu.memory_space<hbm>>) target(%arg8 : memref<80xi32, #tpu.memory_space<vmem>>) target_semaphore(%arg18 : memref<!tpu.dma_semaphore, #tpu.memory_space<semaphore_mem>>)
        %add3A_210 = arith.constant 3 : i32
        %add3A_211 = arith.addi %mul3A_94, %add3A_210 : i32
        %add3A_212 = arith.constant 0 : i32
        %add3A_213 = arith.addi %add3A_211, %add3A_212 : i32
        %dma_start3A_214 = arith.constant 0 : i32
        %dma_start3A_215 = tpu.memref_slice %arg7[%add3A_213, %dma_start3A_214] : memref<126x80xi32, #tpu.memory_space<vmem>> -> memref<1x80xi32, #tpu.memory_space<vmem>>
        %dma_start3A_216 = tpu.memref_squeeze %dma_start3A_215 : memref<1x80xi32, #tpu.memory_space<vmem>> -> memref<80xi32, #tpu.memory_space<vmem>>
        %dma_start3A_217 = arith.constant 0 : i32
        %dma_start3A_218 = arith.constant 0 : i32
        %dma_start3A_219 = tpu.memref_slice %arg2[%arg0, %dma_start3A_217, %dma_start3A_218] : memref<2x10240x128xf32, #tpu.memory_space<hbm>> -> memref<1x10240x128xf32, #tpu.memory_space<hbm>>
        %dma_start3A_220 = tpu.memref_squeeze %dma_start3A_219 : memref<1x10240x128xf32, #tpu.memory_space<hbm>> -> memref<10240x128xf32, #tpu.memory_space<hbm>>
        %dma_start3A_221 = arith.constant 0 : i32
        %dma_start3A_222 = arith.constant 0 : i32
        %dma_start3A_223 = tpu.memref_slice %dma_start3A_220[%dma_start3A_221, %dma_start3A_222] : memref<10240x128xf32, #tpu.memory_space<hbm>> -> memref<10240x128xf32, #tpu.memory_space<hbm>>
        tpu.enqueue_indirect_dma source(%dma_start3A_223 : memref<10240x128xf32, #tpu.memory_space<hbm>>) target(%arg11 : memref<80x128xf32, #tpu.memory_space<vmem>>) offsets(%dma_start3A_216 : memref<80xi32, #tpu.memory_space<vmem>>) semaphore(%arg15 : memref<!tpu.dma_semaphore, #tpu.memory_space<semaphore_mem>>)
        %dma_wait3A_224 = arith.constant 0 : i32
        %dma_wait3A_225 = arith.constant 0 : i32
        %dma_wait3A_226 = tpu.memref_slice %arg14[%dma_wait3A_224, %dma_wait3A_225] : memref<10240x128xf32, #tpu.memory_space<vmem_shared>> -> memref<10240x128xf32, #tpu.memory_space<vmem_shared>>
        tpu.wait_indirect_dma semaphore(%arg22 : memref<!tpu.dma_semaphore, #tpu.memory_space<semaphore_mem>>) src(%arg12 : memref<80x128xf32, #tpu.memory_space<vmem>>) dst(%dma_wait3A_226 : memref<10240x128xf32, #tpu.memory_space<vmem_shared>>)
        %add3A_227 = arith.constant 3 : i32
        %add3A_228 = arith.addi %mul3A_94, %add3A_227 : i32
        %add3A_229 = arith.constant 1 : i32
        %add3A_230 = arith.addi %add3A_228, %add3A_229 : i32
        %dma_start3A_231 = arith.constant 0 : i32
        %dma_start3A_232 = arith.constant 0 : i32
        %dma_start3A_233 = tpu.memref_slice %arg4[%arg1, %dma_start3A_231, %dma_start3A_232] : memref<16x126x80xi32, #tpu.memory_space<hbm>> -> memref<1x126x80xi32, #tpu.memory_space<hbm>>
        %dma_start3A_234 = tpu.memref_squeeze %dma_start3A_233 : memref<1x126x80xi32, #tpu.memory_space<hbm>> -> memref<126x80xi32, #tpu.memory_space<hbm>>
        %dma_start3A_235 = arith.constant 0 : i32
        %dma_start3A_236 = tpu.memref_slice %dma_start3A_234[%add3A_230, %dma_start3A_235] : memref<126x80xi32, #tpu.memory_space<hbm>> -> memref<1x80xi32, #tpu.memory_space<hbm>>
        %dma_start3A_237 = tpu.memref_squeeze %dma_start3A_236 : memref<1x80xi32, #tpu.memory_space<hbm>> -> memref<80xi32, #tpu.memory_space<hbm>>
        %dma_start3A_238 = arith.constant 0 : i32
        %dma_start3A_239 = arith.constant 0 : i32
        %dma_start3A_240 = tpu.memref_slice %arg4[%arg1, %dma_start3A_238, %dma_start3A_239] : memref<16x126x80xi32, #tpu.memory_space<hbm>> -> memref<1x126x80xi32, #tpu.memory_space<hbm>>
        %dma_start3A_241 = tpu.memref_squeeze %dma_start3A_240 : memref<1x126x80xi32, #tpu.memory_space<hbm>> -> memref<126x80xi32, #tpu.memory_space<hbm>>
        %dma_start3A_242 = arith.constant 0 : i32
        %dma_start3A_243 = tpu.memref_slice %dma_start3A_241[%add3A_230, %dma_start3A_242] : memref<126x80xi32, #tpu.memory_space<hbm>> -> memref<1x80xi32, #tpu.memory_space<hbm>>
        %dma_start3A_244 = tpu.memref_squeeze %dma_start3A_243 : memref<1x80xi32, #tpu.memory_space<hbm>> -> memref<80xi32, #tpu.memory_space<hbm>>
        tpu.enqueue_dma source(%dma_start3A_244 : memref<80xi32, #tpu.memory_space<hbm>>) target(%arg9 : memref<80xi32, #tpu.memory_space<vmem>>) target_semaphore(%arg19 : memref<!tpu.dma_semaphore, #tpu.memory_space<semaphore_mem>>)
        %add3A_245 = arith.constant 3 : i32
        %add3A_246 = arith.addi %mul3A_94, %add3A_245 : i32
        %add3A_247 = arith.constant 1 : i32
        %add3A_248 = arith.addi %add3A_246, %add3A_247 : i32
        %dma_start3A_249 = arith.constant 0 : i32
        %dma_start3A_250 = tpu.memref_slice %arg7[%add3A_248, %dma_start3A_249] : memref<126x80xi32, #tpu.memory_space<vmem>> -> memref<1x80xi32, #tpu.memory_space<vmem>>
        %dma_start3A_251 = tpu.memref_squeeze %dma_start3A_250 : memref<1x80xi32, #tpu.memory_space<vmem>> -> memref<80xi32, #tpu.memory_space<vmem>>
        %dma_start3A_252 = arith.constant 0 : i32
        %dma_start3A_253 = arith.constant 0 : i32
        %dma_start3A_254 = tpu.memref_slice %arg2[%arg0, %dma_start3A_252, %dma_start3A_253] : memref<2x10240x128xf32, #tpu.memory_space<hbm>> -> memref<1x10240x128xf32, #tpu.memory_space<hbm>>
        %dma_start3A_255 = tpu.memref_squeeze %dma_start3A_254 : memref<1x10240x128xf32, #tpu.memory_space<hbm>> -> memref<10240x128xf32, #tpu.memory_space<hbm>>
        %dma_start3A_256 = arith.constant 0 : i32
        %dma_start3A_257 = arith.constant 0 : i32
        %dma_start3A_258 = tpu.memref_slice %dma_start3A_255[%dma_start3A_256, %dma_start3A_257] : memref<10240x128xf32, #tpu.memory_space<hbm>> -> memref<10240x128xf32, #tpu.memory_space<hbm>>
        tpu.enqueue_indirect_dma source(%dma_start3A_258 : memref<10240x128xf32, #tpu.memory_space<hbm>>) target(%arg12 : memref<80x128xf32, #tpu.memory_space<vmem>>) offsets(%dma_start3A_251 : memref<80xi32, #tpu.memory_space<vmem>>) semaphore(%arg16 : memref<!tpu.dma_semaphore, #tpu.memory_space<semaphore_mem>>)
        %dma_wait3A_259 = arith.constant 0 : i32
        %dma_wait3A_260 = arith.constant 0 : i32
        %dma_wait3A_261 = tpu.memref_slice %arg14[%dma_wait3A_259, %dma_wait3A_260] : memref<10240x128xf32, #tpu.memory_space<vmem_shared>> -> memref<10240x128xf32, #tpu.memory_space<vmem_shared>>
        tpu.wait_indirect_dma semaphore(%arg23 : memref<!tpu.dma_semaphore, #tpu.memory_space<semaphore_mem>>) src(%arg13 : memref<80x128xf32, #tpu.memory_space<vmem>>) dst(%dma_wait3A_261 : memref<10240x128xf32, #tpu.memory_space<vmem_shared>>)
        %add3A_262 = arith.constant 3 : i32
        %add3A_263 = arith.addi %mul3A_94, %add3A_262 : i32
        %add3A_264 = arith.constant 2 : i32
        %add3A_265 = arith.addi %add3A_263, %add3A_264 : i32
        %dma_start3A_266 = arith.constant 0 : i32
        %dma_start3A_267 = arith.constant 0 : i32
        %dma_start3A_268 = tpu.memref_slice %arg4[%arg1, %dma_start3A_266, %dma_start3A_267] : memref<16x126x80xi32, #tpu.memory_space<hbm>> -> memref<1x126x80xi32, #tpu.memory_space<hbm>>
        %dma_start3A_269 = tpu.memref_squeeze %dma_start3A_268 : memref<1x126x80xi32, #tpu.memory_space<hbm>> -> memref<126x80xi32, #tpu.memory_space<hbm>>
        %dma_start3A_270 = arith.constant 0 : i32
        %dma_start3A_271 = tpu.memref_slice %dma_start3A_269[%add3A_265, %dma_start3A_270] : memref<126x80xi32, #tpu.memory_space<hbm>> -> memref<1x80xi32, #tpu.memory_space<hbm>>
        %dma_start3A_272 = tpu.memref_squeeze %dma_start3A_271 : memref<1x80xi32, #tpu.memory_space<hbm>> -> memref<80xi32, #tpu.memory_space<hbm>>
        %dma_start3A_273 = arith.constant 0 : i32
        %dma_start3A_274 = arith.constant 0 : i32
        %dma_start3A_275 = tpu.memref_slice %arg4[%arg1, %dma_start3A_273, %dma_start3A_274] : memref<16x126x80xi32, #tpu.memory_space<hbm>> -> memref<1x126x80xi32, #tpu.memory_space<hbm>>
        %dma_start3A_276 = tpu.memref_squeeze %dma_start3A_275 : memref<1x126x80xi32, #tpu.memory_space<hbm>> -> memref<126x80xi32, #tpu.memory_space<hbm>>
        %dma_start3A_277 = arith.constant 0 : i32
        %dma_start3A_278 = tpu.memref_slice %dma_start3A_276[%add3A_265, %dma_start3A_277] : memref<126x80xi32, #tpu.memory_space<hbm>> -> memref<1x80xi32, #tpu.memory_space<hbm>>
        %dma_start3A_279 = tpu.memref_squeeze %dma_start3A_278 : memref<1x80xi32, #tpu.memory_space<hbm>> -> memref<80xi32, #tpu.memory_space<hbm>>
        tpu.enqueue_dma source(%dma_start3A_279 : memref<80xi32, #tpu.memory_space<hbm>>) target(%arg10 : memref<80xi32, #tpu.memory_space<vmem>>) target_semaphore(%arg20 : memref<!tpu.dma_semaphore, #tpu.memory_space<semaphore_mem>>)
        %add3A_280 = arith.constant 3 : i32
        %add3A_281 = arith.addi %mul3A_94, %add3A_280 : i32
        %add3A_282 = arith.constant 2 : i32
        %add3A_283 = arith.addi %add3A_281, %add3A_282 : i32
        %dma_start3A_284 = arith.constant 0 : i32
        %dma_start3A_285 = tpu.memref_slice %arg7[%add3A_283, %dma_start3A_284] : memref<126x80xi32, #tpu.memory_space<vmem>> -> memref<1x80xi32, #tpu.memory_space<vmem>>
        %dma_start3A_286 = tpu.memref_squeeze %dma_start3A_285 : memref<1x80xi32, #tpu.memory_space<vmem>> -> memref<80xi32, #tpu.memory_space<vmem>>
        %dma_start3A_287 = arith.constant 0 : i32
        %dma_start3A_288 = arith.constant 0 : i32
        %dma_start3A_289 = tpu.memref_slice %arg2[%arg0, %dma_start3A_287, %dma_start3A_288] : memref<2x10240x128xf32, #tpu.memory_space<hbm>> -> memref<1x10240x128xf32, #tpu.memory_space<hbm>>
        %dma_start3A_290 = tpu.memref_squeeze %dma_start3A_289 : memref<1x10240x128xf32, #tpu.memory_space<hbm>> -> memref<10240x128xf32, #tpu.memory_space<hbm>>
        %dma_start3A_291 = arith.constant 0 : i32
        %dma_start3A_292 = arith.constant 0 : i32
        %dma_start3A_293 = tpu.memref_slice %dma_start3A_290[%dma_start3A_291, %dma_start3A_292] : memref<10240x128xf32, #tpu.memory_space<hbm>> -> memref<10240x128xf32, #tpu.memory_space<hbm>>
        tpu.enqueue_indirect_dma source(%dma_start3A_293 : memref<10240x128xf32, #tpu.memory_space<hbm>>) target(%arg13 : memref<80x128xf32, #tpu.memory_space<vmem>>) offsets(%dma_start3A_286 : memref<80xi32, #tpu.memory_space<vmem>>) semaphore(%arg17 : memref<!tpu.dma_semaphore, #tpu.memory_space<semaphore_mem>>)
      } else {
      }
    }
    %scan3A_82 = arith.constant 42 : i32
    %dma_wait3A = arith.constant 0 : i32
    %dma_wait3A_83 = arith.constant 0 : i32
    %dma_wait3A_84 = tpu.memref_slice %arg14[%dma_wait3A, %dma_wait3A_83] : memref<10240x128xf32, #tpu.memory_space<vmem_shared>> -> memref<10240x128xf32, #tpu.memory_space<vmem_shared>>
    tpu.wait_indirect_dma semaphore(%arg21 : memref<!tpu.dma_semaphore, #tpu.memory_space<semaphore_mem>>) src(%arg11 : memref<80x128xf32, #tpu.memory_space<vmem>>) dst(%dma_wait3A_84 : memref<10240x128xf32, #tpu.memory_space<vmem_shared>>)
    %dma_wait3A_85 = arith.constant 0 : i32
    %dma_wait3A_86 = arith.constant 0 : i32
    %dma_wait3A_87 = tpu.memref_slice %arg14[%dma_wait3A_85, %dma_wait3A_86] : memref<10240x128xf32, #tpu.memory_space<vmem_shared>> -> memref<10240x128xf32, #tpu.memory_space<vmem_shared>>
    tpu.wait_indirect_dma semaphore(%arg22 : memref<!tpu.dma_semaphore, #tpu.memory_space<semaphore_mem>>) src(%arg12 : memref<80x128xf32, #tpu.memory_space<vmem>>) dst(%dma_wait3A_87 : memref<10240x128xf32, #tpu.memory_space<vmem_shared>>)
    %dma_wait3A_88 = arith.constant 0 : i32
    %dma_wait3A_89 = arith.constant 0 : i32
    %dma_wait3A_90 = tpu.memref_slice %arg14[%dma_wait3A_88, %dma_wait3A_89] : memref<10240x128xf32, #tpu.memory_space<vmem_shared>> -> memref<10240x128xf32, #tpu.memory_space<vmem_shared>>
    tpu.wait_indirect_dma semaphore(%arg23 : memref<!tpu.dma_semaphore, #tpu.memory_space<semaphore_mem>>) src(%arg13 : memref<80x128xf32, #tpu.memory_space<vmem>>) dst(%dma_wait3A_90 : memref<10240x128xf32, #tpu.memory_space<vmem_shared>>)
    %barrier3A_91 = arith.constant 0 : index
    tpu.barrier barrier_id(%barrier3A_91)
    "tpu.region"() ({
      %run_scoped3A = tpu.sem_alloc : memref<!tpu.dma_semaphore, #tpu.memory_space<semaphore_mem>>
      %dma_start3A_92 = arith.constant 0 : i32
      %dma_start3A_93 = arith.constant 0 : i32
      %dma_start3A_94 = tpu.memref_slice %arg6[%arg0, %dma_start3A_92, %dma_start3A_93] : memref<2x10240x128xf32, #tpu.memory_space<hbm>> -> memref<1x10240x128xf32, #tpu.memory_space<hbm>>
      %dma_start3A_95 = tpu.memref_squeeze %dma_start3A_94 : memref<1x10240x128xf32, #tpu.memory_space<hbm>> -> memref<10240x128xf32, #tpu.memory_space<hbm>>
      %dma_start3A_96 = arith.constant 0 : i32
      %dma_start3A_97 = tpu.memref_slice %dma_start3A_95[%mul3A_0, %dma_start3A_96] : memref<10240x128xf32, #tpu.memory_space<hbm>> -> memref<640x128xf32, #tpu.memory_space<hbm>>
      %dma_start3A_98 = arith.constant 0 : i32
      %dma_start3A_99 = tpu.memref_slice %arg14[%mul3A_0, %dma_start3A_98] : memref<10240x128xf32, #tpu.memory_space<vmem_shared>> -> memref<640x128xf32, #tpu.memory_space<vmem_shared>>
      tpu.enqueue_dma source(%dma_start3A_99 : memref<640x128xf32, #tpu.memory_space<vmem_shared>>) target(%dma_start3A_97 : memref<640x128xf32, #tpu.memory_space<hbm>>) target_semaphore(%run_scoped3A : memref<!tpu.dma_semaphore, #tpu.memory_space<semaphore_mem>>)
      %dma_wait3A_100 = arith.constant 0 : i32
      %dma_wait3A_101 = arith.constant 0 : i32
      %dma_wait3A_102 = tpu.memref_slice %arg6[%arg0, %dma_wait3A_100, %dma_wait3A_101] : memref<2x10240x128xf32, #tpu.memory_space<hbm>> -> memref<1x10240x128xf32, #tpu.memory_space<hbm>>
      %dma_wait3A_103 = tpu.memref_squeeze %dma_wait3A_102 : memref<1x10240x128xf32, #tpu.memory_space<hbm>> -> memref<10240x128xf32, #tpu.memory_space<hbm>>
      %dma_wait3A_104 = arith.constant 0 : i32
      %dma_wait3A_105 = tpu.memref_slice %dma_wait3A_103[%mul3A_0, %dma_wait3A_104] : memref<10240x128xf32, #tpu.memory_space<hbm>> -> memref<640x128xf32, #tpu.memory_space<hbm>>
      %dma_wait3A_106 = arith.constant 0 : i32
      %dma_wait3A_107 = tpu.memref_slice %arg14[%mul3A_0, %dma_wait3A_106] : memref<10240x128xf32, #tpu.memory_space<vmem_shared>> -> memref<640x128xf32, #tpu.memory_space<vmem_shared>>
      tpu.wait_dma2 semaphore(%run_scoped3A : memref<!tpu.dma_semaphore, #tpu.memory_space<semaphore_mem>>) src(%dma_wait3A_107 : memref<640x128xf32, #tpu.memory_space<vmem_shared>>) dst(%dma_wait3A_105 : memref<640x128xf32, #tpu.memory_space<hbm>>)
      tpu.yield
    }) : () -> ()
    return
  }
}

module attributes {stable_mosaic.version = 14 : i64} {
  func.func @body(%arg0: i32, %arg1: memref<496x128xf32, #tpu.memory_space<vmem>>, %arg2: memref<496x2048xf32, #tpu.memory_space<vmem>>, %arg3: memref<128x64xf32, #tpu.memory_space<vmem>>, %arg4: memref<2048x64xf32, #tpu.memory_space<vmem>>, %arg5: memref<2x496x64xf32, #tpu.memory_space<vmem>>) attributes {dimension_semantics = [#tpu.dimension_semantics<arbitrary>], iteration_bounds = array<i64: 8>, scalar_prefetch = 0 : i64, scratch_operands = 0 : i64, tpu.core_type = #tpu.core_type<tc>, window_params = [{transform_indices = @transform_0, window_bounds = array<i64: 496, 128>}, {transform_indices = @transform_1, window_bounds = array<i64: 496, 2048>}, {pipeline_mode = #tpu.pipeline_mode<synchronous>, transform_indices = @transform_2, window_bounds = array<i64: 128, 64>}, {pipeline_mode = #tpu.pipeline_mode<synchronous>, transform_indices = @transform_3, window_bounds = array<i64: 2048, 64>}, {transform_indices = @transform_4, window_bounds = array<i64: 2, 496, 64>}]} {
    %get3A = arith.constant 0 : index
    %get3A_0 = arith.constant 0 : index
    %get3A_1 = vector.load %arg1[%get3A, %get3A_0] : memref<496x128xf32, #tpu.memory_space<vmem>>, vector<496x128xf32>
    %get3A_2 = arith.constant 0 : index
    %get3A_3 = arith.constant 0 : index
    %get3A_4 = vector.load %arg3[%get3A_2, %get3A_3] : memref<128x64xf32, #tpu.memory_space<vmem>>, vector<128x64xf32>
    %dot_general3A = arith.constant dense<0.000000e+00> : vector<496x64xf32>
    %dot_general3A_5 = tpu.matmul %get3A_1, %get3A_4, %dot_general3A {dimension_numbers = #tpu.dot_dimension_numbers<[1], [0], [0], [1], [0, 0, 1, 1], [], []>, transpose_lhs_hint = false} : vector<496x128xf32>, vector<128x64xf32>, vector<496x64xf32> -> vector<496x64xf32>
    %swap3A = arith.constant 0 : index
    %swap3A_6 = arith.constant 0 : index
    %swap3A_7 = arith.constant 0 : index
    %swap3A_8 = vector.load %arg5[%swap3A, %swap3A_6, %swap3A_7] : memref<2x496x64xf32, #tpu.memory_space<vmem>>, vector<1x496x64xf32>
    %swap3A_9 = vector.shape_cast %swap3A_8 : vector<1x496x64xf32> to vector<496x64xf32>
    %swap3A_10 = vector.shape_cast %dot_general3A_5 : vector<496x64xf32> to vector<1x496x64xf32>
    tpu.vector_store %arg5[%swap3A, %swap3A_6, %swap3A_7], %swap3A_10 {strides = array<i32>} : memref<2x496x64xf32, #tpu.memory_space<vmem>>, vector<1x496x64xf32>,
    %get3A_11 = arith.constant 0 : index
    %get3A_12 = arith.constant 0 : index
    %get3A_13 = vector.load %arg2[%get3A_11, %get3A_12] : memref<496x2048xf32, #tpu.memory_space<vmem>>, vector<496x2048xf32>
    %get3A_14 = arith.constant 0 : index
    %get3A_15 = arith.constant 0 : index
    %get3A_16 = vector.load %arg4[%get3A_14, %get3A_15] : memref<2048x64xf32, #tpu.memory_space<vmem>>, vector<2048x64xf32>
    %dot_general3A_17 = arith.constant dense<0.000000e+00> : vector<496x64xf32>
    %dot_general3A_18 = tpu.matmul %get3A_13, %get3A_16, %dot_general3A_17 {dimension_numbers = #tpu.dot_dimension_numbers<[1], [0], [0], [1], [0, 0, 1, 1], [], []>, transpose_lhs_hint = false} : vector<496x2048xf32>, vector<2048x64xf32>, vector<496x64xf32> -> vector<496x64xf32>
    %swap3A_19 = arith.constant 1 : index
    %swap3A_20 = arith.constant 0 : index
    %swap3A_21 = arith.constant 0 : index
    %swap3A_22 = vector.load %arg5[%swap3A_19, %swap3A_20, %swap3A_21] : memref<2x496x64xf32, #tpu.memory_space<vmem>>, vector<1x496x64xf32>
    %swap3A_23 = vector.shape_cast %swap3A_22 : vector<1x496x64xf32> to vector<496x64xf32>
    %swap3A_24 = vector.shape_cast %dot_general3A_18 : vector<496x64xf32> to vector<1x496x64xf32>
    tpu.vector_store %arg5[%swap3A_19, %swap3A_20, %swap3A_21], %swap3A_24 {strides = array<i32>} : memref<2x496x64xf32, #tpu.memory_space<vmem>>, vector<1x496x64xf32>,
    return
  }
  func.func @transform_0(%arg0: i32) -> (i32, i32) {
    %c0_i32 = arith.constant 0 : i32
    %c0_i32_0 = arith.constant 0 : i32
    return %arg0, %c0_i32 : i32, i32
  }
  func.func @transform_1(%arg0: i32) -> (i32, i32) {
    %c0_i32 = arith.constant 0 : i32
    %c0_i32_0 = arith.constant 0 : i32
    return %arg0, %c0_i32 : i32, i32
  }
  func.func @transform_2(%arg0: i32) -> (i32, i32) {
    %c0_i32 = arith.constant 0 : i32
    %c0_i32_0 = arith.constant 0 : i32
    %c0_i32_1 = arith.constant 0 : i32
    return %c0_i32, %c0_i32_0 : i32, i32
  }
  func.func @transform_3(%arg0: i32) -> (i32, i32) {
    %c0_i32 = arith.constant 0 : i32
    %c0_i32_0 = arith.constant 0 : i32
    %c0_i32_1 = arith.constant 0 : i32
    return %c0_i32, %c0_i32_0 : i32, i32
  }
  func.func @transform_4(%arg0: i32) -> (i32, i32, i32) {
    %c0_i32 = arith.constant 0 : i32
    %c0_i32_0 = arith.constant 0 : i32
    %c0_i32_1 = arith.constant 0 : i32
    return %c0_i32, %arg0, %c0_i32_0 : i32, i32, i32
  }
}

module attributes {stable_mosaic.version = 14 : i64} {
  func.func @body(%arg0: i32, %arg1: memref<2x1024x128xf32, #tpu.memory_space<vmem>>, %arg2: memref<1024x128xf32, #tpu.memory_space<vmem>>) attributes {dimension_semantics = [#tpu.dimension_semantics<arbitrary>], iteration_bounds = array<i64: 10>, scalar_prefetch = 0 : i64, scratch_operands = 0 : i64, tpu.core_type = #tpu.core_type<tc>, window_params = [{transform_indices = @transform_0, window_bounds = array<i64: 2, 1024, 128>}, {transform_indices = @transform_1, window_bounds = array<i64: 1024, 128>}]} {
    %get3A = arith.constant 0 : index
    %get3A_0 = arith.constant 0 : index
    %get3A_1 = arith.constant 0 : index
    %get3A_2 = vector.load %arg1[%get3A, %get3A_0, %get3A_1] : memref<2x1024x128xf32, #tpu.memory_space<vmem>>, vector<1x1024x1xf32>
    %get3A_3 = vector.shape_cast %get3A_2 : vector<1x1024x1xf32> to vector<1024xf32>
    %get3A_4 = arith.constant 1 : index
    %get3A_5 = arith.constant 0 : index
    %get3A_6 = arith.constant 0 : index
    %get3A_7 = vector.load %arg1[%get3A_4, %get3A_5, %get3A_6] : memref<2x1024x128xf32, #tpu.memory_space<vmem>>, vector<1x1024x1xf32>
    %get3A_8 = vector.shape_cast %get3A_7 : vector<1x1024x1xf32> to vector<1024xf32>
    %add3A = arith.addf %get3A_3, %get3A_8 : vector<1024xf32>
    %max3A = arith.constant 1.000000e+00 : f32
    %max3A_9 = vector.broadcast %max3A : f32 to vector<1024xf32>
    %max3A_10 = arith.maximumf %add3A, %max3A_9 : vector<1024xf32>
    %rsqrt3A = math.rsqrt %max3A_10 : vector<1024xf32>
    %gt3A = arith.constant 0.000000e+00 : f32
    %gt3A_11 = vector.broadcast %gt3A : f32 to vector<1024xf32>
    %gt3A_12 = arith.cmpf ogt, %add3A, %gt3A_11 : vector<1024xf32>
    %jit3A = arith.constant 0.000000e+00 : f32
    %broadcast_in_dim3A = vector.broadcast %jit3A : f32 to vector<1024xf32>
    %select_n3A = arith.select %gt3A_12, %rsqrt3A, %broadcast_in_dim3A : vector<1024xi1>, vector<1024xf32>
    %broadcast_in_dim3A_13 = vector.shape_cast %select_n3A : vector<1024xf32> to vector<1024x1xf32>
    %broadcast_in_dim3A_14 = vector.shape_cast %broadcast_in_dim3A_13 : vector<1024x1xf32> to vector<1024x1xf32>
    %broadcast_in_dim3A_15 = vector.broadcast %broadcast_in_dim3A_14 : vector<1024x1xf32> to vector<1024x128xf32>
    %swap3A = arith.constant 0 : index
    %swap3A_16 = arith.constant 0 : index
    %swap3A_17 = vector.load %arg2[%swap3A, %swap3A_16] : memref<1024x128xf32, #tpu.memory_space<vmem>>, vector<1024x128xf32>
    tpu.vector_store %arg2[%swap3A, %swap3A_16], %broadcast_in_dim3A_15 {strides = array<i32>} : memref<1024x128xf32, #tpu.memory_space<vmem>>, vector<1024x128xf32>,
    return
  }
  func.func @transform_0(%arg0: i32) -> (i32, i32, i32) {
    %c0_i32 = arith.constant 0 : i32
    %c0_i32_0 = arith.constant 0 : i32
    %c0_i32_1 = arith.constant 0 : i32
    return %c0_i32, %arg0, %c0_i32_0 : i32, i32, i32
  }
  func.func @transform_1(%arg0: i32) -> (i32, i32) {
    %c0_i32 = arith.constant 0 : i32
    %c0_i32_0 = arith.constant 0 : i32
    return %arg0, %c0_i32 : i32, i32
  }
}

module attributes {stable_mosaic.version = 14 : i64} {
  func.func @body(%arg0: i32, %arg1: i32, %arg2: memref<1024x64xf32, #tpu.memory_space<vmem>>, %arg3: memref<64x128xf32, #tpu.memory_space<vmem>>, %arg4: memref<1024x128xf32, #tpu.memory_space<vmem>>, %arg5: memref<1x1024x128xf32, #tpu.memory_space<vmem>>) attributes {dimension_semantics = [#tpu.dimension_semantics<arbitrary>, #tpu.dimension_semantics<arbitrary>], iteration_bounds = array<i64: 2, 10>, scalar_prefetch = 0 : i64, scratch_operands = 0 : i64, tpu.core_type = #tpu.core_type<tc>, window_params = [{transform_indices = @transform_0, window_bounds = array<i64: 1024, 64>}, {transform_indices = @transform_1, window_bounds = array<i64: 64, 128>}, {transform_indices = @transform_2, window_bounds = array<i64: 1024, 128>}, {transform_indices = @transform_3, window_bounds = array<i64: 1, 1024, 128>}]} {
    %get3A = arith.constant 0 : index
    %get3A_0 = arith.constant 0 : index
    %get3A_1 = vector.load %arg2[%get3A, %get3A_0] : memref<1024x64xf32, #tpu.memory_space<vmem>>, vector<1024x64xf32>
    %get3A_2 = arith.constant 0 : index
    %get3A_3 = arith.constant 0 : index
    %get3A_4 = vector.load %arg3[%get3A_2, %get3A_3] : memref<64x128xf32, #tpu.memory_space<vmem>>, vector<64x128xf32>
    %dot_general3A = arith.constant dense<0.000000e+00> : vector<1024x128xf32>
    %dot_general3A_5 = tpu.matmul %get3A_1, %get3A_4, %dot_general3A {dimension_numbers = #tpu.dot_dimension_numbers<[1], [0], [0], [1], [0, 0, 1, 1], [], []>, transpose_lhs_hint = false} : vector<1024x64xf32>, vector<64x128xf32>, vector<1024x128xf32> -> vector<1024x128xf32>
    %get3A_6 = arith.constant 0 : index
    %get3A_7 = arith.constant 0 : index
    %get3A_8 = vector.load %arg4[%get3A_6, %get3A_7] : memref<1024x128xf32, #tpu.memory_space<vmem>>, vector<1024x128xf32>
    %mul3A = arith.mulf %dot_general3A_5, %get3A_8 : vector<1024x128xf32>
    %swap3A = arith.constant 0 : index
    %swap3A_9 = arith.constant 0 : index
    %swap3A_10 = arith.constant 0 : index
    %swap3A_11 = vector.load %arg5[%swap3A, %swap3A_9, %swap3A_10] : memref<1x1024x128xf32, #tpu.memory_space<vmem>>, vector<1x1024x128xf32>
    %swap3A_12 = vector.shape_cast %swap3A_11 : vector<1x1024x128xf32> to vector<1024x128xf32>
    %swap3A_13 = vector.shape_cast %mul3A : vector<1024x128xf32> to vector<1x1024x128xf32>
    tpu.vector_store %arg5[%swap3A, %swap3A_9, %swap3A_10], %swap3A_13 {strides = array<i32>} : memref<1x1024x128xf32, #tpu.memory_space<vmem>>, vector<1x1024x128xf32>,
    return
  }
  func.func @transform_0(%arg0: i32, %arg1: i32) -> (i32, i32) {
    %c0_i32 = arith.constant 0 : i32
    %c0_i32_0 = arith.constant 0 : i32
    return %arg1, %c0_i32 : i32, i32
  }
  func.func @transform_1(%arg0: i32, %arg1: i32) -> (i32, i32) {
    %c0_i32 = arith.constant 0 : i32
    %c0_i32_0 = arith.constant 0 : i32
    return %c0_i32, %arg0 : i32, i32
  }
  func.func @transform_2(%arg0: i32, %arg1: i32) -> (i32, i32) {
    %c0_i32 = arith.constant 0 : i32
    %c0_i32_0 = arith.constant 0 : i32
    return %arg1, %c0_i32 : i32, i32
  }
  func.func @transform_3(%arg0: i32, %arg1: i32) -> (i32, i32, i32) {
    %c0_i32 = arith.constant 0 : i32
    %c0_i32_0 = arith.constant 0 : i32
    return %arg0, %arg1, %c0_i32 : i32, i32, i32
  }
}

module attributes {stable_mosaic.version = 14 : i64} {
  func.func @body(%arg0: i32, %arg1: i32, %arg2: memref<1x512x128xf32, #tpu.memory_space<vmem>>, %arg3: memref<1x512x128xf32, #tpu.memory_space<vmem>>, %arg4: memref<512x128xf32, #tpu.memory_space<vmem>>, %arg5: memref<1x512x128xf32, #tpu.memory_space<vmem>>, %arg6: memref<1x8x128xf32, #tpu.memory_space<vmem>>) attributes {dimension_semantics = [#tpu.dimension_semantics<arbitrary>, #tpu.dimension_semantics<arbitrary>], iteration_bounds = array<i64: 2, 20>, scalar_prefetch = 0 : i64, scratch_operands = 0 : i64, tpu.core_type = #tpu.core_type<tc>, window_params = [{transform_indices = @transform_0, window_bounds = array<i64: 1, 512, 128>}, {transform_indices = @transform_1, window_bounds = array<i64: 1, 512, 128>}, {transform_indices = @transform_2, window_bounds = array<i64: 512, 128>}, {transform_indices = @transform_3, window_bounds = array<i64: 1, 512, 128>}, {transform_indices = @transform_4, window_bounds = array<i64: 1, 8, 128>}]} {
    %get3A = arith.constant 0 : index
    %get3A_0 = arith.constant 0 : index
    %get3A_1 = arith.constant 0 : index
    %get3A_2 = vector.load %arg3[%get3A, %get3A_0, %get3A_1] : memref<1x512x128xf32, #tpu.memory_space<vmem>>, vector<1x512x128xf32>
    %get3A_3 = vector.shape_cast %get3A_2 : vector<1x512x128xf32> to vector<512x128xf32>
    %mul3A = arith.constant 1.120000e+00 : f32
    %mul3A_4 = vector.broadcast %mul3A : f32 to vector<512x128xf32>
    %mul3A_5 = arith.mulf %mul3A_4, %get3A_3 : vector<512x128xf32>
    %get3A_6 = arith.constant 0 : index
    %get3A_7 = arith.constant 0 : index
    %get3A_8 = arith.constant 0 : index
    %get3A_9 = vector.load %arg2[%get3A_6, %get3A_7, %get3A_8] : memref<1x512x128xf32, #tpu.memory_space<vmem>>, vector<1x512x128xf32>
    %get3A_10 = vector.shape_cast %get3A_9 : vector<1x512x128xf32> to vector<512x128xf32>
    %get3A_11 = arith.constant 0 : index
    %get3A_12 = arith.constant 0 : index
    %get3A_13 = vector.load %arg4[%get3A_11, %get3A_12] : memref<512x128xf32, #tpu.memory_space<vmem>>, vector<512x128xf32>
    %mul3A_14 = arith.mulf %get3A_10, %get3A_13 : vector<512x128xf32>
    %max3A = arith.constant 0.000000e+00 : f32
    %max3A_15 = vector.broadcast %max3A : f32 to vector<512x128xf32>
    %max3A_16 = arith.maximumf %mul3A_14, %max3A_15 : vector<512x128xf32>
    %add3A = arith.addf %mul3A_5, %max3A_16 : vector<512x128xf32>
    %swap3A = arith.constant 0 : index
    %swap3A_17 = arith.constant 0 : index
    %swap3A_18 = arith.constant 0 : index
    %swap3A_19 = vector.load %arg5[%swap3A, %swap3A_17, %swap3A_18] : memref<1x512x128xf32, #tpu.memory_space<vmem>>, vector<1x512x128xf32>
    %swap3A_20 = vector.shape_cast %swap3A_19 : vector<1x512x128xf32> to vector<512x128xf32>
    %swap3A_21 = vector.shape_cast %add3A : vector<512x128xf32> to vector<1x512x128xf32>
    tpu.vector_store %arg5[%swap3A, %swap3A_17, %swap3A_18], %swap3A_21 {strides = array<i32>} : memref<1x512x128xf32, #tpu.memory_space<vmem>>, vector<1x512x128xf32>,
    %reduce_sum3A = arith.constant dense<0.000000e+00> : vector<128xf32>
    %reduce_sum3A_22 = vector.multi_reduction <add>, %add3A, %reduce_sum3A [0] : vector<512x128xf32> to vector<128xf32>
    %broadcast_in_dim3A = vector.shape_cast %reduce_sum3A_22 : vector<128xf32> to vector<1x128xf32>
    %mul3A_23 = arith.mulf %add3A, %add3A : vector<512x128xf32>
    %reduce_sum3A_24 = arith.constant dense<0.000000e+00> : vector<128xf32>
    %reduce_sum3A_25 = vector.multi_reduction <add>, %mul3A_23, %reduce_sum3A_24 [0] : vector<512x128xf32> to vector<128xf32>
    %broadcast_in_dim3A_26 = vector.shape_cast %reduce_sum3A_25 : vector<128xf32> to vector<1x128xf32>
    %broadcast_in_dim3A_27 = arith.constant 0.000000e+00 : f32
    %broadcast_in_dim3A_28 = vector.broadcast %broadcast_in_dim3A_27 : f32 to vector<6x128xf32>
    %concatenate3A = tpu.concatenate %broadcast_in_dim3A, %broadcast_in_dim3A_26, %broadcast_in_dim3A_28 in 0 : vector<1x128xf32>, vector<1x128xf32>, vector<6x128xf32> -> vector<8x128xf32>
    %broadcast_in_dim3A_29 = vector.shape_cast %concatenate3A : vector<8x128xf32> to vector<1x8x128xf32>
    %eq3A = arith.constant 0 : i32
    %eq3A_30 = arith.cmpi eq, %arg1, %eq3A : i32
    %convert_element_type3A = arith.extui %eq3A_30 : i1 to i32
    %cond3A = arith.constant 0 : i32
    %cond3A_31 = arith.cmpi ne, %convert_element_type3A, %cond3A : i32
    scf.if %cond3A_31 {
      %swap3A_36 = arith.constant 0 : index
      %swap3A_37 = arith.constant 0 : index
      %swap3A_38 = arith.constant 0 : index
      %swap3A_39 = vector.load %arg6[%swap3A_36, %swap3A_37, %swap3A_38] : memref<1x8x128xf32, #tpu.memory_space<vmem>>, vector<1x8x128xf32>
      tpu.vector_store %arg6[%swap3A_36, %swap3A_37, %swap3A_38], %broadcast_in_dim3A_29 {strides = array<i32>} : memref<1x8x128xf32, #tpu.memory_space<vmem>>, vector<1x8x128xf32>,
    } else {
    }
    %ne3A = arith.constant 0 : i32
    %ne3A_32 = arith.cmpi ne, %arg1, %ne3A : i32
    %convert_element_type3A_33 = arith.extui %ne3A_32 : i1 to i32
    %cond3A_34 = arith.constant 0 : i32
    %cond3A_35 = arith.cmpi ne, %convert_element_type3A_33, %cond3A_34 : i32
    scf.if %cond3A_35 {
      %get3A_36 = arith.constant 0 : index
      %get3A_37 = arith.constant 0 : index
      %get3A_38 = arith.constant 0 : index
      %get3A_39 = vector.load %arg6[%get3A_36, %get3A_37, %get3A_38] : memref<1x8x128xf32, #tpu.memory_space<vmem>>, vector<1x8x128xf32>
      %add3A_40 = arith.addf %get3A_39, %broadcast_in_dim3A_29 : vector<1x8x128xf32>
      %swap3A_41 = arith.constant 0 : index
      %swap3A_42 = arith.constant 0 : index
      %swap3A_43 = arith.constant 0 : index
      %swap3A_44 = vector.load %arg6[%swap3A_41, %swap3A_42, %swap3A_43] : memref<1x8x128xf32, #tpu.memory_space<vmem>>, vector<1x8x128xf32>
      tpu.vector_store %arg6[%swap3A_41, %swap3A_42, %swap3A_43], %add3A_40 {strides = array<i32>} : memref<1x8x128xf32, #tpu.memory_space<vmem>>, vector<1x8x128xf32>,
    } else {
    }
    return
  }
  func.func @transform_0(%arg0: i32, %arg1: i32) -> (i32, i32, i32) {
    %c0_i32 = arith.constant 0 : i32
    %c0_i32_0 = arith.constant 0 : i32
    return %arg0, %arg1, %c0_i32 : i32, i32, i32
  }
  func.func @transform_1(%arg0: i32, %arg1: i32) -> (i32, i32, i32) {
    %c0_i32 = arith.constant 0 : i32
    %c0_i32_0 = arith.constant 0 : i32
    return %arg0, %arg1, %c0_i32 : i32, i32, i32
  }
  func.func @transform_2(%arg0: i32, %arg1: i32) -> (i32, i32) {
    %c0_i32 = arith.constant 0 : i32
    %c0_i32_0 = arith.constant 0 : i32
    return %arg1, %c0_i32 : i32, i32
  }
  func.func @transform_3(%arg0: i32, %arg1: i32) -> (i32, i32, i32) {
    %c0_i32 = arith.constant 0 : i32
    %c0_i32_0 = arith.constant 0 : i32
    return %arg0, %arg1, %c0_i32 : i32, i32, i32
  }
  func.func @transform_4(%arg0: i32, %arg1: i32) -> (i32, i32, i32) {
    %c0_i32 = arith.constant 0 : i32
    %c0_i32_0 = arith.constant 0 : i32
    %c0_i32_1 = arith.constant 0 : i32
    return %arg0, %c0_i32, %c0_i32_0 : i32, i32, i32
  }
}

module attributes {stable_mosaic.version = 14 : i64} {
  func.func @body(%arg0: i32, %arg1: i32, %arg2: memref<1x512x128xf32, #tpu.memory_space<vmem>>, %arg3: memref<1x512x128xf32, #tpu.memory_space<vmem>>, %arg4: memref<128x128xf32, #tpu.memory_space<vmem>>, %arg5: memref<128x128xf32, #tpu.memory_space<vmem>>, %arg6: memref<512x128xf32, #tpu.memory_space<vmem>>, %arg7: memref<1x512x128xf32, #tpu.memory_space<vmem>>, %arg8: memref<1x512x128xf32, #tpu.memory_space<vmem>>) attributes {dimension_semantics = [#tpu.dimension_semantics<arbitrary>, #tpu.dimension_semantics<arbitrary>], iteration_bounds = array<i64: 2, 20>, scalar_prefetch = 0 : i64, scratch_operands = 0 : i64, tpu.core_type = #tpu.core_type<tc>, window_params = [{transform_indices = @transform_0, window_bounds = array<i64: 1, 512, 128>}, {transform_indices = @transform_1, window_bounds = array<i64: 1, 512, 128>}, {transform_indices = @transform_2, window_bounds = array<i64: 128, 128>}, {transform_indices = @transform_3, window_bounds = array<i64: 128, 128>}, {transform_indices = @transform_4, window_bounds = array<i64: 512, 128>}, {transform_indices = @transform_5, window_bounds = array<i64: 1, 512, 128>}, {transform_indices = @transform_6, window_bounds = array<i64: 1, 512, 128>}]} {
    %get3A = arith.constant 0 : index
    %get3A_0 = arith.constant 0 : index
    %get3A_1 = vector.load %arg6[%get3A, %get3A_0] : memref<512x128xf32, #tpu.memory_space<vmem>>, vector<512x128xf32>
    %get3A_2 = arith.constant 0 : index
    %get3A_3 = arith.constant 0 : index
    %get3A_4 = arith.constant 0 : index
    %get3A_5 = vector.load %arg2[%get3A_2, %get3A_3, %get3A_4] : memref<1x512x128xf32, #tpu.memory_space<vmem>>, vector<1x512x128xf32>
    %get3A_6 = vector.shape_cast %get3A_5 : vector<1x512x128xf32> to vector<512x128xf32>
    %mul3A = arith.mulf %get3A_6, %get3A_1 : vector<512x128xf32>
    %max3A = arith.constant 0.000000e+00 : f32
    %max3A_7 = vector.broadcast %max3A : f32 to vector<512x128xf32>
    %max3A_8 = arith.maximumf %mul3A, %max3A_7 : vector<512x128xf32>
    %get3A_9 = arith.constant 0 : index
    %get3A_10 = arith.constant 0 : index
    %get3A_11 = arith.constant 0 : index
    %get3A_12 = vector.load %arg3[%get3A_9, %get3A_10, %get3A_11] : memref<1x512x128xf32, #tpu.memory_space<vmem>>, vector<1x512x128xf32>
    %get3A_13 = vector.shape_cast %get3A_12 : vector<1x512x128xf32> to vector<512x128xf32>
    %mul3A_14 = arith.mulf %get3A_13, %get3A_1 : vector<512x128xf32>
    %max3A_15 = arith.constant 0.000000e+00 : f32
    %max3A_16 = vector.broadcast %max3A_15 : f32 to vector<512x128xf32>
    %max3A_17 = arith.maximumf %mul3A_14, %max3A_16 : vector<512x128xf32>
    %get3A_18 = arith.constant 0 : index
    %get3A_19 = arith.constant 0 : index
    %get3A_20 = vector.load %arg4[%get3A_18, %get3A_19] : memref<128x128xf32, #tpu.memory_space<vmem>>, vector<128x128xf32>
    %dot_general3A = arith.constant dense<0.000000e+00> : vector<512x128xf32>
    %dot_general3A_21 = tpu.matmul %max3A_8, %get3A_20, %dot_general3A {dimension_numbers = #tpu.dot_dimension_numbers<[1], [0], [0], [1], [0, 0, 1, 1], [], []>, transpose_lhs_hint = false} : vector<512x128xf32>, vector<128x128xf32>, vector<512x128xf32> -> vector<512x128xf32>
    %get3A_22 = arith.constant 0 : index
    %get3A_23 = arith.constant 0 : index
    %get3A_24 = vector.load %arg5[%get3A_22, %get3A_23] : memref<128x128xf32, #tpu.memory_space<vmem>>, vector<128x128xf32>
    %dot_general3A_25 = arith.constant dense<0.000000e+00> : vector<512x128xf32>
    %dot_general3A_26 = tpu.matmul %max3A_17, %get3A_24, %dot_general3A_25 {dimension_numbers = #tpu.dot_dimension_numbers<[1], [0], [0], [1], [0, 0, 1, 1], [], []>, transpose_lhs_hint = false} : vector<512x128xf32>, vector<128x128xf32>, vector<512x128xf32> -> vector<512x128xf32>
    %add3A = arith.addf %dot_general3A_21, %dot_general3A_26 : vector<512x128xf32>
    %mul3A_27 = arith.mulf %add3A, %get3A_1 : vector<512x128xf32>
    %swap3A = arith.constant 0 : index
    %swap3A_28 = arith.constant 0 : index
    %swap3A_29 = arith.constant 0 : index
    %swap3A_30 = vector.load %arg8[%swap3A, %swap3A_28, %swap3A_29] : memref<1x512x128xf32, #tpu.memory_space<vmem>>, vector<1x512x128xf32>
    %swap3A_31 = vector.shape_cast %swap3A_30 : vector<1x512x128xf32> to vector<512x128xf32>
    %swap3A_32 = vector.shape_cast %mul3A_27 : vector<512x128xf32> to vector<1x512x128xf32>
    tpu.vector_store %arg8[%swap3A, %swap3A_28, %swap3A_29], %swap3A_32 {strides = array<i32>} : memref<1x512x128xf32, #tpu.memory_space<vmem>>, vector<1x512x128xf32>,
    %eq3A = arith.constant 0 : i32
    %eq3A_33 = arith.cmpi eq, %arg0, %eq3A : i32
    %select_n3A = arith.select %eq3A_33, %max3A_8, %max3A_17 : vector<512x128xf32>
    %swap3A_34 = arith.constant 0 : index
    %swap3A_35 = arith.constant 0 : index
    %swap3A_36 = arith.constant 0 : index
    %swap3A_37 = vector.load %arg7[%swap3A_34, %swap3A_35, %swap3A_36] : memref<1x512x128xf32, #tpu.memory_space<vmem>>, vector<1x512x128xf32>
    %swap3A_38 = vector.shape_cast %swap3A_37 : vector<1x512x128xf32> to vector<512x128xf32>
    %swap3A_39 = vector.shape_cast %select_n3A : vector<512x128xf32> to vector<1x512x128xf32>
    tpu.vector_store %arg7[%swap3A_34, %swap3A_35, %swap3A_36], %swap3A_39 {strides = array<i32>} : memref<1x512x128xf32, #tpu.memory_space<vmem>>, vector<1x512x128xf32>,
    return
  }
  func.func @transform_0(%arg0: i32, %arg1: i32) -> (i32, i32, i32) {
    %c0_i32 = arith.constant 0 : i32
    %c0_i32_0 = arith.constant 0 : i32
    %c0_i32_1 = arith.constant 0 : i32
    return %c0_i32, %arg1, %c0_i32_0 : i32, i32, i32
  }
  func.func @transform_1(%arg0: i32, %arg1: i32) -> (i32, i32, i32) {
    %c1_i32 = arith.constant 1 : i32
    %c0_i32 = arith.constant 0 : i32
    %c0_i32_0 = arith.constant 0 : i32
    return %c1_i32, %arg1, %c0_i32 : i32, i32, i32
  }
  func.func @transform_2(%arg0: i32, %arg1: i32) -> (i32, i32) {
    %c0_i32 = arith.constant 0 : i32
    %c0_i32_0 = arith.constant 0 : i32
    return %c0_i32, %arg0 : i32, i32
  }
  func.func @transform_3(%arg0: i32, %arg1: i32) -> (i32, i32) {
    %c1_i32 = arith.constant 1 : i32
    %c0_i32 = arith.constant 0 : i32
    return %c1_i32, %arg0 : i32, i32
  }
  func.func @transform_4(%arg0: i32, %arg1: i32) -> (i32, i32) {
    %c0_i32 = arith.constant 0 : i32
    %c0_i32_0 = arith.constant 0 : i32
    return %arg1, %c0_i32 : i32, i32
  }
  func.func @transform_5(%arg0: i32, %arg1: i32) -> (i32, i32, i32) {
    %c0_i32 = arith.constant 0 : i32
    %c0_i32_0 = arith.constant 0 : i32
    return %arg0, %arg1, %c0_i32 : i32, i32, i32
  }
  func.func @transform_6(%arg0: i32, %arg1: i32) -> (i32, i32, i32) {
    %c0_i32 = arith.constant 0 : i32
    %c0_i32_0 = arith.constant 0 : i32
    return %arg0, %arg1, %c0_i32 : i32, i32, i32
  }
}

module attributes {stable_mosaic.version = 14 : i64} {
  func.func @body(%arg0: i32, %arg1: memref<2x400x128xf32, #tpu.memory_space<vmem>>, %arg2: memref<2x400x128xf32, #tpu.memory_space<vmem>>, %arg3: memref<2x8x128xf32, #tpu.memory_space<vmem>>, %arg4: memref<2x8x128xf32, #tpu.memory_space<vmem>>, %arg5: memref<4x1x128xf32, #tpu.memory_space<vmem>>, %arg6: memref<4x1x128xf32, #tpu.memory_space<vmem>>, %arg7: memref<400x512xf32, #tpu.memory_space<vmem>>) attributes {dimension_semantics = [#tpu.dimension_semantics<arbitrary>], iteration_bounds = array<i64: 25>, scalar_prefetch = 0 : i64, scratch_operands = 0 : i64, tpu.core_type = #tpu.core_type<tc>, window_params = [{transform_indices = @transform_0, window_bounds = array<i64: 2, 400, 128>}, {transform_indices = @transform_1, window_bounds = array<i64: 2, 400, 128>}, {pipeline_mode = #tpu.pipeline_mode<synchronous>, transform_indices = @transform_2, window_bounds = array<i64: 2, 8, 128>}, {pipeline_mode = #tpu.pipeline_mode<synchronous>, transform_indices = @transform_3, window_bounds = array<i64: 2, 8, 128>}, {pipeline_mode = #tpu.pipeline_mode<synchronous>, transform_indices = @transform_4, window_bounds = array<i64: 4, 1, 128>}, {pipeline_mode = #tpu.pipeline_mode<synchronous>, transform_indices = @transform_5, window_bounds = array<i64: 4, 1, 128>}, {transform_indices = @transform_6, window_bounds = array<i64: 400, 512>}]} {
    %get3A = arith.constant 0 : index
    %get3A_0 = arith.constant 0 : index
    %get3A_1 = arith.constant 0 : index
    %get3A_2 = vector.load %arg3[%get3A, %get3A_0, %get3A_1] : memref<2x8x128xf32, #tpu.memory_space<vmem>>, vector<1x1x128xf32>
    %get3A_3 = vector.shape_cast %get3A_2 : vector<1x1x128xf32> to vector<128xf32>
    %mul3A = arith.constant 9.99999974E-5 : f32
    %mul3A_4 = vector.broadcast %mul3A : f32 to vector<128xf32>
    %mul3A_5 = arith.mulf %get3A_3, %mul3A_4 : vector<128xf32>
    %get3A_6 = arith.constant 0 : index
    %get3A_7 = arith.constant 1 : index
    %get3A_8 = arith.constant 0 : index
    %get3A_9 = vector.load %arg3[%get3A_6, %get3A_7, %get3A_8] : memref<2x8x128xf32, #tpu.memory_space<vmem>>, vector<1x1x128xf32>
    %get3A_10 = vector.shape_cast %get3A_9 : vector<1x1x128xf32> to vector<128xf32>
    %mul3A_11 = arith.constant 9.99999974E-5 : f32
    %mul3A_12 = vector.broadcast %mul3A_11 : f32 to vector<128xf32>
    %mul3A_13 = arith.mulf %get3A_10, %mul3A_12 : vector<128xf32>
    %mul3A_14 = arith.mulf %mul3A_5, %mul3A_5 : vector<128xf32>
    %sub3A = arith.subf %mul3A_13, %mul3A_14 : vector<128xf32>
    %add3A = arith.constant 9.99999974E-6 : f32
    %add3A_15 = vector.broadcast %add3A : f32 to vector<128xf32>
    %add3A_16 = arith.addf %sub3A, %add3A_15 : vector<128xf32>
    %rsqrt3A = math.rsqrt %add3A_16 : vector<128xf32>
    %get3A_17 = arith.constant 0 : index
    %get3A_18 = arith.constant 0 : index
    %get3A_19 = arith.constant 0 : index
    %get3A_20 = vector.load %arg5[%get3A_17, %get3A_18, %get3A_19] : memref<4x1x128xf32, #tpu.memory_space<vmem>>, vector<1x1x128xf32>
    %get3A_21 = vector.shape_cast %get3A_20 : vector<1x1x128xf32> to vector<128xf32>
    %get3A_22 = arith.constant 0 : index
    %get3A_23 = arith.constant 0 : index
    %get3A_24 = arith.constant 0 : index
    %get3A_25 = vector.load %arg6[%get3A_22, %get3A_23, %get3A_24] : memref<4x1x128xf32, #tpu.memory_space<vmem>>, vector<1x1x128xf32>
    %get3A_26 = vector.shape_cast %get3A_25 : vector<1x1x128xf32> to vector<128xf32>
    %get3A_27 = arith.constant 0 : index
    %get3A_28 = arith.constant 0 : index
    %get3A_29 = arith.constant 0 : index
    %get3A_30 = vector.load %arg1[%get3A_27, %get3A_28, %get3A_29] : memref<2x400x128xf32, #tpu.memory_space<vmem>>, vector<1x400x128xf32>
    %get3A_31 = vector.shape_cast %get3A_30 : vector<1x400x128xf32> to vector<400x128xf32>
    %broadcast_in_dim3A = vector.shape_cast %mul3A_5 : vector<128xf32> to vector<1x128xf32>
    %sub3A_32 = vector.broadcast %broadcast_in_dim3A : vector<1x128xf32> to vector<400x128xf32>
    %sub3A_33 = arith.subf %get3A_31, %sub3A_32 : vector<400x128xf32>
    %mul3A_34 = arith.mulf %rsqrt3A, %get3A_21 : vector<128xf32>
    %broadcast_in_dim3A_35 = vector.shape_cast %mul3A_34 : vector<128xf32> to vector<1x128xf32>
    %mul3A_36 = vector.broadcast %broadcast_in_dim3A_35 : vector<1x128xf32> to vector<400x128xf32>
    %mul3A_37 = arith.mulf %sub3A_33, %mul3A_36 : vector<400x128xf32>
    %broadcast_in_dim3A_38 = vector.shape_cast %get3A_26 : vector<128xf32> to vector<1x128xf32>
    %add3A_39 = vector.broadcast %broadcast_in_dim3A_38 : vector<1x128xf32> to vector<400x128xf32>
    %add3A_40 = arith.addf %mul3A_37, %add3A_39 : vector<400x128xf32>
    %swap3A = arith.constant 0 : index
    %swap3A_41 = arith.constant 0 : index
    %swap3A_42 = vector.load %arg7[%swap3A, %swap3A_41] : memref<400x512xf32, #tpu.memory_space<vmem>>, vector<400x128xf32>
    tpu.vector_store %arg7[%swap3A, %swap3A_41], %add3A_40 {strides = array<i32>} : memref<400x512xf32, #tpu.memory_space<vmem>>, vector<400x128xf32>,
    %get3A_43 = arith.constant 1 : index
    %get3A_44 = arith.constant 0 : index
    %get3A_45 = arith.constant 0 : index
    %get3A_46 = vector.load %arg3[%get3A_43, %get3A_44, %get3A_45] : memref<2x8x128xf32, #tpu.memory_space<vmem>>, vector<1x1x128xf32>
    %get3A_47 = vector.shape_cast %get3A_46 : vector<1x1x128xf32> to vector<128xf32>
    %mul3A_48 = arith.constant 9.99999974E-5 : f32
    %mul3A_49 = vector.broadcast %mul3A_48 : f32 to vector<128xf32>
    %mul3A_50 = arith.mulf %get3A_47, %mul3A_49 : vector<128xf32>
    %get3A_51 = arith.constant 1 : index
    %get3A_52 = arith.constant 1 : index
    %get3A_53 = arith.constant 0 : index
    %get3A_54 = vector.load %arg3[%get3A_51, %get3A_52, %get3A_53] : memref<2x8x128xf32, #tpu.memory_space<vmem>>, vector<1x1x128xf32>
    %get3A_55 = vector.shape_cast %get3A_54 : vector<1x1x128xf32> to vector<128xf32>
    %mul3A_56 = arith.constant 9.99999974E-5 : f32
    %mul3A_57 = vector.broadcast %mul3A_56 : f32 to vector<128xf32>
    %mul3A_58 = arith.mulf %get3A_55, %mul3A_57 : vector<128xf32>
    %mul3A_59 = arith.mulf %mul3A_50, %mul3A_50 : vector<128xf32>
    %sub3A_60 = arith.subf %mul3A_58, %mul3A_59 : vector<128xf32>
    %add3A_61 = arith.constant 9.99999974E-6 : f32
    %add3A_62 = vector.broadcast %add3A_61 : f32 to vector<128xf32>
    %add3A_63 = arith.addf %sub3A_60, %add3A_62 : vector<128xf32>
    %rsqrt3A_64 = math.rsqrt %add3A_63 : vector<128xf32>
    %get3A_65 = arith.constant 1 : index
    %get3A_66 = arith.constant 0 : index
    %get3A_67 = arith.constant 0 : index
    %get3A_68 = vector.load %arg5[%get3A_65, %get3A_66, %get3A_67] : memref<4x1x128xf32, #tpu.memory_space<vmem>>, vector<1x1x128xf32>
    %get3A_69 = vector.shape_cast %get3A_68 : vector<1x1x128xf32> to vector<128xf32>
    %get3A_70 = arith.constant 1 : index
    %get3A_71 = arith.constant 0 : index
    %get3A_72 = arith.constant 0 : index
    %get3A_73 = vector.load %arg6[%get3A_70, %get3A_71, %get3A_72] : memref<4x1x128xf32, #tpu.memory_space<vmem>>, vector<1x1x128xf32>
    %get3A_74 = vector.shape_cast %get3A_73 : vector<1x1x128xf32> to vector<128xf32>
    %get3A_75 = arith.constant 1 : index
    %get3A_76 = arith.constant 0 : index
    %get3A_77 = arith.constant 0 : index
    %get3A_78 = vector.load %arg1[%get3A_75, %get3A_76, %get3A_77] : memref<2x400x128xf32, #tpu.memory_space<vmem>>, vector<1x400x128xf32>
    %get3A_79 = vector.shape_cast %get3A_78 : vector<1x400x128xf32> to vector<400x128xf32>
    %broadcast_in_dim3A_80 = vector.shape_cast %mul3A_50 : vector<128xf32> to vector<1x128xf32>
    %sub3A_81 = vector.broadcast %broadcast_in_dim3A_80 : vector<1x128xf32> to vector<400x128xf32>
    %sub3A_82 = arith.subf %get3A_79, %sub3A_81 : vector<400x128xf32>
    %mul3A_83 = arith.mulf %rsqrt3A_64, %get3A_69 : vector<128xf32>
    %broadcast_in_dim3A_84 = vector.shape_cast %mul3A_83 : vector<128xf32> to vector<1x128xf32>
    %mul3A_85 = vector.broadcast %broadcast_in_dim3A_84 : vector<1x128xf32> to vector<400x128xf32>
    %mul3A_86 = arith.mulf %sub3A_82, %mul3A_85 : vector<400x128xf32>
    %broadcast_in_dim3A_87 = vector.shape_cast %get3A_74 : vector<128xf32> to vector<1x128xf32>
    %add3A_88 = vector.broadcast %broadcast_in_dim3A_87 : vector<1x128xf32> to vector<400x128xf32>
    %add3A_89 = arith.addf %mul3A_86, %add3A_88 : vector<400x128xf32>
    %swap3A_90 = arith.constant 0 : index
    %swap3A_91 = arith.constant 128 : index
    %swap3A_92 = vector.load %arg7[%swap3A_90, %swap3A_91] : memref<400x512xf32, #tpu.memory_space<vmem>>, vector<400x128xf32>
    tpu.vector_store %arg7[%swap3A_90, %swap3A_91], %add3A_89 {strides = array<i32>} : memref<400x512xf32, #tpu.memory_space<vmem>>, vector<400x128xf32>,
    %get3A_93 = arith.constant 0 : index
    %get3A_94 = arith.constant 0 : index
    %get3A_95 = arith.constant 0 : index
    %get3A_96 = vector.load %arg4[%get3A_93, %get3A_94, %get3A_95] : memref<2x8x128xf32, #tpu.memory_space<vmem>>, vector<1x1x128xf32>
    %get3A_97 = vector.shape_cast %get3A_96 : vector<1x1x128xf32> to vector<128xf32>
    %mul3A_98 = arith.constant 9.99999974E-5 : f32
    %mul3A_99 = vector.broadcast %mul3A_98 : f32 to vector<128xf32>
    %mul3A_100 = arith.mulf %get3A_97, %mul3A_99 : vector<128xf32>
    %get3A_101 = arith.constant 0 : index
    %get3A_102 = arith.constant 1 : index
    %get3A_103 = arith.constant 0 : index
    %get3A_104 = vector.load %arg4[%get3A_101, %get3A_102, %get3A_103] : memref<2x8x128xf32, #tpu.memory_space<vmem>>, vector<1x1x128xf32>
    %get3A_105 = vector.shape_cast %get3A_104 : vector<1x1x128xf32> to vector<128xf32>
    %mul3A_106 = arith.constant 9.99999974E-5 : f32
    %mul3A_107 = vector.broadcast %mul3A_106 : f32 to vector<128xf32>
    %mul3A_108 = arith.mulf %get3A_105, %mul3A_107 : vector<128xf32>
    %mul3A_109 = arith.mulf %mul3A_100, %mul3A_100 : vector<128xf32>
    %sub3A_110 = arith.subf %mul3A_108, %mul3A_109 : vector<128xf32>
    %add3A_111 = arith.constant 9.99999974E-6 : f32
    %add3A_112 = vector.broadcast %add3A_111 : f32 to vector<128xf32>
    %add3A_113 = arith.addf %sub3A_110, %add3A_112 : vector<128xf32>
    %rsqrt3A_114 = math.rsqrt %add3A_113 : vector<128xf32>
    %get3A_115 = arith.constant 2 : index
    %get3A_116 = arith.constant 0 : index
    %get3A_117 = arith.constant 0 : index
    %get3A_118 = vector.load %arg5[%get3A_115, %get3A_116, %get3A_117] : memref<4x1x128xf32, #tpu.memory_space<vmem>>, vector<1x1x128xf32>
    %get3A_119 = vector.shape_cast %get3A_118 : vector<1x1x128xf32> to vector<128xf32>
    %get3A_120 = arith.constant 2 : index
    %get3A_121 = arith.constant 0 : index
    %get3A_122 = arith.constant 0 : index
    %get3A_123 = vector.load %arg6[%get3A_120, %get3A_121, %get3A_122] : memref<4x1x128xf32, #tpu.memory_space<vmem>>, vector<1x1x128xf32>
    %get3A_124 = vector.shape_cast %get3A_123 : vector<1x1x128xf32> to vector<128xf32>
    %get3A_125 = arith.constant 0 : index
    %get3A_126 = arith.constant 0 : index
    %get3A_127 = arith.constant 0 : index
    %get3A_128 = vector.load %arg2[%get3A_125, %get3A_126, %get3A_127] : memref<2x400x128xf32, #tpu.memory_space<vmem>>, vector<1x400x128xf32>
    %get3A_129 = vector.shape_cast %get3A_128 : vector<1x400x128xf32> to vector<400x128xf32>
    %broadcast_in_dim3A_130 = vector.shape_cast %mul3A_100 : vector<128xf32> to vector<1x128xf32>
    %sub3A_131 = vector.broadcast %broadcast_in_dim3A_130 : vector<1x128xf32> to vector<400x128xf32>
    %sub3A_132 = arith.subf %get3A_129, %sub3A_131 : vector<400x128xf32>
    %mul3A_133 = arith.mulf %rsqrt3A_114, %get3A_119 : vector<128xf32>
    %broadcast_in_dim3A_134 = vector.shape_cast %mul3A_133 : vector<128xf32> to vector<1x128xf32>
    %mul3A_135 = vector.broadcast %broadcast_in_dim3A_134 : vector<1x128xf32> to vector<400x128xf32>
    %mul3A_136 = arith.mulf %sub3A_132, %mul3A_135 : vector<400x128xf32>
    %broadcast_in_dim3A_137 = vector.shape_cast %get3A_124 : vector<128xf32> to vector<1x128xf32>
    %add3A_138 = vector.broadcast %broadcast_in_dim3A_137 : vector<1x128xf32> to vector<400x128xf32>
    %add3A_139 = arith.addf %mul3A_136, %add3A_138 : vector<400x128xf32>
    %swap3A_140 = arith.constant 0 : index
    %swap3A_141 = arith.constant 256 : index
    %swap3A_142 = vector.load %arg7[%swap3A_140, %swap3A_141] : memref<400x512xf32, #tpu.memory_space<vmem>>, vector<400x128xf32>
    tpu.vector_store %arg7[%swap3A_140, %swap3A_141], %add3A_139 {strides = array<i32>} : memref<400x512xf32, #tpu.memory_space<vmem>>, vector<400x128xf32>,
    %get3A_143 = arith.constant 1 : index
    %get3A_144 = arith.constant 0 : index
    %get3A_145 = arith.constant 0 : index
    %get3A_146 = vector.load %arg4[%get3A_143, %get3A_144, %get3A_145] : memref<2x8x128xf32, #tpu.memory_space<vmem>>, vector<1x1x128xf32>
    %get3A_147 = vector.shape_cast %get3A_146 : vector<1x1x128xf32> to vector<128xf32>
    %mul3A_148 = arith.constant 9.99999974E-5 : f32
    %mul3A_149 = vector.broadcast %mul3A_148 : f32 to vector<128xf32>
    %mul3A_150 = arith.mulf %get3A_147, %mul3A_149 : vector<128xf32>
    %get3A_151 = arith.constant 1 : index
    %get3A_152 = arith.constant 1 : index
    %get3A_153 = arith.constant 0 : index
    %get3A_154 = vector.load %arg4[%get3A_151, %get3A_152, %get3A_153] : memref<2x8x128xf32, #tpu.memory_space<vmem>>, vector<1x1x128xf32>
    %get3A_155 = vector.shape_cast %get3A_154 : vector<1x1x128xf32> to vector<128xf32>
    %mul3A_156 = arith.constant 9.99999974E-5 : f32
    %mul3A_157 = vector.broadcast %mul3A_156 : f32 to vector<128xf32>
    %mul3A_158 = arith.mulf %get3A_155, %mul3A_157 : vector<128xf32>
    %mul3A_159 = arith.mulf %mul3A_150, %mul3A_150 : vector<128xf32>
    %sub3A_160 = arith.subf %mul3A_158, %mul3A_159 : vector<128xf32>
    %add3A_161 = arith.constant 9.99999974E-6 : f32
    %add3A_162 = vector.broadcast %add3A_161 : f32 to vector<128xf32>
    %add3A_163 = arith.addf %sub3A_160, %add3A_162 : vector<128xf32>
    %rsqrt3A_164 = math.rsqrt %add3A_163 : vector<128xf32>
    %get3A_165 = arith.constant 3 : index
    %get3A_166 = arith.constant 0 : index
    %get3A_167 = arith.constant 0 : index
    %get3A_168 = vector.load %arg5[%get3A_165, %get3A_166, %get3A_167] : memref<4x1x128xf32, #tpu.memory_space<vmem>>, vector<1x1x128xf32>
    %get3A_169 = vector.shape_cast %get3A_168 : vector<1x1x128xf32> to vector<128xf32>
    %get3A_170 = arith.constant 3 : index
    %get3A_171 = arith.constant 0 : index
    %get3A_172 = arith.constant 0 : index
    %get3A_173 = vector.load %arg6[%get3A_170, %get3A_171, %get3A_172] : memref<4x1x128xf32, #tpu.memory_space<vmem>>, vector<1x1x128xf32>
    %get3A_174 = vector.shape_cast %get3A_173 : vector<1x1x128xf32> to vector<128xf32>
    %get3A_175 = arith.constant 1 : index
    %get3A_176 = arith.constant 0 : index
    %get3A_177 = arith.constant 0 : index
    %get3A_178 = vector.load %arg2[%get3A_175, %get3A_176, %get3A_177] : memref<2x400x128xf32, #tpu.memory_space<vmem>>, vector<1x400x128xf32>
    %get3A_179 = vector.shape_cast %get3A_178 : vector<1x400x128xf32> to vector<400x128xf32>
    %broadcast_in_dim3A_180 = vector.shape_cast %mul3A_150 : vector<128xf32> to vector<1x128xf32>
    %sub3A_181 = vector.broadcast %broadcast_in_dim3A_180 : vector<1x128xf32> to vector<400x128xf32>
    %sub3A_182 = arith.subf %get3A_179, %sub3A_181 : vector<400x128xf32>
    %mul3A_183 = arith.mulf %rsqrt3A_164, %get3A_169 : vector<128xf32>
    %broadcast_in_dim3A_184 = vector.shape_cast %mul3A_183 : vector<128xf32> to vector<1x128xf32>
    %mul3A_185 = vector.broadcast %broadcast_in_dim3A_184 : vector<1x128xf32> to vector<400x128xf32>
    %mul3A_186 = arith.mulf %sub3A_182, %mul3A_185 : vector<400x128xf32>
    %broadcast_in_dim3A_187 = vector.shape_cast %get3A_174 : vector<128xf32> to vector<1x128xf32>
    %add3A_188 = vector.broadcast %broadcast_in_dim3A_187 : vector<1x128xf32> to vector<400x128xf32>
    %add3A_189 = arith.addf %mul3A_186, %add3A_188 : vector<400x128xf32>
    %swap3A_190 = arith.constant 0 : index
    %swap3A_191 = arith.constant 384 : index
    %swap3A_192 = vector.load %arg7[%swap3A_190, %swap3A_191] : memref<400x512xf32, #tpu.memory_space<vmem>>, vector<400x128xf32>
    tpu.vector_store %arg7[%swap3A_190, %swap3A_191], %add3A_189 {strides = array<i32>} : memref<400x512xf32, #tpu.memory_space<vmem>>, vector<400x128xf32>,
    return
  }
  func.func @transform_0(%arg0: i32) -> (i32, i32, i32) {
    %c0_i32 = arith.constant 0 : i32
    %c0_i32_0 = arith.constant 0 : i32
    %c0_i32_1 = arith.constant 0 : i32
    return %c0_i32, %arg0, %c0_i32_0 : i32, i32, i32
  }
  func.func @transform_1(%arg0: i32) -> (i32, i32, i32) {
    %c0_i32 = arith.constant 0 : i32
    %c0_i32_0 = arith.constant 0 : i32
    %c0_i32_1 = arith.constant 0 : i32
    return %c0_i32, %arg0, %c0_i32_0 : i32, i32, i32
  }
  func.func @transform_2(%arg0: i32) -> (i32, i32, i32) {
    %c0_i32 = arith.constant 0 : i32
    %c0_i32_0 = arith.constant 0 : i32
    %c0_i32_1 = arith.constant 0 : i32
    %c0_i32_2 = arith.constant 0 : i32
    return %c0_i32, %c0_i32_0, %c0_i32_1 : i32, i32, i32
  }
  func.func @transform_3(%arg0: i32) -> (i32, i32, i32) {
    %c0_i32 = arith.constant 0 : i32
    %c0_i32_0 = arith.constant 0 : i32
    %c0_i32_1 = arith.constant 0 : i32
    %c0_i32_2 = arith.constant 0 : i32
    return %c0_i32, %c0_i32_0, %c0_i32_1 : i32, i32, i32
  }
  func.func @transform_4(%arg0: i32) -> (i32, i32, i32) {
    %c0_i32 = arith.constant 0 : i32
    %c0_i32_0 = arith.constant 0 : i32
    %c0_i32_1 = arith.constant 0 : i32
    %c0_i32_2 = arith.constant 0 : i32
    return %c0_i32, %c0_i32_0, %c0_i32_1 : i32, i32, i32
  }
  func.func @transform_5(%arg0: i32) -> (i32, i32, i32) {
    %c0_i32 = arith.constant 0 : i32
    %c0_i32_0 = arith.constant 0 : i32
    %c0_i32_1 = arith.constant 0 : i32
    %c0_i32_2 = arith.constant 0 : i32
    return %c0_i32, %c0_i32_0, %c0_i32_1 : i32, i32, i32
  }
  func.func @transform_6(%arg0: i32) -> (i32, i32) {
    %c0_i32 = arith.constant 0 : i32
    %c0_i32_0 = arith.constant 0 : i32
    return %arg0, %c0_i32 : i32, i32
  }
}

</mosaic_0001>

<sc_bundles>
// kernel: kernel.16.cloned.1.call-start
scs
__scs_entry_jumppad:
0x0: {  	(pc) =	sbr.rel $0x88, $3  }
0x1: {  	(tag) =	ssettag $0x0;
	lr =	simm.s32 $0x1  }
0x2: {  	[smem:$0x3F96] =	sst lr;
	_ =	strace $0xD0000000  }
0x3: {  	_ = 	snop  }
0x4: {  	_ = 	snop  }
0x5: {  	_ = 	snop  }
0x6: {  	_ = 	snop  }
0x7: {  	_ = 	snop  }
__scs_overlays_trampoline_lowered:
0x8: {  	[smem:$0x3FA5] =	sst s0  }
0x9: {  	[smem:$0x3FA6] =	sst s1  }
0xa: {  	[smem:$0x3FA7] =	sst s2  }
0xb: {  	[smem:$0x3FA8] =	sst s3  }
0xc: {  	[smem:$0x3FA9] =	sst s4  }
0xd: {  	[smem:$0x3FAA] =	sst s5  }
0xe: {  	[smem:$0x3FAB] =	sst s6  }
0xf: {  	[smem:$0x3FAC] =	sst s7  }
0x10: {  	[smem:$0x3FAD] =	sst s8  }
0x11: {  	[smem:$0x3FAE] =	sst s9;
	s0 =	simm.s32 @!p0 $0x0  }
0x12: {  	s1 =	sld [smem:$0x3F94];
	s0 =	simm.s32 @p0 $0x1  }
0x13: {  	[smem:$0x3FAF] =	sst s0;
	s0 =	simm.s32 @!p1 $0x0  }
0x14: {  	s2 =	sld [smem:$0x3F93];
	s0 =	simm.s32 @p1 $0x1  }
0x15: {  	[smem:$0x3FB0] =	sst s0;
	s0 =	simm.s32 @!p2 $0x0  }
0x16: {  	s3 =	sld [smem:$0x3FDB];
	s0 =	simm.s32 @p2 $0x1  }
0x17: {  	s4 =	simm.s32 $0x1BF5;
	[smem:$0x3FB2] =	sst s0  }
0x18: {  	s0 =	sld [smem:$0x3F95];
	_ =	swait.ge [sflag:s4], $0x0  }
0x19: {  	s7 =	sld [smem:$0x3F96]  }
0x1a: {  	s8 =	sadd.s32 $0xFFFFE003, lr  }
0x1b: {  	s9 =	sadd.s32 $0xFFFFFEF7, lr;
	s5 =	simm.s32 $0xFFFFFFFF;
	p2 =	slt.u32 s8, $0xFFFFF086  }
0x1c: {  	p1 =	slt.u32 s9, $0xF7A;
	s5 =	simm.s32 @!p2 $0x0  }
0x1d: {  	s5 =	simm.s32 @p1 $0x1;
	p0 =	seq.s32 s7, s2  }
0x1e: {  	s7 =	smul.u32 @!p0 $0xF7A, s2;
	p2 =	seq.s32 @!p0 s5, $0x0  }
0x1f: {  	s9 =	smul.u32 $0xF7A, s1;
	s8 =	simm.s32 @!p0 $0x1BF5;
	p2 =	por !p2, p0  }
0x20: {  	[sflag:s8] =	ssyncset.s32 @!p0 $0xFFFFF086;
	s6 =	sadd.s32 @!p0 s3, s7;
	s7 =	simm.s32 @!p0 $0x108  }
0x21: {  	s3 =	sadd.s32 s3, s9;
	s6 =	sadd.s32 @!p0 $0x88, s6;
	s7 =	simm.s32 @p2 $0x1082  }
0x22: {  	[simem:s7], [sflag:s8] =	dma.local @!p0 [hbm:s6], $0xF7A  }
0x23: {  	s9 =	sor.u32 $0xD0000000, s2;
	s6 =	simm.s32 $0x108;
	_ =	swait.ge @!p0 [sflag:s8], $0x0  }
0x24: {  	s3 =	sadd.s32 $0x88, s3;
	s6 =	simm.s32 @!p1 $0x1082;
	[sflag:s4] =	ssyncset.s32 $0xFFFFF086  }
0x25: {  	[simem:s6], [sflag:s4] =	dma.local [hbm:s3], $0xF7A  }
0x26: {  	[smem:$0x3F96] =	sst s1;
	(tag) =	ssettag s2;
	_ =	strace s9  }
0x27: {  	s1 =	sld [smem:$0x3FA6]  }
0x28: {  	s2 =	sld [smem:$0x3FA7]  }
0x29: {  	s4 =	sld [smem:$0x3FA9]  }
0x2a: {  	p0 =	seq.s32 s5, $0x0;
	s5 =	sld [smem:$0x3FAA]  }
0x2b: {  	s6 =	sld [smem:$0x3FAB]  }
0x2c: {  	s7 =	sld [smem:$0x3FAC]  }
0x2d: {  	s3 =	simm.s32 $0x108;
	s8 =	sld [smem:$0x3FAD]  }
0x2e: {  	s3 =	simm.s32 @!p0 $0x1082;
	s9 =	sld [smem:$0x3FAE]  }
0x2f: {  	lr =	sadd.s32 s0, s3;
	s0 =	sld [smem:$0x3FA5]  }
0x30: {  	s3 =	sld [smem:$0x3FA8]  }
0x31: {  	[smem:$0x3FB1] =	sst s10  }
0x32: {  	s10 =	sld [smem:$0x3FAF];
	_ =	sdelay $0x3  }
0x33: {  	p0 =	seq.s32 s10, $0x1;
	s10 =	sld [smem:$0x3FB1];
	_ =	sdelay $0x3  }
0x34: {  	[smem:$0x3FB1] =	sst s10  }
0x35: {  	s10 =	sld [smem:$0x3FB0];
	_ =	sdelay $0x3  }
0x36: {  	p1 =	seq.s32 s10, $0x1;
	s10 =	sld [smem:$0x3FB1];
	_ =	sdelay $0x3  }
0x37: {  	[smem:$0x3FB1] =	sst s10  }
0x38: {  	s10 =	sld [smem:$0x3FB2]  }
0x39: {  	_ = 	snop;
	(pc) =	sbr.ind lr, $3  }
0x3a: {  	_ = 	snop  }
0x3b: {  	_ = 	snop  }
0x3c: {  	p2 =	seq.s32 s10, $0x1;
	s10 =	sld [smem:$0x3FB1]  }
0x3d: {  	_ =	shalt  }
0x3e: {  	_ =	shalt  }
0x3f: {  	_ =	shalt  }
0x40: {  	_ =	shalt  }
0x41: {  	_ =	shalt  }
0x42: {  	_ =	shalt  }
0x43: {  	_ =	shalt  }
0x44: {  	_ =	shalt  }
0x45: {  	_ =	shalt  }
0x46: {  	_ =	shalt  }
0x47: {  	_ =	shalt  }
0x48: {  	_ =	shalt  }
0x49: {  	_ =	shalt  }
0x4a: {  	_ =	shalt  }
0x4b: {  	_ =	shalt  }
0x4c: {  	_ =	shalt  }
0x4d: {  	_ =	shalt  }
0x4e: {  	_ =	shalt  }
0x4f: {  	_ =	shalt  }
0x50: {  	_ =	shalt  }
0x51: {  	_ =	shalt  }
0x52: {  	_ =	shalt  }
0x53: {  	_ =	shalt  }
0x54: {  	_ =	shalt  }
0x55: {  	_ =	shalt  }
0x56: {  	_ =	shalt  }
0x57: {  	_ =	shalt  }
0x58: {  	_ =	shalt  }
0x59: {  	_ =	shalt  }
0x5a: {  	_ =	shalt  }
0x5b: {  	_ =	shalt  }
0x5c: {  	_ =	shalt  }
0x5d: {  	_ =	shalt  }
0x5e: {  	_ =	shalt  }
0x5f: {  	_ =	shalt  }
0x60: {  	_ =	shalt  }
0x61: {  	_ =	shalt  }
0x62: {  	_ =	shalt  }
0x63: {  	_ =	shalt  }
0x64: {  	_ =	shalt  }
0x65: {  	_ =	shalt  }
0x66: {  	_ =	shalt  }
0x67: {  	_ =	shalt  }
0x68: {  	_ =	shalt  }
0x69: {  	_ =	shalt  }
0x6a: {  	_ =	shalt  }
0x6b: {  	_ =	shalt  }
0x6c: {  	_ =	shalt  }
0x6d: {  	_ =	shalt  }
0x6e: {  	_ =	shalt  }
0x6f: {  	_ =	shalt  }
0x70: {  	_ =	shalt  }
0x71: {  	_ =	shalt  }
0x72: {  	_ =	shalt  }
0x73: {  	_ =	shalt  }
0x74: {  	_ =	shalt  }
0x75: {  	_ =	shalt  }
0x76: {  	_ =	shalt  }
0x77: {  	_ =	shalt  }
0x78: {  	_ =	shalt  }
0x79: {  	_ =	shalt  }
0x7a: {  	_ =	shalt  }
0x7b: {  	_ =	shalt  }
0x7c: {  	_ =	shalt  }
0x7d: {  	_ =	shalt  }
0x7e: {  	_ =	shalt  }
0x7f: {  	_ =	shalt  }
0x80: {  	_ =	shalt  }
0x81: {  	_ =	shalt  }
0x82: {  	_ =	shalt  }
0x83: {  	_ =	shalt  }
0x84: {  	_ =	shalt  }
0x85: {  	_ =	shalt  }
0x86: {  	_ =	shalt  }
0x87: {  	_ =	shalt  }
.Lfunc_end0:
.L_simem_size_0:
called_computation_lowered:
.L_overlay_start_0:
0x88: {  	s2 =	sld [smem:$0x3FD9]  }
0x89: {  	s3 =	sld [smem:$0x3FFE];
	_ =	sdelay $0x1  }
0x8a: {  	s1 =	srdreg.scid  }
0x8b: {  	s0 =	sand.u32 $0x1, s1  }
0x8c: {  	s17 =	sshll.u32 s0, $0xA;
	s2 =	sadd.s32 s3, s2  }
0x8d: {  	s2 =	sadd.s32 s2, s17  }
0x8e: {  	[smem:$0x3FBD] =	sst s2  }
0x8f: {  	_ = 	snop  }
0x90: {  	s2 =	sld [smem:$0x3FD0];
	(tm) =	ssettm $0x1  }
0x91: {  	s18 =	sld [smem:$0x3FFB];
	_ =	sdelay $0x3  }
0x92: {  	_ =	strace s18  }
0x93: {  	s3 =	sld [smem:$0x3FFC];
	_ =	sdelay $0x3  }
0x94: {  	_ =	strace s3  }
0x95: {  	s3 =	sld [smem:$0x3FFD];
	_ =	sdelay $0x3  }
0x96: {  	_ =	strace s3  }
0x97: {  	_ =	strace $0x8FFFFFFF  }
0x98: {  	s19 =	sld [smem:$0x3FDB];
	_ =	sdelay $0x1  }
0x99: {  	s4 =	simm.s32 $_scs_section_size  }
0x9a: {  	s5 =	simm.s32 $_size__tile_overlayer_lowered;
	s6 =	simm.s32 $_tile_overlayer_lowered  }
0x9b: {  	s22 =	simm.s32 $0x1BFF;
	s21 =	sshll.u32 s6, $0x1;
	s3 =	sadd.s32 s4, s19  }
0x9c: {  	s7 =	simm.s32 $0x0;
	s20 =	sshll.u32 s5, $0x1;
	s5 =	sadd.s32 s21, s3  }
0x9d: {  	[timem:s7], [sflag:s22] =	dma.local [hbm:s5], s20  }
0x9e: {  	_ =	swait.ge [sflag:s22], s20  }
0x9f: {  	s4 =	ssub.s32 $0x0, s20;
	[sflag:s22] =	ssyncset.done $0x0  }
0xa0: {  	[sflag:s22] =	ssyncadd.s32 s4;
	_ =	sdelay $0x1  }
0xa1: {  	s23 =	simm.s32 $0x1B8B  }
0xa2: {  	_ =	swait.ge [sflag:s23], $0x1  }
0xa3: {  	[sflag:s23] =	ssyncset.done $0x0  }
0xa4: {  	s25 =	simm.s32 $0x1B8E;
	s24 =	sld [smem:$0x3FFE];
	[sflag:s23] =	ssyncadd.s32 $0xFFFFFFFF  }
0xa5: {  	s26 =	simm.s32 $execute0_lowered;
	[smem:$0x3FD2] =	sst s25  }
0xa6: {  	s5 =	sshll.u32 s26, $0x1;
	_ =	strace $0x80000046;
	[dreg:$0x1] =	wrdreg $0xFFFFFFFF  }
0xa7: {  	s28 =	simm.s32 $_size_execute0_lowered;
	s3 =	sadd.s32 s3, s5;
	[dreg:$0x0] =	wrdreg $0x0  }
0xa8: {  	s5 =	sshll.u32 s28, $0x1;
	[dreg:$0x2] =	wrdreg s3  }
0xa9: {  	[dreg:$0x3] =	wrdreg s5  }
0xaa: {  	[dreg:$0x4] =	wrdreg $0xC0  }
0xab: {  	_ =	task [dreg:s7], $0x5FFFF  }
0xac: {  	[dreg:$0x1] =	wrdreg $0xFFFFFFFF  }
0xad: {  	[dreg:$0x0] =	wrdreg $0x60  }
0xae: {  	[dreg:$0x2] =	wrdreg s24  }
0xaf: {  	[dreg:$0x3] =	wrdreg s2  }
0xb0: {  	[dreg:$0x4] =	wrdreg $0x54000  }
0xb1: {  	[dreg:$0x5] =	wrdreg $0x9  }
0xb2: {  	_ =	task.clear_ibuf [dreg:s7], $0x6FFFF;
	_ =	strace $0x90000046  }
0xb3: {  	s29 =	simm.s32 $0x9;
	_ =	strace $0x80000048  }
0xb4: {  	_ =	swait.ge [sflag:s29], $0x1  }
0xb5: {  	[sflag:s29] =	ssyncadd.s32 $0xFFFFFFFF  }
0xb6: {  	_ =	strace $0x90000048  }
0xb7: {  	_ =	sfence  }
0xb8: {  	s30 =	sld [smem:$0x0];
	_ =	sdelay $0x2  }
0xb9: {  	s31 =	sshll.u32 s1, $0xD;
	s1 =	sshrl.u32 s1, $0x2  }
0xba: {  	s3 =	sand.u32 $0x4000, s31;
	s1 =	sadd.s32 s1, s30  }
0xbb: {  	s0 =	sor.u32 s3, s0;
	s1 =	sshll.u32 s1, $0x11  }
0xbc: {  	s0 =	sor.u32 s1, s0  }
0xbd: {  	s0 =	sadd.s32 $0x8F2B, s0  }
0xbe: {  	[sflag:s0] =	ssyncadd.remote.s32 $0x1  }
0xbf: {  	_ =	sfence.sel $0xFFFF  }
0xc0: {  	[dreg:$0x0] =	wrdreg $0xFFFFFFFF;
	(pc) =	sbr.abs _section_cstart, $3  }
0xc1: {  	[dreg:$0x1] =	wrdreg $0xFFFFFFFF  }
0xc2: {  	_ =	task.clear_ibuf [dreg:s7], $0x2FFFF;
	_ =	strace $0x9FFFFFFF  }
0xc3: {  	(tm) =	ssettm $0x7FFFFFFF  }
tec
execute0_lowered:
.L_overlay_start_1:
0x0: {  	(tag) =	ssettag $0x1  }
0x1: {  	s0 =	rddreg [dreg:$0x0]  }
0x2: {  	s3 =	rddreg [dreg:$0x1]  }
0x3: {  	s2 =	rddreg [dreg:$0x2];
	s31 =	simm.s32 $0x0  }
0x4: {  	[smem:$0x7FF] =	sst s31;
	s7 =	sadd.s32 $0x37800, s0  }
0x5: {  	s19 =	simm.s32 $0x100;
	_ =	strace $0x80000047;
	[dreg:$0x4] =	wrdreg s7  }
0x6: {  	s8 =	stileid.u32;
	s20 =	simm.s32 $0x180;
	[dreg:$0x7] =	wrdreg s19  }
0x7: {  	s1 =	srdreg.scid;
	s21 =	simm.s32 $0x200;
	[dreg:$0x8] =	wrdreg s20  }
0x8: {  	s23 =	simm.s32 $0x280;
	s25 =	simm.s32 $0x300;
	[dreg:$0x9] =	wrdreg s21  }
0x9: {  	s9 =	simm.s32 $0x380;
	s10 =	simm.s32 $0x400;
	[dreg:$0xa] =	wrdreg s23  }
0xa: {  	s12 =	simm.s32 $0x480;
	s13 =	simm.s32 $0x500;
	[dreg:$0xb] =	wrdreg s25  }
0xb: {  	s14 =	simm.s32 $0x580;
	s15 =	simm.s32 $0x600;
	[dreg:$0xc] =	wrdreg s9  }
0xc: {  	s16 =	simm.s32 $0x680;
	s17 =	simm.s32 $0x700;
	[dreg:$0xd] =	wrdreg s10  }
0xd: {  	s18 =	simm.s32 $0x780;
	s30 =	simm.s32 $0xB80;
	[dreg:$0xe] =	wrdreg s12  }
0xe: {  	s29 =	simm.s32 $0xC00;
	s4 =	smul.u32 $0x500, s8;
	[dreg:$0xf] =	wrdreg s13  }
0xf: {  	s5 =	sand.u32 $0x1, s1;
	s1 =	smul.u32 $0x2800, s8;
	[dreg:$0x10] =	wrdreg s14  }
0x10: {  	s28 =	simm.s32 $0xC80;
	s26 =	smul.u32 $0x50000, s8;
	[dreg:$0x11] =	wrdreg s15  }
0x11: {  	p0 =	por $0x0, $0x0;
	s6 =	smul.u32 $0x280, s5;
	[dreg:$0x12] =	wrdreg s16  }
0x12: {  	s22 =	ssub.s32 $0x2, s5;
	s5 =	smul.u32 $0x28000, s5;
	[dreg:$0x13] =	wrdreg s17  }
0x13: {  	s19 =	sshll.u32 s8, $0x6;
	[dreg:$0x14] =	wrdreg s18;
	s20 =	simm.s32 $0x800  }
0x14: {  	s21 =	simm.s32 $0x880;
	s23 =	simm.s32 $0x980;
	s8 =	simm.s32 $0x1  }
0x15: {  	s9 =	simm.s32 $0x2;
	s25 =	simm.s32 $0xA80;
	s10 =	simm.s32 $0x3  }
0x16: {  	s18 =	simm.s32 $0x1080;
	s17 =	simm.s32 $0x1180;
	s16 =	simm.s32 $0x1200  }
0x17: {  	s15 =	simm.s32 $0x1280;
	s14 =	simm.s32 $0x1300;
	[dreg:$0x15] =	wrdreg s20  }
0x18: {  	s4 =	sadd.s32 s4, s0;
	s0 =	sadd.s32 s1, s0;
	[dreg:$0x16] =	wrdreg s21  }
0x19: {  	s24 =	sshrl.u32 s22, $0x1;
	s11 =	sshrl.u32 s26, $0x2;
	[dreg:$0x18] =	wrdreg s23  }
0x1a: {  	[dreg:$0x1a] =	wrdreg s25;
	s26 =	simm.s32 $0xB00;
	s25 =	simm.s32 $0xD80  }
0x1b: {  	s23 =	simm.s32 $0xE80;
	s21 =	simm.s32 $0xF80;
	s20 =	simm.s32 $0x1000  }
0x1c: {  	s4 =	sadd.s32 s6, s4;
	s0 =	sadd.s32 $0xF800, s0;
	s7 =	sadd.s32 s11, s2  }
0x1d: {  	s12 =	sadd.s32 s3, s5;
	s3 =	simm.s32 $0x5;
	s4 =	sadd.s32 $0xA800, s4  }
0x1e: {  	s6 =	simm.s32 $0x1400;
	[dreg:$0x5] =	wrdreg s4;
	s4 =	ssub.s32 s22, s24  }
0x1f: {  	s11 =	simm.s32 $0x4;
	[dreg:$0x1b] =	wrdreg s26;
	s13 =	smax.u32 s4, $0x1  }
0x20: {  	s26 =	simm.s32 $0xD00;
	[dreg:$0x6] =	wrdreg s0;
	p1 =	sne.s32 s13, $0x1  }
.Ltmp0:
0x21: {  	s5 =	sshrl.u32 s7, $0x3;
	s22 =	simm.s32 $0x900;
	(pc) =	sbr.rel @!p1 .LBB2_3-.Ltmp0, $4  }
0x22: {  	s7 =	simm.s32 $0x80;
	s24 =	simm.s32 $0xA00;
	[dreg:$0x17] =	wrdreg s22  }
0x23: {  	s12 =	sadd.s32 s1, s12;
	s4 =	sor.u32 $0x1C05, s19;
	[dreg:$0x19] =	wrdreg s24  }
0x24: {  	s24 =	simm.s32 $0xE00;
	s22 =	simm.s32 $0xF00;
	s19 =	simm.s32 $0x1100  }
0x25: {  	s0 =	rddreg [dreg:$0x5];
	s1 =	sadd.s32 $0xFFFFFFFF, s13;
	s13 =	simm.s32 $0x1380  }
0x26: {  	[tilespmem:s31], [sflag:$0x5] =	stream.linear.gather [hbm4b:s0+s31], $0x1400, $0x38;
	[tilespmem:$0x19400] =	vst v63  }
0x27: {  	_ =	swait.ge [sflag:s3], $0x1400  }
0x28: {  	[sflag:s3] =	ssyncset.done $0x0  }
0x29: {  	s0 =	rddreg [dreg:$0x4];
	[sflag:s3] =	ssyncadd.s32 $0xFFFFEC00  }
0x2a: {  	[tilespmem:s6], [sflag:$0x5] =	stream.linear.gather [hbm4b:s0+s31], $0x4000, $0x38;
	[tilespmem:$0x19400] =	vst v63  }
0x2b: {  	_ =	swait.ge [sflag:s3], $0x4000  }
0x2c: {  	[sflag:s3] =	ssyncset.done $0x0  }
0x2d: {  	s0 =	rddreg [dreg:$0x6];
	[sflag:s3] =	ssyncadd.s32 $0xFFFFC000  }
0x2e: {  	[spmem:s5], [sflag:s4] =	dma.local [hbm:s0], $0x2800  }
0x2f: {  	_ =	swait.ge [sflag:s3], $0x2800  }
0x30: {  	[sflag:s3] =	ssyncset.done $0x0  }
0x31: {  	[sflag:s3] =	ssyncadd.s32 $0xFFFFD800  }
0x32: {  	[bflag:$0x0] =	sbarrier.arrive $0xFFFF  }
0x33: {  	[spmem:s2] =	stream.indirect.scatter.add.f32 [tilespmem:s6], [sflag:$0x1], $0x80, s31, s7, $0xb8;
	[tilespmem:$0x19400] =	vst v63  }
0x34: {  	s0 =	rddreg [dreg:$0x7]  }
0x35: {  	[spmem:s2] =	stream.indirect.scatter.add.f32 [tilespmem:s6], [sflag:$0x2], $0x80, s7, s7, $0xb8;
	[tilespmem:$0x19400] =	vst v63  }
0x36: {  	[dreg:$0x1c] =	wrdreg s1  }
0x37: {  	[spmem:s2] =	stream.indirect.scatter.add.f32 [tilespmem:s6], [sflag:$0x3], $0x80, s0, s7, $0xb8;
	[tilespmem:$0x19400] =	vst v63  }
0x38: {  	s1 =	rddreg [dreg:$0x8]  }
0x39: {  	[spmem:s2] =	stream.indirect.scatter.add.f32 [tilespmem:s6], [sflag:$0x4], $0x80, s1, s7, $0xb8;
	[tilespmem:$0x19400] =	vst v63  }
0x3a: {  	_ =	swait.ge [sflag:s8], $0x4000  }
0x3b: {  	[sflag:s8] =	ssyncset.done $0x0  }
0x3c: {  	s1 =	rddreg [dreg:$0x9];
	[sflag:s8] =	ssyncadd.s32 $0xFFFFC000  }
0x3d: {  	[spmem:s2] =	stream.indirect.scatter.add.f32 [tilespmem:s6], [sflag:$0x1], $0x80, s1, s7, $0xb8;
	[tilespmem:$0x19400] =	vst v63  }
0x3e: {  	_ =	swait.ge [sflag:s9], $0x4000  }
0x3f: {  	[sflag:s9] =	ssyncset.done $0x0  }
0x40: {  	s1 =	rddreg [dreg:$0xa];
	[sflag:s9] =	ssyncadd.s32 $0xFFFFC000  }
0x41: {  	[spmem:s2] =	stream.indirect.scatter.add.f32 [tilespmem:s6], [sflag:$0x2], $0x80, s1, s7, $0xb8;
	[tilespmem:$0x19400] =	vst v63  }
0x42: {  	_ =	swait.ge [sflag:s10], $0x4000  }
0x43: {  	[sflag:s10] =	ssyncset.done $0x0  }
0x44: {  	s1 =	rddreg [dreg:$0xb];
	[sflag:s10] =	ssyncadd.s32 $0xFFFFC000  }
0x45: {  	[spmem:s2] =	stream.indirect.scatter.add.f32 [tilespmem:s6], [sflag:$0x3], $0x80, s1, s7, $0xb8;
	[tilespmem:$0x19400] =	vst v63  }
0x46: {  	_ =	swait.ge [sflag:s11], $0x4000  }
0x47: {  	[sflag:s11] =	ssyncset.done $0x0  }
0x48: {  	s1 =	rddreg [dreg:$0xc];
	[sflag:s11] =	ssyncadd.s32 $0xFFFFC000  }
0x49: {  	[spmem:s2] =	stream.indirect.scatter.add.f32 [tilespmem:s6], [sflag:$0x4], $0x80, s1, s7, $0xb8;
	[tilespmem:$0x19400] =	vst v63  }
0x4a: {  	_ =	swait.ge [sflag:s8], $0x4000  }
0x4b: {  	[sflag:s8] =	ssyncset.done $0x0  }
0x4c: {  	s1 =	rddreg [dreg:$0xd];
	[sflag:s8] =	ssyncadd.s32 $0xFFFFC000  }
0x4d: {  	[spmem:s2] =	stream.indirect.scatter.add.f32 [tilespmem:s6], [sflag:$0x1], $0x80, s1, s7, $0xb8;
	[tilespmem:$0x19400] =	vst v63  }
0x4e: {  	_ =	swait.ge [sflag:s9], $0x4000  }
0x4f: {  	[sflag:s9] =	ssyncset.done $0x0  }
0x50: {  	s1 =	rddreg [dreg:$0xe];
	[sflag:s9] =	ssyncadd.s32 $0xFFFFC000  }
0x51: {  	[spmem:s2] =	stream.indirect.scatter.add.f32 [tilespmem:s6], [sflag:$0x2], $0x80, s1, s7, $0xb8;
	[tilespmem:$0x19400] =	vst v63  }
0x52: {  	_ =	swait.ge [sflag:s10], $0x4000  }
0x53: {  	[sflag:s10] =	ssyncset.done $0x0  }
0x54: {  	s1 =	rddreg [dreg:$0xf];
	[sflag:s10] =	ssyncadd.s32 $0xFFFFC000  }
0x55: {  	[spmem:s2] =	stream.indirect.scatter.add.f32 [tilespmem:s6], [sflag:$0x3], $0x80, s1, s7, $0xb8;
	[tilespmem:$0x19400] =	vst v63  }
0x56: {  	_ =	swait.ge [sflag:s11], $0x4000  }
0x57: {  	[sflag:s11] =	ssyncset.done $0x0  }
0x58: {  	s1 =	rddreg [dreg:$0x10];
	[sflag:s11] =	ssyncadd.s32 $0xFFFFC000  }
0x59: {  	[spmem:s2] =	stream.indirect.scatter.add.f32 [tilespmem:s6], [sflag:$0x4], $0x80, s1, s7, $0xb8;
	[tilespmem:$0x19400] =	vst v63  }
0x5a: {  	_ =	swait.ge [sflag:s8], $0x4000  }
0x5b: {  	[sflag:s8] =	ssyncset.done $0x0  }
0x5c: {  	s1 =	rddreg [dreg:$0x11];
	[sflag:s8] =	ssyncadd.s32 $0xFFFFC000  }
0x5d: {  	[spmem:s2] =	stream.indirect.scatter.add.f32 [tilespmem:s6], [sflag:$0x1], $0x80, s1, s7, $0xb8;
	[tilespmem:$0x19400] =	vst v63  }
0x5e: {  	_ =	swait.ge [sflag:s9], $0x4000  }
0x5f: {  	[sflag:s9] =	ssyncset.done $0x0  }
0x60: {  	s1 =	rddreg [dreg:$0x12];
	[sflag:s9] =	ssyncadd.s32 $0xFFFFC000  }
0x61: {  	[spmem:s2] =	stream.indirect.scatter.add.f32 [tilespmem:s6], [sflag:$0x2], $0x80, s1, s7, $0xb8;
	[tilespmem:$0x19400] =	vst v63  }
0x62: {  	_ =	swait.ge [sflag:s10], $0x4000  }
0x63: {  	[sflag:s10] =	ssyncset.done $0x0  }
0x64: {  	s1 =	rddreg [dreg:$0x13];
	[sflag:s10] =	ssyncadd.s32 $0xFFFFC000  }
0x65: {  	[spmem:s2] =	stream.indirect.scatter.add.f32 [tilespmem:s6], [sflag:$0x3], $0x80, s1, s7, $0xb8;
	[tilespmem:$0x19400] =	vst v63  }
0x66: {  	_ =	swait.ge [sflag:s11], $0x4000  }
0x67: {  	[sflag:s11] =	ssyncset.done $0x0  }
0x68: {  	s1 =	rddreg [dreg:$0x14];
	[sflag:s11] =	ssyncadd.s32 $0xFFFFC000  }
0x69: {  	[spmem:s2] =	stream.indirect.scatter.add.f32 [tilespmem:s6], [sflag:$0x4], $0x80, s1, s7, $0xb8;
	[tilespmem:$0x19400] =	vst v63  }
0x6a: {  	_ =	swait.ge [sflag:s8], $0x4000  }
0x6b: {  	[sflag:s8] =	ssyncset.done $0x0  }
0x6c: {  	s1 =	rddreg [dreg:$0x15];
	[sflag:s8] =	ssyncadd.s32 $0xFFFFC000  }
0x6d: {  	[spmem:s2] =	stream.indirect.scatter.add.f32 [tilespmem:s6], [sflag:$0x1], $0x80, s1, s7, $0xb8;
	[tilespmem:$0x19400] =	vst v63  }
0x6e: {  	_ =	swait.ge [sflag:s9], $0x4000  }
0x6f: {  	[sflag:s9] =	ssyncset.done $0x0  }
0x70: {  	s1 =	rddreg [dreg:$0x16];
	[sflag:s9] =	ssyncadd.s32 $0xFFFFC000  }
0x71: {  	[spmem:s2] =	stream.indirect.scatter.add.f32 [tilespmem:s6], [sflag:$0x2], $0x80, s1, s7, $0xb8;
	[tilespmem:$0x19400] =	vst v63  }
0x72: {  	_ =	swait.ge [sflag:s10], $0x4000  }
0x73: {  	[sflag:s10] =	ssyncset.done $0x0  }
0x74: {  	s1 =	rddreg [dreg:$0x17];
	[sflag:s10] =	ssyncadd.s32 $0xFFFFC000  }
0x75: {  	[spmem:s2] =	stream.indirect.scatter.add.f32 [tilespmem:s6], [sflag:$0x3], $0x80, s1, s7, $0xb8;
	[tilespmem:$0x19400] =	vst v63  }
0x76: {  	_ =	swait.ge [sflag:s11], $0x4000  }
0x77: {  	[sflag:s11] =	ssyncset.done $0x0  }
0x78: {  	s1 =	rddreg [dreg:$0x18];
	[sflag:s11] =	ssyncadd.s32 $0xFFFFC000  }
0x79: {  	[spmem:s2] =	stream.indirect.scatter.add.f32 [tilespmem:s6], [sflag:$0x4], $0x80, s1, s7, $0xb8;
	[tilespmem:$0x19400] =	vst v63  }
0x7a: {  	_ =	swait.ge [sflag:s8], $0x4000  }
0x7b: {  	[sflag:s8] =	ssyncset.done $0x0  }
0x7c: {  	s1 =	rddreg [dreg:$0x19];
	[sflag:s8] =	ssyncadd.s32 $0xFFFFC000  }
0x7d: {  	[spmem:s2] =	stream.indirect.scatter.add.f32 [tilespmem:s6], [sflag:$0x1], $0x80, s1, s7, $0xb8;
	[tilespmem:$0x19400] =	vst v63  }
0x7e: {  	_ =	swait.ge [sflag:s9], $0x4000  }
0x7f: {  	[sflag:s9] =	ssyncset.done $0x0  }
0x80: {  	s1 =	rddreg [dreg:$0x1a];
	[sflag:s9] =	ssyncadd.s32 $0xFFFFC000  }
0x81: {  	[spmem:s2] =	stream.indirect.scatter.add.f32 [tilespmem:s6], [sflag:$0x2], $0x80, s1, s7, $0xb8;
	[tilespmem:$0x19400] =	vst v63  }
0x82: {  	_ =	swait.ge [sflag:s10], $0x4000  }
0x83: {  	[sflag:s10] =	ssyncset.done $0x0  }
0x84: {  	s1 =	rddreg [dreg:$0x1b];
	[sflag:s10] =	ssyncadd.s32 $0xFFFFC000  }
0x85: {  	[spmem:s2] =	stream.indirect.scatter.add.f32 [tilespmem:s6], [sflag:$0x3], $0x80, s1, s7, $0xb8;
	[tilespmem:$0x19400] =	vst v63  }
0x86: {  	_ =	swait.ge [sflag:s11], $0x4000  }
0x87: {  	[sflag:s11] =	ssyncset.done $0x0  }
0x88: {  	[sflag:s11] =	ssyncadd.s32 $0xFFFFC000  }
0x89: {  	[spmem:s2] =	stream.indirect.scatter.add.f32 [tilespmem:s6], [sflag:$0x4], $0x80, s30, s7, $0xb8;
	[tilespmem:$0x19400] =	vst v63  }
0x8a: {  	_ =	swait.ge [sflag:s8], $0x4000  }
0x8b: {  	[sflag:s8] =	ssyncset.done $0x0  }
0x8c: {  	[sflag:s8] =	ssyncadd.s32 $0xFFFFC000  }
0x8d: {  	[spmem:s2] =	stream.indirect.scatter.add.f32 [tilespmem:s6], [sflag:$0x1], $0x80, s29, s7, $0xb8;
	[tilespmem:$0x19400] =	vst v63  }
0x8e: {  	_ =	swait.ge [sflag:s9], $0x4000  }
0x8f: {  	[sflag:s9] =	ssyncset.done $0x0  }
0x90: {  	[sflag:s9] =	ssyncadd.s32 $0xFFFFC000  }
0x91: {  	[spmem:s2] =	stream.indirect.scatter.add.f32 [tilespmem:s6], [sflag:$0x2], $0x80, s28, s7, $0xb8;
	[tilespmem:$0x19400] =	vst v63  }
0x92: {  	_ =	swait.ge [sflag:s10], $0x4000  }
0x93: {  	[sflag:s10] =	ssyncset.done $0x0  }
0x94: {  	[sflag:s10] =	ssyncadd.s32 $0xFFFFC000  }
0x95: {  	[spmem:s2] =	stream.indirect.scatter.add.f32 [tilespmem:s6], [sflag:$0x3], $0x80, s26, s7, $0xb8;
	[tilespmem:$0x19400] =	vst v63  }
0x96: {  	_ =	swait.ge [sflag:s11], $0x4000  }
0x97: {  	[sflag:s11] =	ssyncset.done $0x0  }
0x98: {  	[sflag:s11] =	ssyncadd.s32 $0xFFFFC000  }
0x99: {  	[spmem:s2] =	stream.indirect.scatter.add.f32 [tilespmem:s6], [sflag:$0x4], $0x80, s25, s7, $0xb8;
	[tilespmem:$0x19400] =	vst v63  }
0x9a: {  	_ =	swait.ge [sflag:s8], $0x4000  }
0x9b: {  	[sflag:s8] =	ssyncset.done $0x0  }
0x9c: {  	[sflag:s8] =	ssyncadd.s32 $0xFFFFC000  }
0x9d: {  	[spmem:s2] =	stream.indirect.scatter.add.f32 [tilespmem:s6], [sflag:$0x1], $0x80, s24, s7, $0xb8;
	[tilespmem:$0x19400] =	vst v63  }
0x9e: {  	_ =	swait.ge [sflag:s9], $0x4000  }
0x9f: {  	[sflag:s9] =	ssyncset.done $0x0  }
0xa0: {  	[sflag:s9] =	ssyncadd.s32 $0xFFFFC000  }
0xa1: {  	[spmem:s2] =	stream.indirect.scatter.add.f32 [tilespmem:s6], [sflag:$0x2], $0x80, s23, s7, $0xb8;
	[tilespmem:$0x19400] =	vst v63  }
0xa2: {  	_ =	swait.ge [sflag:s10], $0x4000  }
0xa3: {  	[sflag:s10] =	ssyncset.done $0x0  }
0xa4: {  	[sflag:s10] =	ssyncadd.s32 $0xFFFFC000  }
0xa5: {  	[spmem:s2] =	stream.indirect.scatter.add.f32 [tilespmem:s6], [sflag:$0x3], $0x80, s22, s7, $0xb8;
	[tilespmem:$0x19400] =	vst v63  }
0xa6: {  	_ =	swait.ge [sflag:s11], $0x4000  }
0xa7: {  	[sflag:s11] =	ssyncset.done $0x0  }
0xa8: {  	[sflag:s11] =	ssyncadd.s32 $0xFFFFC000  }
0xa9: {  	[spmem:s2] =	stream.indirect.scatter.add.f32 [tilespmem:s6], [sflag:$0x4], $0x80, s21, s7, $0xb8;
	[tilespmem:$0x19400] =	vst v63  }
0xaa: {  	_ =	swait.ge [sflag:s8], $0x4000  }
0xab: {  	[sflag:s8] =	ssyncset.done $0x0  }
0xac: {  	[sflag:s8] =	ssyncadd.s32 $0xFFFFC000  }
0xad: {  	[spmem:s2] =	stream.indirect.scatter.add.f32 [tilespmem:s6], [sflag:$0x1], $0x80, s20, s7, $0xb8;
	[tilespmem:$0x19400] =	vst v63  }
0xae: {  	_ =	swait.ge [sflag:s9], $0x4000  }
0xaf: {  	[sflag:s9] =	ssyncset.done $0x0  }
0xb0: {  	[sflag:s9] =	ssyncadd.s32 $0xFFFFC000  }
0xb1: {  	[spmem:s2] =	stream.indirect.scatter.add.f32 [tilespmem:s6], [sflag:$0x2], $0x80, s18, s7, $0xb8;
	[tilespmem:$0x19400] =	vst v63  }
0xb2: {  	_ =	swait.ge [sflag:s10], $0x4000  }
0xb3: {  	[sflag:s10] =	ssyncset.done $0x0  }
0xb4: {  	[sflag:s10] =	ssyncadd.s32 $0xFFFFC000  }
0xb5: {  	[spmem:s2] =	stream.indirect.scatter.add.f32 [tilespmem:s6], [sflag:$0x3], $0x80, s19, s7, $0xb8;
	[tilespmem:$0x19400] =	vst v63  }
0xb6: {  	_ =	swait.ge [sflag:s11], $0x4000  }
0xb7: {  	[sflag:s11] =	ssyncset.done $0x0  }
0xb8: {  	[sflag:s11] =	ssyncadd.s32 $0xFFFFC000  }
0xb9: {  	[spmem:s2] =	stream.indirect.scatter.add.f32 [tilespmem:s6], [sflag:$0x4], $0x80, s17, s7, $0xb8;
	[tilespmem:$0x19400] =	vst v63  }
0xba: {  	_ =	swait.ge [sflag:s8], $0x4000  }
0xbb: {  	[sflag:s8] =	ssyncset.done $0x0  }
0xbc: {  	[sflag:s8] =	ssyncadd.s32 $0xFFFFC000  }
0xbd: {  	[spmem:s2] =	stream.indirect.scatter.add.f32 [tilespmem:s6], [sflag:$0x1], $0x80, s16, s7, $0xb8;
	[tilespmem:$0x19400] =	vst v63  }
0xbe: {  	_ =	swait.ge [sflag:s9], $0x4000  }
0xbf: {  	[sflag:s9] =	ssyncset.done $0x0  }
0xc0: {  	[sflag:s9] =	ssyncadd.s32 $0xFFFFC000  }
0xc1: {  	[spmem:s2] =	stream.indirect.scatter.add.f32 [tilespmem:s6], [sflag:$0x2], $0x80, s15, s7, $0xb8;
	[tilespmem:$0x19400] =	vst v63  }
0xc2: {  	_ =	swait.ge [sflag:s10], $0x4000  }
0xc3: {  	[sflag:s10] =	ssyncset.done $0x0  }
0xc4: {  	[sflag:s10] =	ssyncadd.s32 $0xFFFFC000  }
0xc5: {  	[spmem:s2] =	stream.indirect.scatter.add.f32 [tilespmem:s6], [sflag:$0x3], $0x80, s14, s7, $0xb8;
	[tilespmem:$0x19400] =	vst v63  }
0xc6: {  	_ =	swait.ge [sflag:s11], $0x4000  }
0xc7: {  	[sflag:s11] =	ssyncset.done $0x0  }
0xc8: {  	[sflag:s11] =	ssyncadd.s32 $0xFFFFC000  }
0xc9: {  	[spmem:s2] =	stream.indirect.scatter.add.f32 [tilespmem:s6], [sflag:$0x4], $0x80, s13, s7, $0xb8;
	[tilespmem:$0x19400] =	vst v63  }
0xca: {  	_ =	swait.ge [sflag:s8], $0x4000  }
0xcb: {  	[sflag:s8] =	ssyncset.done $0x0  }
0xcc: {  	[sflag:s8] =	ssyncadd.s32 $0xFFFFC000  }
0xcd: {  	_ =	swait.ge [sflag:s9], $0x4000  }
0xce: {  	[sflag:s9] =	ssyncset.done $0x0  }
0xcf: {  	[sflag:s9] =	ssyncadd.s32 $0xFFFFC000  }
0xd0: {  	_ =	swait.ge [sflag:s10], $0x4000  }
0xd1: {  	[sflag:s10] =	ssyncset.done $0x0  }
0xd2: {  	[sflag:s10] =	ssyncadd.s32 $0xFFFFC000  }
0xd3: {  	_ =	swait.ge [sflag:s11], $0x4000  }
0xd4: {  	[sflag:s11] =	ssyncset.done $0x0  }
0xd5: {  	[sflag:s11] =	ssyncadd.s32 $0xFFFFC000  }
0xd6: {  	[bflag:$0x0] =	sbarrier.arrive $0xFFFF  }
0xd7: {  	[hbm:s12], [sflag:s4] =	dma.local [spmem:s5], $0x2800  }
0xd8: {  	s1 =	rddreg [dreg:$0x1c]  }
0xd9: {  	p1 =	sne.s32 s1, $0x1  }
.Ltmp1:
0xda: {  	_ = 	snop;
	(pc) =	sbr.rel @!p1 .LBB2_3-.Ltmp1, $3  }
0xdb: {  	_ =	sdelay $0x1  }
0xdc: {  	p0 =	por $0x1, $0x1;
	_ =	swait.ge [sflag:s3], $0x2800  }
0xdd: {  	s1 =	sadd.s32 $0xFFFFFFFF, s1;
	s0 =	rddreg [dreg:$0x5];
	[sflag:s3] =	ssyncset.done $0x0  }
.LBB2_2:
0xde: {  	[sflag:s3] =	ssyncadd.s32 $0xFFFFD800  }
0xdf: {  	[tilespmem:s31], [sflag:$0x5] =	stream.linear.gather [hbm4b:s0+s31], $0x1400, $0x38;
	[tilespmem:$0x19400] =	vst v63  }
0xe0: {  	_ =	swait.ge [sflag:s3], $0x1400  }
0xe1: {  	[sflag:s3] =	ssyncset.done $0x0  }
0xe2: {  	s13 =	rddreg [dreg:$0x4];
	[sflag:s3] =	ssyncadd.s32 $0xFFFFEC00  }
0xe3: {  	[tilespmem:s6], [sflag:$0x5] =	stream.linear.gather [hbm4b:s13+s31], $0x4000, $0x38;
	[tilespmem:$0x19400] =	vst v63  }
0xe4: {  	_ =	swait.ge [sflag:s3], $0x4000  }
0xe5: {  	[sflag:s3] =	ssyncset.done $0x0  }
0xe6: {  	s13 =	rddreg [dreg:$0x6];
	[sflag:s3] =	ssyncadd.s32 $0xFFFFC000  }
0xe7: {  	[spmem:s5], [sflag:s4] =	dma.local [hbm:s13], $0x2800  }
0xe8: {  	_ =	swait.ge [sflag:s3], $0x2800  }
0xe9: {  	[sflag:s3] =	ssyncset.done $0x0  }
0xea: {  	[sflag:s3] =	ssyncadd.s32 $0xFFFFD800  }
0xeb: {  	[bflag:$0x0] =	sbarrier.arrive $0xFFFF  }
0xec: {  	[spmem:s2] =	stream.indirect.scatter.add.f32 [tilespmem:s6], [sflag:$0x1], $0x80, s31, s7, $0xb8;
	[tilespmem:$0x19400] =	vst v63  }
0xed: {  	_ = 	snop  }
0xee: {  	[spmem:s2] =	stream.indirect.scatter.add.f32 [tilespmem:s6], [sflag:$0x2], $0x80, s7, s7, $0xb8;
	[tilespmem:$0x19400] =	vst v63  }
0xef: {  	s0 =	rddreg [dreg:$0x7]  }
0xf0: {  	[spmem:s2] =	stream.indirect.scatter.add.f32 [tilespmem:s6], [sflag:$0x3], $0x80, s0, s7, $0xb8;
	[tilespmem:$0x19400] =	vst v63  }
0xf1: {  	s13 =	rddreg [dreg:$0x8]  }
0xf2: {  	[spmem:s2] =	stream.indirect.scatter.add.f32 [tilespmem:s6], [sflag:$0x4], $0x80, s13, s7, $0xb8;
	[tilespmem:$0x19400] =	vst v63  }
0xf3: {  	_ =	swait.ge [sflag:s8], $0x4000  }
0xf4: {  	[sflag:s8] =	ssyncset.done $0x0  }
0xf5: {  	s0 =	rddreg [dreg:$0x9];
	[sflag:s8] =	ssyncadd.s32 $0xFFFFC000  }
0xf6: {  	[spmem:s2] =	stream.indirect.scatter.add.f32 [tilespmem:s6], [sflag:$0x1], $0x80, s0, s7, $0xb8;
	[tilespmem:$0x19400] =	vst v63  }
0xf7: {  	_ =	swait.ge [sflag:s9], $0x4000  }
0xf8: {  	[sflag:s9] =	ssyncset.done $0x0  }
0xf9: {  	s0 =	rddreg [dreg:$0xa];
	[sflag:s9] =	ssyncadd.s32 $0xFFFFC000  }
0xfa: {  	[spmem:s2] =	stream.indirect.scatter.add.f32 [tilespmem:s6], [sflag:$0x2], $0x80, s0, s7, $0xb8;
	[tilespmem:$0x19400] =	vst v63  }
0xfb: {  	_ =	swait.ge [sflag:s10], $0x4000  }
0xfc: {  	[sflag:s10] =	ssyncset.done $0x0  }
0xfd: {  	s0 =	rddreg [dreg:$0xb];
	[sflag:s10] =	ssyncadd.s32 $0xFFFFC000  }
0xfe: {  	[spmem:s2] =	stream.indirect.scatter.add.f32 [tilespmem:s6], [sflag:$0x3], $0x80, s0, s7, $0xb8;
	[tilespmem:$0x19400] =	vst v63  }
0xff: {  	_ =	swait.ge [sflag:s11], $0x4000  }
0x100: {  	[sflag:s11] =	ssyncset.done $0x0  }
0x101: {  	s0 =	rddreg [dreg:$0xc];
	[sflag:s11] =	ssyncadd.s32 $0xFFFFC000  }
0x102: {  	[spmem:s2] =	stream.indirect.scatter.add.f32 [tilespmem:s6], [sflag:$0x4], $0x80, s0, s7, $0xb8;
	[tilespmem:$0x19400] =	vst v63  }
0x103: {  	_ =	swait.ge [sflag:s8], $0x4000  }
0x104: {  	[sflag:s8] =	ssyncset.done $0x0  }
0x105: {  	s0 =	rddreg [dreg:$0xd];
	[sflag:s8] =	ssyncadd.s32 $0xFFFFC000  }
0x106: {  	[spmem:s2] =	stream.indirect.scatter.add.f32 [tilespmem:s6], [sflag:$0x1], $0x80, s0, s7, $0xb8;
	[tilespmem:$0x19400] =	vst v63  }
0x107: {  	_ =	swait.ge [sflag:s9], $0x4000  }
0x108: {  	[sflag:s9] =	ssyncset.done $0x0  }
0x109: {  	s0 =	rddreg [dreg:$0xe];
	[sflag:s9] =	ssyncadd.s32 $0xFFFFC000  }
0x10a: {  	[spmem:s2] =	stream.indirect.scatter.add.f32 [tilespmem:s6], [sflag:$0x2], $0x80, s0, s7, $0xb8;
	[tilespmem:$0x19400] =	vst v63  }
0x10b: {  	_ =	swait.ge [sflag:s10], $0x4000  }
0x10c: {  	[sflag:s10] =	ssyncset.done $0x0  }
0x10d: {  	s0 =	rddreg [dreg:$0xf];
	[sflag:s10] =	ssyncadd.s32 $0xFFFFC000  }
0x10e: {  	[spmem:s2] =	stream.indirect.scatter.add.f32 [tilespmem:s6], [sflag:$0x3], $0x80, s0, s7, $0xb8;
	[tilespmem:$0x19400] =	vst v63  }
0x10f: {  	_ =	swait.ge [sflag:s11], $0x4000  }
0x110: {  	[sflag:s11] =	ssyncset.done $0x0  }
0x111: {  	s0 =	rddreg [dreg:$0x10];
	[sflag:s11] =	ssyncadd.s32 $0xFFFFC000  }
0x112: {  	[spmem:s2] =	stream.indirect.scatter.add.f32 [tilespmem:s6], [sflag:$0x4], $0x80, s0, s7, $0xb8;
	[tilespmem:$0x19400] =	vst v63  }
0x113: {  	_ =	swait.ge [sflag:s8], $0x4000  }
0x114: {  	[sflag:s8] =	ssyncset.done $0x0  }
0x115: {  	s0 =	rddreg [dreg:$0x11];
	[sflag:s8] =	ssyncadd.s32 $0xFFFFC000  }
0x116: {  	[spmem:s2] =	stream.indirect.scatter.add.f32 [tilespmem:s6], [sflag:$0x1], $0x80, s0, s7, $0xb8;
	[tilespmem:$0x19400] =	vst v63  }
0x117: {  	_ =	swait.ge [sflag:s9], $0x4000  }
0x118: {  	[sflag:s9] =	ssyncset.done $0x0  }
0x119: {  	s0 =	rddreg [dreg:$0x12];
	[sflag:s9] =	ssyncadd.s32 $0xFFFFC000  }
0x11a: {  	[spmem:s2] =	stream.indirect.scatter.add.f32 [tilespmem:s6], [sflag:$0x2], $0x80, s0, s7, $0xb8;
	[tilespmem:$0x19400] =	vst v63  }
0x11b: {  	_ =	swait.ge [sflag:s10], $0x4000  }
0x11c: {  	[sflag:s10] =	ssyncset.done $0x0  }
0x11d: {  	s0 =	rddreg [dreg:$0x13];
	[sflag:s10] =	ssyncadd.s32 $0xFFFFC000  }
0x11e: {  	[spmem:s2] =	stream.indirect.scatter.add.f32 [tilespmem:s6], [sflag:$0x3], $0x80, s0, s7, $0xb8;
	[tilespmem:$0x19400] =	vst v63  }
0x11f: {  	_ =	swait.ge [sflag:s11], $0x4000  }
0x120: {  	[sflag:s11] =	ssyncset.done $0x0  }
0x121: {  	s0 =	rddreg [dreg:$0x14];
	[sflag:s11] =	ssyncadd.s32 $0xFFFFC000  }
0x122: {  	[spmem:s2] =	stream.indirect.scatter.add.f32 [tilespmem:s6], [sflag:$0x4], $0x80, s0, s7, $0xb8;
	[tilespmem:$0x19400] =	vst v63  }
0x123: {  	_ =	swait.ge [sflag:s8], $0x4000  }
0x124: {  	[sflag:s8] =	ssyncset.done $0x0  }
0x125: {  	s0 =	rddreg [dreg:$0x15];
	[sflag:s8] =	ssyncadd.s32 $0xFFFFC000  }
0x126: {  	[spmem:s2] =	stream.indirect.scatter.add.f32 [tilespmem:s6], [sflag:$0x1], $0x80, s0, s7, $0xb8;
	[tilespmem:$0x19400] =	vst v63  }
0x127: {  	_ =	swait.ge [sflag:s9], $0x4000  }
0x128: {  	[sflag:s9] =	ssyncset.done $0x0  }
0x129: {  	s0 =	rddreg [dreg:$0x16];
	[sflag:s9] =	ssyncadd.s32 $0xFFFFC000  }
0x12a: {  	[spmem:s2] =	stream.indirect.scatter.add.f32 [tilespmem:s6], [sflag:$0x2], $0x80, s0, s7, $0xb8;
	[tilespmem:$0x19400] =	vst v63  }
0x12b: {  	_ =	swait.ge [sflag:s10], $0x4000  }
0x12c: {  	[sflag:s10] =	ssyncset.done $0x0  }
0x12d: {  	s0 =	rddreg [dreg:$0x17];
	[sflag:s10] =	ssyncadd.s32 $0xFFFFC000  }
0x12e: {  	[spmem:s2] =	stream.indirect.scatter.add.f32 [tilespmem:s6], [sflag:$0x3], $0x80, s0, s7, $0xb8;
	[tilespmem:$0x19400] =	vst v63  }
0x12f: {  	_ =	swait.ge [sflag:s11], $0x4000  }
0x130: {  	[sflag:s11] =	ssyncset.done $0x0  }
0x131: {  	s0 =	rddreg [dreg:$0x18];
	[sflag:s11] =	ssyncadd.s32 $0xFFFFC000  }
0x132: {  	[spmem:s2] =	stream.indirect.scatter.add.f32 [tilespmem:s6], [sflag:$0x4], $0x80, s0, s7, $0xb8;
	[tilespmem:$0x19400] =	vst v63  }
0x133: {  	_ =	swait.ge [sflag:s8], $0x4000  }
0x134: {  	[sflag:s8] =	ssyncset.done $0x0  }
0x135: {  	s0 =	rddreg [dreg:$0x19];
	[sflag:s8] =	ssyncadd.s32 $0xFFFFC000  }
0x136: {  	[spmem:s2] =	stream.indirect.scatter.add.f32 [tilespmem:s6], [sflag:$0x1], $0x80, s0, s7, $0xb8;
	[tilespmem:$0x19400] =	vst v63  }
0x137: {  	_ =	swait.ge [sflag:s9], $0x4000  }
0x138: {  	[sflag:s9] =	ssyncset.done $0x0  }
0x139: {  	s0 =	rddreg [dreg:$0x1a];
	[sflag:s9] =	ssyncadd.s32 $0xFFFFC000  }
0x13a: {  	[spmem:s2] =	stream.indirect.scatter.add.f32 [tilespmem:s6], [sflag:$0x2], $0x80, s0, s7, $0xb8;
	[tilespmem:$0x19400] =	vst v63  }
0x13b: {  	_ =	swait.ge [sflag:s10], $0x4000  }
0x13c: {  	[sflag:s10] =	ssyncset.done $0x0  }
0x13d: {  	s0 =	rddreg [dreg:$0x1b];
	[sflag:s10] =	ssyncadd.s32 $0xFFFFC000  }
0x13e: {  	[spmem:s2] =	stream.indirect.scatter.add.f32 [tilespmem:s6], [sflag:$0x3], $0x80, s0, s7, $0xb8;
	[tilespmem:$0x19400] =	vst v63  }
0x13f: {  	_ =	swait.ge [sflag:s11], $0x4000  }
0x140: {  	[sflag:s11] =	ssyncset.done $0x0  }
0x141: {  	[sflag:s11] =	ssyncadd.s32 $0xFFFFC000  }
0x142: {  	[spmem:s2] =	stream.indirect.scatter.add.f32 [tilespmem:s6], [sflag:$0x4], $0x80, s30, s7, $0xb8;
	[tilespmem:$0x19400] =	vst v63  }
0x143: {  	_ =	swait.ge [sflag:s8], $0x4000  }
0x144: {  	[sflag:s8] =	ssyncset.done $0x0  }
0x145: {  	[sflag:s8] =	ssyncadd.s32 $0xFFFFC000  }
0x146: {  	[spmem:s2] =	stream.indirect.scatter.add.f32 [tilespmem:s6], [sflag:$0x1], $0x80, s29, s7, $0xb8;
	[tilespmem:$0x19400] =	vst v63  }
0x147: {  	_ =	swait.ge [sflag:s9], $0x4000  }
0x148: {  	[sflag:s9] =	ssyncset.done $0x0  }
0x149: {  	[sflag:s9] =	ssyncadd.s32 $0xFFFFC000  }
0x14a: {  	[spmem:s2] =	stream.indirect.scatter.add.f32 [tilespmem:s6], [sflag:$0x2], $0x80, s28, s7, $0xb8;
	[tilespmem:$0x19400] =	vst v63  }
0x14b: {  	_ =	swait.ge [sflag:s10], $0x4000  }
0x14c: {  	[sflag:s10] =	ssyncset.done $0x0  }
0x14d: {  	[sflag:s10] =	ssyncadd.s32 $0xFFFFC000  }
0x14e: {  	[spmem:s2] =	stream.indirect.scatter.add.f32 [tilespmem:s6], [sflag:$0x3], $0x80, s26, s7, $0xb8;
	[tilespmem:$0x19400] =	vst v63  }
0x14f: {  	_ =	swait.ge [sflag:s11], $0x4000  }
0x150: {  	[sflag:s11] =	ssyncset.done $0x0  }
0x151: {  	[sflag:s11] =	ssyncadd.s32 $0xFFFFC000  }
0x152: {  	[spmem:s2] =	stream.indirect.scatter.add.f32 [tilespmem:s6], [sflag:$0x4], $0x80, s25, s7, $0xb8;
	[tilespmem:$0x19400] =	vst v63  }
0x153: {  	_ =	swait.ge [sflag:s8], $0x4000  }
0x154: {  	[sflag:s8] =	ssyncset.done $0x0  }
0x155: {  	[sflag:s8] =	ssyncadd.s32 $0xFFFFC000  }
0x156: {  	[spmem:s2] =	stream.indirect.scatter.add.f32 [tilespmem:s6], [sflag:$0x1], $0x80, s24, s7, $0xb8;
	[tilespmem:$0x19400] =	vst v63  }
0x157: {  	_ =	swait.ge [sflag:s9], $0x4000  }
0x158: {  	[sflag:s9] =	ssyncset.done $0x0  }
0x159: {  	[sflag:s9] =	ssyncadd.s32 $0xFFFFC000  }
0x15a: {  	[spmem:s2] =	stream.indirect.scatter.add.f32 [tilespmem:s6], [sflag:$0x2], $0x80, s23, s7, $0xb8;
	[tilespmem:$0x19400] =	vst v63  }
0x15b: {  	_ =	swait.ge [sflag:s10], $0x4000  }
0x15c: {  	[sflag:s10] =	ssyncset.done $0x0  }
0x15d: {  	[sflag:s10] =	ssyncadd.s32 $0xFFFFC000  }
0x15e: {  	[spmem:s2] =	stream.indirect.scatter.add.f32 [tilespmem:s6], [sflag:$0x3], $0x80, s22, s7, $0xb8;
	[tilespmem:$0x19400] =	vst v63  }
0x15f: {  	_ =	swait.ge [sflag:s11], $0x4000  }
0x160: {  	[sflag:s11] =	ssyncset.done $0x0  }
0x161: {  	[sflag:s11] =	ssyncadd.s32 $0xFFFFC000  }
0x162: {  	[spmem:s2] =	stream.indirect.scatter.add.f32 [tilespmem:s6], [sflag:$0x4], $0x80, s21, s7, $0xb8;
	[tilespmem:$0x19400] =	vst v63  }
0x163: {  	_ =	swait.ge [sflag:s8], $0x4000  }
0x164: {  	[sflag:s8] =	ssyncset.done $0x0  }
0x165: {  	[sflag:s8] =	ssyncadd.s32 $0xFFFFC000  }
0x166: {  	[spmem:s2] =	stream.indirect.scatter.add.f32 [tilespmem:s6], [sflag:$0x1], $0x80, s20, s7, $0xb8;
	[tilespmem:$0x19400] =	vst v63  }
0x167: {  	_ =	swait.ge [sflag:s9], $0x4000  }
0x168: {  	[sflag:s9] =	ssyncset.done $0x0  }
0x169: {  	[sflag:s9] =	ssyncadd.s32 $0xFFFFC000  }
0x16a: {  	[spmem:s2] =	stream.indirect.scatter.add.f32 [tilespmem:s6], [sflag:$0x2], $0x80, s18, s7, $0xb8;
	[tilespmem:$0x19400] =	vst v63  }
0x16b: {  	_ =	swait.ge [sflag:s10], $0x4000  }
0x16c: {  	[sflag:s10] =	ssyncset.done $0x0  }
0x16d: {  	[sflag:s10] =	ssyncadd.s32 $0xFFFFC000  }
0x16e: {  	[spmem:s2] =	stream.indirect.scatter.add.f32 [tilespmem:s6], [sflag:$0x3], $0x80, s19, s7, $0xb8;
	[tilespmem:$0x19400] =	vst v63  }
0x16f: {  	_ =	swait.ge [sflag:s11], $0x4000  }
0x170: {  	[sflag:s11] =	ssyncset.done $0x0  }
0x171: {  	[sflag:s11] =	ssyncadd.s32 $0xFFFFC000  }
0x172: {  	[spmem:s2] =	stream.indirect.scatter.add.f32 [tilespmem:s6], [sflag:$0x4], $0x80, s17, s7, $0xb8;
	[tilespmem:$0x19400] =	vst v63  }
0x173: {  	_ =	swait.ge [sflag:s8], $0x4000  }
0x174: {  	[sflag:s8] =	ssyncset.done $0x0  }
0x175: {  	[sflag:s8] =	ssyncadd.s32 $0xFFFFC000  }
0x176: {  	[spmem:s2] =	stream.indirect.scatter.add.f32 [tilespmem:s6], [sflag:$0x1], $0x80, s16, s7, $0xb8;
	[tilespmem:$0x19400] =	vst v63  }
0x177: {  	_ =	swait.ge [sflag:s9], $0x4000  }
0x178: {  	[sflag:s9] =	ssyncset.done $0x0  }
0x179: {  	[sflag:s9] =	ssyncadd.s32 $0xFFFFC000  }
0x17a: {  	[spmem:s2] =	stream.indirect.scatter.add.f32 [tilespmem:s6], [sflag:$0x2], $0x80, s15, s7, $0xb8;
	[tilespmem:$0x19400] =	vst v63  }
0x17b: {  	_ =	swait.ge [sflag:s10], $0x4000  }
0x17c: {  	[sflag:s10] =	ssyncset.done $0x0  }
0x17d: {  	[sflag:s10] =	ssyncadd.s32 $0xFFFFC000  }
0x17e: {  	[spmem:s2] =	stream.indirect.scatter.add.f32 [tilespmem:s6], [sflag:$0x3], $0x80, s14, s7, $0xb8;
	[tilespmem:$0x19400] =	vst v63  }
0x17f: {  	_ =	swait.ge [sflag:s11], $0x4000  }
0x180: {  	[sflag:s11] =	ssyncset.done $0x0  }
0x181: {  	s13 =	simm.s32 $0x1380;
	[sflag:s11] =	ssyncadd.s32 $0xFFFFC000  }
0x182: {  	[spmem:s2] =	stream.indirect.scatter.add.f32 [tilespmem:s6], [sflag:$0x4], $0x80, s13, s7, $0xb8;
	[tilespmem:$0x19400] =	vst v63  }
0x183: {  	_ =	swait.ge [sflag:s8], $0x4000  }
0x184: {  	[sflag:s8] =	ssyncset.done $0x0  }
0x185: {  	[sflag:s8] =	ssyncadd.s32 $0xFFFFC000  }
0x186: {  	_ =	swait.ge [sflag:s9], $0x4000  }
0x187: {  	[sflag:s9] =	ssyncset.done $0x0  }
0x188: {  	[sflag:s9] =	ssyncadd.s32 $0xFFFFC000  }
0x189: {  	_ =	swait.ge [sflag:s10], $0x4000  }
0x18a: {  	[sflag:s10] =	ssyncset.done $0x0  }
0x18b: {  	[sflag:s10] =	ssyncadd.s32 $0xFFFFC000  }
0x18c: {  	_ =	swait.ge [sflag:s11], $0x4000  }
0x18d: {  	p1 =	sne.s32 s1, $0x1;
	[sflag:s11] =	ssyncset.done $0x0  }
.Ltmp2:
0x18e: {  	[sflag:s11] =	ssyncadd.s32 $0xFFFFC000;
	(pc) =	sbr.rel @p1 .LBB2_2-.Ltmp2, $4  }
0x18f: {  	[bflag:$0x0] =	sbarrier.arrive $0xFFFF  }
0x190: {  	[hbm:s12], [sflag:s4] =	dma.local [spmem:s5], $0x2800  }
0x191: {  	_ =	swait.ge [sflag:s3], $0x2800  }
0x192: {  	s1 =	sadd.s32 $0xFFFFFFFF, s1;
	s0 =	rddreg [dreg:$0x5];
	[sflag:s3] =	ssyncset.done $0x0  }
.LBB2_3:
0x193: {  	[sflag:s3] =	ssyncadd.s32 @p0 $0xFFFFD800  }
0x194: {  	[tilespmem:s31], [sflag:$0x5] =	stream.linear.gather [hbm4b:s0+s31], $0x1400, $0x38;
	[tilespmem:$0x19400] =	vst v63  }
0x195: {  	_ =	swait.ge [sflag:s3], $0x1400  }
0x196: {  	[sflag:s3] =	ssyncset.done $0x0  }
0x197: {  	s1 =	rddreg [dreg:$0x4];
	[sflag:s3] =	ssyncadd.s32 $0xFFFFEC00  }
0x198: {  	[tilespmem:s6], [sflag:$0x5] =	stream.linear.gather [hbm4b:s1+s31], $0x4000, $0x38;
	[tilespmem:$0x19400] =	vst v63  }
0x199: {  	_ =	swait.ge [sflag:s3], $0x4000  }
0x19a: {  	[sflag:s3] =	ssyncset.done $0x0  }
0x19b: {  	s1 =	rddreg [dreg:$0x6];
	[sflag:s3] =	ssyncadd.s32 $0xFFFFC000  }
0x19c: {  	[spmem:s5], [sflag:s4] =	dma.local [hbm:s1], $0x2800  }
0x19d: {  	_ =	swait.ge [sflag:s3], $0x2800  }
0x19e: {  	[sflag:s3] =	ssyncset.done $0x0  }
0x19f: {  	[sflag:s3] =	ssyncadd.s32 $0xFFFFD800  }
0x1a0: {  	[bflag:$0x0] =	sbarrier.arrive $0xFFFF  }
0x1a1: {  	[spmem:s2] =	stream.indirect.scatter.add.f32 [tilespmem:s6], [sflag:$0x1], $0x80, s31, s7, $0xb8;
	[tilespmem:$0x19400] =	vst v63  }
0x1a2: {  	_ = 	snop  }
0x1a3: {  	[spmem:s2] =	stream.indirect.scatter.add.f32 [tilespmem:s6], [sflag:$0x2], $0x80, s7, s7, $0xb8;
	[tilespmem:$0x19400] =	vst v63  }
0x1a4: {  	s31 =	rddreg [dreg:$0x7]  }
0x1a5: {  	[spmem:s2] =	stream.indirect.scatter.add.f32 [tilespmem:s6], [sflag:$0x3], $0x80, s31, s7, $0xb8;
	[tilespmem:$0x19400] =	vst v63  }
0x1a6: {  	s1 =	rddreg [dreg:$0x8]  }
0x1a7: {  	[spmem:s2] =	stream.indirect.scatter.add.f32 [tilespmem:s6], [sflag:$0x4], $0x80, s1, s7, $0xb8;
	[tilespmem:$0x19400] =	vst v63  }
0x1a8: {  	_ =	swait.ge [sflag:s8], $0x4000  }
0x1a9: {  	[sflag:s8] =	ssyncset.done $0x0  }
0x1aa: {  	s1 =	rddreg [dreg:$0x9];
	[sflag:s8] =	ssyncadd.s32 $0xFFFFC000  }
0x1ab: {  	[spmem:s2] =	stream.indirect.scatter.add.f32 [tilespmem:s6], [sflag:$0x1], $0x80, s1, s7, $0xb8;
	[tilespmem:$0x19400] =	vst v63  }
0x1ac: {  	_ =	swait.ge [sflag:s9], $0x4000  }
0x1ad: {  	[sflag:s9] =	ssyncset.done $0x0  }
0x1ae: {  	s31 =	rddreg [dreg:$0xa];
	[sflag:s9] =	ssyncadd.s32 $0xFFFFC000  }
0x1af: {  	[spmem:s2] =	stream.indirect.scatter.add.f32 [tilespmem:s6], [sflag:$0x2], $0x80, s31, s7, $0xb8;
	[tilespmem:$0x19400] =	vst v63  }
0x1b0: {  	_ =	swait.ge [sflag:s10], $0x4000  }
0x1b1: {  	[sflag:s10] =	ssyncset.done $0x0  }
0x1b2: {  	s1 =	rddreg [dreg:$0xb];
	[sflag:s10] =	ssyncadd.s32 $0xFFFFC000  }
0x1b3: {  	[spmem:s2] =	stream.indirect.scatter.add.f32 [tilespmem:s6], [sflag:$0x3], $0x80, s1, s7, $0xb8;
	[tilespmem:$0x19400] =	vst v63  }
0x1b4: {  	_ =	swait.ge [sflag:s11], $0x4000  }
0x1b5: {  	[sflag:s11] =	ssyncset.done $0x0  }
0x1b6: {  	s31 =	rddreg [dreg:$0xc];
	[sflag:s11] =	ssyncadd.s32 $0xFFFFC000  }
0x1b7: {  	[spmem:s2] =	stream.indirect.scatter.add.f32 [tilespmem:s6], [sflag:$0x4], $0x80, s31, s7, $0xb8;
	[tilespmem:$0x19400] =	vst v63  }
0x1b8: {  	_ =	swait.ge [sflag:s8], $0x4000  }
0x1b9: {  	[sflag:s8] =	ssyncset.done $0x0  }
0x1ba: {  	s1 =	rddreg [dreg:$0xd];
	[sflag:s8] =	ssyncadd.s32 $0xFFFFC000  }
0x1bb: {  	[spmem:s2] =	stream.indirect.scatter.add.f32 [tilespmem:s6], [sflag:$0x1], $0x80, s1, s7, $0xb8;
	[tilespmem:$0x19400] =	vst v63  }
0x1bc: {  	_ =	swait.ge [sflag:s9], $0x4000  }
0x1bd: {  	[sflag:s9] =	ssyncset.done $0x0  }
0x1be: {  	s31 =	rddreg [dreg:$0xe];
	[sflag:s9] =	ssyncadd.s32 $0xFFFFC000  }
0x1bf: {  	[spmem:s2] =	stream.indirect.scatter.add.f32 [tilespmem:s6], [sflag:$0x2], $0x80, s31, s7, $0xb8;
	[tilespmem:$0x19400] =	vst v63  }
0x1c0: {  	_ =	swait.ge [sflag:s10], $0x4000  }
0x1c1: {  	[sflag:s10] =	ssyncset.done $0x0  }
0x1c2: {  	s1 =	rddreg [dreg:$0xf];
	[sflag:s10] =	ssyncadd.s32 $0xFFFFC000  }
0x1c3: {  	[spmem:s2] =	stream.indirect.scatter.add.f32 [tilespmem:s6], [sflag:$0x3], $0x80, s1, s7, $0xb8;
	[tilespmem:$0x19400] =	vst v63  }
0x1c4: {  	_ =	swait.ge [sflag:s11], $0x4000  }
0x1c5: {  	[sflag:s11] =	ssyncset.done $0x0  }
0x1c6: {  	s31 =	rddreg [dreg:$0x10];
	[sflag:s11] =	ssyncadd.s32 $0xFFFFC000  }
0x1c7: {  	[spmem:s2] =	stream.indirect.scatter.add.f32 [tilespmem:s6], [sflag:$0x4], $0x80, s31, s7, $0xb8;
	[tilespmem:$0x19400] =	vst v63  }
0x1c8: {  	_ =	swait.ge [sflag:s8], $0x4000  }
0x1c9: {  	[sflag:s8] =	ssyncset.done $0x0  }
0x1ca: {  	s1 =	rddreg [dreg:$0x11];
	[sflag:s8] =	ssyncadd.s32 $0xFFFFC000  }
0x1cb: {  	[spmem:s2] =	stream.indirect.scatter.add.f32 [tilespmem:s6], [sflag:$0x1], $0x80, s1, s7, $0xb8;
	[tilespmem:$0x19400] =	vst v63  }
0x1cc: {  	_ =	swait.ge [sflag:s9], $0x4000  }
0x1cd: {  	[sflag:s9] =	ssyncset.done $0x0  }
0x1ce: {  	s31 =	rddreg [dreg:$0x12];
	[sflag:s9] =	ssyncadd.s32 $0xFFFFC000  }
0x1cf: {  	[spmem:s2] =	stream.indirect.scatter.add.f32 [tilespmem:s6], [sflag:$0x2], $0x80, s31, s7, $0xb8;
	[tilespmem:$0x19400] =	vst v63  }
0x1d0: {  	_ =	swait.ge [sflag:s10], $0x4000  }
0x1d1: {  	[sflag:s10] =	ssyncset.done $0x0  }
0x1d2: {  	s1 =	rddreg [dreg:$0x13];
	[sflag:s10] =	ssyncadd.s32 $0xFFFFC000  }
0x1d3: {  	[spmem:s2] =	stream.indirect.scatter.add.f32 [tilespmem:s6], [sflag:$0x3], $0x80, s1, s7, $0xb8;
	[tilespmem:$0x19400] =	vst v63  }
0x1d4: {  	_ =	swait.ge [sflag:s11], $0x4000  }
0x1d5: {  	[sflag:s11] =	ssyncset.done $0x0  }
0x1d6: {  	s31 =	rddreg [dreg:$0x14];
	[sflag:s11] =	ssyncadd.s32 $0xFFFFC000  }
0x1d7: {  	[spmem:s2] =	stream.indirect.scatter.add.f32 [tilespmem:s6], [sflag:$0x4], $0x80, s31, s7, $0xb8;
	[tilespmem:$0x19400] =	vst v63  }
0x1d8: {  	_ =	swait.ge [sflag:s8], $0x4000  }
0x1d9: {  	[sflag:s8] =	ssyncset.done $0x0  }
0x1da: {  	s1 =	rddreg [dreg:$0x15];
	[sflag:s8] =	ssyncadd.s32 $0xFFFFC000  }
0x1db: {  	[spmem:s2] =	stream.indirect.scatter.add.f32 [tilespmem:s6], [sflag:$0x1], $0x80, s1, s7, $0xb8;
	[tilespmem:$0x19400] =	vst v63  }
0x1dc: {  	_ =	swait.ge [sflag:s9], $0x4000  }
0x1dd: {  	[sflag:s9] =	ssyncset.done $0x0  }
0x1de: {  	s31 =	rddreg [dreg:$0x16];
	[sflag:s9] =	ssyncadd.s32 $0xFFFFC000  }
0x1df: {  	[spmem:s2] =	stream.indirect.scatter.add.f32 [tilespmem:s6], [sflag:$0x2], $0x80, s31, s7, $0xb8;
	[tilespmem:$0x19400] =	vst v63  }
0x1e0: {  	_ =	swait.ge [sflag:s10], $0x4000  }
0x1e1: {  	[sflag:s10] =	ssyncset.done $0x0  }
0x1e2: {  	s1 =	rddreg [dreg:$0x17];
	[sflag:s10] =	ssyncadd.s32 $0xFFFFC000  }
0x1e3: {  	[spmem:s2] =	stream.indirect.scatter.add.f32 [tilespmem:s6], [sflag:$0x3], $0x80, s1, s7, $0xb8;
	[tilespmem:$0x19400] =	vst v63  }
0x1e4: {  	_ =	swait.ge [sflag:s11], $0x4000  }
0x1e5: {  	[sflag:s11] =	ssyncset.done $0x0  }
0x1e6: {  	s31 =	rddreg [dreg:$0x18];
	[sflag:s11] =	ssyncadd.s32 $0xFFFFC000  }
0x1e7: {  	[spmem:s2] =	stream.indirect.scatter.add.f32 [tilespmem:s6], [sflag:$0x4], $0x80, s31, s7, $0xb8;
	[tilespmem:$0x19400] =	vst v63  }
0x1e8: {  	_ =	swait.ge [sflag:s8], $0x4000  }
0x1e9: {  	[sflag:s8] =	ssyncset.done $0x0  }
0x1ea: {  	s1 =	rddreg [dreg:$0x19];
	[sflag:s8] =	ssyncadd.s32 $0xFFFFC000  }
0x1eb: {  	[spmem:s2] =	stream.indirect.scatter.add.f32 [tilespmem:s6], [sflag:$0x1], $0x80, s1, s7, $0xb8;
	[tilespmem:$0x19400] =	vst v63  }
0x1ec: {  	_ =	swait.ge [sflag:s9], $0x4000  }
0x1ed: {  	[sflag:s9] =	ssyncset.done $0x0  }
0x1ee: {  	s31 =	rddreg [dreg:$0x1a];
	[sflag:s9] =	ssyncadd.s32 $0xFFFFC000  }
0x1ef: {  	[spmem:s2] =	stream.indirect.scatter.add.f32 [tilespmem:s6], [sflag:$0x2], $0x80, s31, s7, $0xb8;
	[tilespmem:$0x19400] =	vst v63  }
0x1f0: {  	_ =	swait.ge [sflag:s10], $0x4000  }
0x1f1: {  	[sflag:s10] =	ssyncset.done $0x0  }
0x1f2: {  	s1 =	rddreg [dreg:$0x1b];
	[sflag:s10] =	ssyncadd.s32 $0xFFFFC000  }
0x1f3: {  	[spmem:s2] =	stream.indirect.scatter.add.f32 [tilespmem:s6], [sflag:$0x3], $0x80, s1, s7, $0xb8;
	[tilespmem:$0x19400] =	vst v63  }
0x1f4: {  	_ =	swait.ge [sflag:s11], $0x4000  }
0x1f5: {  	[sflag:s11] =	ssyncset.done $0x0  }
0x1f6: {  	[sflag:s11] =	ssyncadd.s32 $0xFFFFC000  }
0x1f7: {  	[spmem:s2] =	stream.indirect.scatter.add.f32 [tilespmem:s6], [sflag:$0x4], $0x80, s30, s7, $0xb8;
	[tilespmem:$0x19400] =	vst v63  }
0x1f8: {  	_ =	swait.ge [sflag:s8], $0x4000  }
0x1f9: {  	[sflag:s8] =	ssyncset.done $0x0  }
0x1fa: {  	[sflag:s8] =	ssyncadd.s32 $0xFFFFC000  }
0x1fb: {  	[spmem:s2] =	stream.indirect.scatter.add.f32 [tilespmem:s6], [sflag:$0x1], $0x80, s29, s7, $0xb8;
	[tilespmem:$0x19400] =	vst v63  }
0x1fc: {  	_ =	swait.ge [sflag:s9], $0x4000  }
0x1fd: {  	[sflag:s9] =	ssyncset.done $0x0  }
0x1fe: {  	[sflag:s9] =	ssyncadd.s32 $0xFFFFC000  }
0x1ff: {  	[spmem:s2] =	stream.indirect.scatter.add.f32 [tilespmem:s6], [sflag:$0x2], $0x80, s28, s7, $0xb8;
	[tilespmem:$0x19400] =	vst v63  }
0x200: {  	_ =	swait.ge [sflag:s10], $0x4000  }
0x201: {  	[sflag:s10] =	ssyncset.done $0x0  }
0x202: {  	[sflag:s10] =	ssyncadd.s32 $0xFFFFC000  }
0x203: {  	[spmem:s2] =	stream.indirect.scatter.add.f32 [tilespmem:s6], [sflag:$0x3], $0x80, s26, s7, $0xb8;
	[tilespmem:$0x19400] =	vst v63  }
0x204: {  	_ =	swait.ge [sflag:s11], $0x4000  }
0x205: {  	[sflag:s11] =	ssyncset.done $0x0  }
0x206: {  	[sflag:s11] =	ssyncadd.s32 $0xFFFFC000  }
0x207: {  	[spmem:s2] =	stream.indirect.scatter.add.f32 [tilespmem:s6], [sflag:$0x4], $0x80, s25, s7, $0xb8;
	[tilespmem:$0x19400] =	vst v63  }
0x208: {  	_ =	swait.ge [sflag:s8], $0x4000  }
0x209: {  	[sflag:s8] =	ssyncset.done $0x0  }
0x20a: {  	[sflag:s8] =	ssyncadd.s32 $0xFFFFC000  }
0x20b: {  	[spmem:s2] =	stream.indirect.scatter.add.f32 [tilespmem:s6], [sflag:$0x1], $0x80, s24, s7, $0xb8;
	[tilespmem:$0x19400] =	vst v63  }
0x20c: {  	_ =	swait.ge [sflag:s9], $0x4000  }
0x20d: {  	[sflag:s9] =	ssyncset.done $0x0  }
0x20e: {  	[sflag:s9] =	ssyncadd.s32 $0xFFFFC000  }
0x20f: {  	[spmem:s2] =	stream.indirect.scatter.add.f32 [tilespmem:s6], [sflag:$0x2], $0x80, s23, s7, $0xb8;
	[tilespmem:$0x19400] =	vst v63  }
0x210: {  	_ =	swait.ge [sflag:s10], $0x4000  }
0x211: {  	[sflag:s10] =	ssyncset.done $0x0  }
0x212: {  	[sflag:s10] =	ssyncadd.s32 $0xFFFFC000  }
0x213: {  	[spmem:s2] =	stream.indirect.scatter.add.f32 [tilespmem:s6], [sflag:$0x3], $0x80, s22, s7, $0xb8;
	[tilespmem:$0x19400] =	vst v63  }
0x214: {  	_ =	swait.ge [sflag:s11], $0x4000  }
0x215: {  	[sflag:s11] =	ssyncset.done $0x0  }
0x216: {  	[sflag:s11] =	ssyncadd.s32 $0xFFFFC000  }
0x217: {  	[spmem:s2] =	stream.indirect.scatter.add.f32 [tilespmem:s6], [sflag:$0x4], $0x80, s21, s7, $0xb8;
	[tilespmem:$0x19400] =	vst v63  }
0x218: {  	_ =	swait.ge [sflag:s8], $0x4000  }
0x219: {  	[sflag:s8] =	ssyncset.done $0x0  }
0x21a: {  	[sflag:s8] =	ssyncadd.s32 $0xFFFFC000  }
0x21b: {  	[spmem:s2] =	stream.indirect.scatter.add.f32 [tilespmem:s6], [sflag:$0x1], $0x80, s20, s7, $0xb8;
	[tilespmem:$0x19400] =	vst v63  }
0x21c: {  	_ =	swait.ge [sflag:s9], $0x4000  }
0x21d: {  	[sflag:s9] =	ssyncset.done $0x0  }
0x21e: {  	[sflag:s9] =	ssyncadd.s32 $0xFFFFC000  }
0x21f: {  	[spmem:s2] =	stream.indirect.scatter.add.f32 [tilespmem:s6], [sflag:$0x2], $0x80, s18, s7, $0xb8;
	[tilespmem:$0x19400] =	vst v63  }
0x220: {  	_ =	swait.ge [sflag:s10], $0x4000  }
0x221: {  	[sflag:s10] =	ssyncset.done $0x0  }
0x222: {  	[sflag:s10] =	ssyncadd.s32 $0xFFFFC000  }
0x223: {  	[spmem:s2] =	stream.indirect.scatter.add.f32 [tilespmem:s6], [sflag:$0x3], $0x80, s19, s7, $0xb8;
	[tilespmem:$0x19400] =	vst v63  }
0x224: {  	_ =	swait.ge [sflag:s11], $0x4000  }
0x225: {  	[sflag:s11] =	ssyncset.done $0x0  }
0x226: {  	[sflag:s11] =	ssyncadd.s32 $0xFFFFC000  }
0x227: {  	[spmem:s2] =	stream.indirect.scatter.add.f32 [tilespmem:s6], [sflag:$0x4], $0x80, s17, s7, $0xb8;
	[tilespmem:$0x19400] =	vst v63  }
0x228: {  	_ =	swait.ge [sflag:s8], $0x4000  }
0x229: {  	[sflag:s8] =	ssyncset.done $0x0  }
0x22a: {  	[sflag:s8] =	ssyncadd.s32 $0xFFFFC000  }
0x22b: {  	[spmem:s2] =	stream.indirect.scatter.add.f32 [tilespmem:s6], [sflag:$0x1], $0x80, s16, s7, $0xb8;
	[tilespmem:$0x19400] =	vst v63  }
0x22c: {  	_ =	swait.ge [sflag:s9], $0x4000  }
0x22d: {  	[sflag:s9] =	ssyncset.done $0x0  }
0x22e: {  	[sflag:s9] =	ssyncadd.s32 $0xFFFFC000  }
0x22f: {  	[spmem:s2] =	stream.indirect.scatter.add.f32 [tilespmem:s6], [sflag:$0x2], $0x80, s15, s7, $0xb8;
	[tilespmem:$0x19400] =	vst v63  }
0x230: {  	_ =	swait.ge [sflag:s10], $0x4000  }
0x231: {  	[sflag:s10] =	ssyncset.done $0x0  }
0x232: {  	[sflag:s10] =	ssyncadd.s32 $0xFFFFC000  }
0x233: {  	[spmem:s2] =	stream.indirect.scatter.add.f32 [tilespmem:s6], [sflag:$0x3], $0x80, s14, s7, $0xb8;
	[tilespmem:$0x19400] =	vst v63  }
0x234: {  	_ =	swait.ge [sflag:s11], $0x4000  }
0x235: {  	[sflag:s11] =	ssyncset.done $0x0  }
0x236: {  	[sflag:s11] =	ssyncadd.s32 $0xFFFFC000  }
0x237: {  	[spmem:s2] =	stream.indirect.scatter.add.f32 [tilespmem:s6], [sflag:$0x4], $0x80, s13, s7, $0xb8;
	[tilespmem:$0x19400] =	vst v63  }
0x238: {  	_ =	swait.ge [sflag:s8], $0x4000  }
0x239: {  	[sflag:s8] =	ssyncset.done $0x0  }
0x23a: {  	[sflag:s8] =	ssyncadd.s32 $0xFFFFC000  }
0x23b: {  	_ =	swait.ge [sflag:s9], $0x4000  }
0x23c: {  	[sflag:s9] =	ssyncset.done $0x0  }
0x23d: {  	[sflag:s9] =	ssyncadd.s32 $0xFFFFC000  }
0x23e: {  	_ =	swait.ge [sflag:s10], $0x4000  }
0x23f: {  	[sflag:s10] =	ssyncset.done $0x0  }
0x240: {  	[sflag:s10] =	ssyncadd.s32 $0xFFFFC000  }
0x241: {  	_ =	swait.ge [sflag:s11], $0x4000  }
0x242: {  	[sflag:s11] =	ssyncset.done $0x0  }
0x243: {  	[sflag:s11] =	ssyncadd.s32 $0xFFFFC000  }
0x244: {  	[bflag:$0x0] =	sbarrier.arrive $0xFFFF  }
0x245: {  	[hbm:s12], [sflag:s4] =	dma.local [spmem:s5], $0x2800  }
0x246: {  	_ =	swait.ge [sflag:s3], $0x2800  }
0x247: {  	[sflag:s3] =	ssyncset.done $0x0  }
0x248: {  	[sflag:s3] =	ssyncadd.s32 $0xFFFFD800  }
0x249: {  	_ =	sfence.sel $0x180000  }
0x24a: {  	[bflag:$0x0] =	sbarrier.arrive $0xFFFF  }
0x24b: {  	_ =	strace $0x90000047  }
0x24c: {  	s31 =	stileid.u32;
	[bflag:$0x2] =	sbarrier.arrive $0xFFFF  }
0x24d: {  	p0 =	sne.s32 s31, $0x0;
	s0 =	rddreg [dreg:$0x3]  }
0x24e: {  	s0 =	sadd.s32 @!p0 $0x100000, s0  }
0x24f: {  	[sflag:s0] =	ssyncadd.tile.s32 @!p0 $0x1;
	_ =	shalt  }
.Lfunc_end2:
_tile_overlayer_lowered:
.L_overlay_start_2:
0x250: {  	(tag) =	ssettag $0x2  }
0x251: {  	s0 =	rddreg [dreg:$0x0];
	s2 =	stileid.u32  }
0x252: {  	s1 =	rddreg [dreg:$0x1];
	p0 =	sne.s32 s2, $0x0  }
0x253: {  	s3 =	rddreg [dreg:$0x2];
	[bflag:$0x3] =	sbarrier.arrive $0xFFFF;
	s2 =	simm.s32 @!p0 $0x1C05  }
0x254: {  	[timem:s3], [sflag:s2] =	dma.local @!p0 [hbm:s0], s1  }
0x255: {  	s0 =	simm.s32 @!p0 $0x5  }
0x256: {  	_ =	swait.ge @!p0 [sflag:s0], s1  }
0x257: {  	s1 =	ssub.s32 @!p0 $0x0, s1;
	[sflag:s0] =	ssyncset.done @!p0 $0x0  }
0x258: {  	[sflag:s0] =	ssyncadd.s32 @!p0 s1  }
0x259: {  	[bflag:$0x3] =	sbarrier.arrive $0xFFFF  }
0x25a: {  	_ =	shalt  }

// kernel: kernel.19.cloned.1.call-start
scs
__scs_entry_jumppad:
0x0: {  	(pc) =	sbr.rel $0x88, $3  }
0x1: {  	(tag) =	ssettag $0x0;
	lr =	simm.s32 $0x1  }
0x2: {  	[smem:$0x3F96] =	sst lr;
	_ =	strace $0xD0000000  }
0x3: {  	_ = 	snop  }
0x4: {  	_ = 	snop  }
0x5: {  	_ = 	snop  }
0x6: {  	_ = 	snop  }
0x7: {  	_ = 	snop  }
__scs_overlays_trampoline_lowered:
0x8: {  	[smem:$0x3FA5] =	sst s0  }
0x9: {  	[smem:$0x3FA6] =	sst s1  }
0xa: {  	[smem:$0x3FA7] =	sst s2  }
0xb: {  	[smem:$0x3FA8] =	sst s3  }
0xc: {  	[smem:$0x3FA9] =	sst s4  }
0xd: {  	[smem:$0x3FAA] =	sst s5  }
0xe: {  	[smem:$0x3FAB] =	sst s6  }
0xf: {  	[smem:$0x3FAC] =	sst s7  }
0x10: {  	[smem:$0x3FAD] =	sst s8  }
0x11: {  	[smem:$0x3FAE] =	sst s9;
	s0 =	simm.s32 @!p0 $0x0  }
0x12: {  	s1 =	sld [smem:$0x3F94];
	s0 =	simm.s32 @p0 $0x1  }
0x13: {  	[smem:$0x3FAF] =	sst s0;
	s0 =	simm.s32 @!p1 $0x0  }
0x14: {  	s2 =	sld [smem:$0x3F93];
	s0 =	simm.s32 @p1 $0x1  }
0x15: {  	[smem:$0x3FB0] =	sst s0;
	s0 =	simm.s32 @!p2 $0x0  }
0x16: {  	s3 =	sld [smem:$0x3FDB];
	s0 =	simm.s32 @p2 $0x1  }
0x17: {  	s4 =	simm.s32 $0x1BF5;
	[smem:$0x3FB2] =	sst s0  }
0x18: {  	s0 =	sld [smem:$0x3F95];
	_ =	swait.ge [sflag:s4], $0x0  }
0x19: {  	s7 =	sld [smem:$0x3F96]  }
0x1a: {  	s8 =	sadd.s32 $0xFFFFE003, lr  }
0x1b: {  	s9 =	sadd.s32 $0xFFFFFEF7, lr;
	s5 =	simm.s32 $0xFFFFFFFF;
	p2 =	slt.u32 s8, $0xFFFFF086  }
0x1c: {  	p1 =	slt.u32 s9, $0xF7A;
	s5 =	simm.s32 @!p2 $0x0  }
0x1d: {  	s5 =	simm.s32 @p1 $0x1;
	p0 =	seq.s32 s7, s2  }
0x1e: {  	s7 =	smul.u32 @!p0 $0xF7A, s2;
	p2 =	seq.s32 @!p0 s5, $0x0  }
0x1f: {  	s9 =	smul.u32 $0xF7A, s1;
	s8 =	simm.s32 @!p0 $0x1BF5;
	p2 =	por !p2, p0  }
0x20: {  	[sflag:s8] =	ssyncset.s32 @!p0 $0xFFFFF086;
	s6 =	sadd.s32 @!p0 s3, s7;
	s7 =	simm.s32 @!p0 $0x108  }
0x21: {  	s3 =	sadd.s32 s3, s9;
	s6 =	sadd.s32 @!p0 $0x88, s6;
	s7 =	simm.s32 @p2 $0x1082  }
0x22: {  	[simem:s7], [sflag:s8] =	dma.local @!p0 [hbm:s6], $0xF7A  }
0x23: {  	s9 =	sor.u32 $0xD0000000, s2;
	s6 =	simm.s32 $0x108;
	_ =	swait.ge @!p0 [sflag:s8], $0x0  }
0x24: {  	s3 =	sadd.s32 $0x88, s3;
	s6 =	simm.s32 @!p1 $0x1082;
	[sflag:s4] =	ssyncset.s32 $0xFFFFF086  }
0x25: {  	[simem:s6], [sflag:s4] =	dma.local [hbm:s3], $0xF7A  }
0x26: {  	[smem:$0x3F96] =	sst s1;
	(tag) =	ssettag s2;
	_ =	strace s9  }
0x27: {  	s1 =	sld [smem:$0x3FA6]  }
0x28: {  	s2 =	sld [smem:$0x3FA7]  }
0x29: {  	s4 =	sld [smem:$0x3FA9]  }
0x2a: {  	p0 =	seq.s32 s5, $0x0;
	s5 =	sld [smem:$0x3FAA]  }
0x2b: {  	s6 =	sld [smem:$0x3FAB]  }
0x2c: {  	s7 =	sld [smem:$0x3FAC]  }
0x2d: {  	s3 =	simm.s32 $0x108;
	s8 =	sld [smem:$0x3FAD]  }
0x2e: {  	s3 =	simm.s32 @!p0 $0x1082;
	s9 =	sld [smem:$0x3FAE]  }
0x2f: {  	lr =	sadd.s32 s0, s3;
	s0 =	sld [smem:$0x3FA5]  }
0x30: {  	s3 =	sld [smem:$0x3FA8]  }
0x31: {  	[smem:$0x3FB1] =	sst s10  }
0x32: {  	s10 =	sld [smem:$0x3FAF];
	_ =	sdelay $0x3  }
0x33: {  	p0 =	seq.s32 s10, $0x1;
	s10 =	sld [smem:$0x3FB1];
	_ =	sdelay $0x3  }
0x34: {  	[smem:$0x3FB1] =	sst s10  }
0x35: {  	s10 =	sld [smem:$0x3FB0];
	_ =	sdelay $0x3  }
0x36: {  	p1 =	seq.s32 s10, $0x1;
	s10 =	sld [smem:$0x3FB1];
	_ =	sdelay $0x3  }
0x37: {  	[smem:$0x3FB1] =	sst s10  }
0x38: {  	s10 =	sld [smem:$0x3FB2]  }
0x39: {  	_ = 	snop;
	(pc) =	sbr.ind lr, $3  }
0x3a: {  	_ = 	snop  }
0x3b: {  	_ = 	snop  }
0x3c: {  	p2 =	seq.s32 s10, $0x1;
	s10 =	sld [smem:$0x3FB1]  }
0x3d: {  	_ =	shalt  }
0x3e: {  	_ =	shalt  }
0x3f: {  	_ =	shalt  }
0x40: {  	_ =	shalt  }
0x41: {  	_ =	shalt  }
0x42: {  	_ =	shalt  }
0x43: {  	_ =	shalt  }
0x44: {  	_ =	shalt  }
0x45: {  	_ =	shalt  }
0x46: {  	_ =	shalt  }
0x47: {  	_ =	shalt  }
0x48: {  	_ =	shalt  }
0x49: {  	_ =	shalt  }
0x4a: {  	_ =	shalt  }
0x4b: {  	_ =	shalt  }
0x4c: {  	_ =	shalt  }
0x4d: {  	_ =	shalt  }
0x4e: {  	_ =	shalt  }
0x4f: {  	_ =	shalt  }
0x50: {  	_ =	shalt  }
0x51: {  	_ =	shalt  }
0x52: {  	_ =	shalt  }
0x53: {  	_ =	shalt  }
0x54: {  	_ =	shalt  }
0x55: {  	_ =	shalt  }
0x56: {  	_ =	shalt  }
0x57: {  	_ =	shalt  }
0x58: {  	_ =	shalt  }
0x59: {  	_ =	shalt  }
0x5a: {  	_ =	shalt  }
0x5b: {  	_ =	shalt  }
0x5c: {  	_ =	shalt  }
0x5d: {  	_ =	shalt  }
0x5e: {  	_ =	shalt  }
0x5f: {  	_ =	shalt  }
0x60: {  	_ =	shalt  }
0x61: {  	_ =	shalt  }
0x62: {  	_ =	shalt  }
0x63: {  	_ =	shalt  }
0x64: {  	_ =	shalt  }
0x65: {  	_ =	shalt  }
0x66: {  	_ =	shalt  }
0x67: {  	_ =	shalt  }
0x68: {  	_ =	shalt  }
0x69: {  	_ =	shalt  }
0x6a: {  	_ =	shalt  }
0x6b: {  	_ =	shalt  }
0x6c: {  	_ =	shalt  }
0x6d: {  	_ =	shalt  }
0x6e: {  	_ =	shalt  }
0x6f: {  	_ =	shalt  }
0x70: {  	_ =	shalt  }
0x71: {  	_ =	shalt  }
0x72: {  	_ =	shalt  }
0x73: {  	_ =	shalt  }
0x74: {  	_ =	shalt  }
0x75: {  	_ =	shalt  }
0x76: {  	_ =	shalt  }
0x77: {  	_ =	shalt  }
0x78: {  	_ =	shalt  }
0x79: {  	_ =	shalt  }
0x7a: {  	_ =	shalt  }
0x7b: {  	_ =	shalt  }
0x7c: {  	_ =	shalt  }
0x7d: {  	_ =	shalt  }
0x7e: {  	_ =	shalt  }
0x7f: {  	_ =	shalt  }
0x80: {  	_ =	shalt  }
0x81: {  	_ =	shalt  }
0x82: {  	_ =	shalt  }
0x83: {  	_ =	shalt  }
0x84: {  	_ =	shalt  }
0x85: {  	_ =	shalt  }
0x86: {  	_ =	shalt  }
0x87: {  	_ =	shalt  }
.Lfunc_end0:
.L_simem_size_0:
called_computation.1_lowered:
.L_overlay_start_0:
0x88: {  	s2 =	sld [smem:$0x3FD9]  }
0x89: {  	s3 =	sld [smem:$0x3FFE];
	_ =	sdelay $0x1  }
0x8a: {  	s1 =	srdreg.scid  }
0x8b: {  	s0 =	sand.u32 $0x1, s1  }
0x8c: {  	s17 =	sshll.u32 s0, $0xA;
	s2 =	sadd.s32 s3, s2  }
0x8d: {  	s2 =	sadd.s32 s2, s17  }
0x8e: {  	[smem:$0x3FBD] =	sst s2  }
0x8f: {  	_ = 	snop  }
0x90: {  	s18 =	sld [smem:$0x3FD0];
	(tm) =	ssettm $0x1  }
0x91: {  	s19 =	sld [smem:$0x3FFB];
	_ =	sdelay $0x3  }
0x92: {  	_ =	strace s19  }
0x93: {  	s2 =	sld [smem:$0x3FFC];
	_ =	sdelay $0x3  }
0x94: {  	_ =	strace s2  }
0x95: {  	s2 =	sld [smem:$0x3FFD];
	_ =	sdelay $0x3  }
0x96: {  	_ =	strace s2  }
0x97: {  	_ =	strace $0x8FFFFFFF  }
0x98: {  	s20 =	sld [smem:$0x3FDB];
	_ =	sdelay $0x1  }
0x99: {  	s4 =	simm.s32 $_scs_section_size  }
0x9a: {  	s5 =	simm.s32 $_size__tile_overlayer_lowered;
	s6 =	simm.s32 $_tile_overlayer_lowered  }
0x9b: {  	s7 =	simm.s32 $0x1BFF;
	s21 =	sshll.u32 s6, $0x1;
	s4 =	sadd.s32 s4, s20  }
0x9c: {  	s22 =	simm.s32 $0x0;
	s5 =	sshll.u32 s5, $0x1;
	s6 =	sadd.s32 s21, s4  }
0x9d: {  	[timem:s22], [sflag:s7] =	dma.local [hbm:s6], s5  }
0x9e: {  	_ =	swait.ge [sflag:s7], s5  }
0x9f: {  	s5 =	ssub.s32 $0x0, s5;
	[sflag:s7] =	ssyncset.done $0x0  }
0xa0: {  	[sflag:s7] =	ssyncadd.s32 s5;
	_ =	sdelay $0x1  }
0xa1: {  	s23 =	simm.s32 $0x1B8B  }
0xa2: {  	_ =	swait.ge [sflag:s23], $0x1  }
0xa3: {  	[sflag:s23] =	ssyncset.done $0x0  }
0xa4: {  	[sflag:s23] =	ssyncadd.s32 $0xFFFFFFFF  }
0xa5: {  	s5 =	sld [smem:$0x0]  }
0xa6: {  	s6 =	sand.u32 $0xFFFFFFFE, s1  }
0xa7: {  	p0 =	sne.s32 s1, s6  }
0xa8: {  	s6 =	sshll.u32 @p0 s6, $0xE  }
0xa9: {  	s6 =	sadd.s32 @p0 $0x11B8D, s6;
	s7 =	sshll.u32 @p0 s5, $0x11  }
0xaa: {  	s6 =	sor.u32 @p0 s7, s6  }
0xab: {  	[sflag:s6] =	ssyncadd.remote.s32 @p0 $0x1;
	_ =	sdelay $0x1  }
0xac: {  	s6 =	simm.s32 @p0 $0x1B8D  }
0xad: {  	_ =	swait.eq @p0 [sflag:s6], $0x1  }
0xae: {  	[sflag:s6] =	ssyncadd.s32 @p0 $0xFFFFFFFF  }
0xaf: {  	s7 =	sshll.u32 @!p0 s1, $0xE  }
0xb0: {  	s7 =	sor.u32 @!p0 $0x4000, s7;
	s6 =	simm.s32 @!p0 $0x1B8D  }
0xb1: {  	s5 =	sshll.u32 @!p0 s5, $0x11;
	s7 =	sadd.s32 @!p0 $0x11B8D, s7;
	_ =	swait.eq @!p0 [sflag:s6], $0x1  }
0xb2: {  	s5 =	sor.u32 @!p0 s5, s7;
	[sflag:s6] =	ssyncadd.s32 @!p0 $0xFFFFFFFF  }
0xb3: {  	s25 =	simm.s32 $0x1B8E;
	s24 =	sld [smem:$0x3FFE];
	[sflag:s5] =	ssyncadd.remote.s32 @!p0 $0x1  }
0xb4: {  	s26 =	simm.s32 $execute0_lowered;
	[smem:$0x3FD2] =	sst s25  }
0xb5: {  	s6 =	sshll.u32 s26, $0x1;
	_ =	strace $0x8000004C;
	[dreg:$0x1] =	wrdreg $0xFFFFFFFF  }
0xb6: {  	s28 =	simm.s32 $_size_execute0_lowered;
	s4 =	sadd.s32 s4, s6;
	[dreg:$0x0] =	wrdreg $0x0  }
0xb7: {  	s6 =	sshll.u32 s28, $0x1;
	[dreg:$0x2] =	wrdreg s4  }
0xb8: {  	[dreg:$0x3] =	wrdreg s6  }
0xb9: {  	[dreg:$0x4] =	wrdreg $0xC0  }
0xba: {  	_ =	task [dreg:s22], $0x5FFFF  }
0xbb: {  	[dreg:$0x1] =	wrdreg $0xFFFFFFFF  }
0xbc: {  	[dreg:$0x0] =	wrdreg $0x60  }
0xbd: {  	[dreg:$0x2] =	wrdreg s18  }
0xbe: {  	[dreg:$0x3] =	wrdreg s24  }
0xbf: {  	[dreg:$0x4] =	wrdreg $0xB9800  }
0xc0: {  	[dreg:$0x5] =	wrdreg $0x9  }
0xc1: {  	_ =	task.clear_ibuf [dreg:s22], $0x6FFFF;
	_ =	strace $0x9000004C  }
0xc2: {  	s29 =	simm.s32 $0x9;
	_ =	strace $0x8000004E  }
0xc3: {  	_ =	swait.ge [sflag:s29], $0x1  }
0xc4: {  	[sflag:s29] =	ssyncadd.s32 $0xFFFFFFFF  }
0xc5: {  	_ =	strace $0x9000004E  }
0xc6: {  	_ =	sfence  }
0xc7: {  	s30 =	sld [smem:$0x0];
	_ =	sdelay $0x2  }
0xc8: {  	s31 =	sshll.u32 s1, $0xD;
	s1 =	sshrl.u32 s1, $0x2  }
0xc9: {  	s4 =	sand.u32 $0x4000, s31;
	s1 =	sadd.s32 s1, s30  }
0xca: {  	s0 =	sor.u32 s4, s0;
	s1 =	sshll.u32 s1, $0x11  }
0xcb: {  	s0 =	sor.u32 s1, s0  }
0xcc: {  	s0 =	sadd.s32 $0x8F2B, s0  }
0xcd: {  	[sflag:s0] =	ssyncadd.remote.s32 $0x1  }
0xce: {  	_ =	sfence.sel $0xFFFF  }
0xcf: {  	[dreg:$0x0] =	wrdreg $0xFFFFFFFF;
	(pc) =	sbr.abs _section_cstart, $3  }
0xd0: {  	[dreg:$0x1] =	wrdreg $0xFFFFFFFF  }
0xd1: {  	_ =	task.clear_ibuf [dreg:s22], $0x2FFFF;
	_ =	strace $0x9FFFFFFF  }
0xd2: {  	(tm) =	ssettm $0x7FFFFFFF  }
0xd3: {  	_ =	shalt  }
tec
execute0_lowered:
.L_overlay_start_1:
0x0: {  	(tag) =	ssettag $0x1  }
0x1: {  	s0 =	rddreg [dreg:$0x0]  }
0x2: {  	s2 =	rddreg [dreg:$0x1]  }
0x3: {  	s1 =	rddreg [dreg:$0x2];
	s3 =	simm.s32 $0x0  }
0x4: {  	s13 =	stileid.u32;
	s4 =	srdreg.scid;
	s11 =	simm.s32 $0x50  }
0x5: {  	s12 =	simm.s32 $0x4180;
	s14 =	simm.s32 $0x4080;
	s16 =	simm.s32 $0x6980  }
0x6: {  	s18 =	simm.s32 $0x4100;
	s20 =	simm.s32 $0x9180;
	s28 =	simm.s32 $0x2  }
0x7: {  	s29 =	simm.s32 $0x6;
	s30 =	simm.s32 $0x3;
	s31 =	simm.s32 $0x7  }
0x8: {  	s15 =	simm.s32 $0x0;
	[smem:$0x7FF] =	sst s3;
	s7 =	smul.u32 $0x2800, s13  }
0x9: {  	s5 =	sshll.u32 s13, $0xB;
	s4 =	sand.u32 $0x1, s4;
	s10 =	smul.u32 $0x50000, s13  }
0xa: {  	s26 =	sshll.u32 s13, $0x6;
	_ =	strace $0x8000004D;
	s5 =	sadd.s32 s5, s2  }
0xb: {  	s6 =	smul.u32 $0x28000, s4;
	s4 =	ssub.s32 $0x2, s4;
	s21 =	sor.u32 $0x1C0A, s26  }
0xc: {  	s26 =	simm.s32 $0x5;
	s8 =	sadd.s32 s7, s2;
	s9 =	sshrl.u32 s4, $0x1  }
0xd: {  	s23 =	sadd.s32 $0x130000, s5;
	s5 =	sadd.s32 $0x138000, s5;
	s24 =	sshrl.u32 s10, $0x2  }
0xe: {  	s10 =	simm.s32 $0x4000;
	s2 =	sadd.s32 s6, s2;
	s4 =	ssub.s32 s4, s9  }
0xf: {  	[dreg:$0x4] =	wrdreg s23;
	s6 =	sadd.s32 s0, s6;
	s0 =	sadd.s32 s24, s1  }
0x10: {  	s8 =	sadd.s32 $0xF800, s8;
	s9 =	simm.s32 $0xA;
	s25 =	sadd.s32 $0x10, s5  }
0x11: {  	s17 =	sadd.s32 $0x20, s5;
	s23 =	simm.s32 $0x4;
	[dreg:$0x5] =	wrdreg s8  }
0x12: {  	s2 =	sadd.s32 $0xD7800, s2;
	s4 =	smax.u32 s4, $0x1;
	[dreg:$0x7] =	wrdreg s25  }
0x13: {  	s22 =	sshrl.u32 s0, $0x3;
	s25 =	simm.s32 $0x1;
	s0 =	simm.s32 $0x8  }
0x14: {  	[dreg:$0x6] =	wrdreg s4;
	s24 =	sadd.s32 s7, s2;
	s2 =	simm.s32 $0x9  }
.LBB2_1:
0x15: {  	s4 =	rddreg [dreg:$0x4]  }
0x16: {  	[tilespmem:s3], [sflag:$0xA] =	stream.linear.gather [hbm4b:s4+s3], $0x3F00, $0x38;
	[tilespmem:$0x1F980] =	vst v63  }
0x17: {  	_ =	swait.ge [sflag:s9], $0x3F00  }
0x18: {  	[sflag:s9] =	ssyncset.done $0x0  }
0x19: {  	[sflag:s9] =	ssyncadd.s32 $0xFFFFC100  }
0x1a: {  	[tilespmem:s10], [sflag:$0x4] =	stream.linear.gather [hbm4b:s5+s3], $0x80, $0x38;
	[tilespmem:$0x1F980] =	vst v63  }
0x1b: {  	_ = 	snop  }
0x1c: {  	[tilespmem:s12], [sflag:$0x1] =	stream.indirect.gather [hbm4b:s6+s11], $0x80, s3, s11, $0xb8;
	[tilespmem:$0x1F980] =	vst v63  }
0x1d: {  	s8 =	rddreg [dreg:$0x7]  }
0x1e: {  	[tilespmem:s14], [sflag:$0x5] =	stream.linear.gather [hbm4b:s8+s3], $0x80, $0x38;
	[tilespmem:$0x1F980] =	vst v63  }
0x1f: {  	s13 =	simm.s32 $0x80  }
0x20: {  	[tilespmem:s16], [sflag:$0x2] =	stream.indirect.gather [hbm4b:s6+s11], $0x80, s13, s11, $0xb8;
	[tilespmem:$0x1F980] =	vst v63  }
0x21: {  	_ = 	snop  }
0x22: {  	[tilespmem:s18], [sflag:$0x6] =	stream.linear.gather [hbm4b:s17+s3], $0x80, $0x38;
	[tilespmem:$0x1F980] =	vst v63  }
0x23: {  	s19 =	simm.s32 $0x100;
	s7 =	rddreg [dreg:$0x5]  }
0x24: {  	[tilespmem:s20], [sflag:$0x3] =	stream.indirect.gather [hbm4b:s6+s11], $0x80, s19, s11, $0xb8;
	[tilespmem:$0x1F980] =	vst v63  }
0x25: {  	[spmem:s22], [sflag:s21] =	dma.local [hbm:s7], $0x2800  }
0x26: {  	_ =	swait.ge [sflag:s9], $0x2800  }
0x27: {  	[sflag:s9] =	ssyncset.done $0x0  }
0x28: {  	[sflag:s9] =	ssyncadd.s32 $0xFFFFD800  }
0x29: {  	[bflag:$0x0] =	sbarrier.arrive $0xFFFF  }
0x2a: {  	_ =	swait.ge [sflag:s23], $0x80  }
0x2b: {  	[sflag:s23] =	ssyncset.done $0x0  }
0x2c: {  	[sflag:s23] =	ssyncadd.s32 $0xFFFFFF80  }
0x2d: {  	_ =	swait.ge [sflag:s25], $0x2800  }
0x2e: {  	[sflag:s25] =	ssyncset.done $0x0  }
0x2f: {  	[sflag:s25] =	ssyncadd.s32 $0xFFFFD800  }
0x30: {  	[spmem:s1] =	stream.indirect.scatter.add.f32 [tilespmem:s12], [sflag:$0x7], $0x80, s10, s11, $0xb8;
	[tilespmem:$0x1F980] =	vst v63  }
0x31: {  	_ =	swait.ge [sflag:s26], $0x80  }
0x32: {  	[sflag:s26] =	ssyncset.done $0x0  }
0x33: {  	[sflag:s26] =	ssyncadd.s32 $0xFFFFFF80  }
0x34: {  	_ =	swait.ge [sflag:s28], $0x2800  }
0x35: {  	[sflag:s28] =	ssyncset.done $0x0  }
0x36: {  	[sflag:s28] =	ssyncadd.s32 $0xFFFFD800  }
0x37: {  	[spmem:s1] =	stream.indirect.scatter.add.f32 [tilespmem:s16], [sflag:$0x8], $0x80, s14, s11, $0xb8;
	[tilespmem:$0x1F980] =	vst v63  }
0x38: {  	_ =	swait.ge [sflag:s29], $0x80  }
0x39: {  	[sflag:s29] =	ssyncset.done $0x0  }
0x3a: {  	[sflag:s29] =	ssyncadd.s32 $0xFFFFFF80  }
0x3b: {  	_ =	swait.ge [sflag:s30], $0x2800  }
0x3c: {  	[sflag:s30] =	ssyncset.done $0x0  }
0x3d: {  	[sflag:s30] =	ssyncadd.s32 $0xFFFFD800  }
0x3e: {  	[spmem:s1] =	stream.indirect.scatter.add.f32 [tilespmem:s20], [sflag:$0x9], $0x80, s18, s11, $0xb8;
	[tilespmem:$0x1F980] =	vst v63  }
0x3f: {  	_ =	swait.ge [sflag:s31], $0x2800  }
0x40: {  	s4 =	sadd.s32 $0x0, s5;
	[sflag:s31] =	ssyncset.done $0x0  }
0x41: {  	s7 =	sadd.s32 $0x30, s4;
	[sflag:s31] =	ssyncadd.s32 $0xFFFFD800  }
0x42: {  	[tilespmem:s10], [sflag:$0x4] =	stream.linear.gather [hbm4b:s7+s3], $0x80, $0x38;
	[tilespmem:$0x1F980] =	vst v63  }
0x43: {  	s8 =	simm.s32 $0x180  }
0x44: {  	[tilespmem:s12], [sflag:$0x1] =	stream.indirect.gather [hbm4b:s6+s11], $0x80, s8, s11, $0xb8;
	[tilespmem:$0x1F980] =	vst v63  }
0x45: {  	_ =	swait.ge [sflag:s0], $0x2800  }
0x46: {  	[sflag:s0] =	ssyncset.done $0x0  }
0x47: {  	s13 =	sadd.s32 $0x40, s4;
	[sflag:s0] =	ssyncadd.s32 $0xFFFFD800  }
0x48: {  	[tilespmem:s14], [sflag:$0x5] =	stream.linear.gather [hbm4b:s13+s3], $0x80, $0x38;
	[tilespmem:$0x1F980] =	vst v63  }
0x49: {  	s19 =	simm.s32 $0x200  }
0x4a: {  	[tilespmem:s16], [sflag:$0x2] =	stream.indirect.gather [hbm4b:s6+s11], $0x80, s19, s11, $0xb8;
	[tilespmem:$0x1F980] =	vst v63  }
0x4b: {  	_ =	swait.ge [sflag:s2], $0x2800  }
0x4c: {  	[sflag:s2] =	ssyncset.done $0x0  }
0x4d: {  	s4 =	sadd.s32 $0x50, s4;
	[sflag:s2] =	ssyncadd.s32 $0xFFFFD800  }
0x4e: {  	[tilespmem:s18], [sflag:$0x6] =	stream.linear.gather [hbm4b:s4+s3], $0x80, $0x38;
	[tilespmem:$0x1F980] =	vst v63  }
0x4f: {  	s7 =	simm.s32 $0x400;
	s19 =	simm.s32 $0x280;
	s4 =	simm.s32 $0x30  }
.LBB2_2:
0x50: {  	[tilespmem:s20], [sflag:$0x3] =	stream.indirect.gather [hbm4b:s6+s11], $0x80, s19, s11, $0xb8;
	[tilespmem:$0x1F980] =	vst v63  }
0x51: {  	s8 =	smov.u32 s4;
	s19 =	smov.u32 s7  }
0x52: {  	p0 =	sne.s32 s4, $0x780;
	s4 =	sadd.s32 $0x30, s4;
	_ =	swait.ge [sflag:s23], $0x80  }
0x53: {  	[sflag:s23] =	ssyncset.done $0x0  }
0x54: {  	[sflag:s23] =	ssyncadd.s32 $0xFFFFFF80  }
0x55: {  	_ =	swait.ge [sflag:s25], $0x2800  }
0x56: {  	[sflag:s25] =	ssyncset.done $0x0  }
0x57: {  	[sflag:s25] =	ssyncadd.s32 $0xFFFFD800  }
0x58: {  	[spmem:s1] =	stream.indirect.scatter.add.f32 [tilespmem:s12], [sflag:$0x7], $0x80, s10, s11, $0xb8;
	[tilespmem:$0x1F980] =	vst v63  }
0x59: {  	_ =	swait.ge [sflag:s26], $0x80  }
0x5a: {  	[sflag:s26] =	ssyncset.done $0x0  }
0x5b: {  	[sflag:s26] =	ssyncadd.s32 $0xFFFFFF80  }
0x5c: {  	_ =	swait.ge [sflag:s28], $0x2800  }
0x5d: {  	[sflag:s28] =	ssyncset.done $0x0  }
0x5e: {  	[sflag:s28] =	ssyncadd.s32 $0xFFFFD800  }
0x5f: {  	[spmem:s1] =	stream.indirect.scatter.add.f32 [tilespmem:s16], [sflag:$0x8], $0x80, s14, s11, $0xb8;
	[tilespmem:$0x1F980] =	vst v63  }
0x60: {  	_ =	swait.ge [sflag:s29], $0x80  }
0x61: {  	[sflag:s29] =	ssyncset.done $0x0  }
0x62: {  	[sflag:s29] =	ssyncadd.s32 $0xFFFFFF80  }
0x63: {  	_ =	swait.ge [sflag:s30], $0x2800  }
0x64: {  	[sflag:s30] =	ssyncset.done $0x0  }
0x65: {  	[sflag:s30] =	ssyncadd.s32 $0xFFFFD800  }
0x66: {  	[spmem:s1] =	stream.indirect.scatter.add.f32 [tilespmem:s20], [sflag:$0x9], $0x80, s18, s11, $0xb8;
	[tilespmem:$0x1F980] =	vst v63  }
0x67: {  	_ =	swait.ge [sflag:s31], $0x2800  }
0x68: {  	s8 =	sadd.s32 s8, s5;
	[sflag:s31] =	ssyncset.done $0x0  }
0x69: {  	s13 =	sadd.s32 $0x30, s8;
	[sflag:s31] =	ssyncadd.s32 $0xFFFFD800  }
0x6a: {  	[tilespmem:s10], [sflag:$0x4] =	stream.linear.gather [hbm4b:s13+s3], $0x80, $0x38;
	[tilespmem:$0x1F980] =	vst v63  }
0x6b: {  	s13 =	sadd.s32 $0xFFFFFF00, s7  }
0x6c: {  	[tilespmem:s12], [sflag:$0x1] =	stream.indirect.gather [hbm4b:s6+s11], $0x80, s13, s11, $0xb8;
	[tilespmem:$0x1F980] =	vst v63  }
0x6d: {  	_ =	swait.ge [sflag:s0], $0x2800  }
0x6e: {  	[sflag:s0] =	ssyncset.done $0x0  }
0x6f: {  	s13 =	sadd.s32 $0x40, s8;
	[sflag:s0] =	ssyncadd.s32 $0xFFFFD800  }
0x70: {  	[tilespmem:s14], [sflag:$0x5] =	stream.linear.gather [hbm4b:s13+s3], $0x80, $0x38;
	[tilespmem:$0x1F980] =	vst v63  }
0x71: {  	s13 =	sadd.s32 $0xFFFFFF80, s7  }
0x72: {  	[tilespmem:s16], [sflag:$0x2] =	stream.indirect.gather [hbm4b:s6+s11], $0x80, s13, s11, $0xb8;
	[tilespmem:$0x1F980] =	vst v63  }
.Ltmp0:
0x73: {  	_ =	swait.ge [sflag:s2], $0x2800;
	(pc) =	sbr.rel @p0 .LBB2_2-.Ltmp0, $4  }
0x74: {  	[sflag:s2] =	ssyncset.done $0x0  }
0x75: {  	s8 =	sadd.s32 $0x50, s8;
	[sflag:s2] =	ssyncadd.s32 $0xFFFFD800  }
0x76: {  	[tilespmem:s18], [sflag:$0x6] =	stream.linear.gather [hbm4b:s8+s3], $0x80, $0x38;
	[tilespmem:$0x1F980] =	vst v63  }
0x77: {  	s7 =	sadd.s32 $0x180, s7  }
0x78: {  	[tilespmem:s20], [sflag:$0x3] =	stream.indirect.gather [hbm4b:s6+s11], $0x80, s19, s11, $0xb8;
	[tilespmem:$0x1F980] =	vst v63  }
0x79: {  	_ =	swait.ge [sflag:s23], $0x80  }
0x7a: {  	[sflag:s23] =	ssyncset.done $0x0  }
0x7b: {  	[sflag:s23] =	ssyncadd.s32 $0xFFFFFF80  }
0x7c: {  	_ =	swait.ge [sflag:s25], $0x2800  }
0x7d: {  	[sflag:s25] =	ssyncset.done $0x0  }
0x7e: {  	[sflag:s25] =	ssyncadd.s32 $0xFFFFD800  }
0x7f: {  	[spmem:s1] =	stream.indirect.scatter.add.f32 [tilespmem:s12], [sflag:$0x7], $0x80, s10, s11, $0xb8;
	[tilespmem:$0x1F980] =	vst v63  }
0x80: {  	_ =	swait.ge [sflag:s26], $0x80  }
0x81: {  	[sflag:s26] =	ssyncset.done $0x0  }
0x82: {  	[sflag:s26] =	ssyncadd.s32 $0xFFFFFF80  }
0x83: {  	_ =	swait.ge [sflag:s28], $0x2800  }
0x84: {  	[sflag:s28] =	ssyncset.done $0x0  }
0x85: {  	[sflag:s28] =	ssyncadd.s32 $0xFFFFD800  }
0x86: {  	[spmem:s1] =	stream.indirect.scatter.add.f32 [tilespmem:s16], [sflag:$0x8], $0x80, s14, s11, $0xb8;
	[tilespmem:$0x1F980] =	vst v63  }
0x87: {  	_ =	swait.ge [sflag:s29], $0x80  }
0x88: {  	[sflag:s29] =	ssyncset.done $0x0  }
0x89: {  	[sflag:s29] =	ssyncadd.s32 $0xFFFFFF80  }
0x8a: {  	_ =	swait.ge [sflag:s30], $0x2800  }
0x8b: {  	[sflag:s30] =	ssyncset.done $0x0  }
0x8c: {  	[sflag:s30] =	ssyncadd.s32 $0xFFFFD800  }
0x8d: {  	[spmem:s1] =	stream.indirect.scatter.add.f32 [tilespmem:s20], [sflag:$0x9], $0x80, s18, s11, $0xb8;
	[tilespmem:$0x1F980] =	vst v63  }
0x8e: {  	_ =	swait.ge [sflag:s31], $0x2800  }
0x8f: {  	[sflag:s31] =	ssyncset.done $0x0  }
0x90: {  	[sflag:s31] =	ssyncadd.s32 $0xFFFFD800  }
0x91: {  	_ =	swait.ge [sflag:s0], $0x2800  }
0x92: {  	[sflag:s0] =	ssyncset.done $0x0  }
0x93: {  	[sflag:s0] =	ssyncadd.s32 $0xFFFFD800  }
0x94: {  	_ =	swait.ge [sflag:s2], $0x2800  }
0x95: {  	[sflag:s2] =	ssyncset.done $0x0  }
0x96: {  	[sflag:s2] =	ssyncadd.s32 $0xFFFFD800  }
0x97: {  	[bflag:$0x0] =	sbarrier.arrive $0xFFFF  }
0x98: {  	[hbm:s24], [sflag:s21] =	dma.local [spmem:s22], $0x2800  }
0x99: {  	_ =	swait.ge [sflag:s9], $0x2800  }
0x9a: {  	s15 =	sadd.s32 $0x1, s15;
	s4 =	rddreg [dreg:$0x6]  }
0x9b: {  	p0 =	sne.s32 s15, s4  }
.Ltmp1:
0x9c: {  	_ = 	snop;
	(pc) =	sbr.rel @p0 .LBB2_1-.Ltmp1, $3  }
0x9d: {  	_ =	sdelay $0x1  }
0x9e: {  	[sflag:s9] =	ssyncset.done $0x0  }
0x9f: {  	[sflag:s9] =	ssyncadd.s32 $0xFFFFD800  }
0xa0: {  	_ =	sfence.sel $0x180000  }
0xa1: {  	[bflag:$0x0] =	sbarrier.arrive $0xFFFF  }
0xa2: {  	_ =	strace $0x9000004D  }
0xa3: {  	s0 =	stileid.u32;
	[bflag:$0x2] =	sbarrier.arrive $0xFFFF  }
0xa4: {  	p0 =	sne.s32 s0, $0x0;
	s0 =	rddreg [dreg:$0x3]  }
0xa5: {  	s0 =	sadd.s32 @!p0 $0x100000, s0  }
0xa6: {  	[sflag:s0] =	ssyncadd.tile.s32 @!p0 $0x1;
	_ =	shalt  }
.Lfunc_end2:
_tile_overlayer_lowered:
.L_overlay_start_2:
0xa7: {  	(tag) =	ssettag $0x2  }
0xa8: {  	s0 =	rddreg [dreg:$0x0];
	s2 =	stileid.u32  }
0xa9: {  	s1 =	rddreg [dreg:$0x1];
	p0 =	sne.s32 s2, $0x0  }
0xaa: {  	s3 =	rddreg [dreg:$0x2];
	[bflag:$0x3] =	sbarrier.arrive $0xFFFF;
	s2 =	simm.s32 @!p0 $0x1C0A  }
0xab: {  	[timem:s3], [sflag:s2] =	dma.local @!p0 [hbm:s0], s1  }
0xac: {  	s0 =	simm.s32 @!p0 $0xA  }
0xad: {  	_ =	swait.ge @!p0 [sflag:s0], s1  }
0xae: {  	s1 =	ssub.s32 @!p0 $0x0, s1;
	[sflag:s0] =	ssyncset.done @!p0 $0x0  }
0xaf: {  	[sflag:s0] =	ssyncadd.s32 @!p0 s1  }
0xb0: {  	[bflag:$0x3] =	sbarrier.arrive $0xFFFF  }
0xb1: {  	_ =	shalt  }

// kernel: kernel.22.cloned.1.call-start
scs
__scs_entry_jumppad:
0x0: {  	(pc) =	sbr.rel $0x88, $3  }
0x1: {  	(tag) =	ssettag $0x0;
	lr =	simm.s32 $0x1  }
0x2: {  	[smem:$0x3F96] =	sst lr;
	_ =	strace $0xD0000000  }
0x3: {  	_ = 	snop  }
0x4: {  	_ = 	snop  }
0x5: {  	_ = 	snop  }
0x6: {  	_ = 	snop  }
0x7: {  	_ = 	snop  }
__scs_overlays_trampoline_lowered:
0x8: {  	[smem:$0x3FA5] =	sst s0  }
0x9: {  	[smem:$0x3FA6] =	sst s1  }
0xa: {  	[smem:$0x3FA7] =	sst s2  }
0xb: {  	[smem:$0x3FA8] =	sst s3  }
0xc: {  	[smem:$0x3FA9] =	sst s4  }
0xd: {  	[smem:$0x3FAA] =	sst s5  }
0xe: {  	[smem:$0x3FAB] =	sst s6  }
0xf: {  	[smem:$0x3FAC] =	sst s7  }
0x10: {  	[smem:$0x3FAD] =	sst s8  }
0x11: {  	[smem:$0x3FAE] =	sst s9;
	s0 =	simm.s32 @!p0 $0x0  }
0x12: {  	s1 =	sld [smem:$0x3F94];
	s0 =	simm.s32 @p0 $0x1  }
0x13: {  	[smem:$0x3FAF] =	sst s0;
	s0 =	simm.s32 @!p1 $0x0  }
0x14: {  	s2 =	sld [smem:$0x3F93];
	s0 =	simm.s32 @p1 $0x1  }
0x15: {  	[smem:$0x3FB0] =	sst s0;
	s0 =	simm.s32 @!p2 $0x0  }
0x16: {  	s3 =	sld [smem:$0x3FDB];
	s0 =	simm.s32 @p2 $0x1  }
0x17: {  	s4 =	simm.s32 $0x1BF5;
	[smem:$0x3FB2] =	sst s0  }
0x18: {  	s0 =	sld [smem:$0x3F95];
	_ =	swait.ge [sflag:s4], $0x0  }
0x19: {  	s7 =	sld [smem:$0x3F96]  }
0x1a: {  	s8 =	sadd.s32 $0xFFFFE003, lr  }
0x1b: {  	s9 =	sadd.s32 $0xFFFFFEF7, lr;
	s5 =	simm.s32 $0xFFFFFFFF;
	p2 =	slt.u32 s8, $0xFFFFF086  }
0x1c: {  	p1 =	slt.u32 s9, $0xF7A;
	s5 =	simm.s32 @!p2 $0x0  }
0x1d: {  	s5 =	simm.s32 @p1 $0x1;
	p0 =	seq.s32 s7, s2  }
0x1e: {  	s7 =	smul.u32 @!p0 $0xF7A, s2;
	p2 =	seq.s32 @!p0 s5, $0x0  }
0x1f: {  	s9 =	smul.u32 $0xF7A, s1;
	s8 =	simm.s32 @!p0 $0x1BF5;
	p2 =	por !p2, p0  }
0x20: {  	[sflag:s8] =	ssyncset.s32 @!p0 $0xFFFFF086;
	s6 =	sadd.s32 @!p0 s3, s7;
	s7 =	simm.s32 @!p0 $0x108  }
0x21: {  	s3 =	sadd.s32 s3, s9;
	s6 =	sadd.s32 @!p0 $0x88, s6;
	s7 =	simm.s32 @p2 $0x1082  }
0x22: {  	[simem:s7], [sflag:s8] =	dma.local @!p0 [hbm:s6], $0xF7A  }
0x23: {  	s9 =	sor.u32 $0xD0000000, s2;
	s6 =	simm.s32 $0x108;
	_ =	swait.ge @!p0 [sflag:s8], $0x0  }
0x24: {  	s3 =	sadd.s32 $0x88, s3;
	s6 =	simm.s32 @!p1 $0x1082;
	[sflag:s4] =	ssyncset.s32 $0xFFFFF086  }
0x25: {  	[simem:s6], [sflag:s4] =	dma.local [hbm:s3], $0xF7A  }
0x26: {  	[smem:$0x3F96] =	sst s1;
	(tag) =	ssettag s2;
	_ =	strace s9  }
0x27: {  	s1 =	sld [smem:$0x3FA6]  }
0x28: {  	s2 =	sld [smem:$0x3FA7]  }
0x29: {  	s4 =	sld [smem:$0x3FA9]  }
0x2a: {  	p0 =	seq.s32 s5, $0x0;
	s5 =	sld [smem:$0x3FAA]  }
0x2b: {  	s6 =	sld [smem:$0x3FAB]  }
0x2c: {  	s7 =	sld [smem:$0x3FAC]  }
0x2d: {  	s3 =	simm.s32 $0x108;
	s8 =	sld [smem:$0x3FAD]  }
0x2e: {  	s3 =	simm.s32 @!p0 $0x1082;
	s9 =	sld [smem:$0x3FAE]  }
0x2f: {  	lr =	sadd.s32 s0, s3;
	s0 =	sld [smem:$0x3FA5]  }
0x30: {  	s3 =	sld [smem:$0x3FA8]  }
0x31: {  	[smem:$0x3FB1] =	sst s10  }
0x32: {  	s10 =	sld [smem:$0x3FAF];
	_ =	sdelay $0x3  }
0x33: {  	p0 =	seq.s32 s10, $0x1;
	s10 =	sld [smem:$0x3FB1];
	_ =	sdelay $0x3  }
0x34: {  	[smem:$0x3FB1] =	sst s10  }
0x35: {  	s10 =	sld [smem:$0x3FB0];
	_ =	sdelay $0x3  }
0x36: {  	p1 =	seq.s32 s10, $0x1;
	s10 =	sld [smem:$0x3FB1];
	_ =	sdelay $0x3  }
0x37: {  	[smem:$0x3FB1] =	sst s10  }
0x38: {  	s10 =	sld [smem:$0x3FB2]  }
0x39: {  	_ = 	snop;
	(pc) =	sbr.ind lr, $3  }
0x3a: {  	_ = 	snop  }
0x3b: {  	_ = 	snop  }
0x3c: {  	p2 =	seq.s32 s10, $0x1;
	s10 =	sld [smem:$0x3FB1]  }
0x3d: {  	_ =	shalt  }
0x3e: {  	_ =	shalt  }
0x3f: {  	_ =	shalt  }
0x40: {  	_ =	shalt  }
0x41: {  	_ =	shalt  }
0x42: {  	_ =	shalt  }
0x43: {  	_ =	shalt  }
0x44: {  	_ =	shalt  }
0x45: {  	_ =	shalt  }
0x46: {  	_ =	shalt  }
0x47: {  	_ =	shalt  }
0x48: {  	_ =	shalt  }
0x49: {  	_ =	shalt  }
0x4a: {  	_ =	shalt  }
0x4b: {  	_ =	shalt  }
0x4c: {  	_ =	shalt  }
0x4d: {  	_ =	shalt  }
0x4e: {  	_ =	shalt  }
0x4f: {  	_ =	shalt  }
0x50: {  	_ =	shalt  }
0x51: {  	_ =	shalt  }
0x52: {  	_ =	shalt  }
0x53: {  	_ =	shalt  }
0x54: {  	_ =	shalt  }
0x55: {  	_ =	shalt  }
0x56: {  	_ =	shalt  }
0x57: {  	_ =	shalt  }
0x58: {  	_ =	shalt  }
0x59: {  	_ =	shalt  }
0x5a: {  	_ =	shalt  }
0x5b: {  	_ =	shalt  }
0x5c: {  	_ =	shalt  }
0x5d: {  	_ =	shalt  }
0x5e: {  	_ =	shalt  }
0x5f: {  	_ =	shalt  }
0x60: {  	_ =	shalt  }
0x61: {  	_ =	shalt  }
0x62: {  	_ =	shalt  }
0x63: {  	_ =	shalt  }
0x64: {  	_ =	shalt  }
0x65: {  	_ =	shalt  }
0x66: {  	_ =	shalt  }
0x67: {  	_ =	shalt  }
0x68: {  	_ =	shalt  }
0x69: {  	_ =	shalt  }
0x6a: {  	_ =	shalt  }
0x6b: {  	_ =	shalt  }
0x6c: {  	_ =	shalt  }
0x6d: {  	_ =	shalt  }
0x6e: {  	_ =	shalt  }
0x6f: {  	_ =	shalt  }
0x70: {  	_ =	shalt  }
0x71: {  	_ =	shalt  }
0x72: {  	_ =	shalt  }
0x73: {  	_ =	shalt  }
0x74: {  	_ =	shalt  }
0x75: {  	_ =	shalt  }
0x76: {  	_ =	shalt  }
0x77: {  	_ =	shalt  }
0x78: {  	_ =	shalt  }
0x79: {  	_ =	shalt  }
0x7a: {  	_ =	shalt  }
0x7b: {  	_ =	shalt  }
0x7c: {  	_ =	shalt  }
0x7d: {  	_ =	shalt  }
0x7e: {  	_ =	shalt  }
0x7f: {  	_ =	shalt  }
0x80: {  	_ =	shalt  }
0x81: {  	_ =	shalt  }
0x82: {  	_ =	shalt  }
0x83: {  	_ =	shalt  }
0x84: {  	_ =	shalt  }
0x85: {  	_ =	shalt  }
0x86: {  	_ =	shalt  }
0x87: {  	_ =	shalt  }
.Lfunc_end0:
.L_simem_size_0:
called_computation.2_lowered:
.L_overlay_start_0:
0x88: {  	s2 =	sld [smem:$0x3FD9]  }
0x89: {  	s3 =	sld [smem:$0x3FFE];
	_ =	sdelay $0x1  }
0x8a: {  	s1 =	srdreg.scid  }
0x8b: {  	s0 =	sand.u32 $0x1, s1  }
0x8c: {  	s16 =	sshll.u32 s0, $0xA;
	s2 =	sadd.s32 s3, s2  }
0x8d: {  	s2 =	sadd.s32 s2, s16  }
0x8e: {  	[smem:$0x3FBD] =	sst s2  }
0x8f: {  	_ = 	snop  }
0x90: {  	(tm) =	ssettm $0x1  }
0x91: {  	s17 =	sld [smem:$0x3FFB];
	_ =	sdelay $0x3  }
0x92: {  	_ =	strace s17  }
0x93: {  	s2 =	sld [smem:$0x3FFC];
	_ =	sdelay $0x3  }
0x94: {  	_ =	strace s2  }
0x95: {  	s2 =	sld [smem:$0x3FFD];
	_ =	sdelay $0x3  }
0x96: {  	_ =	strace s2  }
0x97: {  	_ =	strace $0x8FFFFFFF  }
0x98: {  	s18 =	sld [smem:$0x3FDB];
	_ =	sdelay $0x1  }
0x99: {  	s19 =	simm.s32 $_scs_section_size  }
0x9a: {  	s4 =	simm.s32 $_size__tile_overlayer_lowered;
	s5 =	simm.s32 $_tile_overlayer_lowered  }
0x9b: {  	s22 =	simm.s32 $0x1BFF;
	s21 =	sshll.u32 s5, $0x1;
	s2 =	sadd.s32 s19, s18  }
0x9c: {  	s6 =	simm.s32 $0x0;
	s20 =	sshll.u32 s4, $0x1;
	s4 =	sadd.s32 s21, s2  }
0x9d: {  	[timem:s6], [sflag:s22] =	dma.local [hbm:s4], s20  }
0x9e: {  	_ =	swait.ge [sflag:s22], s20  }
0x9f: {  	s3 =	ssub.s32 $0x0, s20;
	[sflag:s22] =	ssyncset.done $0x0  }
0xa0: {  	[sflag:s22] =	ssyncadd.s32 s3;
	_ =	sdelay $0x1  }
0xa1: {  	s23 =	simm.s32 $0x1B8B  }
0xa2: {  	_ =	swait.ge [sflag:s23], $0x1  }
0xa3: {  	[sflag:s23] =	ssyncset.done $0x0  }
0xa4: {  	s25 =	simm.s32 $0x1B8E;
	s24 =	sld [smem:$0x3FFE];
	[sflag:s23] =	ssyncadd.s32 $0xFFFFFFFF  }
0xa5: {  	s26 =	simm.s32 $execute0_lowered;
	[smem:$0x3FD2] =	sst s25  }
0xa6: {  	s4 =	sshll.u32 s26, $0x1;
	_ =	strace $0x80000049;
	[dreg:$0x1] =	wrdreg $0xFFFFFFFF  }
0xa7: {  	s28 =	simm.s32 $_size_execute0_lowered;
	s2 =	sadd.s32 s2, s4;
	[dreg:$0x0] =	wrdreg $0x0  }
0xa8: {  	s4 =	sshll.u32 s28, $0x1;
	[dreg:$0x2] =	wrdreg s2  }
0xa9: {  	[dreg:$0x3] =	wrdreg s4  }
0xaa: {  	[dreg:$0x4] =	wrdreg $0xC0  }
0xab: {  	_ =	task [dreg:s6], $0x5FFFF  }
0xac: {  	[dreg:$0x1] =	wrdreg $0xFFFFFFFF  }
0xad: {  	[dreg:$0x0] =	wrdreg $0x60  }
0xae: {  	[dreg:$0x2] =	wrdreg s24  }
0xaf: {  	[dreg:$0x3] =	wrdreg $0xB9800  }
0xb0: {  	[dreg:$0x4] =	wrdreg $0xA  }
0xb1: {  	_ =	task.clear_ibuf [dreg:s6], $0x5FFFF;
	_ =	strace $0x90000049  }
0xb2: {  	s29 =	simm.s32 $0xA;
	_ =	strace $0x8000004B  }
0xb3: {  	_ =	swait.ge [sflag:s29], $0x1  }
0xb4: {  	[sflag:s29] =	ssyncadd.s32 $0xFFFFFFFF  }
0xb5: {  	_ =	strace $0x9000004B  }
0xb6: {  	_ =	sfence  }
0xb7: {  	s30 =	sld [smem:$0x0];
	_ =	sdelay $0x2  }
0xb8: {  	s31 =	sshll.u32 s1, $0xD;
	s1 =	sshrl.u32 s1, $0x2  }
0xb9: {  	s3 =	sand.u32 $0x4000, s31;
	s1 =	sadd.s32 s1, s30  }
0xba: {  	s0 =	sor.u32 s3, s0;
	s1 =	sshll.u32 s1, $0x11  }
0xbb: {  	s0 =	sor.u32 s1, s0  }
0xbc: {  	s0 =	sadd.s32 $0x8F2B, s0  }
0xbd: {  	[sflag:s0] =	ssyncadd.remote.s32 $0x1  }
0xbe: {  	_ =	sfence.sel $0xFFFF  }
0xbf: {  	[dreg:$0x0] =	wrdreg $0xFFFFFFFF;
	(pc) =	sbr.abs _section_cstart, $3  }
0xc0: {  	[dreg:$0x1] =	wrdreg $0xFFFFFFFF  }
0xc1: {  	_ =	task.clear_ibuf [dreg:s6], $0x2FFFF;
	_ =	strace $0x9FFFFFFF  }
0xc2: {  	(tm) =	ssettm $0x7FFFFFFF  }
0xc3: {  	_ =	shalt  }
tec
execute0_lowered:
.L_overlay_start_1:
0x0: {  	(tag) =	ssettag $0x1  }
0x1: {  	s0 =	rddreg [dreg:$0x0]  }
0x2: {  	s1 =	rddreg [dreg:$0x1];
	s3 =	simm.s32 $0x0  }
0x3: {  	s13 =	stileid.u32;
	s2 =	srdreg.scid;
	s10 =	simm.s32 $0x4000  }
0x4: {  	s11 =	simm.s32 $0x50;
	s12 =	simm.s32 $0x4180;
	s14 =	simm.s32 $0x4080  }
0x5: {  	s16 =	simm.s32 $0x6980;
	s18 =	simm.s32 $0x4100;
	s20 =	simm.s32 $0x9180  }
0x6: {  	s28 =	simm.s32 $0x2;
	s29 =	simm.s32 $0x6;
	s30 =	simm.s32 $0x3  }
0x7: {  	s31 =	simm.s32 $0x7;
	s15 =	simm.s32 $0x0;
	[smem:$0x7FF] =	sst s3  }
0x8: {  	s4 =	sshll.u32 s13, $0xB;
	s7 =	smul.u32 $0x2800, s13;
	s2 =	sand.u32 $0x1, s2  }
0x9: {  	s9 =	smul.u32 $0x50000, s13;
	s26 =	sshll.u32 s13, $0x6;
	_ =	strace $0x8000004A  }
0xa: {  	s4 =	sadd.s32 s4, s0;
	s5 =	smul.u32 $0x28000, s2;
	s2 =	ssub.s32 $0x2, s2  }
0xb: {  	s21 =	sor.u32 $0x1C0A, s26;
	s26 =	simm.s32 $0x5;
	s8 =	sadd.s32 s7, s0  }
0xc: {  	s6 =	sshrl.u32 s2, $0x1;
	s23 =	sadd.s32 $0x130000, s4;
	s24 =	sshrl.u32 s9, $0x2  }
0xd: {  	s9 =	simm.s32 $0xA;
	s0 =	sadd.s32 s5, s0;
	s2 =	ssub.s32 s2, s6  }
0xe: {  	[dreg:$0x3] =	wrdreg s23;
	s5 =	sadd.s32 $0x138000, s4;
	s4 =	sadd.s32 s24, s1  }
0xf: {  	s8 =	sadd.s32 $0xF800, s8;
	s23 =	simm.s32 $0x4;
	s6 =	sadd.s32 $0x37800, s0  }
0x10: {  	[dreg:$0x4] =	wrdreg s8;
	s0 =	sadd.s32 $0x87800, s0;
	s2 =	smax.u32 s2, $0x1  }
0x11: {  	s25 =	sadd.s32 $0x10, s5;
	s17 =	sadd.s32 $0x20, s5;
	[dreg:$0x5] =	wrdreg s2  }
0x12: {  	s22 =	sshrl.u32 s4, $0x3;
	[dreg:$0x6] =	wrdreg s25;
	s24 =	sadd.s32 s7, s0  }
0x13: {  	s25 =	simm.s32 $0x1;
	s0 =	simm.s32 $0x8;
	s2 =	simm.s32 $0x9  }
.LBB2_1:
0x14: {  	s4 =	rddreg [dreg:$0x3]  }
0x15: {  	[tilespmem:s3], [sflag:$0xA] =	stream.linear.gather [hbm4b:s4+s3], $0x3F00, $0x38;
	[tilespmem:$0x1F980] =	vst v63  }
0x16: {  	_ =	swait.ge [sflag:s9], $0x3F00  }
0x17: {  	[sflag:s9] =	ssyncset.done $0x0  }
0x18: {  	[sflag:s9] =	ssyncadd.s32 $0xFFFFC100  }
0x19: {  	[tilespmem:s10], [sflag:$0x4] =	stream.linear.gather [hbm4b:s5+s3], $0x80, $0x38;
	[tilespmem:$0x1F980] =	vst v63  }
0x1a: {  	_ = 	snop  }
0x1b: {  	[tilespmem:s12], [sflag:$0x1] =	stream.indirect.gather [hbm4b:s6+s11], $0x80, s3, s11, $0xb8;
	[tilespmem:$0x1F980] =	vst v63  }
0x1c: {  	s8 =	rddreg [dreg:$0x6]  }
0x1d: {  	[tilespmem:s14], [sflag:$0x5] =	stream.linear.gather [hbm4b:s8+s3], $0x80, $0x38;
	[tilespmem:$0x1F980] =	vst v63  }
0x1e: {  	s13 =	simm.s32 $0x80  }
0x1f: {  	[tilespmem:s16], [sflag:$0x2] =	stream.indirect.gather [hbm4b:s6+s11], $0x80, s13, s11, $0xb8;
	[tilespmem:$0x1F980] =	vst v63  }
0x20: {  	_ = 	snop  }
0x21: {  	[tilespmem:s18], [sflag:$0x6] =	stream.linear.gather [hbm4b:s17+s3], $0x80, $0x38;
	[tilespmem:$0x1F980] =	vst v63  }
0x22: {  	s19 =	simm.s32 $0x100;
	s7 =	rddreg [dreg:$0x4]  }
0x23: {  	[tilespmem:s20], [sflag:$0x3] =	stream.indirect.gather [hbm4b:s6+s11], $0x80, s19, s11, $0xb8;
	[tilespmem:$0x1F980] =	vst v63  }
0x24: {  	[spmem:s22], [sflag:s21] =	dma.local [hbm:s7], $0x2800  }
0x25: {  	_ =	swait.ge [sflag:s9], $0x2800  }
0x26: {  	[sflag:s9] =	ssyncset.done $0x0  }
0x27: {  	[sflag:s9] =	ssyncadd.s32 $0xFFFFD800  }
0x28: {  	[bflag:$0x0] =	sbarrier.arrive $0xFFFF  }
0x29: {  	_ =	swait.ge [sflag:s23], $0x80  }
0x2a: {  	[sflag:s23] =	ssyncset.done $0x0  }
0x2b: {  	[sflag:s23] =	ssyncadd.s32 $0xFFFFFF80  }
0x2c: {  	_ =	swait.ge [sflag:s25], $0x2800  }
0x2d: {  	[sflag:s25] =	ssyncset.done $0x0  }
0x2e: {  	[sflag:s25] =	ssyncadd.s32 $0xFFFFD800  }
0x2f: {  	[spmem:s1] =	stream.indirect.scatter.add.f32 [tilespmem:s12], [sflag:$0x7], $0x80, s10, s11, $0xb8;
	[tilespmem:$0x1F980] =	vst v63  }
0x30: {  	_ =	swait.ge [sflag:s26], $0x80  }
0x31: {  	[sflag:s26] =	ssyncset.done $0x0  }
0x32: {  	[sflag:s26] =	ssyncadd.s32 $0xFFFFFF80  }
0x33: {  	_ =	swait.ge [sflag:s28], $0x2800  }
0x34: {  	[sflag:s28] =	ssyncset.done $0x0  }
0x35: {  	[sflag:s28] =	ssyncadd.s32 $0xFFFFD800  }
0x36: {  	[spmem:s1] =	stream.indirect.scatter.add.f32 [tilespmem:s16], [sflag:$0x8], $0x80, s14, s11, $0xb8;
	[tilespmem:$0x1F980] =	vst v63  }
0x37: {  	_ =	swait.ge [sflag:s29], $0x80  }
0x38: {  	[sflag:s29] =	ssyncset.done $0x0  }
0x39: {  	[sflag:s29] =	ssyncadd.s32 $0xFFFFFF80  }
0x3a: {  	_ =	swait.ge [sflag:s30], $0x2800  }
0x3b: {  	[sflag:s30] =	ssyncset.done $0x0  }
0x3c: {  	[sflag:s30] =	ssyncadd.s32 $0xFFFFD800  }
0x3d: {  	[spmem:s1] =	stream.indirect.scatter.add.f32 [tilespmem:s20], [sflag:$0x9], $0x80, s18, s11, $0xb8;
	[tilespmem:$0x1F980] =	vst v63  }
0x3e: {  	_ =	swait.ge [sflag:s31], $0x2800  }
0x3f: {  	s4 =	sadd.s32 $0x0, s5;
	[sflag:s31] =	ssyncset.done $0x0  }
0x40: {  	s7 =	sadd.s32 $0x30, s4;
	[sflag:s31] =	ssyncadd.s32 $0xFFFFD800  }
0x41: {  	[tilespmem:s10], [sflag:$0x4] =	stream.linear.gather [hbm4b:s7+s3], $0x80, $0x38;
	[tilespmem:$0x1F980] =	vst v63  }
0x42: {  	s8 =	simm.s32 $0x180  }
0x43: {  	[tilespmem:s12], [sflag:$0x1] =	stream.indirect.gather [hbm4b:s6+s11], $0x80, s8, s11, $0xb8;
	[tilespmem:$0x1F980] =	vst v63  }
0x44: {  	_ =	swait.ge [sflag:s0], $0x2800  }
0x45: {  	[sflag:s0] =	ssyncset.done $0x0  }
0x46: {  	s13 =	sadd.s32 $0x40, s4;
	[sflag:s0] =	ssyncadd.s32 $0xFFFFD800  }
0x47: {  	[tilespmem:s14], [sflag:$0x5] =	stream.linear.gather [hbm4b:s13+s3], $0x80, $0x38;
	[tilespmem:$0x1F980] =	vst v63  }
0x48: {  	s19 =	simm.s32 $0x200  }
0x49: {  	[tilespmem:s16], [sflag:$0x2] =	stream.indirect.gather [hbm4b:s6+s11], $0x80, s19, s11, $0xb8;
	[tilespmem:$0x1F980] =	vst v63  }
0x4a: {  	_ =	swait.ge [sflag:s2], $0x2800  }
0x4b: {  	[sflag:s2] =	ssyncset.done $0x0  }
0x4c: {  	s4 =	sadd.s32 $0x50, s4;
	[sflag:s2] =	ssyncadd.s32 $0xFFFFD800  }
0x4d: {  	[tilespmem:s18], [sflag:$0x6] =	stream.linear.gather [hbm4b:s4+s3], $0x80, $0x38;
	[tilespmem:$0x1F980] =	vst v63  }
0x4e: {  	s7 =	simm.s32 $0x400;
	s19 =	simm.s32 $0x280;
	s4 =	simm.s32 $0x30  }
.LBB2_2:
0x4f: {  	[tilespmem:s20], [sflag:$0x3] =	stream.indirect.gather [hbm4b:s6+s11], $0x80, s19, s11, $0xb8;
	[tilespmem:$0x1F980] =	vst v63  }
0x50: {  	s8 =	smov.u32 s4;
	s19 =	smov.u32 s7  }
0x51: {  	p0 =	sne.s32 s4, $0x780;
	s4 =	sadd.s32 $0x30, s4;
	_ =	swait.ge [sflag:s23], $0x80  }
0x52: {  	[sflag:s23] =	ssyncset.done $0x0  }
0x53: {  	[sflag:s23] =	ssyncadd.s32 $0xFFFFFF80  }
0x54: {  	_ =	swait.ge [sflag:s25], $0x2800  }
0x55: {  	[sflag:s25] =	ssyncset.done $0x0  }
0x56: {  	[sflag:s25] =	ssyncadd.s32 $0xFFFFD800  }
0x57: {  	[spmem:s1] =	stream.indirect.scatter.add.f32 [tilespmem:s12], [sflag:$0x7], $0x80, s10, s11, $0xb8;
	[tilespmem:$0x1F980] =	vst v63  }
0x58: {  	_ =	swait.ge [sflag:s26], $0x80  }
0x59: {  	[sflag:s26] =	ssyncset.done $0x0  }
0x5a: {  	[sflag:s26] =	ssyncadd.s32 $0xFFFFFF80  }
0x5b: {  	_ =	swait.ge [sflag:s28], $0x2800  }
0x5c: {  	[sflag:s28] =	ssyncset.done $0x0  }
0x5d: {  	[sflag:s28] =	ssyncadd.s32 $0xFFFFD800  }
0x5e: {  	[spmem:s1] =	stream.indirect.scatter.add.f32 [tilespmem:s16], [sflag:$0x8], $0x80, s14, s11, $0xb8;
	[tilespmem:$0x1F980] =	vst v63  }
0x5f: {  	_ =	swait.ge [sflag:s29], $0x80  }
0x60: {  	[sflag:s29] =	ssyncset.done $0x0  }
0x61: {  	[sflag:s29] =	ssyncadd.s32 $0xFFFFFF80  }
0x62: {  	_ =	swait.ge [sflag:s30], $0x2800  }
0x63: {  	[sflag:s30] =	ssyncset.done $0x0  }
0x64: {  	[sflag:s30] =	ssyncadd.s32 $0xFFFFD800  }
0x65: {  	[spmem:s1] =	stream.indirect.scatter.add.f32 [tilespmem:s20], [sflag:$0x9], $0x80, s18, s11, $0xb8;
	[tilespmem:$0x1F980] =	vst v63  }
0x66: {  	_ =	swait.ge [sflag:s31], $0x2800  }
0x67: {  	s8 =	sadd.s32 s8, s5;
	[sflag:s31] =	ssyncset.done $0x0  }
0x68: {  	s13 =	sadd.s32 $0x30, s8;
	[sflag:s31] =	ssyncadd.s32 $0xFFFFD800  }
0x69: {  	[tilespmem:s10], [sflag:$0x4] =	stream.linear.gather [hbm4b:s13+s3], $0x80, $0x38;
	[tilespmem:$0x1F980] =	vst v63  }
0x6a: {  	s13 =	sadd.s32 $0xFFFFFF00, s7  }
0x6b: {  	[tilespmem:s12], [sflag:$0x1] =	stream.indirect.gather [hbm4b:s6+s11], $0x80, s13, s11, $0xb8;
	[tilespmem:$0x1F980] =	vst v63  }
0x6c: {  	_ =	swait.ge [sflag:s0], $0x2800  }
0x6d: {  	[sflag:s0] =	ssyncset.done $0x0  }
0x6e: {  	s13 =	sadd.s32 $0x40, s8;
	[sflag:s0] =	ssyncadd.s32 $0xFFFFD800  }
0x6f: {  	[tilespmem:s14], [sflag:$0x5] =	stream.linear.gather [hbm4b:s13+s3], $0x80, $0x38;
	[tilespmem:$0x1F980] =	vst v63  }
0x70: {  	s13 =	sadd.s32 $0xFFFFFF80, s7  }
0x71: {  	[tilespmem:s16], [sflag:$0x2] =	stream.indirect.gather [hbm4b:s6+s11], $0x80, s13, s11, $0xb8;
	[tilespmem:$0x1F980] =	vst v63  }
.Ltmp0:
0x72: {  	_ =	swait.ge [sflag:s2], $0x2800;
	(pc) =	sbr.rel @p0 .LBB2_2-.Ltmp0, $4  }
0x73: {  	[sflag:s2] =	ssyncset.done $0x0  }
0x74: {  	s8 =	sadd.s32 $0x50, s8;
	[sflag:s2] =	ssyncadd.s32 $0xFFFFD800  }
0x75: {  	[tilespmem:s18], [sflag:$0x6] =	stream.linear.gather [hbm4b:s8+s3], $0x80, $0x38;
	[tilespmem:$0x1F980] =	vst v63  }
0x76: {  	s7 =	sadd.s32 $0x180, s7  }
0x77: {  	[tilespmem:s20], [sflag:$0x3] =	stream.indirect.gather [hbm4b:s6+s11], $0x80, s19, s11, $0xb8;
	[tilespmem:$0x1F980] =	vst v63  }
0x78: {  	_ =	swait.ge [sflag:s23], $0x80  }
0x79: {  	[sflag:s23] =	ssyncset.done $0x0  }
0x7a: {  	[sflag:s23] =	ssyncadd.s32 $0xFFFFFF80  }
0x7b: {  	_ =	swait.ge [sflag:s25], $0x2800  }
0x7c: {  	[sflag:s25] =	ssyncset.done $0x0  }
0x7d: {  	[sflag:s25] =	ssyncadd.s32 $0xFFFFD800  }
0x7e: {  	[spmem:s1] =	stream.indirect.scatter.add.f32 [tilespmem:s12], [sflag:$0x7], $0x80, s10, s11, $0xb8;
	[tilespmem:$0x1F980] =	vst v63  }
0x7f: {  	_ =	swait.ge [sflag:s26], $0x80  }
0x80: {  	[sflag:s26] =	ssyncset.done $0x0  }
0x81: {  	[sflag:s26] =	ssyncadd.s32 $0xFFFFFF80  }
0x82: {  	_ =	swait.ge [sflag:s28], $0x2800  }
0x83: {  	[sflag:s28] =	ssyncset.done $0x0  }
0x84: {  	[sflag:s28] =	ssyncadd.s32 $0xFFFFD800  }
0x85: {  	[spmem:s1] =	stream.indirect.scatter.add.f32 [tilespmem:s16], [sflag:$0x8], $0x80, s14, s11, $0xb8;
	[tilespmem:$0x1F980] =	vst v63  }
0x86: {  	_ =	swait.ge [sflag:s29], $0x80  }
0x87: {  	[sflag:s29] =	ssyncset.done $0x0  }
0x88: {  	[sflag:s29] =	ssyncadd.s32 $0xFFFFFF80  }
0x89: {  	_ =	swait.ge [sflag:s30], $0x2800  }
0x8a: {  	[sflag:s30] =	ssyncset.done $0x0  }
0x8b: {  	[sflag:s30] =	ssyncadd.s32 $0xFFFFD800  }
0x8c: {  	[spmem:s1] =	stream.indirect.scatter.add.f32 [tilespmem:s20], [sflag:$0x9], $0x80, s18, s11, $0xb8;
	[tilespmem:$0x1F980] =	vst v63  }
0x8d: {  	_ =	swait.ge [sflag:s31], $0x2800  }
0x8e: {  	[sflag:s31] =	ssyncset.done $0x0  }
0x8f: {  	[sflag:s31] =	ssyncadd.s32 $0xFFFFD800  }
0x90: {  	_ =	swait.ge [sflag:s0], $0x2800  }
0x91: {  	[sflag:s0] =	ssyncset.done $0x0  }
0x92: {  	[sflag:s0] =	ssyncadd.s32 $0xFFFFD800  }
0x93: {  	_ =	swait.ge [sflag:s2], $0x2800  }
0x94: {  	[sflag:s2] =	ssyncset.done $0x0  }
0x95: {  	[sflag:s2] =	ssyncadd.s32 $0xFFFFD800  }
0x96: {  	[bflag:$0x0] =	sbarrier.arrive $0xFFFF  }
0x97: {  	[hbm:s24], [sflag:s21] =	dma.local [spmem:s22], $0x2800  }
0x98: {  	_ =	swait.ge [sflag:s9], $0x2800  }
0x99: {  	s15 =	sadd.s32 $0x1, s15;
	s4 =	rddreg [dreg:$0x5]  }
0x9a: {  	p0 =	sne.s32 s15, s4  }
.Ltmp1:
0x9b: {  	_ = 	snop;
	(pc) =	sbr.rel @p0 .LBB2_1-.Ltmp1, $3  }
0x9c: {  	_ =	sdelay $0x1  }
0x9d: {  	[sflag:s9] =	ssyncset.done $0x0  }
0x9e: {  	[sflag:s9] =	ssyncadd.s32 $0xFFFFD800  }
0x9f: {  	_ =	sfence.sel $0x180000  }
0xa0: {  	[bflag:$0x0] =	sbarrier.arrive $0xFFFF  }
0xa1: {  	_ =	strace $0x9000004A  }
0xa2: {  	s0 =	stileid.u32;
	[bflag:$0x2] =	sbarrier.arrive $0xFFFF  }
0xa3: {  	p0 =	sne.s32 s0, $0x0;
	s0 =	rddreg [dreg:$0x2]  }
0xa4: {  	s0 =	sadd.s32 @!p0 $0x100000, s0  }
0xa5: {  	[sflag:s0] =	ssyncadd.tile.s32 @!p0 $0x1;
	_ =	shalt  }
.Lfunc_end2:
_tile_overlayer_lowered:
.L_overlay_start_2:
0xa6: {  	(tag) =	ssettag $0x2  }
0xa7: {  	s0 =	rddreg [dreg:$0x0];
	s2 =	stileid.u32  }
0xa8: {  	s1 =	rddreg [dreg:$0x1];
	p0 =	sne.s32 s2, $0x0  }
0xa9: {  	s3 =	rddreg [dreg:$0x2];
	[bflag:$0x3] =	sbarrier.arrive $0xFFFF;
	s2 =	simm.s32 @!p0 $0x1C0A  }
0xaa: {  	[timem:s3], [sflag:s2] =	dma.local @!p0 [hbm:s0], s1  }
0xab: {  	s0 =	simm.s32 @!p0 $0xA  }
0xac: {  	_ =	swait.ge @!p0 [sflag:s0], s1  }
0xad: {  	s1 =	ssub.s32 @!p0 $0x0, s1;
	[sflag:s0] =	ssyncset.done @!p0 $0x0  }
0xae: {  	[sflag:s0] =	ssyncadd.s32 @!p0 s1  }
0xaf: {  	[bflag:$0x3] =	sbarrier.arrive $0xFFFF  }
0xb0: {  	_ =	shalt  }

// kernel: kernel.25.cloned.1.call-start
scs
__scs_entry_jumppad:
0x0: {  	(pc) =	sbr.rel $0x88, $3  }
0x1: {  	(tag) =	ssettag $0x0;
	lr =	simm.s32 $0x1  }
0x2: {  	[smem:$0x3F96] =	sst lr;
	_ =	strace $0xD0000000  }
0x3: {  	_ = 	snop  }
0x4: {  	_ = 	snop  }
0x5: {  	_ = 	snop  }
0x6: {  	_ = 	snop  }
0x7: {  	_ = 	snop  }
__scs_overlays_trampoline_lowered:
0x8: {  	[smem:$0x3FA5] =	sst s0  }
0x9: {  	[smem:$0x3FA6] =	sst s1  }
0xa: {  	[smem:$0x3FA7] =	sst s2  }
0xb: {  	[smem:$0x3FA8] =	sst s3  }
0xc: {  	[smem:$0x3FA9] =	sst s4  }
0xd: {  	[smem:$0x3FAA] =	sst s5  }
0xe: {  	[smem:$0x3FAB] =	sst s6  }
0xf: {  	[smem:$0x3FAC] =	sst s7  }
0x10: {  	[smem:$0x3FAD] =	sst s8  }
0x11: {  	[smem:$0x3FAE] =	sst s9;
	s0 =	simm.s32 @!p0 $0x0  }
0x12: {  	s1 =	sld [smem:$0x3F94];
	s0 =	simm.s32 @p0 $0x1  }
0x13: {  	[smem:$0x3FAF] =	sst s0;
	s0 =	simm.s32 @!p1 $0x0  }
0x14: {  	s2 =	sld [smem:$0x3F93];
	s0 =	simm.s32 @p1 $0x1  }
0x15: {  	[smem:$0x3FB0] =	sst s0;
	s0 =	simm.s32 @!p2 $0x0  }
0x16: {  	s3 =	sld [smem:$0x3FDB];
	s0 =	simm.s32 @p2 $0x1  }
0x17: {  	s4 =	simm.s32 $0x1BF5;
	[smem:$0x3FB2] =	sst s0  }
0x18: {  	s0 =	sld [smem:$0x3F95];
	_ =	swait.ge [sflag:s4], $0x0  }
0x19: {  	s7 =	sld [smem:$0x3F96]  }
0x1a: {  	s8 =	sadd.s32 $0xFFFFE003, lr  }
0x1b: {  	s9 =	sadd.s32 $0xFFFFFEF7, lr;
	s5 =	simm.s32 $0xFFFFFFFF;
	p2 =	slt.u32 s8, $0xFFFFF086  }
0x1c: {  	p1 =	slt.u32 s9, $0xF7A;
	s5 =	simm.s32 @!p2 $0x0  }
0x1d: {  	s5 =	simm.s32 @p1 $0x1;
	p0 =	seq.s32 s7, s2  }
0x1e: {  	s7 =	smul.u32 @!p0 $0xF7A, s2;
	p2 =	seq.s32 @!p0 s5, $0x0  }
0x1f: {  	s9 =	smul.u32 $0xF7A, s1;
	s8 =	simm.s32 @!p0 $0x1BF5;
	p2 =	por !p2, p0  }
0x20: {  	[sflag:s8] =	ssyncset.s32 @!p0 $0xFFFFF086;
	s6 =	sadd.s32 @!p0 s3, s7;
	s7 =	simm.s32 @!p0 $0x108  }
0x21: {  	s3 =	sadd.s32 s3, s9;
	s6 =	sadd.s32 @!p0 $0x88, s6;
	s7 =	simm.s32 @p2 $0x1082  }
0x22: {  	[simem:s7], [sflag:s8] =	dma.local @!p0 [hbm:s6], $0xF7A  }
0x23: {  	s9 =	sor.u32 $0xD0000000, s2;
	s6 =	simm.s32 $0x108;
	_ =	swait.ge @!p0 [sflag:s8], $0x0  }
0x24: {  	s3 =	sadd.s32 $0x88, s3;
	s6 =	simm.s32 @!p1 $0x1082;
	[sflag:s4] =	ssyncset.s32 $0xFFFFF086  }
0x25: {  	[simem:s6], [sflag:s4] =	dma.local [hbm:s3], $0xF7A  }
0x26: {  	[smem:$0x3F96] =	sst s1;
	(tag) =	ssettag s2;
	_ =	strace s9  }
0x27: {  	s1 =	sld [smem:$0x3FA6]  }
0x28: {  	s2 =	sld [smem:$0x3FA7]  }
0x29: {  	s4 =	sld [smem:$0x3FA9]  }
0x2a: {  	p0 =	seq.s32 s5, $0x0;
	s5 =	sld [smem:$0x3FAA]  }
0x2b: {  	s6 =	sld [smem:$0x3FAB]  }
0x2c: {  	s7 =	sld [smem:$0x3FAC]  }
0x2d: {  	s3 =	simm.s32 $0x108;
	s8 =	sld [smem:$0x3FAD]  }
0x2e: {  	s3 =	simm.s32 @!p0 $0x1082;
	s9 =	sld [smem:$0x3FAE]  }
0x2f: {  	lr =	sadd.s32 s0, s3;
	s0 =	sld [smem:$0x3FA5]  }
0x30: {  	s3 =	sld [smem:$0x3FA8]  }
0x31: {  	[smem:$0x3FB1] =	sst s10  }
0x32: {  	s10 =	sld [smem:$0x3FAF];
	_ =	sdelay $0x3  }
0x33: {  	p0 =	seq.s32 s10, $0x1;
	s10 =	sld [smem:$0x3FB1];
	_ =	sdelay $0x3  }
0x34: {  	[smem:$0x3FB1] =	sst s10  }
0x35: {  	s10 =	sld [smem:$0x3FB0];
	_ =	sdelay $0x3  }
0x36: {  	p1 =	seq.s32 s10, $0x1;
	s10 =	sld [smem:$0x3FB1];
	_ =	sdelay $0x3  }
0x37: {  	[smem:$0x3FB1] =	sst s10  }
0x38: {  	s10 =	sld [smem:$0x3FB2]  }
0x39: {  	_ = 	snop;
	(pc) =	sbr.ind lr, $3  }
0x3a: {  	_ = 	snop  }
0x3b: {  	_ = 	snop  }
0x3c: {  	p2 =	seq.s32 s10, $0x1;
	s10 =	sld [smem:$0x3FB1]  }
0x3d: {  	_ =	shalt  }
0x3e: {  	_ =	shalt  }
0x3f: {  	_ =	shalt  }
0x40: {  	_ =	shalt  }
0x41: {  	_ =	shalt  }
0x42: {  	_ =	shalt  }
0x43: {  	_ =	shalt  }
0x44: {  	_ =	shalt  }
0x45: {  	_ =	shalt  }
0x46: {  	_ =	shalt  }
0x47: {  	_ =	shalt  }
0x48: {  	_ =	shalt  }
0x49: {  	_ =	shalt  }
0x4a: {  	_ =	shalt  }
0x4b: {  	_ =	shalt  }
0x4c: {  	_ =	shalt  }
0x4d: {  	_ =	shalt  }
0x4e: {  	_ =	shalt  }
0x4f: {  	_ =	shalt  }
0x50: {  	_ =	shalt  }
0x51: {  	_ =	shalt  }
0x52: {  	_ =	shalt  }
0x53: {  	_ =	shalt  }
0x54: {  	_ =	shalt  }
0x55: {  	_ =	shalt  }
0x56: {  	_ =	shalt  }
0x57: {  	_ =	shalt  }
0x58: {  	_ =	shalt  }
0x59: {  	_ =	shalt  }
0x5a: {  	_ =	shalt  }
0x5b: {  	_ =	shalt  }
0x5c: {  	_ =	shalt  }
0x5d: {  	_ =	shalt  }
0x5e: {  	_ =	shalt  }
0x5f: {  	_ =	shalt  }
0x60: {  	_ =	shalt  }
0x61: {  	_ =	shalt  }
0x62: {  	_ =	shalt  }
0x63: {  	_ =	shalt  }
0x64: {  	_ =	shalt  }
0x65: {  	_ =	shalt  }
0x66: {  	_ =	shalt  }
0x67: {  	_ =	shalt  }
0x68: {  	_ =	shalt  }
0x69: {  	_ =	shalt  }
0x6a: {  	_ =	shalt  }
0x6b: {  	_ =	shalt  }
0x6c: {  	_ =	shalt  }
0x6d: {  	_ =	shalt  }
0x6e: {  	_ =	shalt  }
0x6f: {  	_ =	shalt  }
0x70: {  	_ =	shalt  }
0x71: {  	_ =	shalt  }
0x72: {  	_ =	shalt  }
0x73: {  	_ =	shalt  }
0x74: {  	_ =	shalt  }
0x75: {  	_ =	shalt  }
0x76: {  	_ =	shalt  }
0x77: {  	_ =	shalt  }
0x78: {  	_ =	shalt  }
0x79: {  	_ =	shalt  }
0x7a: {  	_ =	shalt  }
0x7b: {  	_ =	shalt  }
0x7c: {  	_ =	shalt  }
0x7d: {  	_ =	shalt  }
0x7e: {  	_ =	shalt  }
0x7f: {  	_ =	shalt  }
0x80: {  	_ =	shalt  }
0x81: {  	_ =	shalt  }
0x82: {  	_ =	shalt  }
0x83: {  	_ =	shalt  }
0x84: {  	_ =	shalt  }
0x85: {  	_ =	shalt  }
0x86: {  	_ =	shalt  }
0x87: {  	_ =	shalt  }
.Lfunc_end0:
.L_simem_size_0:
called_computation.3_lowered:
.L_overlay_start_0:
0x88: {  	s2 =	sld [smem:$0x3FD9]  }
0x89: {  	s3 =	sld [smem:$0x3FFE];
	_ =	sdelay $0x1  }
0x8a: {  	s1 =	srdreg.scid  }
0x8b: {  	s0 =	sand.u32 $0x1, s1  }
0x8c: {  	s17 =	sshll.u32 s0, $0xA;
	s2 =	sadd.s32 s3, s2  }
0x8d: {  	s2 =	sadd.s32 s2, s17  }
0x8e: {  	[smem:$0x3FBD] =	sst s2  }
0x8f: {  	_ = 	snop  }
0x90: {  	s18 =	sld [smem:$0x3FD0];
	(tm) =	ssettm $0x1  }
0x91: {  	s19 =	sld [smem:$0x3FFB];
	_ =	sdelay $0x3  }
0x92: {  	_ =	strace s19  }
0x93: {  	s2 =	sld [smem:$0x3FFC];
	_ =	sdelay $0x3  }
0x94: {  	_ =	strace s2  }
0x95: {  	s2 =	sld [smem:$0x3FFD];
	_ =	sdelay $0x3  }
0x96: {  	_ =	strace s2  }
0x97: {  	_ =	strace $0x8FFFFFFF  }
0x98: {  	s20 =	sld [smem:$0x3FDB];
	_ =	sdelay $0x1  }
0x99: {  	s4 =	simm.s32 $_scs_section_size  }
0x9a: {  	s5 =	simm.s32 $_size__tile_overlayer_lowered;
	s6 =	simm.s32 $_tile_overlayer_lowered  }
0x9b: {  	s7 =	simm.s32 $0x1BFF;
	s21 =	sshll.u32 s6, $0x1;
	s4 =	sadd.s32 s4, s20  }
0x9c: {  	s22 =	simm.s32 $0x0;
	s5 =	sshll.u32 s5, $0x1;
	s6 =	sadd.s32 s21, s4  }
0x9d: {  	[timem:s22], [sflag:s7] =	dma.local [hbm:s6], s5  }
0x9e: {  	_ =	swait.ge [sflag:s7], s5  }
0x9f: {  	s5 =	ssub.s32 $0x0, s5;
	[sflag:s7] =	ssyncset.done $0x0  }
0xa0: {  	[sflag:s7] =	ssyncadd.s32 s5;
	_ =	sdelay $0x1  }
0xa1: {  	s23 =	simm.s32 $0x1B8B  }
0xa2: {  	_ =	swait.ge [sflag:s23], $0x1  }
0xa3: {  	[sflag:s23] =	ssyncset.done $0x0  }
0xa4: {  	[sflag:s23] =	ssyncadd.s32 $0xFFFFFFFF  }
0xa5: {  	s5 =	sld [smem:$0x0]  }
0xa6: {  	s6 =	sand.u32 $0xFFFFFFFE, s1  }
0xa7: {  	p0 =	sne.s32 s1, s6  }
0xa8: {  	s6 =	sshll.u32 @p0 s6, $0xE  }
0xa9: {  	s6 =	sadd.s32 @p0 $0x11B8D, s6;
	s7 =	sshll.u32 @p0 s5, $0x11  }
0xaa: {  	s6 =	sor.u32 @p0 s7, s6  }
0xab: {  	[sflag:s6] =	ssyncadd.remote.s32 @p0 $0x1;
	_ =	sdelay $0x1  }
0xac: {  	s6 =	simm.s32 @p0 $0x1B8D  }
0xad: {  	_ =	swait.eq @p0 [sflag:s6], $0x1  }
0xae: {  	[sflag:s6] =	ssyncadd.s32 @p0 $0xFFFFFFFF  }
0xaf: {  	s7 =	sshll.u32 @!p0 s1, $0xE  }
0xb0: {  	s7 =	sor.u32 @!p0 $0x4000, s7;
	s6 =	simm.s32 @!p0 $0x1B8D  }
0xb1: {  	s5 =	sshll.u32 @!p0 s5, $0x11;
	s7 =	sadd.s32 @!p0 $0x11B8D, s7;
	_ =	swait.eq @!p0 [sflag:s6], $0x1  }
0xb2: {  	s5 =	sor.u32 @!p0 s5, s7;
	[sflag:s6] =	ssyncadd.s32 @!p0 $0xFFFFFFFF  }
0xb3: {  	s25 =	simm.s32 $0x1B8E;
	s24 =	sld [smem:$0x3FFE];
	[sflag:s5] =	ssyncadd.remote.s32 @!p0 $0x1  }
0xb4: {  	s26 =	simm.s32 $execute0_lowered;
	[smem:$0x3FD2] =	sst s25  }
0xb5: {  	s6 =	sshll.u32 s26, $0x1;
	_ =	strace $0x80000052;
	[dreg:$0x1] =	wrdreg $0xFFFFFFFF  }
0xb6: {  	s28 =	simm.s32 $_size_execute0_lowered;
	s4 =	sadd.s32 s4, s6;
	[dreg:$0x0] =	wrdreg $0x0  }
0xb7: {  	s6 =	sshll.u32 s28, $0x1;
	[dreg:$0x2] =	wrdreg s4  }
0xb8: {  	[dreg:$0x3] =	wrdreg s6  }
0xb9: {  	[dreg:$0x4] =	wrdreg $0xC0  }
0xba: {  	_ =	task [dreg:s22], $0x5FFFF  }
0xbb: {  	[dreg:$0x1] =	wrdreg $0xFFFFFFFF  }
0xbc: {  	[dreg:$0x0] =	wrdreg $0x60  }
0xbd: {  	[dreg:$0x2] =	wrdreg s18  }
0xbe: {  	[dreg:$0x3] =	wrdreg s24  }
0xbf: {  	[dreg:$0x4] =	wrdreg $0xB9800  }
0xc0: {  	[dreg:$0x5] =	wrdreg $0x9  }
0xc1: {  	_ =	task.clear_ibuf [dreg:s22], $0x6FFFF;
	_ =	strace $0x90000052  }
0xc2: {  	s29 =	simm.s32 $0x9;
	_ =	strace $0x80000054  }
0xc3: {  	_ =	swait.ge [sflag:s29], $0x1  }
0xc4: {  	[sflag:s29] =	ssyncadd.s32 $0xFFFFFFFF  }
0xc5: {  	_ =	strace $0x90000054  }
0xc6: {  	_ =	sfence  }
0xc7: {  	s30 =	sld [smem:$0x0];
	_ =	sdelay $0x2  }
0xc8: {  	s31 =	sshll.u32 s1, $0xD;
	s1 =	sshrl.u32 s1, $0x2  }
0xc9: {  	s4 =	sand.u32 $0x4000, s31;
	s1 =	sadd.s32 s1, s30  }
0xca: {  	s0 =	sor.u32 s4, s0;
	s1 =	sshll.u32 s1, $0x11  }
0xcb: {  	s0 =	sor.u32 s1, s0  }
0xcc: {  	s0 =	sadd.s32 $0x8F2B, s0  }
0xcd: {  	[sflag:s0] =	ssyncadd.remote.s32 $0x1  }
0xce: {  	_ =	sfence.sel $0xFFFF  }
0xcf: {  	[dreg:$0x0] =	wrdreg $0xFFFFFFFF;
	(pc) =	sbr.abs _section_cstart, $3  }
0xd0: {  	[dreg:$0x1] =	wrdreg $0xFFFFFFFF  }
0xd1: {  	_ =	task.clear_ibuf [dreg:s22], $0x2FFFF;
	_ =	strace $0x9FFFFFFF  }
0xd2: {  	(tm) =	ssettm $0x7FFFFFFF  }
0xd3: {  	_ =	shalt  }
tec
execute0_lowered:
.L_overlay_start_1:
0x0: {  	(tag) =	ssettag $0x1  }
0x1: {  	s0 =	rddreg [dreg:$0x0]  }
0x2: {  	s2 =	rddreg [dreg:$0x1]  }
0x3: {  	s1 =	rddreg [dreg:$0x2];
	s3 =	simm.s32 $0x0  }
0x4: {  	s13 =	stileid.u32;
	s4 =	srdreg.scid;
	s11 =	simm.s32 $0x50  }
0x5: {  	s12 =	simm.s32 $0x4180;
	s14 =	simm.s32 $0x4080;
	s16 =	simm.s32 $0x6980  }
0x6: {  	s18 =	simm.s32 $0x4100;
	s20 =	simm.s32 $0x9180;
	s28 =	simm.s32 $0x2  }
0x7: {  	s29 =	simm.s32 $0x6;
	s30 =	simm.s32 $0x3;
	s31 =	simm.s32 $0x7  }
0x8: {  	s15 =	simm.s32 $0x0;
	[smem:$0x7FF] =	sst s3;
	s7 =	smul.u32 $0x2800, s13  }
0x9: {  	s5 =	sshll.u32 s13, $0xB;
	s4 =	sand.u32 $0x1, s4;
	s10 =	smul.u32 $0x50000, s13  }
0xa: {  	s26 =	sshll.u32 s13, $0x6;
	_ =	strace $0x80000053;
	s5 =	sadd.s32 s5, s2  }
0xb: {  	s6 =	smul.u32 $0x28000, s4;
	s4 =	ssub.s32 $0x2, s4;
	s21 =	sor.u32 $0x1C0A, s26  }
0xc: {  	s26 =	simm.s32 $0x5;
	s8 =	sadd.s32 s7, s2;
	s9 =	sshrl.u32 s4, $0x1  }
0xd: {  	s23 =	sadd.s32 $0x130000, s5;
	s5 =	sadd.s32 $0x138000, s5;
	s24 =	sshrl.u32 s10, $0x2  }
0xe: {  	s10 =	simm.s32 $0x4000;
	s2 =	sadd.s32 s6, s2;
	s4 =	ssub.s32 s4, s9  }
0xf: {  	[dreg:$0x4] =	wrdreg s23;
	s6 =	sadd.s32 s0, s6;
	s0 =	sadd.s32 s24, s1  }
0x10: {  	s8 =	sadd.s32 $0xF800, s8;
	s9 =	simm.s32 $0xA;
	s25 =	sadd.s32 $0x10, s5  }
0x11: {  	s17 =	sadd.s32 $0x20, s5;
	s23 =	simm.s32 $0x4;
	[dreg:$0x5] =	wrdreg s8  }
0x12: {  	s2 =	sadd.s32 $0x190000, s2;
	s4 =	smax.u32 s4, $0x1;
	[dreg:$0x7] =	wrdreg s25  }
0x13: {  	s22 =	sshrl.u32 s0, $0x3;
	s25 =	simm.s32 $0x1;
	s0 =	simm.s32 $0x8  }
0x14: {  	[dreg:$0x6] =	wrdreg s4;
	s24 =	sadd.s32 s7, s2;
	s2 =	simm.s32 $0x9  }
.LBB2_1:
0x15: {  	s4 =	rddreg [dreg:$0x4]  }
0x16: {  	[tilespmem:s3], [sflag:$0xA] =	stream.linear.gather [hbm4b:s4+s3], $0x3F00, $0x38;
	[tilespmem:$0x1F980] =	vst v63  }
0x17: {  	_ =	swait.ge [sflag:s9], $0x3F00  }
0x18: {  	[sflag:s9] =	ssyncset.done $0x0  }
0x19: {  	[sflag:s9] =	ssyncadd.s32 $0xFFFFC100  }
0x1a: {  	[tilespmem:s10], [sflag:$0x4] =	stream.linear.gather [hbm4b:s5+s3], $0x80, $0x38;
	[tilespmem:$0x1F980] =	vst v63  }
0x1b: {  	_ = 	snop  }
0x1c: {  	[tilespmem:s12], [sflag:$0x1] =	stream.indirect.gather [hbm4b:s6+s11], $0x80, s3, s11, $0xb8;
	[tilespmem:$0x1F980] =	vst v63  }
0x1d: {  	s8 =	rddreg [dreg:$0x7]  }
0x1e: {  	[tilespmem:s14], [sflag:$0x5] =	stream.linear.gather [hbm4b:s8+s3], $0x80, $0x38;
	[tilespmem:$0x1F980] =	vst v63  }
0x1f: {  	s13 =	simm.s32 $0x80  }
0x20: {  	[tilespmem:s16], [sflag:$0x2] =	stream.indirect.gather [hbm4b:s6+s11], $0x80, s13, s11, $0xb8;
	[tilespmem:$0x1F980] =	vst v63  }
0x21: {  	_ = 	snop  }
0x22: {  	[tilespmem:s18], [sflag:$0x6] =	stream.linear.gather [hbm4b:s17+s3], $0x80, $0x38;
	[tilespmem:$0x1F980] =	vst v63  }
0x23: {  	s19 =	simm.s32 $0x100;
	s7 =	rddreg [dreg:$0x5]  }
0x24: {  	[tilespmem:s20], [sflag:$0x3] =	stream.indirect.gather [hbm4b:s6+s11], $0x80, s19, s11, $0xb8;
	[tilespmem:$0x1F980] =	vst v63  }
0x25: {  	[spmem:s22], [sflag:s21] =	dma.local [hbm:s7], $0x2800  }
0x26: {  	_ =	swait.ge [sflag:s9], $0x2800  }
0x27: {  	[sflag:s9] =	ssyncset.done $0x0  }
0x28: {  	[sflag:s9] =	ssyncadd.s32 $0xFFFFD800  }
0x29: {  	[bflag:$0x0] =	sbarrier.arrive $0xFFFF  }
0x2a: {  	_ =	swait.ge [sflag:s23], $0x80  }
0x2b: {  	[sflag:s23] =	ssyncset.done $0x0  }
0x2c: {  	[sflag:s23] =	ssyncadd.s32 $0xFFFFFF80  }
0x2d: {  	_ =	swait.ge [sflag:s25], $0x2800  }
0x2e: {  	[sflag:s25] =	ssyncset.done $0x0  }
0x2f: {  	[sflag:s25] =	ssyncadd.s32 $0xFFFFD800  }
0x30: {  	[spmem:s1] =	stream.indirect.scatter.add.f32 [tilespmem:s12], [sflag:$0x7], $0x80, s10, s11, $0xb8;
	[tilespmem:$0x1F980] =	vst v63  }
0x31: {  	_ =	swait.ge [sflag:s26], $0x80  }
0x32: {  	[sflag:s26] =	ssyncset.done $0x0  }
0x33: {  	[sflag:s26] =	ssyncadd.s32 $0xFFFFFF80  }
0x34: {  	_ =	swait.ge [sflag:s28], $0x2800  }
0x35: {  	[sflag:s28] =	ssyncset.done $0x0  }
0x36: {  	[sflag:s28] =	ssyncadd.s32 $0xFFFFD800  }
0x37: {  	[spmem:s1] =	stream.indirect.scatter.add.f32 [tilespmem:s16], [sflag:$0x8], $0x80, s14, s11, $0xb8;
	[tilespmem:$0x1F980] =	vst v63  }
0x38: {  	_ =	swait.ge [sflag:s29], $0x80  }
0x39: {  	[sflag:s29] =	ssyncset.done $0x0  }
0x3a: {  	[sflag:s29] =	ssyncadd.s32 $0xFFFFFF80  }
0x3b: {  	_ =	swait.ge [sflag:s30], $0x2800  }
0x3c: {  	[sflag:s30] =	ssyncset.done $0x0  }
0x3d: {  	[sflag:s30] =	ssyncadd.s32 $0xFFFFD800  }
0x3e: {  	[spmem:s1] =	stream.indirect.scatter.add.f32 [tilespmem:s20], [sflag:$0x9], $0x80, s18, s11, $0xb8;
	[tilespmem:$0x1F980] =	vst v63  }
0x3f: {  	_ =	swait.ge [sflag:s31], $0x2800  }
0x40: {  	s4 =	sadd.s32 $0x0, s5;
	[sflag:s31] =	ssyncset.done $0x0  }
0x41: {  	s7 =	sadd.s32 $0x30, s4;
	[sflag:s31] =	ssyncadd.s32 $0xFFFFD800  }
0x42: {  	[tilespmem:s10], [sflag:$0x4] =	stream.linear.gather [hbm4b:s7+s3], $0x80, $0x38;
	[tilespmem:$0x1F980] =	vst v63  }
0x43: {  	s8 =	simm.s32 $0x180  }
0x44: {  	[tilespmem:s12], [sflag:$0x1] =	stream.indirect.gather [hbm4b:s6+s11], $0x80, s8, s11, $0xb8;
	[tilespmem:$0x1F980] =	vst v63  }
0x45: {  	_ =	swait.ge [sflag:s0], $0x2800  }
0x46: {  	[sflag:s0] =	ssyncset.done $0x0  }
0x47: {  	s13 =	sadd.s32 $0x40, s4;
	[sflag:s0] =	ssyncadd.s32 $0xFFFFD800  }
0x48: {  	[tilespmem:s14], [sflag:$0x5] =	stream.linear.gather [hbm4b:s13+s3], $0x80, $0x38;
	[tilespmem:$0x1F980] =	vst v63  }
0x49: {  	s19 =	simm.s32 $0x200  }
0x4a: {  	[tilespmem:s16], [sflag:$0x2] =	stream.indirect.gather [hbm4b:s6+s11], $0x80, s19, s11, $0xb8;
	[tilespmem:$0x1F980] =	vst v63  }
0x4b: {  	_ =	swait.ge [sflag:s2], $0x2800  }
0x4c: {  	[sflag:s2] =	ssyncset.done $0x0  }
0x4d: {  	s4 =	sadd.s32 $0x50, s4;
	[sflag:s2] =	ssyncadd.s32 $0xFFFFD800  }
0x4e: {  	[tilespmem:s18], [sflag:$0x6] =	stream.linear.gather [hbm4b:s4+s3], $0x80, $0x38;
	[tilespmem:$0x1F980] =	vst v63  }
0x4f: {  	s7 =	simm.s32 $0x400;
	s19 =	simm.s32 $0x280;
	s4 =	simm.s32 $0x30  }
.LBB2_2:
0x50: {  	[tilespmem:s20], [sflag:$0x3] =	stream.indirect.gather [hbm4b:s6+s11], $0x80, s19, s11, $0xb8;
	[tilespmem:$0x1F980] =	vst v63  }
0x51: {  	s8 =	smov.u32 s4;
	s19 =	smov.u32 s7  }
0x52: {  	p0 =	sne.s32 s4, $0x780;
	s4 =	sadd.s32 $0x30, s4;
	_ =	swait.ge [sflag:s23], $0x80  }
0x53: {  	[sflag:s23] =	ssyncset.done $0x0  }
0x54: {  	[sflag:s23] =	ssyncadd.s32 $0xFFFFFF80  }
0x55: {  	_ =	swait.ge [sflag:s25], $0x2800  }
0x56: {  	[sflag:s25] =	ssyncset.done $0x0  }
0x57: {  	[sflag:s25] =	ssyncadd.s32 $0xFFFFD800  }
0x58: {  	[spmem:s1] =	stream.indirect.scatter.add.f32 [tilespmem:s12], [sflag:$0x7], $0x80, s10, s11, $0xb8;
	[tilespmem:$0x1F980] =	vst v63  }
0x59: {  	_ =	swait.ge [sflag:s26], $0x80  }
0x5a: {  	[sflag:s26] =	ssyncset.done $0x0  }
0x5b: {  	[sflag:s26] =	ssyncadd.s32 $0xFFFFFF80  }
0x5c: {  	_ =	swait.ge [sflag:s28], $0x2800  }
0x5d: {  	[sflag:s28] =	ssyncset.done $0x0  }
0x5e: {  	[sflag:s28] =	ssyncadd.s32 $0xFFFFD800  }
0x5f: {  	[spmem:s1] =	stream.indirect.scatter.add.f32 [tilespmem:s16], [sflag:$0x8], $0x80, s14, s11, $0xb8;
	[tilespmem:$0x1F980] =	vst v63  }
0x60: {  	_ =	swait.ge [sflag:s29], $0x80  }
0x61: {  	[sflag:s29] =	ssyncset.done $0x0  }
0x62: {  	[sflag:s29] =	ssyncadd.s32 $0xFFFFFF80  }
0x63: {  	_ =	swait.ge [sflag:s30], $0x2800  }
0x64: {  	[sflag:s30] =	ssyncset.done $0x0  }
0x65: {  	[sflag:s30] =	ssyncadd.s32 $0xFFFFD800  }
0x66: {  	[spmem:s1] =	stream.indirect.scatter.add.f32 [tilespmem:s20], [sflag:$0x9], $0x80, s18, s11, $0xb8;
	[tilespmem:$0x1F980] =	vst v63  }
0x67: {  	_ =	swait.ge [sflag:s31], $0x2800  }
0x68: {  	s8 =	sadd.s32 s8, s5;
	[sflag:s31] =	ssyncset.done $0x0  }
0x69: {  	s13 =	sadd.s32 $0x30, s8;
	[sflag:s31] =	ssyncadd.s32 $0xFFFFD800  }
0x6a: {  	[tilespmem:s10], [sflag:$0x4] =	stream.linear.gather [hbm4b:s13+s3], $0x80, $0x38;
	[tilespmem:$0x1F980] =	vst v63  }
0x6b: {  	s13 =	sadd.s32 $0xFFFFFF00, s7  }
0x6c: {  	[tilespmem:s12], [sflag:$0x1] =	stream.indirect.gather [hbm4b:s6+s11], $0x80, s13, s11, $0xb8;
	[tilespmem:$0x1F980] =	vst v63  }
0x6d: {  	_ =	swait.ge [sflag:s0], $0x2800  }
0x6e: {  	[sflag:s0] =	ssyncset.done $0x0  }
0x6f: {  	s13 =	sadd.s32 $0x40, s8;
	[sflag:s0] =	ssyncadd.s32 $0xFFFFD800  }
0x70: {  	[tilespmem:s14], [sflag:$0x5] =	stream.linear.gather [hbm4b:s13+s3], $0x80, $0x38;
	[tilespmem:$0x1F980] =	vst v63  }
0x71: {  	s13 =	sadd.s32 $0xFFFFFF80, s7  }
0x72: {  	[tilespmem:s16], [sflag:$0x2] =	stream.indirect.gather [hbm4b:s6+s11], $0x80, s13, s11, $0xb8;
	[tilespmem:$0x1F980] =	vst v63  }
.Ltmp0:
0x73: {  	_ =	swait.ge [sflag:s2], $0x2800;
	(pc) =	sbr.rel @p0 .LBB2_2-.Ltmp0, $4  }
0x74: {  	[sflag:s2] =	ssyncset.done $0x0  }
0x75: {  	s8 =	sadd.s32 $0x50, s8;
	[sflag:s2] =	ssyncadd.s32 $0xFFFFD800  }
0x76: {  	[tilespmem:s18], [sflag:$0x6] =	stream.linear.gather [hbm4b:s8+s3], $0x80, $0x38;
	[tilespmem:$0x1F980] =	vst v63  }
0x77: {  	s7 =	sadd.s32 $0x180, s7  }
0x78: {  	[tilespmem:s20], [sflag:$0x3] =	stream.indirect.gather [hbm4b:s6+s11], $0x80, s19, s11, $0xb8;
	[tilespmem:$0x1F980] =	vst v63  }
0x79: {  	_ =	swait.ge [sflag:s23], $0x80  }
0x7a: {  	[sflag:s23] =	ssyncset.done $0x0  }
0x7b: {  	[sflag:s23] =	ssyncadd.s32 $0xFFFFFF80  }
0x7c: {  	_ =	swait.ge [sflag:s25], $0x2800  }
0x7d: {  	[sflag:s25] =	ssyncset.done $0x0  }
0x7e: {  	[sflag:s25] =	ssyncadd.s32 $0xFFFFD800  }
0x7f: {  	[spmem:s1] =	stream.indirect.scatter.add.f32 [tilespmem:s12], [sflag:$0x7], $0x80, s10, s11, $0xb8;
	[tilespmem:$0x1F980] =	vst v63  }
0x80: {  	_ =	swait.ge [sflag:s26], $0x80  }
0x81: {  	[sflag:s26] =	ssyncset.done $0x0  }
0x82: {  	[sflag:s26] =	ssyncadd.s32 $0xFFFFFF80  }
0x83: {  	_ =	swait.ge [sflag:s28], $0x2800  }
0x84: {  	[sflag:s28] =	ssyncset.done $0x0  }
0x85: {  	[sflag:s28] =	ssyncadd.s32 $0xFFFFD800  }
0x86: {  	[spmem:s1] =	stream.indirect.scatter.add.f32 [tilespmem:s16], [sflag:$0x8], $0x80, s14, s11, $0xb8;
	[tilespmem:$0x1F980] =	vst v63  }
0x87: {  	_ =	swait.ge [sflag:s29], $0x80  }
0x88: {  	[sflag:s29] =	ssyncset.done $0x0  }
0x89: {  	[sflag:s29] =	ssyncadd.s32 $0xFFFFFF80  }
0x8a: {  	_ =	swait.ge [sflag:s30], $0x2800  }
0x8b: {  	[sflag:s30] =	ssyncset.done $0x0  }
0x8c: {  	[sflag:s30] =	ssyncadd.s32 $0xFFFFD800  }
0x8d: {  	[spmem:s1] =	stream.indirect.scatter.add.f32 [tilespmem:s20], [sflag:$0x9], $0x80, s18, s11, $0xb8;
	[tilespmem:$0x1F980] =	vst v63  }
0x8e: {  	_ =	swait.ge [sflag:s31], $0x2800  }
0x8f: {  	[sflag:s31] =	ssyncset.done $0x0  }
0x90: {  	[sflag:s31] =	ssyncadd.s32 $0xFFFFD800  }
0x91: {  	_ =	swait.ge [sflag:s0], $0x2800  }
0x92: {  	[sflag:s0] =	ssyncset.done $0x0  }
0x93: {  	[sflag:s0] =	ssyncadd.s32 $0xFFFFD800  }
0x94: {  	_ =	swait.ge [sflag:s2], $0x2800  }
0x95: {  	[sflag:s2] =	ssyncset.done $0x0  }
0x96: {  	[sflag:s2] =	ssyncadd.s32 $0xFFFFD800  }
0x97: {  	[bflag:$0x0] =	sbarrier.arrive $0xFFFF  }
0x98: {  	[hbm:s24], [sflag:s21] =	dma.local [spmem:s22], $0x2800  }
0x99: {  	_ =	swait.ge [sflag:s9], $0x2800  }
0x9a: {  	s15 =	sadd.s32 $0x1, s15;
	s4 =	rddreg [dreg:$0x6]  }
0x9b: {  	p0 =	sne.s32 s15, s4  }
.Ltmp1:
0x9c: {  	_ = 	snop;
	(pc) =	sbr.rel @p0 .LBB2_1-.Ltmp1, $3  }
0x9d: {  	_ =	sdelay $0x1  }
0x9e: {  	[sflag:s9] =	ssyncset.done $0x0  }
0x9f: {  	[sflag:s9] =	ssyncadd.s32 $0xFFFFD800  }
0xa0: {  	_ =	sfence.sel $0x180000  }
0xa1: {  	[bflag:$0x0] =	sbarrier.arrive $0xFFFF  }
0xa2: {  	_ =	strace $0x90000053  }
0xa3: {  	s0 =	stileid.u32;
	[bflag:$0x2] =	sbarrier.arrive $0xFFFF  }
0xa4: {  	p0 =	sne.s32 s0, $0x0;
	s0 =	rddreg [dreg:$0x3]  }
0xa5: {  	s0 =	sadd.s32 @!p0 $0x100000, s0  }
0xa6: {  	[sflag:s0] =	ssyncadd.tile.s32 @!p0 $0x1;
	_ =	shalt  }
.Lfunc_end2:
_tile_overlayer_lowered:
.L_overlay_start_2:
0xa7: {  	(tag) =	ssettag $0x2  }
0xa8: {  	s0 =	rddreg [dreg:$0x0];
	s2 =	stileid.u32  }
0xa9: {  	s1 =	rddreg [dreg:$0x1];
	p0 =	sne.s32 s2, $0x0  }
0xaa: {  	s3 =	rddreg [dreg:$0x2];
	[bflag:$0x3] =	sbarrier.arrive $0xFFFF;
	s2 =	simm.s32 @!p0 $0x1C0A  }
0xab: {  	[timem:s3], [sflag:s2] =	dma.local @!p0 [hbm:s0], s1  }
0xac: {  	s0 =	simm.s32 @!p0 $0xA  }
0xad: {  	_ =	swait.ge @!p0 [sflag:s0], s1  }
0xae: {  	s1 =	ssub.s32 @!p0 $0x0, s1;
	[sflag:s0] =	ssyncset.done @!p0 $0x0  }
0xaf: {  	[sflag:s0] =	ssyncadd.s32 @!p0 s1  }
0xb0: {  	[bflag:$0x3] =	sbarrier.arrive $0xFFFF  }
0xb1: {  	_ =	shalt  }

// kernel: kernel.28.cloned.1.call-start
scs
__scs_entry_jumppad:
0x0: {  	(pc) =	sbr.rel $0x88, $3  }
0x1: {  	(tag) =	ssettag $0x0;
	lr =	simm.s32 $0x1  }
0x2: {  	[smem:$0x3F96] =	sst lr;
	_ =	strace $0xD0000000  }
0x3: {  	_ = 	snop  }
0x4: {  	_ = 	snop  }
0x5: {  	_ = 	snop  }
0x6: {  	_ = 	snop  }
0x7: {  	_ = 	snop  }
__scs_overlays_trampoline_lowered:
0x8: {  	[smem:$0x3FA5] =	sst s0  }
0x9: {  	[smem:$0x3FA6] =	sst s1  }
0xa: {  	[smem:$0x3FA7] =	sst s2  }
0xb: {  	[smem:$0x3FA8] =	sst s3  }
0xc: {  	[smem:$0x3FA9] =	sst s4  }
0xd: {  	[smem:$0x3FAA] =	sst s5  }
0xe: {  	[smem:$0x3FAB] =	sst s6  }
0xf: {  	[smem:$0x3FAC] =	sst s7  }
0x10: {  	[smem:$0x3FAD] =	sst s8  }
0x11: {  	[smem:$0x3FAE] =	sst s9;
	s0 =	simm.s32 @!p0 $0x0  }
0x12: {  	s1 =	sld [smem:$0x3F94];
	s0 =	simm.s32 @p0 $0x1  }
0x13: {  	[smem:$0x3FAF] =	sst s0;
	s0 =	simm.s32 @!p1 $0x0  }
0x14: {  	s2 =	sld [smem:$0x3F93];
	s0 =	simm.s32 @p1 $0x1  }
0x15: {  	[smem:$0x3FB0] =	sst s0;
	s0 =	simm.s32 @!p2 $0x0  }
0x16: {  	s3 =	sld [smem:$0x3FDB];
	s0 =	simm.s32 @p2 $0x1  }
0x17: {  	s4 =	simm.s32 $0x1BF5;
	[smem:$0x3FB2] =	sst s0  }
0x18: {  	s0 =	sld [smem:$0x3F95];
	_ =	swait.ge [sflag:s4], $0x0  }
0x19: {  	s7 =	sld [smem:$0x3F96]  }
0x1a: {  	s8 =	sadd.s32 $0xFFFFE003, lr  }
0x1b: {  	s9 =	sadd.s32 $0xFFFFFEF7, lr;
	s5 =	simm.s32 $0xFFFFFFFF;
	p2 =	slt.u32 s8, $0xFFFFF086  }
0x1c: {  	p1 =	slt.u32 s9, $0xF7A;
	s5 =	simm.s32 @!p2 $0x0  }
0x1d: {  	s5 =	simm.s32 @p1 $0x1;
	p0 =	seq.s32 s7, s2  }
0x1e: {  	s7 =	smul.u32 @!p0 $0xF7A, s2;
	p2 =	seq.s32 @!p0 s5, $0x0  }
0x1f: {  	s9 =	smul.u32 $0xF7A, s1;
	s8 =	simm.s32 @!p0 $0x1BF5;
	p2 =	por !p2, p0  }
0x20: {  	[sflag:s8] =	ssyncset.s32 @!p0 $0xFFFFF086;
	s6 =	sadd.s32 @!p0 s3, s7;
	s7 =	simm.s32 @!p0 $0x108  }
0x21: {  	s3 =	sadd.s32 s3, s9;
	s6 =	sadd.s32 @!p0 $0x88, s6;
	s7 =	simm.s32 @p2 $0x1082  }
0x22: {  	[simem:s7], [sflag:s8] =	dma.local @!p0 [hbm:s6], $0xF7A  }
0x23: {  	s9 =	sor.u32 $0xD0000000, s2;
	s6 =	simm.s32 $0x108;
	_ =	swait.ge @!p0 [sflag:s8], $0x0  }
0x24: {  	s3 =	sadd.s32 $0x88, s3;
	s6 =	simm.s32 @!p1 $0x1082;
	[sflag:s4] =	ssyncset.s32 $0xFFFFF086  }
0x25: {  	[simem:s6], [sflag:s4] =	dma.local [hbm:s3], $0xF7A  }
0x26: {  	[smem:$0x3F96] =	sst s1;
	(tag) =	ssettag s2;
	_ =	strace s9  }
0x27: {  	s1 =	sld [smem:$0x3FA6]  }
0x28: {  	s2 =	sld [smem:$0x3FA7]  }
0x29: {  	s4 =	sld [smem:$0x3FA9]  }
0x2a: {  	p0 =	seq.s32 s5, $0x0;
	s5 =	sld [smem:$0x3FAA]  }
0x2b: {  	s6 =	sld [smem:$0x3FAB]  }
0x2c: {  	s7 =	sld [smem:$0x3FAC]  }
0x2d: {  	s3 =	simm.s32 $0x108;
	s8 =	sld [smem:$0x3FAD]  }
0x2e: {  	s3 =	simm.s32 @!p0 $0x1082;
	s9 =	sld [smem:$0x3FAE]  }
0x2f: {  	lr =	sadd.s32 s0, s3;
	s0 =	sld [smem:$0x3FA5]  }
0x30: {  	s3 =	sld [smem:$0x3FA8]  }
0x31: {  	[smem:$0x3FB1] =	sst s10  }
0x32: {  	s10 =	sld [smem:$0x3FAF];
	_ =	sdelay $0x3  }
0x33: {  	p0 =	seq.s32 s10, $0x1;
	s10 =	sld [smem:$0x3FB1];
	_ =	sdelay $0x3  }
0x34: {  	[smem:$0x3FB1] =	sst s10  }
0x35: {  	s10 =	sld [smem:$0x3FB0];
	_ =	sdelay $0x3  }
0x36: {  	p1 =	seq.s32 s10, $0x1;
	s10 =	sld [smem:$0x3FB1];
	_ =	sdelay $0x3  }
0x37: {  	[smem:$0x3FB1] =	sst s10  }
0x38: {  	s10 =	sld [smem:$0x3FB2]  }
0x39: {  	_ = 	snop;
	(pc) =	sbr.ind lr, $3  }
0x3a: {  	_ = 	snop  }
0x3b: {  	_ = 	snop  }
0x3c: {  	p2 =	seq.s32 s10, $0x1;
	s10 =	sld [smem:$0x3FB1]  }
0x3d: {  	_ =	shalt  }
0x3e: {  	_ =	shalt  }
0x3f: {  	_ =	shalt  }
0x40: {  	_ =	shalt  }
0x41: {  	_ =	shalt  }
0x42: {  	_ =	shalt  }
0x43: {  	_ =	shalt  }
0x44: {  	_ =	shalt  }
0x45: {  	_ =	shalt  }
0x46: {  	_ =	shalt  }
0x47: {  	_ =	shalt  }
0x48: {  	_ =	shalt  }
0x49: {  	_ =	shalt  }
0x4a: {  	_ =	shalt  }
0x4b: {  	_ =	shalt  }
0x4c: {  	_ =	shalt  }
0x4d: {  	_ =	shalt  }
0x4e: {  	_ =	shalt  }
0x4f: {  	_ =	shalt  }
0x50: {  	_ =	shalt  }
0x51: {  	_ =	shalt  }
0x52: {  	_ =	shalt  }
0x53: {  	_ =	shalt  }
0x54: {  	_ =	shalt  }
0x55: {  	_ =	shalt  }
0x56: {  	_ =	shalt  }
0x57: {  	_ =	shalt  }
0x58: {  	_ =	shalt  }
0x59: {  	_ =	shalt  }
0x5a: {  	_ =	shalt  }
0x5b: {  	_ =	shalt  }
0x5c: {  	_ =	shalt  }
0x5d: {  	_ =	shalt  }
0x5e: {  	_ =	shalt  }
0x5f: {  	_ =	shalt  }
0x60: {  	_ =	shalt  }
0x61: {  	_ =	shalt  }
0x62: {  	_ =	shalt  }
0x63: {  	_ =	shalt  }
0x64: {  	_ =	shalt  }
0x65: {  	_ =	shalt  }
0x66: {  	_ =	shalt  }
0x67: {  	_ =	shalt  }
0x68: {  	_ =	shalt  }
0x69: {  	_ =	shalt  }
0x6a: {  	_ =	shalt  }
0x6b: {  	_ =	shalt  }
0x6c: {  	_ =	shalt  }
0x6d: {  	_ =	shalt  }
0x6e: {  	_ =	shalt  }
0x6f: {  	_ =	shalt  }
0x70: {  	_ =	shalt  }
0x71: {  	_ =	shalt  }
0x72: {  	_ =	shalt  }
0x73: {  	_ =	shalt  }
0x74: {  	_ =	shalt  }
0x75: {  	_ =	shalt  }
0x76: {  	_ =	shalt  }
0x77: {  	_ =	shalt  }
0x78: {  	_ =	shalt  }
0x79: {  	_ =	shalt  }
0x7a: {  	_ =	shalt  }
0x7b: {  	_ =	shalt  }
0x7c: {  	_ =	shalt  }
0x7d: {  	_ =	shalt  }
0x7e: {  	_ =	shalt  }
0x7f: {  	_ =	shalt  }
0x80: {  	_ =	shalt  }
0x81: {  	_ =	shalt  }
0x82: {  	_ =	shalt  }
0x83: {  	_ =	shalt  }
0x84: {  	_ =	shalt  }
0x85: {  	_ =	shalt  }
0x86: {  	_ =	shalt  }
0x87: {  	_ =	shalt  }
.Lfunc_end0:
.L_simem_size_0:
called_computation.4_lowered:
.L_overlay_start_0:
0x88: {  	s2 =	sld [smem:$0x3FD9]  }
0x89: {  	s3 =	sld [smem:$0x3FFE];
	_ =	sdelay $0x1  }
0x8a: {  	s1 =	srdreg.scid  }
0x8b: {  	s0 =	sand.u32 $0x1, s1  }
0x8c: {  	s17 =	sshll.u32 s0, $0xA;
	s2 =	sadd.s32 s3, s2  }
0x8d: {  	s2 =	sadd.s32 s2, s17  }
0x8e: {  	[smem:$0x3FBD] =	sst s2  }
0x8f: {  	_ = 	snop  }
0x90: {  	(tm) =	ssettm $0x1  }
0x91: {  	s18 =	sld [smem:$0x3FFB];
	_ =	sdelay $0x3  }
0x92: {  	_ =	strace s18  }
0x93: {  	s2 =	sld [smem:$0x3FFC];
	_ =	sdelay $0x3  }
0x94: {  	_ =	strace s2  }
0x95: {  	s2 =	sld [smem:$0x3FFD];
	_ =	sdelay $0x3  }
0x96: {  	_ =	strace s2  }
0x97: {  	_ =	strace $0x8FFFFFFF  }
0x98: {  	s19 =	sld [smem:$0x3FDB];
	_ =	sdelay $0x1  }
0x99: {  	s20 =	simm.s32 $_scs_section_size  }
0x9a: {  	s4 =	simm.s32 $_size__tile_overlayer_lowered;
	s5 =	simm.s32 $_tile_overlayer_lowered  }
0x9b: {  	s6 =	simm.s32 $0x1BFF;
	s21 =	sshll.u32 s5, $0x1;
	s3 =	sadd.s32 s20, s19  }
0x9c: {  	s22 =	simm.s32 $0x0;
	s4 =	sshll.u32 s4, $0x1;
	s5 =	sadd.s32 s21, s3  }
0x9d: {  	[timem:s22], [sflag:s6] =	dma.local [hbm:s5], s4  }
0x9e: {  	_ =	swait.ge [sflag:s6], s4  }
0x9f: {  	s4 =	ssub.s32 $0x0, s4;
	[sflag:s6] =	ssyncset.done $0x0  }
0xa0: {  	[sflag:s6] =	ssyncadd.s32 s4;
	_ =	sdelay $0x1  }
0xa1: {  	s23 =	simm.s32 $0x1B8B  }
0xa2: {  	_ =	swait.ge [sflag:s23], $0x1  }
0xa3: {  	[sflag:s23] =	ssyncset.done $0x0  }
0xa4: {  	[sflag:s23] =	ssyncadd.s32 $0xFFFFFFFF  }
0xa5: {  	s4 =	sld [smem:$0x0]  }
0xa6: {  	s5 =	sand.u32 $0xFFFFFFFE, s1  }
0xa7: {  	p0 =	sne.s32 s1, s5  }
0xa8: {  	s5 =	sshll.u32 @p0 s5, $0xE  }
0xa9: {  	s5 =	sadd.s32 @p0 $0x11B8D, s5;
	s6 =	sshll.u32 @p0 s4, $0x11  }
0xaa: {  	s5 =	sor.u32 @p0 s6, s5  }
0xab: {  	[sflag:s5] =	ssyncadd.remote.s32 @p0 $0x1;
	_ =	sdelay $0x1  }
0xac: {  	s5 =	simm.s32 @p0 $0x1B8D  }
0xad: {  	_ =	swait.eq @p0 [sflag:s5], $0x1  }
0xae: {  	[sflag:s5] =	ssyncadd.s32 @p0 $0xFFFFFFFF  }
0xaf: {  	s6 =	sshll.u32 @!p0 s1, $0xE  }
0xb0: {  	s6 =	sor.u32 @!p0 $0x4000, s6;
	s5 =	simm.s32 @!p0 $0x1B8D  }
0xb1: {  	s4 =	sshll.u32 @!p0 s4, $0x11;
	s6 =	sadd.s32 @!p0 $0x11B8D, s6;
	_ =	swait.eq @!p0 [sflag:s5], $0x1  }
0xb2: {  	s4 =	sor.u32 @!p0 s4, s6;
	[sflag:s5] =	ssyncadd.s32 @!p0 $0xFFFFFFFF  }
0xb3: {  	s25 =	simm.s32 $0x1B8E;
	s24 =	sld [smem:$0x3FFE];
	[sflag:s4] =	ssyncadd.remote.s32 @!p0 $0x1  }
0xb4: {  	s26 =	simm.s32 $execute0_lowered;
	[smem:$0x3FD2] =	sst s25  }
0xb5: {  	s5 =	sshll.u32 s26, $0x1;
	_ =	strace $0x8000004F;
	[dreg:$0x1] =	wrdreg $0xFFFFFFFF  }
0xb6: {  	s28 =	simm.s32 $_size_execute0_lowered;
	s3 =	sadd.s32 s3, s5;
	[dreg:$0x0] =	wrdreg $0x0  }
0xb7: {  	s5 =	sshll.u32 s28, $0x1;
	[dreg:$0x2] =	wrdreg s3  }
0xb8: {  	[dreg:$0x3] =	wrdreg s5  }
0xb9: {  	[dreg:$0x4] =	wrdreg $0xC0  }
0xba: {  	_ =	task [dreg:s22], $0x5FFFF  }
0xbb: {  	[dreg:$0x1] =	wrdreg $0xFFFFFFFF  }
0xbc: {  	[dreg:$0x0] =	wrdreg $0x60  }
0xbd: {  	[dreg:$0x2] =	wrdreg s24  }
0xbe: {  	[dreg:$0x3] =	wrdreg $0xB9800  }
0xbf: {  	[dreg:$0x4] =	wrdreg $0xA  }
0xc0: {  	_ =	task.clear_ibuf [dreg:s22], $0x5FFFF;
	_ =	strace $0x9000004F  }
0xc1: {  	s29 =	simm.s32 $0xA;
	_ =	strace $0x80000051  }
0xc2: {  	_ =	swait.ge [sflag:s29], $0x1  }
0xc3: {  	[sflag:s29] =	ssyncadd.s32 $0xFFFFFFFF  }
0xc4: {  	_ =	strace $0x90000051  }
0xc5: {  	_ =	sfence  }
0xc6: {  	s30 =	sld [smem:$0x0];
	_ =	sdelay $0x2  }
0xc7: {  	s31 =	sshll.u32 s1, $0xD;
	s1 =	sshrl.u32 s1, $0x2  }
0xc8: {  	s4 =	sand.u32 $0x4000, s31;
	s1 =	sadd.s32 s1, s30  }
0xc9: {  	s0 =	sor.u32 s4, s0;
	s1 =	sshll.u32 s1, $0x11  }
0xca: {  	s0 =	sor.u32 s1, s0  }
0xcb: {  	s0 =	sadd.s32 $0x8F2B, s0  }
0xcc: {  	[sflag:s0] =	ssyncadd.remote.s32 $0x1  }
0xcd: {  	_ =	sfence.sel $0xFFFF  }
0xce: {  	[dreg:$0x0] =	wrdreg $0xFFFFFFFF;
	(pc) =	sbr.abs _section_cstart, $3  }
0xcf: {  	[dreg:$0x1] =	wrdreg $0xFFFFFFFF  }
0xd0: {  	_ =	task.clear_ibuf [dreg:s22], $0x2FFFF;
	_ =	strace $0x9FFFFFFF  }
0xd1: {  	(tm) =	ssettm $0x7FFFFFFF  }
tec
execute0_lowered:
.L_overlay_start_1:
0x0: {  	(tag) =	ssettag $0x1  }
0x1: {  	s0 =	rddreg [dreg:$0x0]  }
0x2: {  	s1 =	rddreg [dreg:$0x1];
	s3 =	simm.s32 $0x0  }
0x3: {  	s13 =	stileid.u32;
	s2 =	srdreg.scid;
	s10 =	simm.s32 $0x4000  }
0x4: {  	s11 =	simm.s32 $0x50;
	s12 =	simm.s32 $0x4180;
	s14 =	simm.s32 $0x4080  }
0x5: {  	s16 =	simm.s32 $0x6980;
	s18 =	simm.s32 $0x4100;
	s20 =	simm.s32 $0x9180  }
0x6: {  	s28 =	simm.s32 $0x2;
	s29 =	simm.s32 $0x6;
	s30 =	simm.s32 $0x3  }
0x7: {  	s31 =	simm.s32 $0x7;
	s15 =	simm.s32 $0x0;
	[smem:$0x7FF] =	sst s3  }
0x8: {  	s4 =	sshll.u32 s13, $0xB;
	s7 =	smul.u32 $0x2800, s13;
	s2 =	sand.u32 $0x1, s2  }
0x9: {  	s9 =	smul.u32 $0x50000, s13;
	s26 =	sshll.u32 s13, $0x6;
	_ =	strace $0x80000050  }
0xa: {  	s4 =	sadd.s32 s4, s0;
	s5 =	smul.u32 $0x28000, s2;
	s2 =	ssub.s32 $0x2, s2  }
0xb: {  	s21 =	sor.u32 $0x1C0A, s26;
	s26 =	simm.s32 $0x5;
	s8 =	sadd.s32 s7, s0  }
0xc: {  	s6 =	sshrl.u32 s2, $0x1;
	s23 =	sadd.s32 $0x130000, s4;
	s24 =	sshrl.u32 s9, $0x2  }
0xd: {  	s9 =	simm.s32 $0xA;
	s0 =	sadd.s32 s5, s0;
	s2 =	ssub.s32 s2, s6  }
0xe: {  	[dreg:$0x3] =	wrdreg s23;
	s5 =	sadd.s32 $0x138000, s4;
	s4 =	sadd.s32 s24, s1  }
0xf: {  	s8 =	sadd.s32 $0xF800, s8;
	s23 =	simm.s32 $0x4;
	s6 =	sadd.s32 $0x37800, s0  }
0x10: {  	[dreg:$0x4] =	wrdreg s8;
	s0 =	sadd.s32 $0x140000, s0;
	s2 =	smax.u32 s2, $0x1  }
0x11: {  	s25 =	sadd.s32 $0x10, s5;
	s17 =	sadd.s32 $0x20, s5;
	[dreg:$0x5] =	wrdreg s2  }
0x12: {  	s22 =	sshrl.u32 s4, $0x3;
	[dreg:$0x6] =	wrdreg s25;
	s24 =	sadd.s32 s7, s0  }
0x13: {  	s25 =	simm.s32 $0x1;
	s0 =	simm.s32 $0x8;
	s2 =	simm.s32 $0x9  }
.LBB2_1:
0x14: {  	s4 =	rddreg [dreg:$0x3]  }
0x15: {  	[tilespmem:s3], [sflag:$0xA] =	stream.linear.gather [hbm4b:s4+s3], $0x3F00, $0x38;
	[tilespmem:$0x1F980] =	vst v63  }
0x16: {  	_ =	swait.ge [sflag:s9], $0x3F00  }
0x17: {  	[sflag:s9] =	ssyncset.done $0x0  }
0x18: {  	[sflag:s9] =	ssyncadd.s32 $0xFFFFC100  }
0x19: {  	[tilespmem:s10], [sflag:$0x4] =	stream.linear.gather [hbm4b:s5+s3], $0x80, $0x38;
	[tilespmem:$0x1F980] =	vst v63  }
0x1a: {  	_ = 	snop  }
0x1b: {  	[tilespmem:s12], [sflag:$0x1] =	stream.indirect.gather [hbm4b:s6+s11], $0x80, s3, s11, $0xb8;
	[tilespmem:$0x1F980] =	vst v63  }
0x1c: {  	s8 =	rddreg [dreg:$0x6]  }
0x1d: {  	[tilespmem:s14], [sflag:$0x5] =	stream.linear.gather [hbm4b:s8+s3], $0x80, $0x38;
	[tilespmem:$0x1F980] =	vst v63  }
0x1e: {  	s13 =	simm.s32 $0x80  }
0x1f: {  	[tilespmem:s16], [sflag:$0x2] =	stream.indirect.gather [hbm4b:s6+s11], $0x80, s13, s11, $0xb8;
	[tilespmem:$0x1F980] =	vst v63  }
0x20: {  	_ = 	snop  }
0x21: {  	[tilespmem:s18], [sflag:$0x6] =	stream.linear.gather [hbm4b:s17+s3], $0x80, $0x38;
	[tilespmem:$0x1F980] =	vst v63  }
0x22: {  	s19 =	simm.s32 $0x100;
	s7 =	rddreg [dreg:$0x4]  }
0x23: {  	[tilespmem:s20], [sflag:$0x3] =	stream.indirect.gather [hbm4b:s6+s11], $0x80, s19, s11, $0xb8;
	[tilespmem:$0x1F980] =	vst v63  }
0x24: {  	[spmem:s22], [sflag:s21] =	dma.local [hbm:s7], $0x2800  }
0x25: {  	_ =	swait.ge [sflag:s9], $0x2800  }
0x26: {  	[sflag:s9] =	ssyncset.done $0x0  }
0x27: {  	[sflag:s9] =	ssyncadd.s32 $0xFFFFD800  }
0x28: {  	[bflag:$0x0] =	sbarrier.arrive $0xFFFF  }
0x29: {  	_ =	swait.ge [sflag:s23], $0x80  }
0x2a: {  	[sflag:s23] =	ssyncset.done $0x0  }
0x2b: {  	[sflag:s23] =	ssyncadd.s32 $0xFFFFFF80  }
0x2c: {  	_ =	swait.ge [sflag:s25], $0x2800  }
0x2d: {  	[sflag:s25] =	ssyncset.done $0x0  }
0x2e: {  	[sflag:s25] =	ssyncadd.s32 $0xFFFFD800  }
0x2f: {  	[spmem:s1] =	stream.indirect.scatter.add.f32 [tilespmem:s12], [sflag:$0x7], $0x80, s10, s11, $0xb8;
	[tilespmem:$0x1F980] =	vst v63  }
0x30: {  	_ =	swait.ge [sflag:s26], $0x80  }
0x31: {  	[sflag:s26] =	ssyncset.done $0x0  }
0x32: {  	[sflag:s26] =	ssyncadd.s32 $0xFFFFFF80  }
0x33: {  	_ =	swait.ge [sflag:s28], $0x2800  }
0x34: {  	[sflag:s28] =	ssyncset.done $0x0  }
0x35: {  	[sflag:s28] =	ssyncadd.s32 $0xFFFFD800  }
0x36: {  	[spmem:s1] =	stream.indirect.scatter.add.f32 [tilespmem:s16], [sflag:$0x8], $0x80, s14, s11, $0xb8;
	[tilespmem:$0x1F980] =	vst v63  }
0x37: {  	_ =	swait.ge [sflag:s29], $0x80  }
0x38: {  	[sflag:s29] =	ssyncset.done $0x0  }
0x39: {  	[sflag:s29] =	ssyncadd.s32 $0xFFFFFF80  }
0x3a: {  	_ =	swait.ge [sflag:s30], $0x2800  }
0x3b: {  	[sflag:s30] =	ssyncset.done $0x0  }
0x3c: {  	[sflag:s30] =	ssyncadd.s32 $0xFFFFD800  }
0x3d: {  	[spmem:s1] =	stream.indirect.scatter.add.f32 [tilespmem:s20], [sflag:$0x9], $0x80, s18, s11, $0xb8;
	[tilespmem:$0x1F980] =	vst v63  }
0x3e: {  	_ =	swait.ge [sflag:s31], $0x2800  }
0x3f: {  	s4 =	sadd.s32 $0x0, s5;
	[sflag:s31] =	ssyncset.done $0x0  }
0x40: {  	s7 =	sadd.s32 $0x30, s4;
	[sflag:s31] =	ssyncadd.s32 $0xFFFFD800  }
0x41: {  	[tilespmem:s10], [sflag:$0x4] =	stream.linear.gather [hbm4b:s7+s3], $0x80, $0x38;
	[tilespmem:$0x1F980] =	vst v63  }
0x42: {  	s8 =	simm.s32 $0x180  }
0x43: {  	[tilespmem:s12], [sflag:$0x1] =	stream.indirect.gather [hbm4b:s6+s11], $0x80, s8, s11, $0xb8;
	[tilespmem:$0x1F980] =	vst v63  }
0x44: {  	_ =	swait.ge [sflag:s0], $0x2800  }
0x45: {  	[sflag:s0] =	ssyncset.done $0x0  }
0x46: {  	s13 =	sadd.s32 $0x40, s4;
	[sflag:s0] =	ssyncadd.s32 $0xFFFFD800  }
0x47: {  	[tilespmem:s14], [sflag:$0x5] =	stream.linear.gather [hbm4b:s13+s3], $0x80, $0x38;
	[tilespmem:$0x1F980] =	vst v63  }
0x48: {  	s19 =	simm.s32 $0x200  }
0x49: {  	[tilespmem:s16], [sflag:$0x2] =	stream.indirect.gather [hbm4b:s6+s11], $0x80, s19, s11, $0xb8;
	[tilespmem:$0x1F980] =	vst v63  }
0x4a: {  	_ =	swait.ge [sflag:s2], $0x2800  }
0x4b: {  	[sflag:s2] =	ssyncset.done $0x0  }
0x4c: {  	s4 =	sadd.s32 $0x50, s4;
	[sflag:s2] =	ssyncadd.s32 $0xFFFFD800  }
0x4d: {  	[tilespmem:s18], [sflag:$0x6] =	stream.linear.gather [hbm4b:s4+s3], $0x80, $0x38;
	[tilespmem:$0x1F980] =	vst v63  }
0x4e: {  	s7 =	simm.s32 $0x400;
	s19 =	simm.s32 $0x280;
	s4 =	simm.s32 $0x30  }
.LBB2_2:
0x4f: {  	[tilespmem:s20], [sflag:$0x3] =	stream.indirect.gather [hbm4b:s6+s11], $0x80, s19, s11, $0xb8;
	[tilespmem:$0x1F980] =	vst v63  }
0x50: {  	s8 =	smov.u32 s4;
	s19 =	smov.u32 s7  }
0x51: {  	p0 =	sne.s32 s4, $0x780;
	s4 =	sadd.s32 $0x30, s4;
	_ =	swait.ge [sflag:s23], $0x80  }
0x52: {  	[sflag:s23] =	ssyncset.done $0x0  }
0x53: {  	[sflag:s23] =	ssyncadd.s32 $0xFFFFFF80  }
0x54: {  	_ =	swait.ge [sflag:s25], $0x2800  }
0x55: {  	[sflag:s25] =	ssyncset.done $0x0  }
0x56: {  	[sflag:s25] =	ssyncadd.s32 $0xFFFFD800  }
0x57: {  	[spmem:s1] =	stream.indirect.scatter.add.f32 [tilespmem:s12], [sflag:$0x7], $0x80, s10, s11, $0xb8;
	[tilespmem:$0x1F980] =	vst v63  }
0x58: {  	_ =	swait.ge [sflag:s26], $0x80  }
0x59: {  	[sflag:s26] =	ssyncset.done $0x0  }
0x5a: {  	[sflag:s26] =	ssyncadd.s32 $0xFFFFFF80  }
0x5b: {  	_ =	swait.ge [sflag:s28], $0x2800  }
0x5c: {  	[sflag:s28] =	ssyncset.done $0x0  }
0x5d: {  	[sflag:s28] =	ssyncadd.s32 $0xFFFFD800  }
0x5e: {  	[spmem:s1] =	stream.indirect.scatter.add.f32 [tilespmem:s16], [sflag:$0x8], $0x80, s14, s11, $0xb8;
	[tilespmem:$0x1F980] =	vst v63  }
0x5f: {  	_ =	swait.ge [sflag:s29], $0x80  }
0x60: {  	[sflag:s29] =	ssyncset.done $0x0  }
0x61: {  	[sflag:s29] =	ssyncadd.s32 $0xFFFFFF80  }
0x62: {  	_ =	swait.ge [sflag:s30], $0x2800  }
0x63: {  	[sflag:s30] =	ssyncset.done $0x0  }
0x64: {  	[sflag:s30] =	ssyncadd.s32 $0xFFFFD800  }
0x65: {  	[spmem:s1] =	stream.indirect.scatter.add.f32 [tilespmem:s20], [sflag:$0x9], $0x80, s18, s11, $0xb8;
	[tilespmem:$0x1F980] =	vst v63  }
0x66: {  	_ =	swait.ge [sflag:s31], $0x2800  }
0x67: {  	s8 =	sadd.s32 s8, s5;
	[sflag:s31] =	ssyncset.done $0x0  }
0x68: {  	s13 =	sadd.s32 $0x30, s8;
	[sflag:s31] =	ssyncadd.s32 $0xFFFFD800  }
0x69: {  	[tilespmem:s10], [sflag:$0x4] =	stream.linear.gather [hbm4b:s13+s3], $0x80, $0x38;
	[tilespmem:$0x1F980] =	vst v63  }
0x6a: {  	s13 =	sadd.s32 $0xFFFFFF00, s7  }
0x6b: {  	[tilespmem:s12], [sflag:$0x1] =	stream.indirect.gather [hbm4b:s6+s11], $0x80, s13, s11, $0xb8;
	[tilespmem:$0x1F980] =	vst v63  }
0x6c: {  	_ =	swait.ge [sflag:s0], $0x2800  }
0x6d: {  	[sflag:s0] =	ssyncset.done $0x0  }
0x6e: {  	s13 =	sadd.s32 $0x40, s8;
	[sflag:s0] =	ssyncadd.s32 $0xFFFFD800  }
0x6f: {  	[tilespmem:s14], [sflag:$0x5] =	stream.linear.gather [hbm4b:s13+s3], $0x80, $0x38;
	[tilespmem:$0x1F980] =	vst v63  }
0x70: {  	s13 =	sadd.s32 $0xFFFFFF80, s7  }
0x71: {  	[tilespmem:s16], [sflag:$0x2] =	stream.indirect.gather [hbm4b:s6+s11], $0x80, s13, s11, $0xb8;
	[tilespmem:$0x1F980] =	vst v63  }
.Ltmp0:
0x72: {  	_ =	swait.ge [sflag:s2], $0x2800;
	(pc) =	sbr.rel @p0 .LBB2_2-.Ltmp0, $4  }
0x73: {  	[sflag:s2] =	ssyncset.done $0x0  }
0x74: {  	s8 =	sadd.s32 $0x50, s8;
	[sflag:s2] =	ssyncadd.s32 $0xFFFFD800  }
0x75: {  	[tilespmem:s18], [sflag:$0x6] =	stream.linear.gather [hbm4b:s8+s3], $0x80, $0x38;
	[tilespmem:$0x1F980] =	vst v63  }
0x76: {  	s7 =	sadd.s32 $0x180, s7  }
0x77: {  	[tilespmem:s20], [sflag:$0x3] =	stream.indirect.gather [hbm4b:s6+s11], $0x80, s19, s11, $0xb8;
	[tilespmem:$0x1F980] =	vst v63  }
0x78: {  	_ =	swait.ge [sflag:s23], $0x80  }
0x79: {  	[sflag:s23] =	ssyncset.done $0x0  }
0x7a: {  	[sflag:s23] =	ssyncadd.s32 $0xFFFFFF80  }
0x7b: {  	_ =	swait.ge [sflag:s25], $0x2800  }
0x7c: {  	[sflag:s25] =	ssyncset.done $0x0  }
0x7d: {  	[sflag:s25] =	ssyncadd.s32 $0xFFFFD800  }
0x7e: {  	[spmem:s1] =	stream.indirect.scatter.add.f32 [tilespmem:s12], [sflag:$0x7], $0x80, s10, s11, $0xb8;
	[tilespmem:$0x1F980] =	vst v63  }
0x7f: {  	_ =	swait.ge [sflag:s26], $0x80  }
0x80: {  	[sflag:s26] =	ssyncset.done $0x0  }
0x81: {  	[sflag:s26] =	ssyncadd.s32 $0xFFFFFF80  }
0x82: {  	_ =	swait.ge [sflag:s28], $0x2800  }
0x83: {  	[sflag:s28] =	ssyncset.done $0x0  }
0x84: {  	[sflag:s28] =	ssyncadd.s32 $0xFFFFD800  }
0x85: {  	[spmem:s1] =	stream.indirect.scatter.add.f32 [tilespmem:s16], [sflag:$0x8], $0x80, s14, s11, $0xb8;
	[tilespmem:$0x1F980] =	vst v63  }
0x86: {  	_ =	swait.ge [sflag:s29], $0x80  }
0x87: {  	[sflag:s29] =	ssyncset.done $0x0  }
0x88: {  	[sflag:s29] =	ssyncadd.s32 $0xFFFFFF80  }
0x89: {  	_ =	swait.ge [sflag:s30], $0x2800  }
0x8a: {  	[sflag:s30] =	ssyncset.done $0x0  }
0x8b: {  	[sflag:s30] =	ssyncadd.s32 $0xFFFFD800  }
0x8c: {  	[spmem:s1] =	stream.indirect.scatter.add.f32 [tilespmem:s20], [sflag:$0x9], $0x80, s18, s11, $0xb8;
	[tilespmem:$0x1F980] =	vst v63  }
0x8d: {  	_ =	swait.ge [sflag:s31], $0x2800  }
0x8e: {  	[sflag:s31] =	ssyncset.done $0x0  }
0x8f: {  	[sflag:s31] =	ssyncadd.s32 $0xFFFFD800  }
0x90: {  	_ =	swait.ge [sflag:s0], $0x2800  }
0x91: {  	[sflag:s0] =	ssyncset.done $0x0  }
0x92: {  	[sflag:s0] =	ssyncadd.s32 $0xFFFFD800  }
0x93: {  	_ =	swait.ge [sflag:s2], $0x2800  }
0x94: {  	[sflag:s2] =	ssyncset.done $0x0  }
0x95: {  	[sflag:s2] =	ssyncadd.s32 $0xFFFFD800  }
0x96: {  	[bflag:$0x0] =	sbarrier.arrive $0xFFFF  }
0x97: {  	[hbm:s24], [sflag:s21] =	dma.local [spmem:s22], $0x2800  }
0x98: {  	_ =	swait.ge [sflag:s9], $0x2800  }
0x99: {  	s15 =	sadd.s32 $0x1, s15;
	s4 =	rddreg [dreg:$0x5]  }
0x9a: {  	p0 =	sne.s32 s15, s4  }
.Ltmp1:
0x9b: {  	_ = 	snop;
	(pc) =	sbr.rel @p0 .LBB2_1-.Ltmp1, $3  }
0x9c: {  	_ =	sdelay $0x1  }
0x9d: {  	[sflag:s9] =	ssyncset.done $0x0  }
0x9e: {  	[sflag:s9] =	ssyncadd.s32 $0xFFFFD800  }
0x9f: {  	_ =	sfence.sel $0x180000  }
0xa0: {  	[bflag:$0x0] =	sbarrier.arrive $0xFFFF  }
0xa1: {  	_ =	strace $0x90000050  }
0xa2: {  	s0 =	stileid.u32;
	[bflag:$0x2] =	sbarrier.arrive $0xFFFF  }
0xa3: {  	p0 =	sne.s32 s0, $0x0;
	s0 =	rddreg [dreg:$0x2]  }
0xa4: {  	s0 =	sadd.s32 @!p0 $0x100000, s0  }
0xa5: {  	[sflag:s0] =	ssyncadd.tile.s32 @!p0 $0x1;
	_ =	shalt  }
.Lfunc_end2:
_tile_overlayer_lowered:
.L_overlay_start_2:
0xa6: {  	(tag) =	ssettag $0x2  }
0xa7: {  	s0 =	rddreg [dreg:$0x0];
	s2 =	stileid.u32  }
0xa8: {  	s1 =	rddreg [dreg:$0x1];
	p0 =	sne.s32 s2, $0x0  }
0xa9: {  	s3 =	rddreg [dreg:$0x2];
	[bflag:$0x3] =	sbarrier.arrive $0xFFFF;
	s2 =	simm.s32 @!p0 $0x1C0A  }
0xaa: {  	[timem:s3], [sflag:s2] =	dma.local @!p0 [hbm:s0], s1  }
0xab: {  	s0 =	simm.s32 @!p0 $0xA  }
0xac: {  	_ =	swait.ge @!p0 [sflag:s0], s1  }
0xad: {  	s1 =	ssub.s32 @!p0 $0x0, s1;
	[sflag:s0] =	ssyncset.done @!p0 $0x0  }
0xae: {  	[sflag:s0] =	ssyncadd.s32 @!p0 s1  }
0xaf: {  	[bflag:$0x3] =	sbarrier.arrive $0xFFFF  }
0xb0: {  	_ =	shalt  }

</sc_bundles>
